<compile_context>
chip_gen: v7x
topology: tpu7x:2x2x1
jax: 0.10.2.dev20260603
libtpu: 0.0.44.dev20260713+nightly
codegen_flags: <defaults>
</compile_context>

<pallas_src>
import functools
import math

import jax
import jax.numpy as jnp
from jax import lax
from jax.experimental import pallas as pl
from jax.experimental.pallas import tpu as pltpu
from jax.experimental.pallas import tpu_sc as plsc

B, C, H, W = 2, 128, 256, 256
HW = H * W
N, C_CAM = 20000, 128
HEADS, DHEAD = 4, 32
HD = HEADS * DHEAD
GAMMA = 0.08
SCALE = 1.0 / math.sqrt(DHEAD)

NTILES = 32
RPT = C // NTILES
NC = 2048
NSTEPS = (N + NC - 1) // NC
NP = NSTEPS * NC
NPAD = ((N + 255) // 256) * 256
HG = H // 8
WG = W // 128

_SC_MESH = plsc.VectorSubcoreMesh(core_axis_name="c", subcore_axis_name="s")
_SC_PARAMS = pltpu.CompilerParams(needs_layout_passes=False)


def _lin_body(ii_ref, jj_ref, lin_ref):
    i = jnp.clip(ii_ref[...], 0, H - 1)
    j = jnp.clip(jj_ref[...], 0, W - 1)
    lin_ref[...] = ((i // 8) * WG + j // 128) * 1024 \
        + (i % 8) * 128 + (j % 128)


def _lin_call(ii3, jj3):
    return pl.pallas_call(
        _lin_body,
        grid=(B,),
        in_specs=[
            pl.BlockSpec((1, 1, N), lambda b: (b, 0, 0)),
            pl.BlockSpec((1, 1, N), lambda b: (b, 0, 0)),
        ],
        out_specs=pl.BlockSpec((1, 1, N), lambda b: (b, 0, 0)),
        out_shape=jax.ShapeDtypeStruct((B, 1, N), jnp.int32),
    )(ii3, jj3)


def _sc_gather_body(b, lidar_hbm, lin_hbm, g_hbm, row_v, idx_v, out_v):
    cid = lax.axis_index("c")
    sid = lax.axis_index("s")
    wid = sid * 2 + cid
    pltpu.sync_copy(lin_hbm.at[pl.ds(b * N, N)], idx_v)

    for k in range(RPT):
        r = wid * RPT + k
        pltpu.sync_copy(lidar_hbm.at[pl.ds((b * C + r) * HW, HW)], row_v)

        @plsc.parallel_loop(0, N // 32, unroll=4)
        def _(i):
            off = i * 32
            ix0 = idx_v[pl.ds(off, 16)]
            ix1 = idx_v[pl.ds(off + 16, 16)]
            ga = plsc.load_gather(row_v, [ix0])
            gb = plsc.load_gather(row_v, [ix1])
            out_v[pl.ds(off, 32)] = plsc.pack(
                ga, gb, format=plsc.PackFormat.INTERLEAVED)

        pltpu.sync_copy(out_v, g_hbm.at[pl.ds(r * NPAD, NPAD)])


def _run_sc_gather(b, lidar_phys, lin_flat):
    fn = pl.kernel(
        functools.partial(_sc_gather_body, b),
        out_type=jax.ShapeDtypeStruct((C * NPAD,), jnp.bfloat16),
        mesh=_SC_MESH,
        compiler_params=_SC_PARAMS,
        scratch_types=[
            pltpu.VMEM((HW,), jnp.float32),
            pltpu.VMEM((N,), jnp.int32),
            pltpu.VMEM((NPAD,), jnp.bfloat16),
        ],
    )
    return fn(lidar_phys, lin_flat)


def _sc_scatter_body(b, ot_hbm, lin_hbm, delta_hbm, hits_hbm,
                     acc_v, idx_v, dat_v):
    cid = lax.axis_index("c")
    sid = lax.axis_index("s")
    wid = sid * 2 + cid
    pltpu.sync_copy(lin_hbm.at[pl.ds(b * N, N)], idx_v)
    zero16 = jnp.zeros((16,), jnp.float32)
    ones16 = jnp.ones((16,), jnp.float32)

    def scatter_add_loop():
        @plsc.parallel_loop(0, N // 32, unroll=4)
        def _(i):
            off = i * 32
            dd = dat_v[pl.ds(off, 32)]
            d0, d1 = plsc.unpack(dd, format=plsc.PackFormat.INTERLEAVED)
            ix0 = idx_v[pl.ds(off, 16)]
            ix1 = idx_v[pl.ds(off + 16, 16)]
            plsc.addupdate_scatter(acc_v, [ix0], d0)
            plsc.addupdate_scatter(acc_v, [ix1], d1)

    def scatter_zero_loop():
        @plsc.parallel_loop(0, N // 16, unroll=8)
        def _(i):
            ix = idx_v[pl.ds(i * 16, 16)]
            plsc.store_scatter(acc_v, [ix], zero16)

    @pl.when(wid == 0)
    def _():
        @plsc.parallel_loop(0, HW // 16, unroll=8)
        def _(i):
            acc_v[pl.ds(i * 16, 16)] = zero16

        @plsc.parallel_loop(0, N // 16, unroll=8)
        def _(i):
            ix = idx_v[pl.ds(i * 16, 16)]
            plsc.addupdate_scatter(acc_v, [ix], ones16)

        pltpu.sync_copy(acc_v, hits_hbm)

    for k in range(RPT):
        r = wid * RPT + k
        pltpu.sync_copy(ot_hbm.at[pl.ds(r * NPAD, NPAD)], dat_v)
        scatter_zero_loop()
        scatter_add_loop()
        pltpu.sync_copy(acc_v, delta_hbm.at[pl.ds(r * HW, HW)])


def _run_sc_scatter(b, ot_flat, lin_flat):
    fn = pl.kernel(
        functools.partial(_sc_scatter_body, b),
        out_type=(
            jax.ShapeDtypeStruct((C * HW,), jnp.float32),
            jax.ShapeDtypeStruct((HW,), jnp.float32),
        ),
        mesh=_SC_MESH,
        compiler_params=_SC_PARAMS,
        scratch_types=[
            pltpu.VMEM((HW,), jnp.float32),
            pltpu.VMEM((N,), jnp.int32),
            pltpu.VMEM((NPAD,), jnp.bfloat16),
        ],
    )
    return fn(ot_flat, lin_flat)


def _head_onehot():
    col = lax.broadcasted_iota(jnp.int32, (HEADS, HD), 1) // DHEAD
    row = lax.broadcasted_iota(jnp.int32, (HEADS, HD), 0)
    return (col == row).astype(jnp.float32)


def _tc1_body(g_ref, tok_ref, wq_ref, bq_ref, wk_ref, s_ref):
    g = g_ref[0].astype(jnp.float32)
    tok = tok_ref[0]
    q = jnp.dot(wq_ref[...], g, preferred_element_type=jnp.float32) + bq_ref[...]
    k = lax.dot_general(wk_ref[...], tok, (((1,), (1,)), ((), ())),
                        preferred_element_type=jnp.float32)
    s = jnp.dot(_head_onehot(), q * k, preferred_element_type=jnp.float32)
    s_ref[0] = s * SCALE


def _tc1_call(b, g3, tok, Wq, bq2, Wk):
    return pl.pallas_call(
        _tc1_body,
        grid=(NSTEPS,),
        in_specs=[
            pl.BlockSpec((1, C, NC), lambda n: (0, 0, n)),
            pl.BlockSpec((1, NC, C_CAM), lambda n, _b=b: (_b, n, 0)),
            pl.BlockSpec((HD, C), lambda n: (0, 0)),
            pl.BlockSpec((HD, 1), lambda n: (0, 0)),
            pl.BlockSpec((HD, C_CAM), lambda n: (0, 0)),
        ],
        out_specs=pl.BlockSpec((1, HEADS, NC), lambda n: (0, 0, n)),
        out_shape=jax.ShapeDtypeStruct((1, HEADS, NP), jnp.float32),
    )(g3, tok, Wq, bq2, Wk)


def _tc2_body(s_ref, gw_ref, tok_ref, wv_ref, wo_ref, ot_ref, cs_ref, mz_ref):
    nstep = pl.program_id(0)
    lane_full = lax.broadcasted_iota(jnp.int32, (HEADS, NP), 1)

    @pl.when(nstep == 0)
    def _():
        s = s_ref[0]
        sm = jnp.where(lane_full < N, s, -jnp.inf)
        m = jnp.max(sm, axis=-1, keepdims=True)
        e = jnp.where(lane_full < N, jnp.exp(sm - m), 0.0)
        z = jnp.sum(e, axis=-1, keepdims=True)
        mz_ref[0:HEADS, 0:1] = m
        mz_ref[0:HEADS, 1:2] = z

    m = mz_ref[0:HEADS, 0:1]
    z = mz_ref[0:HEADS, 1:2]
    s_blk = s_ref[0, :, pl.ds(nstep * NC, NC)]
    lane = lax.broadcasted_iota(jnp.int32, (HEADS, NC), 1) + nstep * NC
    p = jnp.where(lane < N, jnp.exp(s_blk - m) / z, 0.0) * gw_ref[0]

    tok = tok_ref[0]
    v = lax.dot_general(wv_ref[...], tok, (((1,), (1,)), ((), ())),
                        preferred_element_type=jnp.float32)
    pe = lax.dot_general(_head_onehot(), p, (((0,), (0,)), ((), ())),
                         preferred_element_type=jnp.float32)
    lane2 = lax.broadcasted_iota(jnp.int32, (HD, NC), 1) + nstep * NC
    fused = jnp.where(lane2 < N, pe * v, 0.0)
    ot_ref[0] = jnp.dot(wo_ref[...], fused,
                        preferred_element_type=jnp.float32).astype(jnp.bfloat16)
    cs = jnp.dot(wo_ref[...], jnp.sum(fused, axis=1, keepdims=True),
                 preferred_element_type=jnp.float32)

    @pl.when(nstep == 0)
    def _():
        cs_ref[0] = cs

    @pl.when(nstep > 0)
    def _():
        cs_ref[0] += cs


def _tc2_call(b, s3, tok, gw3, Wv, Wo):
    return pl.pallas_call(
        _tc2_body,
        grid=(NSTEPS,),
        in_specs=[
            pl.BlockSpec((1, HEADS, NP), lambda n: (0, 0, 0)),
            pl.BlockSpec((1, 1, NC), lambda n, _b=b: (_b, 0, n)),
            pl.BlockSpec((1, NC, C_CAM), lambda n, _b=b: (_b, n, 0)),
            pl.BlockSpec((HD, C_CAM), lambda n: (0, 0)),
            pl.BlockSpec((C, HD), lambda n: (0, 0)),
        ],
        out_specs=[
            pl.BlockSpec((1, C, NC), lambda n: (0, 0, n)),
            pl.BlockSpec((1, C, 1), lambda n: (0, 0, 0)),
        ],
        out_shape=[
            jax.ShapeDtypeStruct((1, C, NPAD), jnp.bfloat16),
            jax.ShapeDtypeStruct((1, C, 1), jnp.float32),
        ],
        scratch_shapes=[pltpu.VMEM((8, 128), jnp.float32)],
    )(s3, gw3, tok, Wv, Wo)


def _tiles_to_pixels(x):
    return jnp.concatenate([x[..., g, :, :] for g in range(WG)], axis=-1)


def _combine_body(lid_ref, dl_ref, al_ref, ht_ref, hf_ref, cs_ref,
                  *rest):
    o_ref = rest[-1]
    hits_full = hf_ref[...]
    nhit = jnp.sum((hits_full > 0.0).astype(jnp.float32))
    mean = cs_ref[0].reshape(C, 1, 1) / (nhit + 1e-6)
    d = _tiles_to_pixels(dl_ref[:, 0])
    maskb = _tiles_to_pixels(ht_ref[0]) > 0.0
    dd = jnp.where(maskb[None], d - mean, 0.0)
    o_ref[0] = lid_ref[0] + dd * (al_ref[0] * GAMMA)


def _combine_call(b, lidar4, d_b, alpha4, h_b, cs_b, prev=None):
    in_specs = [
        pl.BlockSpec((1, C, 8, W), lambda p, _b=b: (_b, 0, p, 0)),
        pl.BlockSpec((C, 1, WG, 8, 128), lambda p: (0, p, 0, 0, 0)),
        pl.BlockSpec((1, 1, 8, W), lambda p: (0, 0, p, 0)),
        pl.BlockSpec((1, WG, 8, 128), lambda p: (p, 0, 0, 0)),
        pl.BlockSpec((HG, WG, 8, 128), lambda p: (0, 0, 0, 0)),
        pl.BlockSpec((1, C, 1), lambda p: (0, 0, 0)),
    ]
    args = [lidar4, d_b, alpha4, h_b, h_b, cs_b]
    aliases = {}
    if prev is not None:
        in_specs.append(pl.BlockSpec((1, C, 8, W), lambda p: (0, 0, 0, 0)))
        args.append(prev)
        aliases = {6: 0}
    return pl.pallas_call(
        _combine_body,
        grid=(HG,),
        in_specs=in_specs,
        out_specs=pl.BlockSpec((1, C, 8, W), lambda p, _b=b: (_b, 0, p, 0)),
        out_shape=jax.ShapeDtypeStruct((B, C, H, W), jnp.float32),
        input_output_aliases=aliases,
    )(*args)


def kernel(lidar_bev, cam_bev_tokens, cam_bev_indices, gate_weights,
           range_alpha, Wq, bq, Wk, Wv, Wo):
    lidar_phys = lidar_bev.reshape(B, C, HG, 8, WG, 128) \
        .transpose(0, 1, 2, 4, 3, 5).reshape(B * C * HW)
    ind = cam_bev_indices.astype(jnp.int32)
    ii3 = ind[..., 0].reshape(B, 1, N)
    jj3 = ind[..., 1].reshape(B, 1, N)
    gw3 = gate_weights.reshape(B, 1, N)
    bq2 = bq.reshape(HD, 1)

    lin3 = _lin_call(ii3, jj3)
    lin_eo = lin3.reshape(B, N // 32, 16, 2).transpose(0, 1, 3, 2) \
        .reshape(B * N)

    out = None
    for b in range(B):
        g3 = _run_sc_gather(b, lidar_phys, lin_eo).reshape(1, C, NPAD)
        s3 = _tc1_call(b, g3, cam_bev_tokens, Wq, bq2, Wk)
        ot3, cs_b = _tc2_call(b, s3, cam_bev_tokens, gw3, Wv, Wo)
        delta_b, hits_b = _run_sc_scatter(b, ot3.reshape(C * NPAD), lin_eo)
        out = _combine_call(b, lidar_bev, delta_b.reshape(C, HG, WG, 8, 128),
                            range_alpha, hits_b.reshape(HG, WG, 8, 128),
                            cs_b, out)
    return out

# --- scband reference (transcript-rebuilt; emitter-appended) ---
"""Pipeline reference for scband-gated-cross-attention-fuse-82197084111488 (READ-ONLY COPY).

The authoritative reference and input builder live on the scoring server;
editing this copy changes nothing except your own understanding.
"""

import jax, jax.numpy as jnp
import numpy as np
import math

B, C, H, W = 2, 128, 256, 256
N, C_CAM = 20000, 128
HEADS, DHEAD = 4, 32
HD = HEADS * DHEAD
GAMMA = 0.08


def setup_inputs(seed: int = 0) -> dict:
    key = jax.random.key(seed)
    ks = jax.random.split(key, 10)
    inp = {}
    inp["lidar_bev"] = jax.random.normal(ks[0], (B, C, H, W), dtype=jnp.float32)
    inp["cam_bev_tokens"] = jax.random.normal(ks[1], (B, N, C_CAM), dtype=jnp.float32)
    inp["cam_bev_indices"] = jax.random.randint(ks[2], (B, N, 2), 0, 256)
    inp["gate_weights"] = jax.random.uniform(ks[3], (B, N), dtype=jnp.float32)
    inp["range_alpha"] = jax.random.uniform(ks[4], (1, 1, H, W), dtype=jnp.float32)
    inp["Wq"] = 0.05 * jax.random.normal(ks[5], (HD, C), dtype=jnp.float32)
    inp["bq"] = 0.01 * jax.random.normal(ks[6], (HD,), dtype=jnp.float32)
    inp["Wk"] = 0.05 * jax.random.normal(ks[7], (HD, C_CAM), dtype=jnp.float32)
    inp["Wv"] = 0.05 * jax.random.normal(ks[8], (HD, C_CAM), dtype=jnp.float32)
    inp["Wo"] = 0.05 * jax.random.normal(ks[9], (C, HD), dtype=jnp.float32)
    return inp


def reference(lidar_bev, cam_bev_tokens, cam_bev_indices, gate_weights, range_alpha, Wq, bq, Wk, Wv, Wo):
    b_, c_, h_, w_ = lidar_bev.shape
    scale = 1.0 / math.sqrt(DHEAD)
    # 1x1 conv q projection
    q = jnp.einsum('bchw,oc->bohw', lidar_bev, Wq) + bq[None, :, None, None]
    q = q.reshape(b_, HEADS, DHEAD, h_, w_)

    def per_batch(q_b, tok, ind, gw):
        i = jnp.clip(ind[:, 0], 0, h_ - 1)
        j = jnp.clip(ind[:, 1], 0, w_ - 1)
        lin = i * w_ + j
        q_sel = q_b[:, :, i, j]  # [h, d, N] gather at token locations
        k_b = jnp.transpose((tok @ Wk.T).reshape(-1, HEADS, DHEAD), (1, 2, 0))
        v_b = jnp.transpose((tok @ Wv.T).reshape(-1, HEADS, DHEAD), (1, 2, 0))
        attn = (q_sel * k_b).sum(axis=1) * scale  # [h, N]
        attn = jax.nn.softmax(attn, axis=-1) * gw[None, :]
        fused = (attn[:, None, :] * v_b).reshape(HD, -1)  # [h*d, N]
        out_tok = Wo @ fused  # [C, N]
        delta_flat = jnp.zeros((c_, h_ * w_), dtype=out_tok.dtype).at[:, lin].add(out_tok)
        hits = jnp.zeros((h_ * w_,), dtype=jnp.float32).at[lin].add(1.0)
        mask = (hits > 0).astype(out_tok.dtype).reshape(1, h_, w_)
        tmp = delta_flat.reshape(c_, h_, w_)
        eps = 1e-06
        mean_on_hits = (tmp * mask).sum(axis=(1, 2), keepdims=True) / (mask.sum(axis=(1, 2), keepdims=True) + eps)
        tmp = tmp - mean_on_hits * mask
        return tmp

    delta = jax.vmap(per_batch)(q, cam_bev_tokens, cam_bev_indices, gate_weights)
    delta = delta * range_alpha * GAMMA
    return lidar_bev + delta

if __name__ == "__main__":
    import jax
    _d = setup_inputs()
    print(jax.jit(kernel)(*tuple(_d.values())))

</pallas_src>

<mosaic_0001>
#map = affine_map<(d0, d1) -> (0)>
module attributes {stable_mosaic.version = 14 : i64} {
  func.func @_sc_scatter_body(%arg0: i32, %arg1: i32, %arg2: memref<2588672xbf16, #tpu.memory_space<hbm>>, %arg3: memref<40000xi32, #tpu.memory_space<hbm>>, %arg4: memref<8388608xf32, #tpu.memory_space<hbm>>, %arg5: memref<65536xf32, #tpu.memory_space<hbm>>, %arg6: memref<65536xf32, #tpu.memory_space<vmem>>, %arg7: memref<20000xi32, #tpu.memory_space<vmem>>, %arg8: memref<20224xbf16, #tpu.memory_space<vmem>>) attributes {dimension_semantics = [#tpu.dimension_semantics<core_parallel>, #tpu.dimension_semantics<subcore_parallel>], iteration_bounds = array<i64: 2, 16>, scalar_prefetch = 0 : i64, scratch_operands = 3 : i64, tpu.core_type = #tpu.core_type<sc_vector_subcore>, window_params = [{transform_indices = #map}, {transform_indices = #map}, {transform_indices = #map}, {transform_indices = #map}]} {
    %mul3A = arith.constant 2 : i32
    %mul3A_0 = arith.muli %arg1, %mul3A : i32
    %add3A = arith.addi %mul3A_0, %arg0 : i32
    "tpu.region"() ({
      %run_scoped3A = tpu.sem_alloc : memref<!tpu.dma_semaphore, #tpu.memory_space<semaphore_mem>>
      %dma_start3A = arith.constant 20000 : i32
      %dma_start3A_61 = tpu.memref_slice %arg3[%dma_start3A] : memref<40000xi32, #tpu.memory_space<hbm>> -> memref<20000xi32, #tpu.memory_space<hbm>>
      %dma_start3A_62 = arith.constant 20000 : i32
      %dma_start3A_63 = tpu.memref_slice %arg3[%dma_start3A_62] : memref<40000xi32, #tpu.memory_space<hbm>> -> memref<20000xi32, #tpu.memory_space<hbm>>
      tpu.enqueue_dma source(%dma_start3A_63 : memref<20000xi32, #tpu.memory_space<hbm>>) target(%arg7 : memref<20000xi32, #tpu.memory_space<vmem>>) target_semaphore(%run_scoped3A : memref<!tpu.dma_semaphore, #tpu.memory_space<semaphore_mem>>)
      %dma_wait3A = arith.constant 20000 : i32
      %dma_wait3A_64 = tpu.memref_slice %arg3[%dma_wait3A] : memref<40000xi32, #tpu.memory_space<hbm>> -> memref<20000xi32, #tpu.memory_space<hbm>>
      %dma_wait3A_65 = arith.constant 20000 : i32
      %dma_wait3A_66 = tpu.memref_slice %arg3[%dma_wait3A_65] : memref<40000xi32, #tpu.memory_space<hbm>> -> memref<20000xi32, #tpu.memory_space<hbm>>
      tpu.wait_dma2 semaphore(%run_scoped3A : memref<!tpu.dma_semaphore, #tpu.memory_space<semaphore_mem>>) src(%dma_wait3A_66 : memref<20000xi32, #tpu.memory_space<hbm>>) dst(%arg7 : memref<20000xi32, #tpu.memory_space<vmem>>)
      tpu.yield
    }) : () -> ()
    %broadcast_in_dim3A = arith.constant 0.000000e+00 : f32
    %broadcast_in_dim3A_1 = vector.broadcast %broadcast_in_dim3A : f32 to vector<16xf32>
    %broadcast_in_dim3A_2 = arith.constant 1.000000e+00 : f32
    %broadcast_in_dim3A_3 = vector.broadcast %broadcast_in_dim3A_2 : f32 to vector<16xf32>
    %eq3A = arith.constant 0 : i32
    %eq3A_4 = arith.cmpi eq, %add3A, %eq3A : i32
    %convert_element_type3A = arith.extui %eq3A_4 : i1 to i32
    %cond3A = arith.constant 0 : i32
    %cond3A_5 = arith.cmpi ne, %convert_element_type3A, %cond3A : i32
    scf.if %cond3A_5 {
      %parallel_loop3A_61 = arith.constant 0 : i32
      %parallel_loop3A_62 = arith.constant 4096 : i32
      %parallel_loop3A_63 = arith.constant 1 : i32
      scf.for %parallel_loop3A_67 = %parallel_loop3A_61 to %parallel_loop3A_62 step %parallel_loop3A_63  : i32 {
        %parallel_loop3A_68 = arith.constant 16 : i32
        %parallel_loop3A_69 = arith.muli %parallel_loop3A_67, %parallel_loop3A_68 : i32
        %parallel_loop3A_70 = arith.index_cast %parallel_loop3A_69 : i32 to index
        %parallel_loop3A_71 = tpu.vector_load %arg6[%parallel_loop3A_70] {strides = array<i32>} : memref<65536xf32, #tpu.memory_space<vmem>>, vector<16xf32>,
        tpu.vector_store %arg6[%parallel_loop3A_70], %broadcast_in_dim3A_1 {strides = array<i32>} : memref<65536xf32, #tpu.memory_space<vmem>>, vector<16xf32>,
      } {sc.loop_unroll_factor = 8 : i64, sc.parallel_access}
      %parallel_loop3A_64 = arith.constant 0 : i32
      %parallel_loop3A_65 = arith.constant 1250 : i32
      %parallel_loop3A_66 = arith.constant 1 : i32
      scf.for %parallel_loop3A_67 = %parallel_loop3A_64 to %parallel_loop3A_65 step %parallel_loop3A_66  : i32 {
        %parallel_loop3A_68 = arith.constant 16 : i32
        %parallel_loop3A_69 = arith.muli %parallel_loop3A_67, %parallel_loop3A_68 : i32
        %parallel_loop3A_70 = arith.index_cast %parallel_loop3A_69 : i32 to index
        %parallel_loop3A_71 = tpu.vector_load %arg7[%parallel_loop3A_70] {strides = array<i32>} : memref<20000xi32, #tpu.memory_space<vmem>>, vector<16xi32>,
        tpu.vector_store_idx %arg6[%parallel_loop3A_71], %broadcast_in_dim3A_3 {add = true} : memref<65536xf32, #tpu.memory_space<vmem>>[vector<16xi32>], vector<16xf32>,
      } {sc.loop_unroll_factor = 8 : i64, sc.parallel_access}
      "tpu.region"() ({
        %run_scoped3A = tpu.sem_alloc : memref<!tpu.dma_semaphore, #tpu.memory_space<semaphore_mem>>
        tpu.enqueue_dma source(%arg6 : memref<65536xf32, #tpu.memory_space<vmem>>) target(%arg5 : memref<65536xf32, #tpu.memory_space<hbm>>) target_semaphore(%run_scoped3A : memref<!tpu.dma_semaphore, #tpu.memory_space<semaphore_mem>>)
        tpu.wait_dma2 semaphore(%run_scoped3A : memref<!tpu.dma_semaphore, #tpu.memory_space<semaphore_mem>>) src(%arg6 : memref<65536xf32, #tpu.memory_space<vmem>>) dst(%arg5 : memref<65536xf32, #tpu.memory_space<hbm>>)
        tpu.yield
      }) : () -> ()
    } else {
    }
    %mul3A_6 = arith.constant 4 : i32
    %mul3A_7 = arith.muli %add3A, %mul3A_6 : i32
    %add3A_8 = arith.constant 0 : i32
    %add3A_9 = arith.addi %mul3A_7, %add3A_8 : i32
    %mul3A_10 = arith.constant 20224 : i32
    %mul3A_11 = arith.muli %add3A_9, %mul3A_10 : i32
    "tpu.region"() ({
      %run_scoped3A = tpu.sem_alloc : memref<!tpu.dma_semaphore, #tpu.memory_space<semaphore_mem>>
      %dma_start3A = tpu.memref_slice %arg2[%mul3A_11] : memref<2588672xbf16, #tpu.memory_space<hbm>> -> memref<20224xbf16, #tpu.memory_space<hbm>>
      %dma_start3A_61 = tpu.memref_slice %arg2[%mul3A_11] : memref<2588672xbf16, #tpu.memory_space<hbm>> -> memref<20224xbf16, #tpu.memory_space<hbm>>
      tpu.enqueue_dma source(%dma_start3A_61 : memref<20224xbf16, #tpu.memory_space<hbm>>) target(%arg8 : memref<20224xbf16, #tpu.memory_space<vmem>>) target_semaphore(%run_scoped3A : memref<!tpu.dma_semaphore, #tpu.memory_space<semaphore_mem>>)
      %dma_wait3A = tpu.memref_slice %arg2[%mul3A_11] : memref<2588672xbf16, #tpu.memory_space<hbm>> -> memref<20224xbf16, #tpu.memory_space<hbm>>
      %dma_wait3A_62 = tpu.memref_slice %arg2[%mul3A_11] : memref<2588672xbf16, #tpu.memory_space<hbm>> -> memref<20224xbf16, #tpu.memory_space<hbm>>
      tpu.wait_dma2 semaphore(%run_scoped3A : memref<!tpu.dma_semaphore, #tpu.memory_space<semaphore_mem>>) src(%dma_wait3A_62 : memref<20224xbf16, #tpu.memory_space<hbm>>) dst(%arg8 : memref<20224xbf16, #tpu.memory_space<vmem>>)
      tpu.yield
    }) : () -> ()
    %parallel_loop3A = arith.constant 0 : i32
    %parallel_loop3A_12 = arith.constant 1250 : i32
    %parallel_loop3A_13 = arith.constant 1 : i32
    scf.for %parallel_loop3A_61 = %parallel_loop3A to %parallel_loop3A_12 step %parallel_loop3A_13  : i32 {
      %parallel_loop3A_62 = arith.constant 16 : i32
      %parallel_loop3A_63 = arith.muli %parallel_loop3A_61, %parallel_loop3A_62 : i32
      %parallel_loop3A_64 = arith.index_cast %parallel_loop3A_63 : i32 to index
      %parallel_loop3A_65 = tpu.vector_load %arg7[%parallel_loop3A_64] {strides = array<i32>} : memref<20000xi32, #tpu.memory_space<vmem>>, vector<16xi32>,
      tpu.vector_store_idx %arg6[%parallel_loop3A_65], %broadcast_in_dim3A_1 : memref<65536xf32, #tpu.memory_space<vmem>>[vector<16xi32>], vector<16xf32>,
    } {sc.loop_unroll_factor = 8 : i64, sc.parallel_access}
    %parallel_loop3A_14 = arith.constant 0 : i32
    %parallel_loop3A_15 = arith.constant 625 : i32
    %parallel_loop3A_16 = arith.constant 1 : i32
    scf.for %parallel_loop3A_61 = %parallel_loop3A_14 to %parallel_loop3A_15 step %parallel_loop3A_16  : i32 {
      %parallel_loop3A_62 = arith.constant 32 : i32
      %parallel_loop3A_63 = arith.muli %parallel_loop3A_61, %parallel_loop3A_62 : i32
      %parallel_loop3A_64 = arith.index_cast %parallel_loop3A_63 : i32 to index
      %parallel_loop3A_65 = tpu.vector_load %arg8[%parallel_loop3A_64] {strides = array<i32>} : memref<20224xbf16, #tpu.memory_space<vmem>>, vector<32xbf16>,
      %parallel_loop3A_66 = tpu.unpack_subelements %parallel_loop3A_65, 0 {pack_format = #tpu.pack_format<interleaved>} : vector<32xbf16> -> vector<16xf32>
      %parallel_loop3A_67 = tpu.unpack_subelements %parallel_loop3A_65, 1 {pack_format = #tpu.pack_format<interleaved>} : vector<32xbf16> -> vector<16xf32>
      %parallel_loop3A_68 = arith.index_cast %parallel_loop3A_63 : i32 to index
      %parallel_loop3A_69 = tpu.vector_load %arg7[%parallel_loop3A_68] {strides = array<i32>} : memref<20000xi32, #tpu.memory_space<vmem>>, vector<16xi32>,
      %parallel_loop3A_70 = arith.constant 16 : i32
      %parallel_loop3A_71 = arith.addi %parallel_loop3A_63, %parallel_loop3A_70 : i32
      %parallel_loop3A_72 = arith.index_cast %parallel_loop3A_71 : i32 to index
      %parallel_loop3A_73 = tpu.vector_load %arg7[%parallel_loop3A_72] {strides = array<i32>} : memref<20000xi32, #tpu.memory_space<vmem>>, vector<16xi32>,
      tpu.vector_store_idx %arg6[%parallel_loop3A_69], %parallel_loop3A_66 {add = true} : memref<65536xf32, #tpu.memory_space<vmem>>[vector<16xi32>], vector<16xf32>,
      tpu.vector_store_idx %arg6[%parallel_loop3A_73], %parallel_loop3A_67 {add = true} : memref<65536xf32, #tpu.memory_space<vmem>>[vector<16xi32>], vector<16xf32>,
    } {sc.loop_unroll_factor = 4 : i64, sc.parallel_access}
    %mul3A_17 = arith.constant 65536 : i32
    %mul3A_18 = arith.muli %add3A_9, %mul3A_17 : i32
    "tpu.region"() ({
      %run_scoped3A = tpu.sem_alloc : memref<!tpu.dma_semaphore, #tpu.memory_space<semaphore_mem>>
      %dma_start3A = tpu.memref_slice %arg4[%mul3A_18] : memref<8388608xf32, #tpu.memory_space<hbm>> -> memref<65536xf32, #tpu.memory_space<hbm>>
      %dma_start3A_61 = tpu.memref_slice %arg4[%mul3A_18] : memref<8388608xf32, #tpu.memory_space<hbm>> -> memref<65536xf32, #tpu.memory_space<hbm>>
      tpu.enqueue_dma source(%arg6 : memref<65536xf32, #tpu.memory_space<vmem>>) target(%dma_start3A_61 : memref<65536xf32, #tpu.memory_space<hbm>>) target_semaphore(%run_scoped3A : memref<!tpu.dma_semaphore, #tpu.memory_space<semaphore_mem>>)
      %dma_wait3A = tpu.memref_slice %arg4[%mul3A_18] : memref<8388608xf32, #tpu.memory_space<hbm>> -> memref<65536xf32, #tpu.memory_space<hbm>>
      %dma_wait3A_62 = tpu.memref_slice %arg4[%mul3A_18] : memref<8388608xf32, #tpu.memory_space<hbm>> -> memref<65536xf32, #tpu.memory_space<hbm>>
      tpu.wait_dma2 semaphore(%run_scoped3A : memref<!tpu.dma_semaphore, #tpu.memory_space<semaphore_mem>>) src(%arg6 : memref<65536xf32, #tpu.memory_space<vmem>>) dst(%dma_wait3A_62 : memref<65536xf32, #tpu.memory_space<hbm>>)
      tpu.yield
    }) : () -> ()
    %mul3A_19 = arith.constant 4 : i32
    %mul3A_20 = arith.muli %add3A, %mul3A_19 : i32
    %add3A_21 = arith.constant 1 : i32
    %add3A_22 = arith.addi %mul3A_20, %add3A_21 : i32
    %mul3A_23 = arith.constant 20224 : i32
    %mul3A_24 = arith.muli %add3A_22, %mul3A_23 : i32
    "tpu.region"() ({
      %run_scoped3A = tpu.sem_alloc : memref<!tpu.dma_semaphore, #tpu.memory_space<semaphore_mem>>
      %dma_start3A = tpu.memref_slice %arg2[%mul3A_24] : memref<2588672xbf16, #tpu.memory_space<hbm>> -> memref<20224xbf16, #tpu.memory_space<hbm>>
      %dma_start3A_61 = tpu.memref_slice %arg2[%mul3A_24] : memref<2588672xbf16, #tpu.memory_space<hbm>> -> memref<20224xbf16, #tpu.memory_space<hbm>>
      tpu.enqueue_dma source(%dma_start3A_61 : memref<20224xbf16, #tpu.memory_space<hbm>>) target(%arg8 : memref<20224xbf16, #tpu.memory_space<vmem>>) target_semaphore(%run_scoped3A : memref<!tpu.dma_semaphore, #tpu.memory_space<semaphore_mem>>)
      %dma_wait3A = tpu.memref_slice %arg2[%mul3A_24] : memref<2588672xbf16, #tpu.memory_space<hbm>> -> memref<20224xbf16, #tpu.memory_space<hbm>>
      %dma_wait3A_62 = tpu.memref_slice %arg2[%mul3A_24] : memref<2588672xbf16, #tpu.memory_space<hbm>> -> memref<20224xbf16, #tpu.memory_space<hbm>>
      tpu.wait_dma2 semaphore(%run_scoped3A : memref<!tpu.dma_semaphore, #tpu.memory_space<semaphore_mem>>) src(%dma_wait3A_62 : memref<20224xbf16, #tpu.memory_space<hbm>>) dst(%arg8 : memref<20224xbf16, #tpu.memory_space<vmem>>)
      tpu.yield
    }) : () -> ()
    %parallel_loop3A_25 = arith.constant 0 : i32
    %parallel_loop3A_26 = arith.constant 1250 : i32
    %parallel_loop3A_27 = arith.constant 1 : i32
    scf.for %parallel_loop3A_61 = %parallel_loop3A_25 to %parallel_loop3A_26 step %parallel_loop3A_27  : i32 {
      %parallel_loop3A_62 = arith.constant 16 : i32
      %parallel_loop3A_63 = arith.muli %parallel_loop3A_61, %parallel_loop3A_62 : i32
      %parallel_loop3A_64 = arith.index_cast %parallel_loop3A_63 : i32 to index
      %parallel_loop3A_65 = tpu.vector_load %arg7[%parallel_loop3A_64] {strides = array<i32>} : memref<20000xi32, #tpu.memory_space<vmem>>, vector<16xi32>,
      tpu.vector_store_idx %arg6[%parallel_loop3A_65], %broadcast_in_dim3A_1 : memref<65536xf32, #tpu.memory_space<vmem>>[vector<16xi32>], vector<16xf32>,
    } {sc.loop_unroll_factor = 8 : i64, sc.parallel_access}
    %parallel_loop3A_28 = arith.constant 0 : i32
    %parallel_loop3A_29 = arith.constant 625 : i32
    %parallel_loop3A_30 = arith.constant 1 : i32
    scf.for %parallel_loop3A_61 = %parallel_loop3A_28 to %parallel_loop3A_29 step %parallel_loop3A_30  : i32 {
      %parallel_loop3A_62 = arith.constant 32 : i32
      %parallel_loop3A_63 = arith.muli %parallel_loop3A_61, %parallel_loop3A_62 : i32
      %parallel_loop3A_64 = arith.index_cast %parallel_loop3A_63 : i32 to index
      %parallel_loop3A_65 = tpu.vector_load %arg8[%parallel_loop3A_64] {strides = array<i32>} : memref<20224xbf16, #tpu.memory_space<vmem>>, vector<32xbf16>,
      %parallel_loop3A_66 = tpu.unpack_subelements %parallel_loop3A_65, 0 {pack_format = #tpu.pack_format<interleaved>} : vector<32xbf16> -> vector<16xf32>
      %parallel_loop3A_67 = tpu.unpack_subelements %parallel_loop3A_65, 1 {pack_format = #tpu.pack_format<interleaved>} : vector<32xbf16> -> vector<16xf32>
      %parallel_loop3A_68 = arith.index_cast %parallel_loop3A_63 : i32 to index
      %parallel_loop3A_69 = tpu.vector_load %arg7[%parallel_loop3A_68] {strides = array<i32>} : memref<20000xi32, #tpu.memory_space<vmem>>, vector<16xi32>,
      %parallel_loop3A_70 = arith.constant 16 : i32
      %parallel_loop3A_71 = arith.addi %parallel_loop3A_63, %parallel_loop3A_70 : i32
      %parallel_loop3A_72 = arith.index_cast %parallel_loop3A_71 : i32 to index
      %parallel_loop3A_73 = tpu.vector_load %arg7[%parallel_loop3A_72] {strides = array<i32>} : memref<20000xi32, #tpu.memory_space<vmem>>, vector<16xi32>,
      tpu.vector_store_idx %arg6[%parallel_loop3A_69], %parallel_loop3A_66 {add = true} : memref<65536xf32, #tpu.memory_space<vmem>>[vector<16xi32>], vector<16xf32>,
      tpu.vector_store_idx %arg6[%parallel_loop3A_73], %parallel_loop3A_67 {add = true} : memref<65536xf32, #tpu.memory_space<vmem>>[vector<16xi32>], vector<16xf32>,
    } {sc.loop_unroll_factor = 4 : i64, sc.parallel_access}
    %mul3A_31 = arith.constant 65536 : i32
    %mul3A_32 = arith.muli %add3A_22, %mul3A_31 : i32
    "tpu.region"() ({
      %run_scoped3A = tpu.sem_alloc : memref<!tpu.dma_semaphore, #tpu.memory_space<semaphore_mem>>
      %dma_start3A = tpu.memref_slice %arg4[%mul3A_32] : memref<8388608xf32, #tpu.memory_space<hbm>> -> memref<65536xf32, #tpu.memory_space<hbm>>
      %dma_start3A_61 = tpu.memref_slice %arg4[%mul3A_32] : memref<8388608xf32, #tpu.memory_space<hbm>> -> memref<65536xf32, #tpu.memory_space<hbm>>
      tpu.enqueue_dma source(%arg6 : memref<65536xf32, #tpu.memory_space<vmem>>) target(%dma_start3A_61 : memref<65536xf32, #tpu.memory_space<hbm>>) target_semaphore(%run_scoped3A : memref<!tpu.dma_semaphore, #tpu.memory_space<semaphore_mem>>)
      %dma_wait3A = tpu.memref_slice %arg4[%mul3A_32] : memref<8388608xf32, #tpu.memory_space<hbm>> -> memref<65536xf32, #tpu.memory_space<hbm>>
      %dma_wait3A_62 = tpu.memref_slice %arg4[%mul3A_32] : memref<8388608xf32, #tpu.memory_space<hbm>> -> memref<65536xf32, #tpu.memory_space<hbm>>
      tpu.wait_dma2 semaphore(%run_scoped3A : memref<!tpu.dma_semaphore, #tpu.memory_space<semaphore_mem>>) src(%arg6 : memref<65536xf32, #tpu.memory_space<vmem>>) dst(%dma_wait3A_62 : memref<65536xf32, #tpu.memory_space<hbm>>)
      tpu.yield
    }) : () -> ()
    %mul3A_33 = arith.constant 4 : i32
    %mul3A_34 = arith.muli %add3A, %mul3A_33 : i32
    %add3A_35 = arith.constant 2 : i32
    %add3A_36 = arith.addi %mul3A_34, %add3A_35 : i32
    %mul3A_37 = arith.constant 20224 : i32
    %mul3A_38 = arith.muli %add3A_36, %mul3A_37 : i32
    "tpu.region"() ({
      %run_scoped3A = tpu.sem_alloc : memref<!tpu.dma_semaphore, #tpu.memory_space<semaphore_mem>>
      %dma_start3A = tpu.memref_slice %arg2[%mul3A_38] : memref<2588672xbf16, #tpu.memory_space<hbm>> -> memref<20224xbf16, #tpu.memory_space<hbm>>
      %dma_start3A_61 = tpu.memref_slice %arg2[%mul3A_38] : memref<2588672xbf16, #tpu.memory_space<hbm>> -> memref<20224xbf16, #tpu.memory_space<hbm>>
      tpu.enqueue_dma source(%dma_start3A_61 : memref<20224xbf16, #tpu.memory_space<hbm>>) target(%arg8 : memref<20224xbf16, #tpu.memory_space<vmem>>) target_semaphore(%run_scoped3A : memref<!tpu.dma_semaphore, #tpu.memory_space<semaphore_mem>>)
      %dma_wait3A = tpu.memref_slice %arg2[%mul3A_38] : memref<2588672xbf16, #tpu.memory_space<hbm>> -> memref<20224xbf16, #tpu.memory_space<hbm>>
      %dma_wait3A_62 = tpu.memref_slice %arg2[%mul3A_38] : memref<2588672xbf16, #tpu.memory_space<hbm>> -> memref<20224xbf16, #tpu.memory_space<hbm>>
      tpu.wait_dma2 semaphore(%run_scoped3A : memref<!tpu.dma_semaphore, #tpu.memory_space<semaphore_mem>>) src(%dma_wait3A_62 : memref<20224xbf16, #tpu.memory_space<hbm>>) dst(%arg8 : memref<20224xbf16, #tpu.memory_space<vmem>>)
      tpu.yield
    }) : () -> ()
    %parallel_loop3A_39 = arith.constant 0 : i32
    %parallel_loop3A_40 = arith.constant 1250 : i32
    %parallel_loop3A_41 = arith.constant 1 : i32
    scf.for %parallel_loop3A_61 = %parallel_loop3A_39 to %parallel_loop3A_40 step %parallel_loop3A_41  : i32 {
      %parallel_loop3A_62 = arith.constant 16 : i32
      %parallel_loop3A_63 = arith.muli %parallel_loop3A_61, %parallel_loop3A_62 : i32
      %parallel_loop3A_64 = arith.index_cast %parallel_loop3A_63 : i32 to index
      %parallel_loop3A_65 = tpu.vector_load %arg7[%parallel_loop3A_64] {strides = array<i32>} : memref<20000xi32, #tpu.memory_space<vmem>>, vector<16xi32>,
      tpu.vector_store_idx %arg6[%parallel_loop3A_65], %broadcast_in_dim3A_1 : memref<65536xf32, #tpu.memory_space<vmem>>[vector<16xi32>], vector<16xf32>,
    } {sc.loop_unroll_factor = 8 : i64, sc.parallel_access}
    %parallel_loop3A_42 = arith.constant 0 : i32
    %parallel_loop3A_43 = arith.constant 625 : i32
    %parallel_loop3A_44 = arith.constant 1 : i32
    scf.for %parallel_loop3A_61 = %parallel_loop3A_42 to %parallel_loop3A_43 step %parallel_loop3A_44  : i32 {
      %parallel_loop3A_62 = arith.constant 32 : i32
      %parallel_loop3A_63 = arith.muli %parallel_loop3A_61, %parallel_loop3A_62 : i32
      %parallel_loop3A_64 = arith.index_cast %parallel_loop3A_63 : i32 to index
      %parallel_loop3A_65 = tpu.vector_load %arg8[%parallel_loop3A_64] {strides = array<i32>} : memref<20224xbf16, #tpu.memory_space<vmem>>, vector<32xbf16>,
      %parallel_loop3A_66 = tpu.unpack_subelements %parallel_loop3A_65, 0 {pack_format = #tpu.pack_format<interleaved>} : vector<32xbf16> -> vector<16xf32>
      %parallel_loop3A_67 = tpu.unpack_subelements %parallel_loop3A_65, 1 {pack_format = #tpu.pack_format<interleaved>} : vector<32xbf16> -> vector<16xf32>
      %parallel_loop3A_68 = arith.index_cast %parallel_loop3A_63 : i32 to index
      %parallel_loop3A_69 = tpu.vector_load %arg7[%parallel_loop3A_68] {strides = array<i32>} : memref<20000xi32, #tpu.memory_space<vmem>>, vector<16xi32>,
      %parallel_loop3A_70 = arith.constant 16 : i32
      %parallel_loop3A_71 = arith.addi %parallel_loop3A_63, %parallel_loop3A_70 : i32
      %parallel_loop3A_72 = arith.index_cast %parallel_loop3A_71 : i32 to index
      %parallel_loop3A_73 = tpu.vector_load %arg7[%parallel_loop3A_72] {strides = array<i32>} : memref<20000xi32, #tpu.memory_space<vmem>>, vector<16xi32>,
      tpu.vector_store_idx %arg6[%parallel_loop3A_69], %parallel_loop3A_66 {add = true} : memref<65536xf32, #tpu.memory_space<vmem>>[vector<16xi32>], vector<16xf32>,
      tpu.vector_store_idx %arg6[%parallel_loop3A_73], %parallel_loop3A_67 {add = true} : memref<65536xf32, #tpu.memory_space<vmem>>[vector<16xi32>], vector<16xf32>,
    } {sc.loop_unroll_factor = 4 : i64, sc.parallel_access}
    %mul3A_45 = arith.constant 65536 : i32
    %mul3A_46 = arith.muli %add3A_36, %mul3A_45 : i32
    "tpu.region"() ({
      %run_scoped3A = tpu.sem_alloc : memref<!tpu.dma_semaphore, #tpu.memory_space<semaphore_mem>>
      %dma_start3A = tpu.memref_slice %arg4[%mul3A_46] : memref<8388608xf32, #tpu.memory_space<hbm>> -> memref<65536xf32, #tpu.memory_space<hbm>>
      %dma_start3A_61 = tpu.memref_slice %arg4[%mul3A_46] : memref<8388608xf32, #tpu.memory_space<hbm>> -> memref<65536xf32, #tpu.memory_space<hbm>>
      tpu.enqueue_dma source(%arg6 : memref<65536xf32, #tpu.memory_space<vmem>>) target(%dma_start3A_61 : memref<65536xf32, #tpu.memory_space<hbm>>) target_semaphore(%run_scoped3A : memref<!tpu.dma_semaphore, #tpu.memory_space<semaphore_mem>>)
      %dma_wait3A = tpu.memref_slice %arg4[%mul3A_46] : memref<8388608xf32, #tpu.memory_space<hbm>> -> memref<65536xf32, #tpu.memory_space<hbm>>
      %dma_wait3A_62 = tpu.memref_slice %arg4[%mul3A_46] : memref<8388608xf32, #tpu.memory_space<hbm>> -> memref<65536xf32, #tpu.memory_space<hbm>>
      tpu.wait_dma2 semaphore(%run_scoped3A : memref<!tpu.dma_semaphore, #tpu.memory_space<semaphore_mem>>) src(%arg6 : memref<65536xf32, #tpu.memory_space<vmem>>) dst(%dma_wait3A_62 : memref<65536xf32, #tpu.memory_space<hbm>>)
      tpu.yield
    }) : () -> ()
    %mul3A_47 = arith.constant 4 : i32
    %mul3A_48 = arith.muli %add3A, %mul3A_47 : i32
    %add3A_49 = arith.constant 3 : i32
    %add3A_50 = arith.addi %mul3A_48, %add3A_49 : i32
    %mul3A_51 = arith.constant 20224 : i32
    %mul3A_52 = arith.muli %add3A_50, %mul3A_51 : i32
    "tpu.region"() ({
      %run_scoped3A = tpu.sem_alloc : memref<!tpu.dma_semaphore, #tpu.memory_space<semaphore_mem>>
      %dma_start3A = tpu.memref_slice %arg2[%mul3A_52] : memref<2588672xbf16, #tpu.memory_space<hbm>> -> memref<20224xbf16, #tpu.memory_space<hbm>>
      %dma_start3A_61 = tpu.memref_slice %arg2[%mul3A_52] : memref<2588672xbf16, #tpu.memory_space<hbm>> -> memref<20224xbf16, #tpu.memory_space<hbm>>
      tpu.enqueue_dma source(%dma_start3A_61 : memref<20224xbf16, #tpu.memory_space<hbm>>) target(%arg8 : memref<20224xbf16, #tpu.memory_space<vmem>>) target_semaphore(%run_scoped3A : memref<!tpu.dma_semaphore, #tpu.memory_space<semaphore_mem>>)
      %dma_wait3A = tpu.memref_slice %arg2[%mul3A_52] : memref<2588672xbf16, #tpu.memory_space<hbm>> -> memref<20224xbf16, #tpu.memory_space<hbm>>
      %dma_wait3A_62 = tpu.memref_slice %arg2[%mul3A_52] : memref<2588672xbf16, #tpu.memory_space<hbm>> -> memref<20224xbf16, #tpu.memory_space<hbm>>
      tpu.wait_dma2 semaphore(%run_scoped3A : memref<!tpu.dma_semaphore, #tpu.memory_space<semaphore_mem>>) src(%dma_wait3A_62 : memref<20224xbf16, #tpu.memory_space<hbm>>) dst(%arg8 : memref<20224xbf16, #tpu.memory_space<vmem>>)
      tpu.yield
    }) : () -> ()
    %parallel_loop3A_53 = arith.constant 0 : i32
    %parallel_loop3A_54 = arith.constant 1250 : i32
    %parallel_loop3A_55 = arith.constant 1 : i32
    scf.for %parallel_loop3A_61 = %parallel_loop3A_53 to %parallel_loop3A_54 step %parallel_loop3A_55  : i32 {
      %parallel_loop3A_62 = arith.constant 16 : i32
      %parallel_loop3A_63 = arith.muli %parallel_loop3A_61, %parallel_loop3A_62 : i32
      %parallel_loop3A_64 = arith.index_cast %parallel_loop3A_63 : i32 to index
      %parallel_loop3A_65 = tpu.vector_load %arg7[%parallel_loop3A_64] {strides = array<i32>} : memref<20000xi32, #tpu.memory_space<vmem>>, vector<16xi32>,
      tpu.vector_store_idx %arg6[%parallel_loop3A_65], %broadcast_in_dim3A_1 : memref<65536xf32, #tpu.memory_space<vmem>>[vector<16xi32>], vector<16xf32>,
    } {sc.loop_unroll_factor = 8 : i64, sc.parallel_access}
    %parallel_loop3A_56 = arith.constant 0 : i32
    %parallel_loop3A_57 = arith.constant 625 : i32
    %parallel_loop3A_58 = arith.constant 1 : i32
    scf.for %parallel_loop3A_61 = %parallel_loop3A_56 to %parallel_loop3A_57 step %parallel_loop3A_58  : i32 {
      %parallel_loop3A_62 = arith.constant 32 : i32
      %parallel_loop3A_63 = arith.muli %parallel_loop3A_61, %parallel_loop3A_62 : i32
      %parallel_loop3A_64 = arith.index_cast %parallel_loop3A_63 : i32 to index
      %parallel_loop3A_65 = tpu.vector_load %arg8[%parallel_loop3A_64] {strides = array<i32>} : memref<20224xbf16, #tpu.memory_space<vmem>>, vector<32xbf16>,
      %parallel_loop3A_66 = tpu.unpack_subelements %parallel_loop3A_65, 0 {pack_format = #tpu.pack_format<interleaved>} : vector<32xbf16> -> vector<16xf32>
      %parallel_loop3A_67 = tpu.unpack_subelements %parallel_loop3A_65, 1 {pack_format = #tpu.pack_format<interleaved>} : vector<32xbf16> -> vector<16xf32>
      %parallel_loop3A_68 = arith.index_cast %parallel_loop3A_63 : i32 to index
      %parallel_loop3A_69 = tpu.vector_load %arg7[%parallel_loop3A_68] {strides = array<i32>} : memref<20000xi32, #tpu.memory_space<vmem>>, vector<16xi32>,
      %parallel_loop3A_70 = arith.constant 16 : i32
      %parallel_loop3A_71 = arith.addi %parallel_loop3A_63, %parallel_loop3A_70 : i32
      %parallel_loop3A_72 = arith.index_cast %parallel_loop3A_71 : i32 to index
      %parallel_loop3A_73 = tpu.vector_load %arg7[%parallel_loop3A_72] {strides = array<i32>} : memref<20000xi32, #tpu.memory_space<vmem>>, vector<16xi32>,
      tpu.vector_store_idx %arg6[%parallel_loop3A_69], %parallel_loop3A_66 {add = true} : memref<65536xf32, #tpu.memory_space<vmem>>[vector<16xi32>], vector<16xf32>,
      tpu.vector_store_idx %arg6[%parallel_loop3A_73], %parallel_loop3A_67 {add = true} : memref<65536xf32, #tpu.memory_space<vmem>>[vector<16xi32>], vector<16xf32>,
    } {sc.loop_unroll_factor = 4 : i64, sc.parallel_access}
    %mul3A_59 = arith.constant 65536 : i32
    %mul3A_60 = arith.muli %add3A_50, %mul3A_59 : i32
    "tpu.region"() ({
      %run_scoped3A = tpu.sem_alloc : memref<!tpu.dma_semaphore, #tpu.memory_space<semaphore_mem>>
      %dma_start3A = tpu.memref_slice %arg4[%mul3A_60] : memref<8388608xf32, #tpu.memory_space<hbm>> -> memref<65536xf32, #tpu.memory_space<hbm>>
      %dma_start3A_61 = tpu.memref_slice %arg4[%mul3A_60] : memref<8388608xf32, #tpu.memory_space<hbm>> -> memref<65536xf32, #tpu.memory_space<hbm>>
      tpu.enqueue_dma source(%arg6 : memref<65536xf32, #tpu.memory_space<vmem>>) target(%dma_start3A_61 : memref<65536xf32, #tpu.memory_space<hbm>>) target_semaphore(%run_scoped3A : memref<!tpu.dma_semaphore, #tpu.memory_space<semaphore_mem>>)
      %dma_wait3A = tpu.memref_slice %arg4[%mul3A_60] : memref<8388608xf32, #tpu.memory_space<hbm>> -> memref<65536xf32, #tpu.memory_space<hbm>>
      %dma_wait3A_62 = tpu.memref_slice %arg4[%mul3A_60] : memref<8388608xf32, #tpu.memory_space<hbm>> -> memref<65536xf32, #tpu.memory_space<hbm>>
      tpu.wait_dma2 semaphore(%run_scoped3A : memref<!tpu.dma_semaphore, #tpu.memory_space<semaphore_mem>>) src(%arg6 : memref<65536xf32, #tpu.memory_space<vmem>>) dst(%dma_wait3A_62 : memref<65536xf32, #tpu.memory_space<hbm>>)
      tpu.yield
    }) : () -> ()
    return
  }
}

#map = affine_map<(d0, d1) -> (0)>
module attributes {stable_mosaic.version = 14 : i64} {
  func.func @_sc_gather_body(%arg0: i32, %arg1: i32, %arg2: memref<16777216xf32, #tpu.memory_space<hbm>>, %arg3: memref<40000xi32, #tpu.memory_space<hbm>>, %arg4: memref<2588672xbf16, #tpu.memory_space<hbm>>, %arg5: memref<65536xf32, #tpu.memory_space<vmem>>, %arg6: memref<20000xi32, #tpu.memory_space<vmem>>, %arg7: memref<20224xbf16, #tpu.memory_space<vmem>>) attributes {dimension_semantics = [#tpu.dimension_semantics<core_parallel>, #tpu.dimension_semantics<subcore_parallel>], iteration_bounds = array<i64: 2, 16>, scalar_prefetch = 0 : i64, scratch_operands = 3 : i64, tpu.core_type = #tpu.core_type<sc_vector_subcore>, window_params = [{transform_indices = #map}, {transform_indices = #map}, {transform_indices = #map}]} {
    %mul3A = arith.constant 2 : i32
    %mul3A_0 = arith.muli %arg1, %mul3A : i32
    %add3A = arith.addi %mul3A_0, %arg0 : i32
    "tpu.region"() ({
      %run_scoped3A = tpu.sem_alloc : memref<!tpu.dma_semaphore, #tpu.memory_space<semaphore_mem>>
      %dma_start3A = arith.constant 20000 : i32
      %dma_start3A_52 = tpu.memref_slice %arg3[%dma_start3A] : memref<40000xi32, #tpu.memory_space<hbm>> -> memref<20000xi32, #tpu.memory_space<hbm>>
      %dma_start3A_53 = arith.constant 20000 : i32
      %dma_start3A_54 = tpu.memref_slice %arg3[%dma_start3A_53] : memref<40000xi32, #tpu.memory_space<hbm>> -> memref<20000xi32, #tpu.memory_space<hbm>>
      tpu.enqueue_dma source(%dma_start3A_54 : memref<20000xi32, #tpu.memory_space<hbm>>) target(%arg6 : memref<20000xi32, #tpu.memory_space<vmem>>) target_semaphore(%run_scoped3A : memref<!tpu.dma_semaphore, #tpu.memory_space<semaphore_mem>>)
      %dma_wait3A = arith.constant 20000 : i32
      %dma_wait3A_55 = tpu.memref_slice %arg3[%dma_wait3A] : memref<40000xi32, #tpu.memory_space<hbm>> -> memref<20000xi32, #tpu.memory_space<hbm>>
      %dma_wait3A_56 = arith.constant 20000 : i32
      %dma_wait3A_57 = tpu.memref_slice %arg3[%dma_wait3A_56] : memref<40000xi32, #tpu.memory_space<hbm>> -> memref<20000xi32, #tpu.memory_space<hbm>>
      tpu.wait_dma2 semaphore(%run_scoped3A : memref<!tpu.dma_semaphore, #tpu.memory_space<semaphore_mem>>) src(%dma_wait3A_57 : memref<20000xi32, #tpu.memory_space<hbm>>) dst(%arg6 : memref<20000xi32, #tpu.memory_space<vmem>>)
      tpu.yield
    }) : () -> ()
    %mul3A_1 = arith.constant 4 : i32
    %mul3A_2 = arith.muli %add3A, %mul3A_1 : i32
    %add3A_3 = arith.constant 0 : i32
    %add3A_4 = arith.addi %mul3A_2, %add3A_3 : i32
    %add3A_5 = arith.constant 128 : i32
    %add3A_6 = arith.addi %add3A_5, %add3A_4 : i32
    %mul3A_7 = arith.constant 65536 : i32
    %mul3A_8 = arith.muli %add3A_6, %mul3A_7 : i32
    "tpu.region"() ({
      %run_scoped3A = tpu.sem_alloc : memref<!tpu.dma_semaphore, #tpu.memory_space<semaphore_mem>>
      %dma_start3A = tpu.memref_slice %arg2[%mul3A_8] : memref<16777216xf32, #tpu.memory_space<hbm>> -> memref<65536xf32, #tpu.memory_space<hbm>>
      %dma_start3A_52 = tpu.memref_slice %arg2[%mul3A_8] : memref<16777216xf32, #tpu.memory_space<hbm>> -> memref<65536xf32, #tpu.memory_space<hbm>>
      tpu.enqueue_dma source(%dma_start3A_52 : memref<65536xf32, #tpu.memory_space<hbm>>) target(%arg5 : memref<65536xf32, #tpu.memory_space<vmem>>) target_semaphore(%run_scoped3A : memref<!tpu.dma_semaphore, #tpu.memory_space<semaphore_mem>>)
      %dma_wait3A = tpu.memref_slice %arg2[%mul3A_8] : memref<16777216xf32, #tpu.memory_space<hbm>> -> memref<65536xf32, #tpu.memory_space<hbm>>
      %dma_wait3A_53 = tpu.memref_slice %arg2[%mul3A_8] : memref<16777216xf32, #tpu.memory_space<hbm>> -> memref<65536xf32, #tpu.memory_space<hbm>>
      tpu.wait_dma2 semaphore(%run_scoped3A : memref<!tpu.dma_semaphore, #tpu.memory_space<semaphore_mem>>) src(%dma_wait3A_53 : memref<65536xf32, #tpu.memory_space<hbm>>) dst(%arg5 : memref<65536xf32, #tpu.memory_space<vmem>>)
      tpu.yield
    }) : () -> ()
    %parallel_loop3A = arith.constant 0 : i32
    %parallel_loop3A_9 = arith.constant 625 : i32
    %parallel_loop3A_10 = arith.constant 1 : i32
    scf.for %parallel_loop3A_52 = %parallel_loop3A to %parallel_loop3A_9 step %parallel_loop3A_10  : i32 {
      %parallel_loop3A_53 = arith.constant 32 : i32
      %parallel_loop3A_54 = arith.muli %parallel_loop3A_52, %parallel_loop3A_53 : i32
      %parallel_loop3A_55 = arith.index_cast %parallel_loop3A_54 : i32 to index
      %parallel_loop3A_56 = tpu.vector_load %arg6[%parallel_loop3A_55] {strides = array<i32>} : memref<20000xi32, #tpu.memory_space<vmem>>, vector<16xi32>,
      %parallel_loop3A_57 = arith.constant 16 : i32
      %parallel_loop3A_58 = arith.addi %parallel_loop3A_54, %parallel_loop3A_57 : i32
      %parallel_loop3A_59 = arith.index_cast %parallel_loop3A_58 : i32 to index
      %parallel_loop3A_60 = tpu.vector_load %arg6[%parallel_loop3A_59] {strides = array<i32>} : memref<20000xi32, #tpu.memory_space<vmem>>, vector<16xi32>,
      %parallel_loop3A_61 = tpu.vector_load_idx %arg5[%parallel_loop3A_56] : memref<65536xf32, #tpu.memory_space<vmem>>[vector<16xi32>], vector<16xf32>,
      %parallel_loop3A_62 = tpu.vector_load_idx %arg5[%parallel_loop3A_60] : memref<65536xf32, #tpu.memory_space<vmem>>[vector<16xi32>], vector<16xf32>,
      %parallel_loop3A_63 = tpu.pack_subelements %parallel_loop3A_61, %parallel_loop3A_62 {pack_format = #tpu.pack_format<interleaved>, positions = array<i32: 0, 1>} : vector<16xf32>, vector<16xf32> -> vector<32xbf16>
      %parallel_loop3A_64 = arith.index_cast %parallel_loop3A_54 : i32 to index
      %parallel_loop3A_65 = tpu.vector_load %arg7[%parallel_loop3A_64] {strides = array<i32>} : memref<20224xbf16, #tpu.memory_space<vmem>>, vector<32xbf16>,
      tpu.vector_store %arg7[%parallel_loop3A_64], %parallel_loop3A_63 {strides = array<i32>} : memref<20224xbf16, #tpu.memory_space<vmem>>, vector<32xbf16>,
    } {sc.loop_unroll_factor = 4 : i64, sc.parallel_access}
    %mul3A_11 = arith.constant 20224 : i32
    %mul3A_12 = arith.muli %add3A_4, %mul3A_11 : i32
    "tpu.region"() ({
      %run_scoped3A = tpu.sem_alloc : memref<!tpu.dma_semaphore, #tpu.memory_space<semaphore_mem>>
      %dma_start3A = tpu.memref_slice %arg4[%mul3A_12] : memref<2588672xbf16, #tpu.memory_space<hbm>> -> memref<20224xbf16, #tpu.memory_space<hbm>>
      %dma_start3A_52 = tpu.memref_slice %arg4[%mul3A_12] : memref<2588672xbf16, #tpu.memory_space<hbm>> -> memref<20224xbf16, #tpu.memory_space<hbm>>
      tpu.enqueue_dma source(%arg7 : memref<20224xbf16, #tpu.memory_space<vmem>>) target(%dma_start3A_52 : memref<20224xbf16, #tpu.memory_space<hbm>>) target_semaphore(%run_scoped3A : memref<!tpu.dma_semaphore, #tpu.memory_space<semaphore_mem>>)
      %dma_wait3A = tpu.memref_slice %arg4[%mul3A_12] : memref<2588672xbf16, #tpu.memory_space<hbm>> -> memref<20224xbf16, #tpu.memory_space<hbm>>
      %dma_wait3A_53 = tpu.memref_slice %arg4[%mul3A_12] : memref<2588672xbf16, #tpu.memory_space<hbm>> -> memref<20224xbf16, #tpu.memory_space<hbm>>
      tpu.wait_dma2 semaphore(%run_scoped3A : memref<!tpu.dma_semaphore, #tpu.memory_space<semaphore_mem>>) src(%arg7 : memref<20224xbf16, #tpu.memory_space<vmem>>) dst(%dma_wait3A_53 : memref<20224xbf16, #tpu.memory_space<hbm>>)
      tpu.yield
    }) : () -> ()
    %mul3A_13 = arith.constant 4 : i32
    %mul3A_14 = arith.muli %add3A, %mul3A_13 : i32
    %add3A_15 = arith.constant 1 : i32
    %add3A_16 = arith.addi %mul3A_14, %add3A_15 : i32
    %add3A_17 = arith.constant 128 : i32
    %add3A_18 = arith.addi %add3A_17, %add3A_16 : i32
    %mul3A_19 = arith.constant 65536 : i32
    %mul3A_20 = arith.muli %add3A_18, %mul3A_19 : i32
    "tpu.region"() ({
      %run_scoped3A = tpu.sem_alloc : memref<!tpu.dma_semaphore, #tpu.memory_space<semaphore_mem>>
      %dma_start3A = tpu.memref_slice %arg2[%mul3A_20] : memref<16777216xf32, #tpu.memory_space<hbm>> -> memref<65536xf32, #tpu.memory_space<hbm>>
      %dma_start3A_52 = tpu.memref_slice %arg2[%mul3A_20] : memref<16777216xf32, #tpu.memory_space<hbm>> -> memref<65536xf32, #tpu.memory_space<hbm>>
      tpu.enqueue_dma source(%dma_start3A_52 : memref<65536xf32, #tpu.memory_space<hbm>>) target(%arg5 : memref<65536xf32, #tpu.memory_space<vmem>>) target_semaphore(%run_scoped3A : memref<!tpu.dma_semaphore, #tpu.memory_space<semaphore_mem>>)
      %dma_wait3A = tpu.memref_slice %arg2[%mul3A_20] : memref<16777216xf32, #tpu.memory_space<hbm>> -> memref<65536xf32, #tpu.memory_space<hbm>>
      %dma_wait3A_53 = tpu.memref_slice %arg2[%mul3A_20] : memref<16777216xf32, #tpu.memory_space<hbm>> -> memref<65536xf32, #tpu.memory_space<hbm>>
      tpu.wait_dma2 semaphore(%run_scoped3A : memref<!tpu.dma_semaphore, #tpu.memory_space<semaphore_mem>>) src(%dma_wait3A_53 : memref<65536xf32, #tpu.memory_space<hbm>>) dst(%arg5 : memref<65536xf32, #tpu.memory_space<vmem>>)
      tpu.yield
    }) : () -> ()
    %parallel_loop3A_21 = arith.constant 0 : i32
    %parallel_loop3A_22 = arith.constant 625 : i32
    %parallel_loop3A_23 = arith.constant 1 : i32
    scf.for %parallel_loop3A_52 = %parallel_loop3A_21 to %parallel_loop3A_22 step %parallel_loop3A_23  : i32 {
      %parallel_loop3A_53 = arith.constant 32 : i32
      %parallel_loop3A_54 = arith.muli %parallel_loop3A_52, %parallel_loop3A_53 : i32
      %parallel_loop3A_55 = arith.index_cast %parallel_loop3A_54 : i32 to index
      %parallel_loop3A_56 = tpu.vector_load %arg6[%parallel_loop3A_55] {strides = array<i32>} : memref<20000xi32, #tpu.memory_space<vmem>>, vector<16xi32>,
      %parallel_loop3A_57 = arith.constant 16 : i32
      %parallel_loop3A_58 = arith.addi %parallel_loop3A_54, %parallel_loop3A_57 : i32
      %parallel_loop3A_59 = arith.index_cast %parallel_loop3A_58 : i32 to index
      %parallel_loop3A_60 = tpu.vector_load %arg6[%parallel_loop3A_59] {strides = array<i32>} : memref<20000xi32, #tpu.memory_space<vmem>>, vector<16xi32>,
      %parallel_loop3A_61 = tpu.vector_load_idx %arg5[%parallel_loop3A_56] : memref<65536xf32, #tpu.memory_space<vmem>>[vector<16xi32>], vector<16xf32>,
      %parallel_loop3A_62 = tpu.vector_load_idx %arg5[%parallel_loop3A_60] : memref<65536xf32, #tpu.memory_space<vmem>>[vector<16xi32>], vector<16xf32>,
      %parallel_loop3A_63 = tpu.pack_subelements %parallel_loop3A_61, %parallel_loop3A_62 {pack_format = #tpu.pack_format<interleaved>, positions = array<i32: 0, 1>} : vector<16xf32>, vector<16xf32> -> vector<32xbf16>
      %parallel_loop3A_64 = arith.index_cast %parallel_loop3A_54 : i32 to index
      %parallel_loop3A_65 = tpu.vector_load %arg7[%parallel_loop3A_64] {strides = array<i32>} : memref<20224xbf16, #tpu.memory_space<vmem>>, vector<32xbf16>,
      tpu.vector_store %arg7[%parallel_loop3A_64], %parallel_loop3A_63 {strides = array<i32>} : memref<20224xbf16, #tpu.memory_space<vmem>>, vector<32xbf16>,
    } {sc.loop_unroll_factor = 4 : i64, sc.parallel_access}
    %mul3A_24 = arith.constant 20224 : i32
    %mul3A_25 = arith.muli %add3A_16, %mul3A_24 : i32
    "tpu.region"() ({
      %run_scoped3A = tpu.sem_alloc : memref<!tpu.dma_semaphore, #tpu.memory_space<semaphore_mem>>
      %dma_start3A = tpu.memref_slice %arg4[%mul3A_25] : memref<2588672xbf16, #tpu.memory_space<hbm>> -> memref<20224xbf16, #tpu.memory_space<hbm>>
      %dma_start3A_52 = tpu.memref_slice %arg4[%mul3A_25] : memref<2588672xbf16, #tpu.memory_space<hbm>> -> memref<20224xbf16, #tpu.memory_space<hbm>>
      tpu.enqueue_dma source(%arg7 : memref<20224xbf16, #tpu.memory_space<vmem>>) target(%dma_start3A_52 : memref<20224xbf16, #tpu.memory_space<hbm>>) target_semaphore(%run_scoped3A : memref<!tpu.dma_semaphore, #tpu.memory_space<semaphore_mem>>)
      %dma_wait3A = tpu.memref_slice %arg4[%mul3A_25] : memref<2588672xbf16, #tpu.memory_space<hbm>> -> memref<20224xbf16, #tpu.memory_space<hbm>>
      %dma_wait3A_53 = tpu.memref_slice %arg4[%mul3A_25] : memref<2588672xbf16, #tpu.memory_space<hbm>> -> memref<20224xbf16, #tpu.memory_space<hbm>>
      tpu.wait_dma2 semaphore(%run_scoped3A : memref<!tpu.dma_semaphore, #tpu.memory_space<semaphore_mem>>) src(%arg7 : memref<20224xbf16, #tpu.memory_space<vmem>>) dst(%dma_wait3A_53 : memref<20224xbf16, #tpu.memory_space<hbm>>)
      tpu.yield
    }) : () -> ()
    %mul3A_26 = arith.constant 4 : i32
    %mul3A_27 = arith.muli %add3A, %mul3A_26 : i32
    %add3A_28 = arith.constant 2 : i32
    %add3A_29 = arith.addi %mul3A_27, %add3A_28 : i32
    %add3A_30 = arith.constant 128 : i32
    %add3A_31 = arith.addi %add3A_30, %add3A_29 : i32
    %mul3A_32 = arith.constant 65536 : i32
    %mul3A_33 = arith.muli %add3A_31, %mul3A_32 : i32
    "tpu.region"() ({
      %run_scoped3A = tpu.sem_alloc : memref<!tpu.dma_semaphore, #tpu.memory_space<semaphore_mem>>
      %dma_start3A = tpu.memref_slice %arg2[%mul3A_33] : memref<16777216xf32, #tpu.memory_space<hbm>> -> memref<65536xf32, #tpu.memory_space<hbm>>
      %dma_start3A_52 = tpu.memref_slice %arg2[%mul3A_33] : memref<16777216xf32, #tpu.memory_space<hbm>> -> memref<65536xf32, #tpu.memory_space<hbm>>
      tpu.enqueue_dma source(%dma_start3A_52 : memref<65536xf32, #tpu.memory_space<hbm>>) target(%arg5 : memref<65536xf32, #tpu.memory_space<vmem>>) target_semaphore(%run_scoped3A : memref<!tpu.dma_semaphore, #tpu.memory_space<semaphore_mem>>)
      %dma_wait3A = tpu.memref_slice %arg2[%mul3A_33] : memref<16777216xf32, #tpu.memory_space<hbm>> -> memref<65536xf32, #tpu.memory_space<hbm>>
      %dma_wait3A_53 = tpu.memref_slice %arg2[%mul3A_33] : memref<16777216xf32, #tpu.memory_space<hbm>> -> memref<65536xf32, #tpu.memory_space<hbm>>
      tpu.wait_dma2 semaphore(%run_scoped3A : memref<!tpu.dma_semaphore, #tpu.memory_space<semaphore_mem>>) src(%dma_wait3A_53 : memref<65536xf32, #tpu.memory_space<hbm>>) dst(%arg5 : memref<65536xf32, #tpu.memory_space<vmem>>)
      tpu.yield
    }) : () -> ()
    %parallel_loop3A_34 = arith.constant 0 : i32
    %parallel_loop3A_35 = arith.constant 625 : i32
    %parallel_loop3A_36 = arith.constant 1 : i32
    scf.for %parallel_loop3A_52 = %parallel_loop3A_34 to %parallel_loop3A_35 step %parallel_loop3A_36  : i32 {
      %parallel_loop3A_53 = arith.constant 32 : i32
      %parallel_loop3A_54 = arith.muli %parallel_loop3A_52, %parallel_loop3A_53 : i32
      %parallel_loop3A_55 = arith.index_cast %parallel_loop3A_54 : i32 to index
      %parallel_loop3A_56 = tpu.vector_load %arg6[%parallel_loop3A_55] {strides = array<i32>} : memref<20000xi32, #tpu.memory_space<vmem>>, vector<16xi32>,
      %parallel_loop3A_57 = arith.constant 16 : i32
      %parallel_loop3A_58 = arith.addi %parallel_loop3A_54, %parallel_loop3A_57 : i32
      %parallel_loop3A_59 = arith.index_cast %parallel_loop3A_58 : i32 to index
      %parallel_loop3A_60 = tpu.vector_load %arg6[%parallel_loop3A_59] {strides = array<i32>} : memref<20000xi32, #tpu.memory_space<vmem>>, vector<16xi32>,
      %parallel_loop3A_61 = tpu.vector_load_idx %arg5[%parallel_loop3A_56] : memref<65536xf32, #tpu.memory_space<vmem>>[vector<16xi32>], vector<16xf32>,
      %parallel_loop3A_62 = tpu.vector_load_idx %arg5[%parallel_loop3A_60] : memref<65536xf32, #tpu.memory_space<vmem>>[vector<16xi32>], vector<16xf32>,
      %parallel_loop3A_63 = tpu.pack_subelements %parallel_loop3A_61, %parallel_loop3A_62 {pack_format = #tpu.pack_format<interleaved>, positions = array<i32: 0, 1>} : vector<16xf32>, vector<16xf32> -> vector<32xbf16>
      %parallel_loop3A_64 = arith.index_cast %parallel_loop3A_54 : i32 to index
      %parallel_loop3A_65 = tpu.vector_load %arg7[%parallel_loop3A_64] {strides = array<i32>} : memref<20224xbf16, #tpu.memory_space<vmem>>, vector<32xbf16>,
      tpu.vector_store %arg7[%parallel_loop3A_64], %parallel_loop3A_63 {strides = array<i32>} : memref<20224xbf16, #tpu.memory_space<vmem>>, vector<32xbf16>,
    } {sc.loop_unroll_factor = 4 : i64, sc.parallel_access}
    %mul3A_37 = arith.constant 20224 : i32
    %mul3A_38 = arith.muli %add3A_29, %mul3A_37 : i32
    "tpu.region"() ({
      %run_scoped3A = tpu.sem_alloc : memref<!tpu.dma_semaphore, #tpu.memory_space<semaphore_mem>>
      %dma_start3A = tpu.memref_slice %arg4[%mul3A_38] : memref<2588672xbf16, #tpu.memory_space<hbm>> -> memref<20224xbf16, #tpu.memory_space<hbm>>
      %dma_start3A_52 = tpu.memref_slice %arg4[%mul3A_38] : memref<2588672xbf16, #tpu.memory_space<hbm>> -> memref<20224xbf16, #tpu.memory_space<hbm>>
      tpu.enqueue_dma source(%arg7 : memref<20224xbf16, #tpu.memory_space<vmem>>) target(%dma_start3A_52 : memref<20224xbf16, #tpu.memory_space<hbm>>) target_semaphore(%run_scoped3A : memref<!tpu.dma_semaphore, #tpu.memory_space<semaphore_mem>>)
      %dma_wait3A = tpu.memref_slice %arg4[%mul3A_38] : memref<2588672xbf16, #tpu.memory_space<hbm>> -> memref<20224xbf16, #tpu.memory_space<hbm>>
      %dma_wait3A_53 = tpu.memref_slice %arg4[%mul3A_38] : memref<2588672xbf16, #tpu.memory_space<hbm>> -> memref<20224xbf16, #tpu.memory_space<hbm>>
      tpu.wait_dma2 semaphore(%run_scoped3A : memref<!tpu.dma_semaphore, #tpu.memory_space<semaphore_mem>>) src(%arg7 : memref<20224xbf16, #tpu.memory_space<vmem>>) dst(%dma_wait3A_53 : memref<20224xbf16, #tpu.memory_space<hbm>>)
      tpu.yield
    }) : () -> ()
    %mul3A_39 = arith.constant 4 : i32
    %mul3A_40 = arith.muli %add3A, %mul3A_39 : i32
    %add3A_41 = arith.constant 3 : i32
    %add3A_42 = arith.addi %mul3A_40, %add3A_41 : i32
    %add3A_43 = arith.constant 128 : i32
    %add3A_44 = arith.addi %add3A_43, %add3A_42 : i32
    %mul3A_45 = arith.constant 65536 : i32
    %mul3A_46 = arith.muli %add3A_44, %mul3A_45 : i32
    "tpu.region"() ({
      %run_scoped3A = tpu.sem_alloc : memref<!tpu.dma_semaphore, #tpu.memory_space<semaphore_mem>>
      %dma_start3A = tpu.memref_slice %arg2[%mul3A_46] : memref<16777216xf32, #tpu.memory_space<hbm>> -> memref<65536xf32, #tpu.memory_space<hbm>>
      %dma_start3A_52 = tpu.memref_slice %arg2[%mul3A_46] : memref<16777216xf32, #tpu.memory_space<hbm>> -> memref<65536xf32, #tpu.memory_space<hbm>>
      tpu.enqueue_dma source(%dma_start3A_52 : memref<65536xf32, #tpu.memory_space<hbm>>) target(%arg5 : memref<65536xf32, #tpu.memory_space<vmem>>) target_semaphore(%run_scoped3A : memref<!tpu.dma_semaphore, #tpu.memory_space<semaphore_mem>>)
      %dma_wait3A = tpu.memref_slice %arg2[%mul3A_46] : memref<16777216xf32, #tpu.memory_space<hbm>> -> memref<65536xf32, #tpu.memory_space<hbm>>
      %dma_wait3A_53 = tpu.memref_slice %arg2[%mul3A_46] : memref<16777216xf32, #tpu.memory_space<hbm>> -> memref<65536xf32, #tpu.memory_space<hbm>>
      tpu.wait_dma2 semaphore(%run_scoped3A : memref<!tpu.dma_semaphore, #tpu.memory_space<semaphore_mem>>) src(%dma_wait3A_53 : memref<65536xf32, #tpu.memory_space<hbm>>) dst(%arg5 : memref<65536xf32, #tpu.memory_space<vmem>>)
      tpu.yield
    }) : () -> ()
    %parallel_loop3A_47 = arith.constant 0 : i32
    %parallel_loop3A_48 = arith.constant 625 : i32
    %parallel_loop3A_49 = arith.constant 1 : i32
    scf.for %parallel_loop3A_52 = %parallel_loop3A_47 to %parallel_loop3A_48 step %parallel_loop3A_49  : i32 {
      %parallel_loop3A_53 = arith.constant 32 : i32
      %parallel_loop3A_54 = arith.muli %parallel_loop3A_52, %parallel_loop3A_53 : i32
      %parallel_loop3A_55 = arith.index_cast %parallel_loop3A_54 : i32 to index
      %parallel_loop3A_56 = tpu.vector_load %arg6[%parallel_loop3A_55] {strides = array<i32>} : memref<20000xi32, #tpu.memory_space<vmem>>, vector<16xi32>,
      %parallel_loop3A_57 = arith.constant 16 : i32
      %parallel_loop3A_58 = arith.addi %parallel_loop3A_54, %parallel_loop3A_57 : i32
      %parallel_loop3A_59 = arith.index_cast %parallel_loop3A_58 : i32 to index
      %parallel_loop3A_60 = tpu.vector_load %arg6[%parallel_loop3A_59] {strides = array<i32>} : memref<20000xi32, #tpu.memory_space<vmem>>, vector<16xi32>,
      %parallel_loop3A_61 = tpu.vector_load_idx %arg5[%parallel_loop3A_56] : memref<65536xf32, #tpu.memory_space<vmem>>[vector<16xi32>], vector<16xf32>,
      %parallel_loop3A_62 = tpu.vector_load_idx %arg5[%parallel_loop3A_60] : memref<65536xf32, #tpu.memory_space<vmem>>[vector<16xi32>], vector<16xf32>,
      %parallel_loop3A_63 = tpu.pack_subelements %parallel_loop3A_61, %parallel_loop3A_62 {pack_format = #tpu.pack_format<interleaved>, positions = array<i32: 0, 1>} : vector<16xf32>, vector<16xf32> -> vector<32xbf16>
      %parallel_loop3A_64 = arith.index_cast %parallel_loop3A_54 : i32 to index
      %parallel_loop3A_65 = tpu.vector_load %arg7[%parallel_loop3A_64] {strides = array<i32>} : memref<20224xbf16, #tpu.memory_space<vmem>>, vector<32xbf16>,
      tpu.vector_store %arg7[%parallel_loop3A_64], %parallel_loop3A_63 {strides = array<i32>} : memref<20224xbf16, #tpu.memory_space<vmem>>, vector<32xbf16>,
    } {sc.loop_unroll_factor = 4 : i64, sc.parallel_access}
    %mul3A_50 = arith.constant 20224 : i32
    %mul3A_51 = arith.muli %add3A_42, %mul3A_50 : i32
    "tpu.region"() ({
      %run_scoped3A = tpu.sem_alloc : memref<!tpu.dma_semaphore, #tpu.memory_space<semaphore_mem>>
      %dma_start3A = tpu.memref_slice %arg4[%mul3A_51] : memref<2588672xbf16, #tpu.memory_space<hbm>> -> memref<20224xbf16, #tpu.memory_space<hbm>>
      %dma_start3A_52 = tpu.memref_slice %arg4[%mul3A_51] : memref<2588672xbf16, #tpu.memory_space<hbm>> -> memref<20224xbf16, #tpu.memory_space<hbm>>
      tpu.enqueue_dma source(%arg7 : memref<20224xbf16, #tpu.memory_space<vmem>>) target(%dma_start3A_52 : memref<20224xbf16, #tpu.memory_space<hbm>>) target_semaphore(%run_scoped3A : memref<!tpu.dma_semaphore, #tpu.memory_space<semaphore_mem>>)
      %dma_wait3A = tpu.memref_slice %arg4[%mul3A_51] : memref<2588672xbf16, #tpu.memory_space<hbm>> -> memref<20224xbf16, #tpu.memory_space<hbm>>
      %dma_wait3A_53 = tpu.memref_slice %arg4[%mul3A_51] : memref<2588672xbf16, #tpu.memory_space<hbm>> -> memref<20224xbf16, #tpu.memory_space<hbm>>
      tpu.wait_dma2 semaphore(%run_scoped3A : memref<!tpu.dma_semaphore, #tpu.memory_space<semaphore_mem>>) src(%arg7 : memref<20224xbf16, #tpu.memory_space<vmem>>) dst(%dma_wait3A_53 : memref<20224xbf16, #tpu.memory_space<hbm>>)
      tpu.yield
    }) : () -> ()
    return
  }
}

#map = affine_map<(d0, d1) -> (0)>
module attributes {stable_mosaic.version = 14 : i64} {
  func.func @_sc_scatter_body(%arg0: i32, %arg1: i32, %arg2: memref<2588672xbf16, #tpu.memory_space<hbm>>, %arg3: memref<40000xi32, #tpu.memory_space<hbm>>, %arg4: memref<8388608xf32, #tpu.memory_space<hbm>>, %arg5: memref<65536xf32, #tpu.memory_space<hbm>>, %arg6: memref<65536xf32, #tpu.memory_space<vmem>>, %arg7: memref<20000xi32, #tpu.memory_space<vmem>>, %arg8: memref<20224xbf16, #tpu.memory_space<vmem>>) attributes {dimension_semantics = [#tpu.dimension_semantics<core_parallel>, #tpu.dimension_semantics<subcore_parallel>], iteration_bounds = array<i64: 2, 16>, scalar_prefetch = 0 : i64, scratch_operands = 3 : i64, tpu.core_type = #tpu.core_type<sc_vector_subcore>, window_params = [{transform_indices = #map}, {transform_indices = #map}, {transform_indices = #map}, {transform_indices = #map}]} {
    %mul3A = arith.constant 2 : i32
    %mul3A_0 = arith.muli %arg1, %mul3A : i32
    %add3A = arith.addi %mul3A_0, %arg0 : i32
    "tpu.region"() ({
      %run_scoped3A = tpu.sem_alloc : memref<!tpu.dma_semaphore, #tpu.memory_space<semaphore_mem>>
      %dma_start3A = arith.constant 0 : i32
      %dma_start3A_61 = tpu.memref_slice %arg3[%dma_start3A] : memref<40000xi32, #tpu.memory_space<hbm>> -> memref<20000xi32, #tpu.memory_space<hbm>>
      %dma_start3A_62 = arith.constant 0 : i32
      %dma_start3A_63 = tpu.memref_slice %arg3[%dma_start3A_62] : memref<40000xi32, #tpu.memory_space<hbm>> -> memref<20000xi32, #tpu.memory_space<hbm>>
      tpu.enqueue_dma source(%dma_start3A_63 : memref<20000xi32, #tpu.memory_space<hbm>>) target(%arg7 : memref<20000xi32, #tpu.memory_space<vmem>>) target_semaphore(%run_scoped3A : memref<!tpu.dma_semaphore, #tpu.memory_space<semaphore_mem>>)
      %dma_wait3A = arith.constant 0 : i32
      %dma_wait3A_64 = tpu.memref_slice %arg3[%dma_wait3A] : memref<40000xi32, #tpu.memory_space<hbm>> -> memref<20000xi32, #tpu.memory_space<hbm>>
      %dma_wait3A_65 = arith.constant 0 : i32
      %dma_wait3A_66 = tpu.memref_slice %arg3[%dma_wait3A_65] : memref<40000xi32, #tpu.memory_space<hbm>> -> memref<20000xi32, #tpu.memory_space<hbm>>
      tpu.wait_dma2 semaphore(%run_scoped3A : memref<!tpu.dma_semaphore, #tpu.memory_space<semaphore_mem>>) src(%dma_wait3A_66 : memref<20000xi32, #tpu.memory_space<hbm>>) dst(%arg7 : memref<20000xi32, #tpu.memory_space<vmem>>)
      tpu.yield
    }) : () -> ()
    %broadcast_in_dim3A = arith.constant 0.000000e+00 : f32
    %broadcast_in_dim3A_1 = vector.broadcast %broadcast_in_dim3A : f32 to vector<16xf32>
    %broadcast_in_dim3A_2 = arith.constant 1.000000e+00 : f32
    %broadcast_in_dim3A_3 = vector.broadcast %broadcast_in_dim3A_2 : f32 to vector<16xf32>
    %eq3A = arith.constant 0 : i32
    %eq3A_4 = arith.cmpi eq, %add3A, %eq3A : i32
    %convert_element_type3A = arith.extui %eq3A_4 : i1 to i32
    %cond3A = arith.constant 0 : i32
    %cond3A_5 = arith.cmpi ne, %convert_element_type3A, %cond3A : i32
    scf.if %cond3A_5 {
      %parallel_loop3A_61 = arith.constant 0 : i32
      %parallel_loop3A_62 = arith.constant 4096 : i32
      %parallel_loop3A_63 = arith.constant 1 : i32
      scf.for %parallel_loop3A_67 = %parallel_loop3A_61 to %parallel_loop3A_62 step %parallel_loop3A_63  : i32 {
        %parallel_loop3A_68 = arith.constant 16 : i32
        %parallel_loop3A_69 = arith.muli %parallel_loop3A_67, %parallel_loop3A_68 : i32
        %parallel_loop3A_70 = arith.index_cast %parallel_loop3A_69 : i32 to index
        %parallel_loop3A_71 = tpu.vector_load %arg6[%parallel_loop3A_70] {strides = array<i32>} : memref<65536xf32, #tpu.memory_space<vmem>>, vector<16xf32>,
        tpu.vector_store %arg6[%parallel_loop3A_70], %broadcast_in_dim3A_1 {strides = array<i32>} : memref<65536xf32, #tpu.memory_space<vmem>>, vector<16xf32>,
      } {sc.loop_unroll_factor = 8 : i64, sc.parallel_access}
      %parallel_loop3A_64 = arith.constant 0 : i32
      %parallel_loop3A_65 = arith.constant 1250 : i32
      %parallel_loop3A_66 = arith.constant 1 : i32
      scf.for %parallel_loop3A_67 = %parallel_loop3A_64 to %parallel_loop3A_65 step %parallel_loop3A_66  : i32 {
        %parallel_loop3A_68 = arith.constant 16 : i32
        %parallel_loop3A_69 = arith.muli %parallel_loop3A_67, %parallel_loop3A_68 : i32
        %parallel_loop3A_70 = arith.index_cast %parallel_loop3A_69 : i32 to index
        %parallel_loop3A_71 = tpu.vector_load %arg7[%parallel_loop3A_70] {strides = array<i32>} : memref<20000xi32, #tpu.memory_space<vmem>>, vector<16xi32>,
        tpu.vector_store_idx %arg6[%parallel_loop3A_71], %broadcast_in_dim3A_3 {add = true} : memref<65536xf32, #tpu.memory_space<vmem>>[vector<16xi32>], vector<16xf32>,
      } {sc.loop_unroll_factor = 8 : i64, sc.parallel_access}
      "tpu.region"() ({
        %run_scoped3A = tpu.sem_alloc : memref<!tpu.dma_semaphore, #tpu.memory_space<semaphore_mem>>
        tpu.enqueue_dma source(%arg6 : memref<65536xf32, #tpu.memory_space<vmem>>) target(%arg5 : memref<65536xf32, #tpu.memory_space<hbm>>) target_semaphore(%run_scoped3A : memref<!tpu.dma_semaphore, #tpu.memory_space<semaphore_mem>>)
        tpu.wait_dma2 semaphore(%run_scoped3A : memref<!tpu.dma_semaphore, #tpu.memory_space<semaphore_mem>>) src(%arg6 : memref<65536xf32, #tpu.memory_space<vmem>>) dst(%arg5 : memref<65536xf32, #tpu.memory_space<hbm>>)
        tpu.yield
      }) : () -> ()
    } else {
    }
    %mul3A_6 = arith.constant 4 : i32
    %mul3A_7 = arith.muli %add3A, %mul3A_6 : i32
    %add3A_8 = arith.constant 0 : i32
    %add3A_9 = arith.addi %mul3A_7, %add3A_8 : i32
    %mul3A_10 = arith.constant 20224 : i32
    %mul3A_11 = arith.muli %add3A_9, %mul3A_10 : i32
    "tpu.region"() ({
      %run_scoped3A = tpu.sem_alloc : memref<!tpu.dma_semaphore, #tpu.memory_space<semaphore_mem>>
      %dma_start3A = tpu.memref_slice %arg2[%mul3A_11] : memref<2588672xbf16, #tpu.memory_space<hbm>> -> memref<20224xbf16, #tpu.memory_space<hbm>>
      %dma_start3A_61 = tpu.memref_slice %arg2[%mul3A_11] : memref<2588672xbf16, #tpu.memory_space<hbm>> -> memref<20224xbf16, #tpu.memory_space<hbm>>
      tpu.enqueue_dma source(%dma_start3A_61 : memref<20224xbf16, #tpu.memory_space<hbm>>) target(%arg8 : memref<20224xbf16, #tpu.memory_space<vmem>>) target_semaphore(%run_scoped3A : memref<!tpu.dma_semaphore, #tpu.memory_space<semaphore_mem>>)
      %dma_wait3A = tpu.memref_slice %arg2[%mul3A_11] : memref<2588672xbf16, #tpu.memory_space<hbm>> -> memref<20224xbf16, #tpu.memory_space<hbm>>
      %dma_wait3A_62 = tpu.memref_slice %arg2[%mul3A_11] : memref<2588672xbf16, #tpu.memory_space<hbm>> -> memref<20224xbf16, #tpu.memory_space<hbm>>
      tpu.wait_dma2 semaphore(%run_scoped3A : memref<!tpu.dma_semaphore, #tpu.memory_space<semaphore_mem>>) src(%dma_wait3A_62 : memref<20224xbf16, #tpu.memory_space<hbm>>) dst(%arg8 : memref<20224xbf16, #tpu.memory_space<vmem>>)
      tpu.yield
    }) : () -> ()
    %parallel_loop3A = arith.constant 0 : i32
    %parallel_loop3A_12 = arith.constant 1250 : i32
    %parallel_loop3A_13 = arith.constant 1 : i32
    scf.for %parallel_loop3A_61 = %parallel_loop3A to %parallel_loop3A_12 step %parallel_loop3A_13  : i32 {
      %parallel_loop3A_62 = arith.constant 16 : i32
      %parallel_loop3A_63 = arith.muli %parallel_loop3A_61, %parallel_loop3A_62 : i32
      %parallel_loop3A_64 = arith.index_cast %parallel_loop3A_63 : i32 to index
      %parallel_loop3A_65 = tpu.vector_load %arg7[%parallel_loop3A_64] {strides = array<i32>} : memref<20000xi32, #tpu.memory_space<vmem>>, vector<16xi32>,
      tpu.vector_store_idx %arg6[%parallel_loop3A_65], %broadcast_in_dim3A_1 : memref<65536xf32, #tpu.memory_space<vmem>>[vector<16xi32>], vector<16xf32>,
    } {sc.loop_unroll_factor = 8 : i64, sc.parallel_access}
    %parallel_loop3A_14 = arith.constant 0 : i32
    %parallel_loop3A_15 = arith.constant 625 : i32
    %parallel_loop3A_16 = arith.constant 1 : i32
    scf.for %parallel_loop3A_61 = %parallel_loop3A_14 to %parallel_loop3A_15 step %parallel_loop3A_16  : i32 {
      %parallel_loop3A_62 = arith.constant 32 : i32
      %parallel_loop3A_63 = arith.muli %parallel_loop3A_61, %parallel_loop3A_62 : i32
      %parallel_loop3A_64 = arith.index_cast %parallel_loop3A_63 : i32 to index
      %parallel_loop3A_65 = tpu.vector_load %arg8[%parallel_loop3A_64] {strides = array<i32>} : memref<20224xbf16, #tpu.memory_space<vmem>>, vector<32xbf16>,
      %parallel_loop3A_66 = tpu.unpack_subelements %parallel_loop3A_65, 0 {pack_format = #tpu.pack_format<interleaved>} : vector<32xbf16> -> vector<16xf32>
      %parallel_loop3A_67 = tpu.unpack_subelements %parallel_loop3A_65, 1 {pack_format = #tpu.pack_format<interleaved>} : vector<32xbf16> -> vector<16xf32>
      %parallel_loop3A_68 = arith.index_cast %parallel_loop3A_63 : i32 to index
      %parallel_loop3A_69 = tpu.vector_load %arg7[%parallel_loop3A_68] {strides = array<i32>} : memref<20000xi32, #tpu.memory_space<vmem>>, vector<16xi32>,
      %parallel_loop3A_70 = arith.constant 16 : i32
      %parallel_loop3A_71 = arith.addi %parallel_loop3A_63, %parallel_loop3A_70 : i32
      %parallel_loop3A_72 = arith.index_cast %parallel_loop3A_71 : i32 to index
      %parallel_loop3A_73 = tpu.vector_load %arg7[%parallel_loop3A_72] {strides = array<i32>} : memref<20000xi32, #tpu.memory_space<vmem>>, vector<16xi32>,
      tpu.vector_store_idx %arg6[%parallel_loop3A_69], %parallel_loop3A_66 {add = true} : memref<65536xf32, #tpu.memory_space<vmem>>[vector<16xi32>], vector<16xf32>,
      tpu.vector_store_idx %arg6[%parallel_loop3A_73], %parallel_loop3A_67 {add = true} : memref<65536xf32, #tpu.memory_space<vmem>>[vector<16xi32>], vector<16xf32>,
    } {sc.loop_unroll_factor = 4 : i64, sc.parallel_access}
    %mul3A_17 = arith.constant 65536 : i32
    %mul3A_18 = arith.muli %add3A_9, %mul3A_17 : i32
    "tpu.region"() ({
      %run_scoped3A = tpu.sem_alloc : memref<!tpu.dma_semaphore, #tpu.memory_space<semaphore_mem>>
      %dma_start3A = tpu.memref_slice %arg4[%mul3A_18] : memref<8388608xf32, #tpu.memory_space<hbm>> -> memref<65536xf32, #tpu.memory_space<hbm>>
      %dma_start3A_61 = tpu.memref_slice %arg4[%mul3A_18] : memref<8388608xf32, #tpu.memory_space<hbm>> -> memref<65536xf32, #tpu.memory_space<hbm>>
      tpu.enqueue_dma source(%arg6 : memref<65536xf32, #tpu.memory_space<vmem>>) target(%dma_start3A_61 : memref<65536xf32, #tpu.memory_space<hbm>>) target_semaphore(%run_scoped3A : memref<!tpu.dma_semaphore, #tpu.memory_space<semaphore_mem>>)
      %dma_wait3A = tpu.memref_slice %arg4[%mul3A_18] : memref<8388608xf32, #tpu.memory_space<hbm>> -> memref<65536xf32, #tpu.memory_space<hbm>>
      %dma_wait3A_62 = tpu.memref_slice %arg4[%mul3A_18] : memref<8388608xf32, #tpu.memory_space<hbm>> -> memref<65536xf32, #tpu.memory_space<hbm>>
      tpu.wait_dma2 semaphore(%run_scoped3A : memref<!tpu.dma_semaphore, #tpu.memory_space<semaphore_mem>>) src(%arg6 : memref<65536xf32, #tpu.memory_space<vmem>>) dst(%dma_wait3A_62 : memref<65536xf32, #tpu.memory_space<hbm>>)
      tpu.yield
    }) : () -> ()
    %mul3A_19 = arith.constant 4 : i32
    %mul3A_20 = arith.muli %add3A, %mul3A_19 : i32
    %add3A_21 = arith.constant 1 : i32
    %add3A_22 = arith.addi %mul3A_20, %add3A_21 : i32
    %mul3A_23 = arith.constant 20224 : i32
    %mul3A_24 = arith.muli %add3A_22, %mul3A_23 : i32
    "tpu.region"() ({
      %run_scoped3A = tpu.sem_alloc : memref<!tpu.dma_semaphore, #tpu.memory_space<semaphore_mem>>
      %dma_start3A = tpu.memref_slice %arg2[%mul3A_24] : memref<2588672xbf16, #tpu.memory_space<hbm>> -> memref<20224xbf16, #tpu.memory_space<hbm>>
      %dma_start3A_61 = tpu.memref_slice %arg2[%mul3A_24] : memref<2588672xbf16, #tpu.memory_space<hbm>> -> memref<20224xbf16, #tpu.memory_space<hbm>>
      tpu.enqueue_dma source(%dma_start3A_61 : memref<20224xbf16, #tpu.memory_space<hbm>>) target(%arg8 : memref<20224xbf16, #tpu.memory_space<vmem>>) target_semaphore(%run_scoped3A : memref<!tpu.dma_semaphore, #tpu.memory_space<semaphore_mem>>)
      %dma_wait3A = tpu.memref_slice %arg2[%mul3A_24] : memref<2588672xbf16, #tpu.memory_space<hbm>> -> memref<20224xbf16, #tpu.memory_space<hbm>>
      %dma_wait3A_62 = tpu.memref_slice %arg2[%mul3A_24] : memref<2588672xbf16, #tpu.memory_space<hbm>> -> memref<20224xbf16, #tpu.memory_space<hbm>>
      tpu.wait_dma2 semaphore(%run_scoped3A : memref<!tpu.dma_semaphore, #tpu.memory_space<semaphore_mem>>) src(%dma_wait3A_62 : memref<20224xbf16, #tpu.memory_space<hbm>>) dst(%arg8 : memref<20224xbf16, #tpu.memory_space<vmem>>)
      tpu.yield
    }) : () -> ()
    %parallel_loop3A_25 = arith.constant 0 : i32
    %parallel_loop3A_26 = arith.constant 1250 : i32
    %parallel_loop3A_27 = arith.constant 1 : i32
    scf.for %parallel_loop3A_61 = %parallel_loop3A_25 to %parallel_loop3A_26 step %parallel_loop3A_27  : i32 {
      %parallel_loop3A_62 = arith.constant 16 : i32
      %parallel_loop3A_63 = arith.muli %parallel_loop3A_61, %parallel_loop3A_62 : i32
      %parallel_loop3A_64 = arith.index_cast %parallel_loop3A_63 : i32 to index
      %parallel_loop3A_65 = tpu.vector_load %arg7[%parallel_loop3A_64] {strides = array<i32>} : memref<20000xi32, #tpu.memory_space<vmem>>, vector<16xi32>,
      tpu.vector_store_idx %arg6[%parallel_loop3A_65], %broadcast_in_dim3A_1 : memref<65536xf32, #tpu.memory_space<vmem>>[vector<16xi32>], vector<16xf32>,
    } {sc.loop_unroll_factor = 8 : i64, sc.parallel_access}
    %parallel_loop3A_28 = arith.constant 0 : i32
    %parallel_loop3A_29 = arith.constant 625 : i32
    %parallel_loop3A_30 = arith.constant 1 : i32
    scf.for %parallel_loop3A_61 = %parallel_loop3A_28 to %parallel_loop3A_29 step %parallel_loop3A_30  : i32 {
      %parallel_loop3A_62 = arith.constant 32 : i32
      %parallel_loop3A_63 = arith.muli %parallel_loop3A_61, %parallel_loop3A_62 : i32
      %parallel_loop3A_64 = arith.index_cast %parallel_loop3A_63 : i32 to index
      %parallel_loop3A_65 = tpu.vector_load %arg8[%parallel_loop3A_64] {strides = array<i32>} : memref<20224xbf16, #tpu.memory_space<vmem>>, vector<32xbf16>,
      %parallel_loop3A_66 = tpu.unpack_subelements %parallel_loop3A_65, 0 {pack_format = #tpu.pack_format<interleaved>} : vector<32xbf16> -> vector<16xf32>
      %parallel_loop3A_67 = tpu.unpack_subelements %parallel_loop3A_65, 1 {pack_format = #tpu.pack_format<interleaved>} : vector<32xbf16> -> vector<16xf32>
      %parallel_loop3A_68 = arith.index_cast %parallel_loop3A_63 : i32 to index
      %parallel_loop3A_69 = tpu.vector_load %arg7[%parallel_loop3A_68] {strides = array<i32>} : memref<20000xi32, #tpu.memory_space<vmem>>, vector<16xi32>,
      %parallel_loop3A_70 = arith.constant 16 : i32
      %parallel_loop3A_71 = arith.addi %parallel_loop3A_63, %parallel_loop3A_70 : i32
      %parallel_loop3A_72 = arith.index_cast %parallel_loop3A_71 : i32 to index
      %parallel_loop3A_73 = tpu.vector_load %arg7[%parallel_loop3A_72] {strides = array<i32>} : memref<20000xi32, #tpu.memory_space<vmem>>, vector<16xi32>,
      tpu.vector_store_idx %arg6[%parallel_loop3A_69], %parallel_loop3A_66 {add = true} : memref<65536xf32, #tpu.memory_space<vmem>>[vector<16xi32>], vector<16xf32>,
      tpu.vector_store_idx %arg6[%parallel_loop3A_73], %parallel_loop3A_67 {add = true} : memref<65536xf32, #tpu.memory_space<vmem>>[vector<16xi32>], vector<16xf32>,
    } {sc.loop_unroll_factor = 4 : i64, sc.parallel_access}
    %mul3A_31 = arith.constant 65536 : i32
    %mul3A_32 = arith.muli %add3A_22, %mul3A_31 : i32
    "tpu.region"() ({
      %run_scoped3A = tpu.sem_alloc : memref<!tpu.dma_semaphore, #tpu.memory_space<semaphore_mem>>
      %dma_start3A = tpu.memref_slice %arg4[%mul3A_32] : memref<8388608xf32, #tpu.memory_space<hbm>> -> memref<65536xf32, #tpu.memory_space<hbm>>
      %dma_start3A_61 = tpu.memref_slice %arg4[%mul3A_32] : memref<8388608xf32, #tpu.memory_space<hbm>> -> memref<65536xf32, #tpu.memory_space<hbm>>
      tpu.enqueue_dma source(%arg6 : memref<65536xf32, #tpu.memory_space<vmem>>) target(%dma_start3A_61 : memref<65536xf32, #tpu.memory_space<hbm>>) target_semaphore(%run_scoped3A : memref<!tpu.dma_semaphore, #tpu.memory_space<semaphore_mem>>)
      %dma_wait3A = tpu.memref_slice %arg4[%mul3A_32] : memref<8388608xf32, #tpu.memory_space<hbm>> -> memref<65536xf32, #tpu.memory_space<hbm>>
      %dma_wait3A_62 = tpu.memref_slice %arg4[%mul3A_32] : memref<8388608xf32, #tpu.memory_space<hbm>> -> memref<65536xf32, #tpu.memory_space<hbm>>
      tpu.wait_dma2 semaphore(%run_scoped3A : memref<!tpu.dma_semaphore, #tpu.memory_space<semaphore_mem>>) src(%arg6 : memref<65536xf32, #tpu.memory_space<vmem>>) dst(%dma_wait3A_62 : memref<65536xf32, #tpu.memory_space<hbm>>)
      tpu.yield
    }) : () -> ()
    %mul3A_33 = arith.constant 4 : i32
    %mul3A_34 = arith.muli %add3A, %mul3A_33 : i32
    %add3A_35 = arith.constant 2 : i32
    %add3A_36 = arith.addi %mul3A_34, %add3A_35 : i32
    %mul3A_37 = arith.constant 20224 : i32
    %mul3A_38 = arith.muli %add3A_36, %mul3A_37 : i32
    "tpu.region"() ({
      %run_scoped3A = tpu.sem_alloc : memref<!tpu.dma_semaphore, #tpu.memory_space<semaphore_mem>>
      %dma_start3A = tpu.memref_slice %arg2[%mul3A_38] : memref<2588672xbf16, #tpu.memory_space<hbm>> -> memref<20224xbf16, #tpu.memory_space<hbm>>
      %dma_start3A_61 = tpu.memref_slice %arg2[%mul3A_38] : memref<2588672xbf16, #tpu.memory_space<hbm>> -> memref<20224xbf16, #tpu.memory_space<hbm>>
      tpu.enqueue_dma source(%dma_start3A_61 : memref<20224xbf16, #tpu.memory_space<hbm>>) target(%arg8 : memref<20224xbf16, #tpu.memory_space<vmem>>) target_semaphore(%run_scoped3A : memref<!tpu.dma_semaphore, #tpu.memory_space<semaphore_mem>>)
      %dma_wait3A = tpu.memref_slice %arg2[%mul3A_38] : memref<2588672xbf16, #tpu.memory_space<hbm>> -> memref<20224xbf16, #tpu.memory_space<hbm>>
      %dma_wait3A_62 = tpu.memref_slice %arg2[%mul3A_38] : memref<2588672xbf16, #tpu.memory_space<hbm>> -> memref<20224xbf16, #tpu.memory_space<hbm>>
      tpu.wait_dma2 semaphore(%run_scoped3A : memref<!tpu.dma_semaphore, #tpu.memory_space<semaphore_mem>>) src(%dma_wait3A_62 : memref<20224xbf16, #tpu.memory_space<hbm>>) dst(%arg8 : memref<20224xbf16, #tpu.memory_space<vmem>>)
      tpu.yield
    }) : () -> ()
    %parallel_loop3A_39 = arith.constant 0 : i32
    %parallel_loop3A_40 = arith.constant 1250 : i32
    %parallel_loop3A_41 = arith.constant 1 : i32
    scf.for %parallel_loop3A_61 = %parallel_loop3A_39 to %parallel_loop3A_40 step %parallel_loop3A_41  : i32 {
      %parallel_loop3A_62 = arith.constant 16 : i32
      %parallel_loop3A_63 = arith.muli %parallel_loop3A_61, %parallel_loop3A_62 : i32
      %parallel_loop3A_64 = arith.index_cast %parallel_loop3A_63 : i32 to index
      %parallel_loop3A_65 = tpu.vector_load %arg7[%parallel_loop3A_64] {strides = array<i32>} : memref<20000xi32, #tpu.memory_space<vmem>>, vector<16xi32>,
      tpu.vector_store_idx %arg6[%parallel_loop3A_65], %broadcast_in_dim3A_1 : memref<65536xf32, #tpu.memory_space<vmem>>[vector<16xi32>], vector<16xf32>,
    } {sc.loop_unroll_factor = 8 : i64, sc.parallel_access}
    %parallel_loop3A_42 = arith.constant 0 : i32
    %parallel_loop3A_43 = arith.constant 625 : i32
    %parallel_loop3A_44 = arith.constant 1 : i32
    scf.for %parallel_loop3A_61 = %parallel_loop3A_42 to %parallel_loop3A_43 step %parallel_loop3A_44  : i32 {
      %parallel_loop3A_62 = arith.constant 32 : i32
      %parallel_loop3A_63 = arith.muli %parallel_loop3A_61, %parallel_loop3A_62 : i32
      %parallel_loop3A_64 = arith.index_cast %parallel_loop3A_63 : i32 to index
      %parallel_loop3A_65 = tpu.vector_load %arg8[%parallel_loop3A_64] {strides = array<i32>} : memref<20224xbf16, #tpu.memory_space<vmem>>, vector<32xbf16>,
      %parallel_loop3A_66 = tpu.unpack_subelements %parallel_loop3A_65, 0 {pack_format = #tpu.pack_format<interleaved>} : vector<32xbf16> -> vector<16xf32>
      %parallel_loop3A_67 = tpu.unpack_subelements %parallel_loop3A_65, 1 {pack_format = #tpu.pack_format<interleaved>} : vector<32xbf16> -> vector<16xf32>
      %parallel_loop3A_68 = arith.index_cast %parallel_loop3A_63 : i32 to index
      %parallel_loop3A_69 = tpu.vector_load %arg7[%parallel_loop3A_68] {strides = array<i32>} : memref<20000xi32, #tpu.memory_space<vmem>>, vector<16xi32>,
      %parallel_loop3A_70 = arith.constant 16 : i32
      %parallel_loop3A_71 = arith.addi %parallel_loop3A_63, %parallel_loop3A_70 : i32
      %parallel_loop3A_72 = arith.index_cast %parallel_loop3A_71 : i32 to index
      %parallel_loop3A_73 = tpu.vector_load %arg7[%parallel_loop3A_72] {strides = array<i32>} : memref<20000xi32, #tpu.memory_space<vmem>>, vector<16xi32>,
      tpu.vector_store_idx %arg6[%parallel_loop3A_69], %parallel_loop3A_66 {add = true} : memref<65536xf32, #tpu.memory_space<vmem>>[vector<16xi32>], vector<16xf32>,
      tpu.vector_store_idx %arg6[%parallel_loop3A_73], %parallel_loop3A_67 {add = true} : memref<65536xf32, #tpu.memory_space<vmem>>[vector<16xi32>], vector<16xf32>,
    } {sc.loop_unroll_factor = 4 : i64, sc.parallel_access}
    %mul3A_45 = arith.constant 65536 : i32
    %mul3A_46 = arith.muli %add3A_36, %mul3A_45 : i32
    "tpu.region"() ({
      %run_scoped3A = tpu.sem_alloc : memref<!tpu.dma_semaphore, #tpu.memory_space<semaphore_mem>>
      %dma_start3A = tpu.memref_slice %arg4[%mul3A_46] : memref<8388608xf32, #tpu.memory_space<hbm>> -> memref<65536xf32, #tpu.memory_space<hbm>>
      %dma_start3A_61 = tpu.memref_slice %arg4[%mul3A_46] : memref<8388608xf32, #tpu.memory_space<hbm>> -> memref<65536xf32, #tpu.memory_space<hbm>>
      tpu.enqueue_dma source(%arg6 : memref<65536xf32, #tpu.memory_space<vmem>>) target(%dma_start3A_61 : memref<65536xf32, #tpu.memory_space<hbm>>) target_semaphore(%run_scoped3A : memref<!tpu.dma_semaphore, #tpu.memory_space<semaphore_mem>>)
      %dma_wait3A = tpu.memref_slice %arg4[%mul3A_46] : memref<8388608xf32, #tpu.memory_space<hbm>> -> memref<65536xf32, #tpu.memory_space<hbm>>
      %dma_wait3A_62 = tpu.memref_slice %arg4[%mul3A_46] : memref<8388608xf32, #tpu.memory_space<hbm>> -> memref<65536xf32, #tpu.memory_space<hbm>>
      tpu.wait_dma2 semaphore(%run_scoped3A : memref<!tpu.dma_semaphore, #tpu.memory_space<semaphore_mem>>) src(%arg6 : memref<65536xf32, #tpu.memory_space<vmem>>) dst(%dma_wait3A_62 : memref<65536xf32, #tpu.memory_space<hbm>>)
      tpu.yield
    }) : () -> ()
    %mul3A_47 = arith.constant 4 : i32
    %mul3A_48 = arith.muli %add3A, %mul3A_47 : i32
    %add3A_49 = arith.constant 3 : i32
    %add3A_50 = arith.addi %mul3A_48, %add3A_49 : i32
    %mul3A_51 = arith.constant 20224 : i32
    %mul3A_52 = arith.muli %add3A_50, %mul3A_51 : i32
    "tpu.region"() ({
      %run_scoped3A = tpu.sem_alloc : memref<!tpu.dma_semaphore, #tpu.memory_space<semaphore_mem>>
      %dma_start3A = tpu.memref_slice %arg2[%mul3A_52] : memref<2588672xbf16, #tpu.memory_space<hbm>> -> memref<20224xbf16, #tpu.memory_space<hbm>>
      %dma_start3A_61 = tpu.memref_slice %arg2[%mul3A_52] : memref<2588672xbf16, #tpu.memory_space<hbm>> -> memref<20224xbf16, #tpu.memory_space<hbm>>
      tpu.enqueue_dma source(%dma_start3A_61 : memref<20224xbf16, #tpu.memory_space<hbm>>) target(%arg8 : memref<20224xbf16, #tpu.memory_space<vmem>>) target_semaphore(%run_scoped3A : memref<!tpu.dma_semaphore, #tpu.memory_space<semaphore_mem>>)
      %dma_wait3A = tpu.memref_slice %arg2[%mul3A_52] : memref<2588672xbf16, #tpu.memory_space<hbm>> -> memref<20224xbf16, #tpu.memory_space<hbm>>
      %dma_wait3A_62 = tpu.memref_slice %arg2[%mul3A_52] : memref<2588672xbf16, #tpu.memory_space<hbm>> -> memref<20224xbf16, #tpu.memory_space<hbm>>
      tpu.wait_dma2 semaphore(%run_scoped3A : memref<!tpu.dma_semaphore, #tpu.memory_space<semaphore_mem>>) src(%dma_wait3A_62 : memref<20224xbf16, #tpu.memory_space<hbm>>) dst(%arg8 : memref<20224xbf16, #tpu.memory_space<vmem>>)
      tpu.yield
    }) : () -> ()
    %parallel_loop3A_53 = arith.constant 0 : i32
    %parallel_loop3A_54 = arith.constant 1250 : i32
    %parallel_loop3A_55 = arith.constant 1 : i32
    scf.for %parallel_loop3A_61 = %parallel_loop3A_53 to %parallel_loop3A_54 step %parallel_loop3A_55  : i32 {
      %parallel_loop3A_62 = arith.constant 16 : i32
      %parallel_loop3A_63 = arith.muli %parallel_loop3A_61, %parallel_loop3A_62 : i32
      %parallel_loop3A_64 = arith.index_cast %parallel_loop3A_63 : i32 to index
      %parallel_loop3A_65 = tpu.vector_load %arg7[%parallel_loop3A_64] {strides = array<i32>} : memref<20000xi32, #tpu.memory_space<vmem>>, vector<16xi32>,
      tpu.vector_store_idx %arg6[%parallel_loop3A_65], %broadcast_in_dim3A_1 : memref<65536xf32, #tpu.memory_space<vmem>>[vector<16xi32>], vector<16xf32>,
    } {sc.loop_unroll_factor = 8 : i64, sc.parallel_access}
    %parallel_loop3A_56 = arith.constant 0 : i32
    %parallel_loop3A_57 = arith.constant 625 : i32
    %parallel_loop3A_58 = arith.constant 1 : i32
    scf.for %parallel_loop3A_61 = %parallel_loop3A_56 to %parallel_loop3A_57 step %parallel_loop3A_58  : i32 {
      %parallel_loop3A_62 = arith.constant 32 : i32
      %parallel_loop3A_63 = arith.muli %parallel_loop3A_61, %parallel_loop3A_62 : i32
      %parallel_loop3A_64 = arith.index_cast %parallel_loop3A_63 : i32 to index
      %parallel_loop3A_65 = tpu.vector_load %arg8[%parallel_loop3A_64] {strides = array<i32>} : memref<20224xbf16, #tpu.memory_space<vmem>>, vector<32xbf16>,
      %parallel_loop3A_66 = tpu.unpack_subelements %parallel_loop3A_65, 0 {pack_format = #tpu.pack_format<interleaved>} : vector<32xbf16> -> vector<16xf32>
      %parallel_loop3A_67 = tpu.unpack_subelements %parallel_loop3A_65, 1 {pack_format = #tpu.pack_format<interleaved>} : vector<32xbf16> -> vector<16xf32>
      %parallel_loop3A_68 = arith.index_cast %parallel_loop3A_63 : i32 to index
      %parallel_loop3A_69 = tpu.vector_load %arg7[%parallel_loop3A_68] {strides = array<i32>} : memref<20000xi32, #tpu.memory_space<vmem>>, vector<16xi32>,
      %parallel_loop3A_70 = arith.constant 16 : i32
      %parallel_loop3A_71 = arith.addi %parallel_loop3A_63, %parallel_loop3A_70 : i32
      %parallel_loop3A_72 = arith.index_cast %parallel_loop3A_71 : i32 to index
      %parallel_loop3A_73 = tpu.vector_load %arg7[%parallel_loop3A_72] {strides = array<i32>} : memref<20000xi32, #tpu.memory_space<vmem>>, vector<16xi32>,
      tpu.vector_store_idx %arg6[%parallel_loop3A_69], %parallel_loop3A_66 {add = true} : memref<65536xf32, #tpu.memory_space<vmem>>[vector<16xi32>], vector<16xf32>,
      tpu.vector_store_idx %arg6[%parallel_loop3A_73], %parallel_loop3A_67 {add = true} : memref<65536xf32, #tpu.memory_space<vmem>>[vector<16xi32>], vector<16xf32>,
    } {sc.loop_unroll_factor = 4 : i64, sc.parallel_access}
    %mul3A_59 = arith.constant 65536 : i32
    %mul3A_60 = arith.muli %add3A_50, %mul3A_59 : i32
    "tpu.region"() ({
      %run_scoped3A = tpu.sem_alloc : memref<!tpu.dma_semaphore, #tpu.memory_space<semaphore_mem>>
      %dma_start3A = tpu.memref_slice %arg4[%mul3A_60] : memref<8388608xf32, #tpu.memory_space<hbm>> -> memref<65536xf32, #tpu.memory_space<hbm>>
      %dma_start3A_61 = tpu.memref_slice %arg4[%mul3A_60] : memref<8388608xf32, #tpu.memory_space<hbm>> -> memref<65536xf32, #tpu.memory_space<hbm>>
      tpu.enqueue_dma source(%arg6 : memref<65536xf32, #tpu.memory_space<vmem>>) target(%dma_start3A_61 : memref<65536xf32, #tpu.memory_space<hbm>>) target_semaphore(%run_scoped3A : memref<!tpu.dma_semaphore, #tpu.memory_space<semaphore_mem>>)
      %dma_wait3A = tpu.memref_slice %arg4[%mul3A_60] : memref<8388608xf32, #tpu.memory_space<hbm>> -> memref<65536xf32, #tpu.memory_space<hbm>>
      %dma_wait3A_62 = tpu.memref_slice %arg4[%mul3A_60] : memref<8388608xf32, #tpu.memory_space<hbm>> -> memref<65536xf32, #tpu.memory_space<hbm>>
      tpu.wait_dma2 semaphore(%run_scoped3A : memref<!tpu.dma_semaphore, #tpu.memory_space<semaphore_mem>>) src(%arg6 : memref<65536xf32, #tpu.memory_space<vmem>>) dst(%dma_wait3A_62 : memref<65536xf32, #tpu.memory_space<hbm>>)
      tpu.yield
    }) : () -> ()
    return
  }
}

#map = affine_map<(d0, d1) -> (0)>
module attributes {stable_mosaic.version = 14 : i64} {
  func.func @_sc_gather_body(%arg0: i32, %arg1: i32, %arg2: memref<16777216xf32, #tpu.memory_space<hbm>>, %arg3: memref<40000xi32, #tpu.memory_space<hbm>>, %arg4: memref<2588672xbf16, #tpu.memory_space<hbm>>, %arg5: memref<65536xf32, #tpu.memory_space<vmem>>, %arg6: memref<20000xi32, #tpu.memory_space<vmem>>, %arg7: memref<20224xbf16, #tpu.memory_space<vmem>>) attributes {dimension_semantics = [#tpu.dimension_semantics<core_parallel>, #tpu.dimension_semantics<subcore_parallel>], iteration_bounds = array<i64: 2, 16>, scalar_prefetch = 0 : i64, scratch_operands = 3 : i64, tpu.core_type = #tpu.core_type<sc_vector_subcore>, window_params = [{transform_indices = #map}, {transform_indices = #map}, {transform_indices = #map}]} {
    %mul3A = arith.constant 2 : i32
    %mul3A_0 = arith.muli %arg1, %mul3A : i32
    %add3A = arith.addi %mul3A_0, %arg0 : i32
    "tpu.region"() ({
      %run_scoped3A = tpu.sem_alloc : memref<!tpu.dma_semaphore, #tpu.memory_space<semaphore_mem>>
      %dma_start3A = arith.constant 0 : i32
      %dma_start3A_52 = tpu.memref_slice %arg3[%dma_start3A] : memref<40000xi32, #tpu.memory_space<hbm>> -> memref<20000xi32, #tpu.memory_space<hbm>>
      %dma_start3A_53 = arith.constant 0 : i32
      %dma_start3A_54 = tpu.memref_slice %arg3[%dma_start3A_53] : memref<40000xi32, #tpu.memory_space<hbm>> -> memref<20000xi32, #tpu.memory_space<hbm>>
      tpu.enqueue_dma source(%dma_start3A_54 : memref<20000xi32, #tpu.memory_space<hbm>>) target(%arg6 : memref<20000xi32, #tpu.memory_space<vmem>>) target_semaphore(%run_scoped3A : memref<!tpu.dma_semaphore, #tpu.memory_space<semaphore_mem>>)
      %dma_wait3A = arith.constant 0 : i32
      %dma_wait3A_55 = tpu.memref_slice %arg3[%dma_wait3A] : memref<40000xi32, #tpu.memory_space<hbm>> -> memref<20000xi32, #tpu.memory_space<hbm>>
      %dma_wait3A_56 = arith.constant 0 : i32
      %dma_wait3A_57 = tpu.memref_slice %arg3[%dma_wait3A_56] : memref<40000xi32, #tpu.memory_space<hbm>> -> memref<20000xi32, #tpu.memory_space<hbm>>
      tpu.wait_dma2 semaphore(%run_scoped3A : memref<!tpu.dma_semaphore, #tpu.memory_space<semaphore_mem>>) src(%dma_wait3A_57 : memref<20000xi32, #tpu.memory_space<hbm>>) dst(%arg6 : memref<20000xi32, #tpu.memory_space<vmem>>)
      tpu.yield
    }) : () -> ()
    %mul3A_1 = arith.constant 4 : i32
    %mul3A_2 = arith.muli %add3A, %mul3A_1 : i32
    %add3A_3 = arith.constant 0 : i32
    %add3A_4 = arith.addi %mul3A_2, %add3A_3 : i32
    %add3A_5 = arith.constant 0 : i32
    %add3A_6 = arith.addi %add3A_5, %add3A_4 : i32
    %mul3A_7 = arith.constant 65536 : i32
    %mul3A_8 = arith.muli %add3A_6, %mul3A_7 : i32
    "tpu.region"() ({
      %run_scoped3A = tpu.sem_alloc : memref<!tpu.dma_semaphore, #tpu.memory_space<semaphore_mem>>
      %dma_start3A = tpu.memref_slice %arg2[%mul3A_8] : memref<16777216xf32, #tpu.memory_space<hbm>> -> memref<65536xf32, #tpu.memory_space<hbm>>
      %dma_start3A_52 = tpu.memref_slice %arg2[%mul3A_8] : memref<16777216xf32, #tpu.memory_space<hbm>> -> memref<65536xf32, #tpu.memory_space<hbm>>
      tpu.enqueue_dma source(%dma_start3A_52 : memref<65536xf32, #tpu.memory_space<hbm>>) target(%arg5 : memref<65536xf32, #tpu.memory_space<vmem>>) target_semaphore(%run_scoped3A : memref<!tpu.dma_semaphore, #tpu.memory_space<semaphore_mem>>)
      %dma_wait3A = tpu.memref_slice %arg2[%mul3A_8] : memref<16777216xf32, #tpu.memory_space<hbm>> -> memref<65536xf32, #tpu.memory_space<hbm>>
      %dma_wait3A_53 = tpu.memref_slice %arg2[%mul3A_8] : memref<16777216xf32, #tpu.memory_space<hbm>> -> memref<65536xf32, #tpu.memory_space<hbm>>
      tpu.wait_dma2 semaphore(%run_scoped3A : memref<!tpu.dma_semaphore, #tpu.memory_space<semaphore_mem>>) src(%dma_wait3A_53 : memref<65536xf32, #tpu.memory_space<hbm>>) dst(%arg5 : memref<65536xf32, #tpu.memory_space<vmem>>)
      tpu.yield
    }) : () -> ()
    %parallel_loop3A = arith.constant 0 : i32
    %parallel_loop3A_9 = arith.constant 625 : i32
    %parallel_loop3A_10 = arith.constant 1 : i32
    scf.for %parallel_loop3A_52 = %parallel_loop3A to %parallel_loop3A_9 step %parallel_loop3A_10  : i32 {
      %parallel_loop3A_53 = arith.constant 32 : i32
      %parallel_loop3A_54 = arith.muli %parallel_loop3A_52, %parallel_loop3A_53 : i32
      %parallel_loop3A_55 = arith.index_cast %parallel_loop3A_54 : i32 to index
      %parallel_loop3A_56 = tpu.vector_load %arg6[%parallel_loop3A_55] {strides = array<i32>} : memref<20000xi32, #tpu.memory_space<vmem>>, vector<16xi32>,
      %parallel_loop3A_57 = arith.constant 16 : i32
      %parallel_loop3A_58 = arith.addi %parallel_loop3A_54, %parallel_loop3A_57 : i32
      %parallel_loop3A_59 = arith.index_cast %parallel_loop3A_58 : i32 to index
      %parallel_loop3A_60 = tpu.vector_load %arg6[%parallel_loop3A_59] {strides = array<i32>} : memref<20000xi32, #tpu.memory_space<vmem>>, vector<16xi32>,
      %parallel_loop3A_61 = tpu.vector_load_idx %arg5[%parallel_loop3A_56] : memref<65536xf32, #tpu.memory_space<vmem>>[vector<16xi32>], vector<16xf32>,
      %parallel_loop3A_62 = tpu.vector_load_idx %arg5[%parallel_loop3A_60] : memref<65536xf32, #tpu.memory_space<vmem>>[vector<16xi32>], vector<16xf32>,
      %parallel_loop3A_63 = tpu.pack_subelements %parallel_loop3A_61, %parallel_loop3A_62 {pack_format = #tpu.pack_format<interleaved>, positions = array<i32: 0, 1>} : vector<16xf32>, vector<16xf32> -> vector<32xbf16>
      %parallel_loop3A_64 = arith.index_cast %parallel_loop3A_54 : i32 to index
      %parallel_loop3A_65 = tpu.vector_load %arg7[%parallel_loop3A_64] {strides = array<i32>} : memref<20224xbf16, #tpu.memory_space<vmem>>, vector<32xbf16>,
      tpu.vector_store %arg7[%parallel_loop3A_64], %parallel_loop3A_63 {strides = array<i32>} : memref<20224xbf16, #tpu.memory_space<vmem>>, vector<32xbf16>,
    } {sc.loop_unroll_factor = 4 : i64, sc.parallel_access}
    %mul3A_11 = arith.constant 20224 : i32
    %mul3A_12 = arith.muli %add3A_4, %mul3A_11 : i32
    "tpu.region"() ({
      %run_scoped3A = tpu.sem_alloc : memref<!tpu.dma_semaphore, #tpu.memory_space<semaphore_mem>>
      %dma_start3A = tpu.memref_slice %arg4[%mul3A_12] : memref<2588672xbf16, #tpu.memory_space<hbm>> -> memref<20224xbf16, #tpu.memory_space<hbm>>
      %dma_start3A_52 = tpu.memref_slice %arg4[%mul3A_12] : memref<2588672xbf16, #tpu.memory_space<hbm>> -> memref<20224xbf16, #tpu.memory_space<hbm>>
      tpu.enqueue_dma source(%arg7 : memref<20224xbf16, #tpu.memory_space<vmem>>) target(%dma_start3A_52 : memref<20224xbf16, #tpu.memory_space<hbm>>) target_semaphore(%run_scoped3A : memref<!tpu.dma_semaphore, #tpu.memory_space<semaphore_mem>>)
      %dma_wait3A = tpu.memref_slice %arg4[%mul3A_12] : memref<2588672xbf16, #tpu.memory_space<hbm>> -> memref<20224xbf16, #tpu.memory_space<hbm>>
      %dma_wait3A_53 = tpu.memref_slice %arg4[%mul3A_12] : memref<2588672xbf16, #tpu.memory_space<hbm>> -> memref<20224xbf16, #tpu.memory_space<hbm>>
      tpu.wait_dma2 semaphore(%run_scoped3A : memref<!tpu.dma_semaphore, #tpu.memory_space<semaphore_mem>>) src(%arg7 : memref<20224xbf16, #tpu.memory_space<vmem>>) dst(%dma_wait3A_53 : memref<20224xbf16, #tpu.memory_space<hbm>>)
      tpu.yield
    }) : () -> ()
    %mul3A_13 = arith.constant 4 : i32
    %mul3A_14 = arith.muli %add3A, %mul3A_13 : i32
    %add3A_15 = arith.constant 1 : i32
    %add3A_16 = arith.addi %mul3A_14, %add3A_15 : i32
    %add3A_17 = arith.constant 0 : i32
    %add3A_18 = arith.addi %add3A_17, %add3A_16 : i32
    %mul3A_19 = arith.constant 65536 : i32
    %mul3A_20 = arith.muli %add3A_18, %mul3A_19 : i32
    "tpu.region"() ({
      %run_scoped3A = tpu.sem_alloc : memref<!tpu.dma_semaphore, #tpu.memory_space<semaphore_mem>>
      %dma_start3A = tpu.memref_slice %arg2[%mul3A_20] : memref<16777216xf32, #tpu.memory_space<hbm>> -> memref<65536xf32, #tpu.memory_space<hbm>>
      %dma_start3A_52 = tpu.memref_slice %arg2[%mul3A_20] : memref<16777216xf32, #tpu.memory_space<hbm>> -> memref<65536xf32, #tpu.memory_space<hbm>>
      tpu.enqueue_dma source(%dma_start3A_52 : memref<65536xf32, #tpu.memory_space<hbm>>) target(%arg5 : memref<65536xf32, #tpu.memory_space<vmem>>) target_semaphore(%run_scoped3A : memref<!tpu.dma_semaphore, #tpu.memory_space<semaphore_mem>>)
      %dma_wait3A = tpu.memref_slice %arg2[%mul3A_20] : memref<16777216xf32, #tpu.memory_space<hbm>> -> memref<65536xf32, #tpu.memory_space<hbm>>
      %dma_wait3A_53 = tpu.memref_slice %arg2[%mul3A_20] : memref<16777216xf32, #tpu.memory_space<hbm>> -> memref<65536xf32, #tpu.memory_space<hbm>>
      tpu.wait_dma2 semaphore(%run_scoped3A : memref<!tpu.dma_semaphore, #tpu.memory_space<semaphore_mem>>) src(%dma_wait3A_53 : memref<65536xf32, #tpu.memory_space<hbm>>) dst(%arg5 : memref<65536xf32, #tpu.memory_space<vmem>>)
      tpu.yield
    }) : () -> ()
    %parallel_loop3A_21 = arith.constant 0 : i32
    %parallel_loop3A_22 = arith.constant 625 : i32
    %parallel_loop3A_23 = arith.constant 1 : i32
    scf.for %parallel_loop3A_52 = %parallel_loop3A_21 to %parallel_loop3A_22 step %parallel_loop3A_23  : i32 {
      %parallel_loop3A_53 = arith.constant 32 : i32
      %parallel_loop3A_54 = arith.muli %parallel_loop3A_52, %parallel_loop3A_53 : i32
      %parallel_loop3A_55 = arith.index_cast %parallel_loop3A_54 : i32 to index
      %parallel_loop3A_56 = tpu.vector_load %arg6[%parallel_loop3A_55] {strides = array<i32>} : memref<20000xi32, #tpu.memory_space<vmem>>, vector<16xi32>,
      %parallel_loop3A_57 = arith.constant 16 : i32
      %parallel_loop3A_58 = arith.addi %parallel_loop3A_54, %parallel_loop3A_57 : i32
      %parallel_loop3A_59 = arith.index_cast %parallel_loop3A_58 : i32 to index
      %parallel_loop3A_60 = tpu.vector_load %arg6[%parallel_loop3A_59] {strides = array<i32>} : memref<20000xi32, #tpu.memory_space<vmem>>, vector<16xi32>,
      %parallel_loop3A_61 = tpu.vector_load_idx %arg5[%parallel_loop3A_56] : memref<65536xf32, #tpu.memory_space<vmem>>[vector<16xi32>], vector<16xf32>,
      %parallel_loop3A_62 = tpu.vector_load_idx %arg5[%parallel_loop3A_60] : memref<65536xf32, #tpu.memory_space<vmem>>[vector<16xi32>], vector<16xf32>,
      %parallel_loop3A_63 = tpu.pack_subelements %parallel_loop3A_61, %parallel_loop3A_62 {pack_format = #tpu.pack_format<interleaved>, positions = array<i32: 0, 1>} : vector<16xf32>, vector<16xf32> -> vector<32xbf16>
      %parallel_loop3A_64 = arith.index_cast %parallel_loop3A_54 : i32 to index
      %parallel_loop3A_65 = tpu.vector_load %arg7[%parallel_loop3A_64] {strides = array<i32>} : memref<20224xbf16, #tpu.memory_space<vmem>>, vector<32xbf16>,
      tpu.vector_store %arg7[%parallel_loop3A_64], %parallel_loop3A_63 {strides = array<i32>} : memref<20224xbf16, #tpu.memory_space<vmem>>, vector<32xbf16>,
    } {sc.loop_unroll_factor = 4 : i64, sc.parallel_access}
    %mul3A_24 = arith.constant 20224 : i32
    %mul3A_25 = arith.muli %add3A_16, %mul3A_24 : i32
    "tpu.region"() ({
      %run_scoped3A = tpu.sem_alloc : memref<!tpu.dma_semaphore, #tpu.memory_space<semaphore_mem>>
      %dma_start3A = tpu.memref_slice %arg4[%mul3A_25] : memref<2588672xbf16, #tpu.memory_space<hbm>> -> memref<20224xbf16, #tpu.memory_space<hbm>>
      %dma_start3A_52 = tpu.memref_slice %arg4[%mul3A_25] : memref<2588672xbf16, #tpu.memory_space<hbm>> -> memref<20224xbf16, #tpu.memory_space<hbm>>
      tpu.enqueue_dma source(%arg7 : memref<20224xbf16, #tpu.memory_space<vmem>>) target(%dma_start3A_52 : memref<20224xbf16, #tpu.memory_space<hbm>>) target_semaphore(%run_scoped3A : memref<!tpu.dma_semaphore, #tpu.memory_space<semaphore_mem>>)
      %dma_wait3A = tpu.memref_slice %arg4[%mul3A_25] : memref<2588672xbf16, #tpu.memory_space<hbm>> -> memref<20224xbf16, #tpu.memory_space<hbm>>
      %dma_wait3A_53 = tpu.memref_slice %arg4[%mul3A_25] : memref<2588672xbf16, #tpu.memory_space<hbm>> -> memref<20224xbf16, #tpu.memory_space<hbm>>
      tpu.wait_dma2 semaphore(%run_scoped3A : memref<!tpu.dma_semaphore, #tpu.memory_space<semaphore_mem>>) src(%arg7 : memref<20224xbf16, #tpu.memory_space<vmem>>) dst(%dma_wait3A_53 : memref<20224xbf16, #tpu.memory_space<hbm>>)
      tpu.yield
    }) : () -> ()
    %mul3A_26 = arith.constant 4 : i32
    %mul3A_27 = arith.muli %add3A, %mul3A_26 : i32
    %add3A_28 = arith.constant 2 : i32
    %add3A_29 = arith.addi %mul3A_27, %add3A_28 : i32
    %add3A_30 = arith.constant 0 : i32
    %add3A_31 = arith.addi %add3A_30, %add3A_29 : i32
    %mul3A_32 = arith.constant 65536 : i32
    %mul3A_33 = arith.muli %add3A_31, %mul3A_32 : i32
    "tpu.region"() ({
      %run_scoped3A = tpu.sem_alloc : memref<!tpu.dma_semaphore, #tpu.memory_space<semaphore_mem>>
      %dma_start3A = tpu.memref_slice %arg2[%mul3A_33] : memref<16777216xf32, #tpu.memory_space<hbm>> -> memref<65536xf32, #tpu.memory_space<hbm>>
      %dma_start3A_52 = tpu.memref_slice %arg2[%mul3A_33] : memref<16777216xf32, #tpu.memory_space<hbm>> -> memref<65536xf32, #tpu.memory_space<hbm>>
      tpu.enqueue_dma source(%dma_start3A_52 : memref<65536xf32, #tpu.memory_space<hbm>>) target(%arg5 : memref<65536xf32, #tpu.memory_space<vmem>>) target_semaphore(%run_scoped3A : memref<!tpu.dma_semaphore, #tpu.memory_space<semaphore_mem>>)
      %dma_wait3A = tpu.memref_slice %arg2[%mul3A_33] : memref<16777216xf32, #tpu.memory_space<hbm>> -> memref<65536xf32, #tpu.memory_space<hbm>>
      %dma_wait3A_53 = tpu.memref_slice %arg2[%mul3A_33] : memref<16777216xf32, #tpu.memory_space<hbm>> -> memref<65536xf32, #tpu.memory_space<hbm>>
      tpu.wait_dma2 semaphore(%run_scoped3A : memref<!tpu.dma_semaphore, #tpu.memory_space<semaphore_mem>>) src(%dma_wait3A_53 : memref<65536xf32, #tpu.memory_space<hbm>>) dst(%arg5 : memref<65536xf32, #tpu.memory_space<vmem>>)
      tpu.yield
    }) : () -> ()
    %parallel_loop3A_34 = arith.constant 0 : i32
    %parallel_loop3A_35 = arith.constant 625 : i32
    %parallel_loop3A_36 = arith.constant 1 : i32
    scf.for %parallel_loop3A_52 = %parallel_loop3A_34 to %parallel_loop3A_35 step %parallel_loop3A_36  : i32 {
      %parallel_loop3A_53 = arith.constant 32 : i32
      %parallel_loop3A_54 = arith.muli %parallel_loop3A_52, %parallel_loop3A_53 : i32
      %parallel_loop3A_55 = arith.index_cast %parallel_loop3A_54 : i32 to index
      %parallel_loop3A_56 = tpu.vector_load %arg6[%parallel_loop3A_55] {strides = array<i32>} : memref<20000xi32, #tpu.memory_space<vmem>>, vector<16xi32>,
      %parallel_loop3A_57 = arith.constant 16 : i32
      %parallel_loop3A_58 = arith.addi %parallel_loop3A_54, %parallel_loop3A_57 : i32
      %parallel_loop3A_59 = arith.index_cast %parallel_loop3A_58 : i32 to index
      %parallel_loop3A_60 = tpu.vector_load %arg6[%parallel_loop3A_59] {strides = array<i32>} : memref<20000xi32, #tpu.memory_space<vmem>>, vector<16xi32>,
      %parallel_loop3A_61 = tpu.vector_load_idx %arg5[%parallel_loop3A_56] : memref<65536xf32, #tpu.memory_space<vmem>>[vector<16xi32>], vector<16xf32>,
      %parallel_loop3A_62 = tpu.vector_load_idx %arg5[%parallel_loop3A_60] : memref<65536xf32, #tpu.memory_space<vmem>>[vector<16xi32>], vector<16xf32>,
      %parallel_loop3A_63 = tpu.pack_subelements %parallel_loop3A_61, %parallel_loop3A_62 {pack_format = #tpu.pack_format<interleaved>, positions = array<i32: 0, 1>} : vector<16xf32>, vector<16xf32> -> vector<32xbf16>
      %parallel_loop3A_64 = arith.index_cast %parallel_loop3A_54 : i32 to index
      %parallel_loop3A_65 = tpu.vector_load %arg7[%parallel_loop3A_64] {strides = array<i32>} : memref<20224xbf16, #tpu.memory_space<vmem>>, vector<32xbf16>,
      tpu.vector_store %arg7[%parallel_loop3A_64], %parallel_loop3A_63 {strides = array<i32>} : memref<20224xbf16, #tpu.memory_space<vmem>>, vector<32xbf16>,
    } {sc.loop_unroll_factor = 4 : i64, sc.parallel_access}
    %mul3A_37 = arith.constant 20224 : i32
    %mul3A_38 = arith.muli %add3A_29, %mul3A_37 : i32
    "tpu.region"() ({
      %run_scoped3A = tpu.sem_alloc : memref<!tpu.dma_semaphore, #tpu.memory_space<semaphore_mem>>
      %dma_start3A = tpu.memref_slice %arg4[%mul3A_38] : memref<2588672xbf16, #tpu.memory_space<hbm>> -> memref<20224xbf16, #tpu.memory_space<hbm>>
      %dma_start3A_52 = tpu.memref_slice %arg4[%mul3A_38] : memref<2588672xbf16, #tpu.memory_space<hbm>> -> memref<20224xbf16, #tpu.memory_space<hbm>>
      tpu.enqueue_dma source(%arg7 : memref<20224xbf16, #tpu.memory_space<vmem>>) target(%dma_start3A_52 : memref<20224xbf16, #tpu.memory_space<hbm>>) target_semaphore(%run_scoped3A : memref<!tpu.dma_semaphore, #tpu.memory_space<semaphore_mem>>)
      %dma_wait3A = tpu.memref_slice %arg4[%mul3A_38] : memref<2588672xbf16, #tpu.memory_space<hbm>> -> memref<20224xbf16, #tpu.memory_space<hbm>>
      %dma_wait3A_53 = tpu.memref_slice %arg4[%mul3A_38] : memref<2588672xbf16, #tpu.memory_space<hbm>> -> memref<20224xbf16, #tpu.memory_space<hbm>>
      tpu.wait_dma2 semaphore(%run_scoped3A : memref<!tpu.dma_semaphore, #tpu.memory_space<semaphore_mem>>) src(%arg7 : memref<20224xbf16, #tpu.memory_space<vmem>>) dst(%dma_wait3A_53 : memref<20224xbf16, #tpu.memory_space<hbm>>)
      tpu.yield
    }) : () -> ()
    %mul3A_39 = arith.constant 4 : i32
    %mul3A_40 = arith.muli %add3A, %mul3A_39 : i32
    %add3A_41 = arith.constant 3 : i32
    %add3A_42 = arith.addi %mul3A_40, %add3A_41 : i32
    %add3A_43 = arith.constant 0 : i32
    %add3A_44 = arith.addi %add3A_43, %add3A_42 : i32
    %mul3A_45 = arith.constant 65536 : i32
    %mul3A_46 = arith.muli %add3A_44, %mul3A_45 : i32
    "tpu.region"() ({
      %run_scoped3A = tpu.sem_alloc : memref<!tpu.dma_semaphore, #tpu.memory_space<semaphore_mem>>
      %dma_start3A = tpu.memref_slice %arg2[%mul3A_46] : memref<16777216xf32, #tpu.memory_space<hbm>> -> memref<65536xf32, #tpu.memory_space<hbm>>
      %dma_start3A_52 = tpu.memref_slice %arg2[%mul3A_46] : memref<16777216xf32, #tpu.memory_space<hbm>> -> memref<65536xf32, #tpu.memory_space<hbm>>
      tpu.enqueue_dma source(%dma_start3A_52 : memref<65536xf32, #tpu.memory_space<hbm>>) target(%arg5 : memref<65536xf32, #tpu.memory_space<vmem>>) target_semaphore(%run_scoped3A : memref<!tpu.dma_semaphore, #tpu.memory_space<semaphore_mem>>)
      %dma_wait3A = tpu.memref_slice %arg2[%mul3A_46] : memref<16777216xf32, #tpu.memory_space<hbm>> -> memref<65536xf32, #tpu.memory_space<hbm>>
      %dma_wait3A_53 = tpu.memref_slice %arg2[%mul3A_46] : memref<16777216xf32, #tpu.memory_space<hbm>> -> memref<65536xf32, #tpu.memory_space<hbm>>
      tpu.wait_dma2 semaphore(%run_scoped3A : memref<!tpu.dma_semaphore, #tpu.memory_space<semaphore_mem>>) src(%dma_wait3A_53 : memref<65536xf32, #tpu.memory_space<hbm>>) dst(%arg5 : memref<65536xf32, #tpu.memory_space<vmem>>)
      tpu.yield
    }) : () -> ()
    %parallel_loop3A_47 = arith.constant 0 : i32
    %parallel_loop3A_48 = arith.constant 625 : i32
    %parallel_loop3A_49 = arith.constant 1 : i32
    scf.for %parallel_loop3A_52 = %parallel_loop3A_47 to %parallel_loop3A_48 step %parallel_loop3A_49  : i32 {
      %parallel_loop3A_53 = arith.constant 32 : i32
      %parallel_loop3A_54 = arith.muli %parallel_loop3A_52, %parallel_loop3A_53 : i32
      %parallel_loop3A_55 = arith.index_cast %parallel_loop3A_54 : i32 to index
      %parallel_loop3A_56 = tpu.vector_load %arg6[%parallel_loop3A_55] {strides = array<i32>} : memref<20000xi32, #tpu.memory_space<vmem>>, vector<16xi32>,
      %parallel_loop3A_57 = arith.constant 16 : i32
      %parallel_loop3A_58 = arith.addi %parallel_loop3A_54, %parallel_loop3A_57 : i32
      %parallel_loop3A_59 = arith.index_cast %parallel_loop3A_58 : i32 to index
      %parallel_loop3A_60 = tpu.vector_load %arg6[%parallel_loop3A_59] {strides = array<i32>} : memref<20000xi32, #tpu.memory_space<vmem>>, vector<16xi32>,
      %parallel_loop3A_61 = tpu.vector_load_idx %arg5[%parallel_loop3A_56] : memref<65536xf32, #tpu.memory_space<vmem>>[vector<16xi32>], vector<16xf32>,
      %parallel_loop3A_62 = tpu.vector_load_idx %arg5[%parallel_loop3A_60] : memref<65536xf32, #tpu.memory_space<vmem>>[vector<16xi32>], vector<16xf32>,
      %parallel_loop3A_63 = tpu.pack_subelements %parallel_loop3A_61, %parallel_loop3A_62 {pack_format = #tpu.pack_format<interleaved>, positions = array<i32: 0, 1>} : vector<16xf32>, vector<16xf32> -> vector<32xbf16>
      %parallel_loop3A_64 = arith.index_cast %parallel_loop3A_54 : i32 to index
      %parallel_loop3A_65 = tpu.vector_load %arg7[%parallel_loop3A_64] {strides = array<i32>} : memref<20224xbf16, #tpu.memory_space<vmem>>, vector<32xbf16>,
      tpu.vector_store %arg7[%parallel_loop3A_64], %parallel_loop3A_63 {strides = array<i32>} : memref<20224xbf16, #tpu.memory_space<vmem>>, vector<32xbf16>,
    } {sc.loop_unroll_factor = 4 : i64, sc.parallel_access}
    %mul3A_50 = arith.constant 20224 : i32
    %mul3A_51 = arith.muli %add3A_42, %mul3A_50 : i32
    "tpu.region"() ({
      %run_scoped3A = tpu.sem_alloc : memref<!tpu.dma_semaphore, #tpu.memory_space<semaphore_mem>>
      %dma_start3A = tpu.memref_slice %arg4[%mul3A_51] : memref<2588672xbf16, #tpu.memory_space<hbm>> -> memref<20224xbf16, #tpu.memory_space<hbm>>
      %dma_start3A_52 = tpu.memref_slice %arg4[%mul3A_51] : memref<2588672xbf16, #tpu.memory_space<hbm>> -> memref<20224xbf16, #tpu.memory_space<hbm>>
      tpu.enqueue_dma source(%arg7 : memref<20224xbf16, #tpu.memory_space<vmem>>) target(%dma_start3A_52 : memref<20224xbf16, #tpu.memory_space<hbm>>) target_semaphore(%run_scoped3A : memref<!tpu.dma_semaphore, #tpu.memory_space<semaphore_mem>>)
      %dma_wait3A = tpu.memref_slice %arg4[%mul3A_51] : memref<2588672xbf16, #tpu.memory_space<hbm>> -> memref<20224xbf16, #tpu.memory_space<hbm>>
      %dma_wait3A_53 = tpu.memref_slice %arg4[%mul3A_51] : memref<2588672xbf16, #tpu.memory_space<hbm>> -> memref<20224xbf16, #tpu.memory_space<hbm>>
      tpu.wait_dma2 semaphore(%run_scoped3A : memref<!tpu.dma_semaphore, #tpu.memory_space<semaphore_mem>>) src(%arg7 : memref<20224xbf16, #tpu.memory_space<vmem>>) dst(%dma_wait3A_53 : memref<20224xbf16, #tpu.memory_space<hbm>>)
      tpu.yield
    }) : () -> ()
    return
  }
}

module attributes {stable_mosaic.version = 14 : i64} {
  func.func @_lin_body(%arg0: i32, %arg1: memref<1x1x20000xi32, #tpu.memory_space<vmem>>, %arg2: memref<1x1x20000xi32, #tpu.memory_space<vmem>>, %arg3: memref<1x1x20000xi32, #tpu.memory_space<vmem>>) attributes {dimension_semantics = [#tpu.dimension_semantics<arbitrary>], iteration_bounds = array<i64: 2>, scalar_prefetch = 0 : i64, scratch_operands = 0 : i64, tpu.core_type = #tpu.core_type<tc>, window_params = [{transform_indices = @transform_0, window_bounds = array<i64: 1, 1, 20000>}, {transform_indices = @transform_1, window_bounds = array<i64: 1, 1, 20000>}, {transform_indices = @transform_2, window_bounds = array<i64: 1, 1, 20000>}]} {
    %get3A = arith.constant 0 : index
    %get3A_0 = arith.constant 0 : index
    %get3A_1 = arith.constant 0 : index
    %get3A_2 = vector.load %arg1[%get3A, %get3A_0, %get3A_1] : memref<1x1x20000xi32, #tpu.memory_space<vmem>>, vector<1x1x20000xi32>
    %jit3A = arith.constant 0 : i32
    %jit3A_3 = arith.constant 255 : i32
    %max3A = vector.broadcast %jit3A : i32 to vector<1x1x20000xi32>
    %max3A_4 = arith.maxsi %max3A, %get3A_2 : vector<1x1x20000xi32>
    %min3A = vector.broadcast %jit3A_3 : i32 to vector<1x1x20000xi32>
    %min3A_5 = arith.minsi %min3A, %max3A_4 : vector<1x1x20000xi32>
    %get3A_6 = arith.constant 0 : index
    %get3A_7 = arith.constant 0 : index
    %get3A_8 = arith.constant 0 : index
    %get3A_9 = vector.load %arg2[%get3A_6, %get3A_7, %get3A_8] : memref<1x1x20000xi32, #tpu.memory_space<vmem>>, vector<1x1x20000xi32>
    %jit3A_10 = arith.constant 0 : i32
    %jit3A_11 = arith.constant 255 : i32
    %max3A_12 = vector.broadcast %jit3A_10 : i32 to vector<1x1x20000xi32>
    %max3A_13 = arith.maxsi %max3A_12, %get3A_9 : vector<1x1x20000xi32>
    %min3A_14 = vector.broadcast %jit3A_11 : i32 to vector<1x1x20000xi32>
    %min3A_15 = arith.minsi %min3A_14, %max3A_13 : vector<1x1x20000xi32>
    %jit3A_16 = arith.constant 8 : i32
    %div3A = vector.broadcast %jit3A_16 : i32 to vector<1x1x20000xi32>
    %div3A_17 = arith.divsi %min3A_5, %div3A : vector<1x1x20000xi32>
    %sign3A = arith.constant 0 : i32
    %sign3A_18 = vector.broadcast %sign3A : i32 to vector<1x1x20000xi32>
    %sign3A_19 = arith.cmpi sgt, %min3A_5, %sign3A_18 : vector<1x1x20000xi32>
    %sign3A_20 = arith.extui %sign3A_19 : vector<1x1x20000xi1> to vector<1x1x20000xi32>
    %sign3A_21 = arith.constant 0 : i32
    %sign3A_22 = vector.broadcast %sign3A_21 : i32 to vector<1x1x20000xi32>
    %sign3A_23 = arith.cmpi slt, %min3A_5, %sign3A_22 : vector<1x1x20000xi32>
    %sign3A_24 = arith.extui %sign3A_23 : vector<1x1x20000xi1> to vector<1x1x20000xi32>
    %sign3A_25 = arith.subi %sign3A_20, %sign3A_24 : vector<1x1x20000xi32>
    %sign3A_26 = arith.constant 0 : i32
    %sign3A_27 = arith.cmpi sgt, %jit3A_16, %sign3A_26 : i32
    %sign3A_28 = arith.extui %sign3A_27 : i1 to i32
    %sign3A_29 = arith.constant 0 : i32
    %sign3A_30 = arith.cmpi slt, %jit3A_16, %sign3A_29 : i32
    %sign3A_31 = arith.extui %sign3A_30 : i1 to i32
    %sign3A_32 = arith.subi %sign3A_28, %sign3A_31 : i32
    %ne3A = vector.broadcast %sign3A_32 : i32 to vector<1x1x20000xi32>
    %ne3A_33 = arith.cmpi ne, %sign3A_25, %ne3A : vector<1x1x20000xi32>
    %rem3A = vector.broadcast %jit3A_16 : i32 to vector<1x1x20000xi32>
    %rem3A_34 = arith.remsi %min3A_5, %rem3A : vector<1x1x20000xi32>
    %ne3A_35 = arith.constant 0 : i32
    %ne3A_36 = vector.broadcast %ne3A_35 : i32 to vector<1x1x20000xi32>
    %ne3A_37 = arith.cmpi ne, %rem3A_34, %ne3A_36 : vector<1x1x20000xi32>
    %and3A = arith.andi %ne3A_33, %ne3A_37 : vector<1x1x20000xi1>
    %sub3A = arith.constant 1 : i32
    %sub3A_38 = vector.broadcast %sub3A : i32 to vector<1x1x20000xi32>
    %sub3A_39 = arith.subi %div3A_17, %sub3A_38 : vector<1x1x20000xi32>
    %select_n3A = arith.select %and3A, %sub3A_39, %div3A_17 : vector<1x1x20000xi1>, vector<1x1x20000xi32>
    %mul3A = arith.constant 2 : i32
    %mul3A_40 = vector.broadcast %mul3A : i32 to vector<1x1x20000xi32>
    %mul3A_41 = arith.muli %select_n3A, %mul3A_40 : vector<1x1x20000xi32>
    %jit3A_42 = arith.constant 128 : i32
    %div3A_43 = vector.broadcast %jit3A_42 : i32 to vector<1x1x20000xi32>
    %div3A_44 = arith.divsi %min3A_15, %div3A_43 : vector<1x1x20000xi32>
    %sign3A_45 = arith.constant 0 : i32
    %sign3A_46 = vector.broadcast %sign3A_45 : i32 to vector<1x1x20000xi32>
    %sign3A_47 = arith.cmpi sgt, %min3A_15, %sign3A_46 : vector<1x1x20000xi32>
    %sign3A_48 = arith.extui %sign3A_47 : vector<1x1x20000xi1> to vector<1x1x20000xi32>
    %sign3A_49 = arith.constant 0 : i32
    %sign3A_50 = vector.broadcast %sign3A_49 : i32 to vector<1x1x20000xi32>
    %sign3A_51 = arith.cmpi slt, %min3A_15, %sign3A_50 : vector<1x1x20000xi32>
    %sign3A_52 = arith.extui %sign3A_51 : vector<1x1x20000xi1> to vector<1x1x20000xi32>
    %sign3A_53 = arith.subi %sign3A_48, %sign3A_52 : vector<1x1x20000xi32>
    %sign3A_54 = arith.constant 0 : i32
    %sign3A_55 = arith.cmpi sgt, %jit3A_42, %sign3A_54 : i32
    %sign3A_56 = arith.extui %sign3A_55 : i1 to i32
    %sign3A_57 = arith.constant 0 : i32
    %sign3A_58 = arith.cmpi slt, %jit3A_42, %sign3A_57 : i32
    %sign3A_59 = arith.extui %sign3A_58 : i1 to i32
    %sign3A_60 = arith.subi %sign3A_56, %sign3A_59 : i32
    %ne3A_61 = vector.broadcast %sign3A_60 : i32 to vector<1x1x20000xi32>
    %ne3A_62 = arith.cmpi ne, %sign3A_53, %ne3A_61 : vector<1x1x20000xi32>
    %rem3A_63 = vector.broadcast %jit3A_42 : i32 to vector<1x1x20000xi32>
    %rem3A_64 = arith.remsi %min3A_15, %rem3A_63 : vector<1x1x20000xi32>
    %ne3A_65 = arith.constant 0 : i32
    %ne3A_66 = vector.broadcast %ne3A_65 : i32 to vector<1x1x20000xi32>
    %ne3A_67 = arith.cmpi ne, %rem3A_64, %ne3A_66 : vector<1x1x20000xi32>
    %and3A_68 = arith.andi %ne3A_62, %ne3A_67 : vector<1x1x20000xi1>
    %sub3A_69 = arith.constant 1 : i32
    %sub3A_70 = vector.broadcast %sub3A_69 : i32 to vector<1x1x20000xi32>
    %sub3A_71 = arith.subi %div3A_44, %sub3A_70 : vector<1x1x20000xi32>
    %select_n3A_72 = arith.select %and3A_68, %sub3A_71, %div3A_44 : vector<1x1x20000xi1>, vector<1x1x20000xi32>
    %add3A = arith.addi %mul3A_41, %select_n3A_72 : vector<1x1x20000xi32>
    %mul3A_73 = arith.constant 1024 : i32
    %mul3A_74 = vector.broadcast %mul3A_73 : i32 to vector<1x1x20000xi32>
    %mul3A_75 = arith.muli %add3A, %mul3A_74 : vector<1x1x20000xi32>
    %jit3A_76 = arith.constant 8 : i32
    %eq3A = arith.constant 0 : i32
    %eq3A_77 = arith.cmpi eq, %jit3A_76, %eq3A : i32
    %jit3A_78 = arith.constant 1 : i32
    %select_n3A_79 = arith.select %eq3A_77, %jit3A_78, %jit3A_76 : i32
    %rem3A_80 = vector.broadcast %select_n3A_79 : i32 to vector<1x1x20000xi32>
    %rem3A_81 = arith.remsi %min3A_5, %rem3A_80 : vector<1x1x20000xi32>
    %ne3A_82 = arith.constant 0 : i32
    %ne3A_83 = vector.broadcast %ne3A_82 : i32 to vector<1x1x20000xi32>
    %ne3A_84 = arith.cmpi ne, %rem3A_81, %ne3A_83 : vector<1x1x20000xi32>
    %lt3A = arith.constant 0 : i32
    %lt3A_85 = vector.broadcast %lt3A : i32 to vector<1x1x20000xi32>
    %lt3A_86 = arith.cmpi slt, %rem3A_81, %lt3A_85 : vector<1x1x20000xi32>
    %lt3A_87 = arith.constant 0 : i32
    %lt3A_88 = arith.cmpi slt, %select_n3A_79, %lt3A_87 : i32
    %ne3A_89 = vector.broadcast %lt3A_88 : i1 to vector<1x1x20000xi1>
    %ne3A_90 = vector.broadcast %ne3A_89 : vector<1x1x20000xi1> to vector<1x1x20000xi1>
    %ne3A_91 = arith.xori %lt3A_86, %ne3A_90 : vector<1x1x20000xi1>
    %and3A_92 = arith.andi %ne3A_91, %ne3A_84 : vector<1x1x20000xi1>
    %add3A_93 = vector.broadcast %select_n3A_79 : i32 to vector<1x1x20000xi32>
    %add3A_94 = arith.addi %rem3A_81, %add3A_93 : vector<1x1x20000xi32>
    %select_n3A_95 = arith.select %and3A_92, %add3A_94, %rem3A_81 : vector<1x1x20000xi1>, vector<1x1x20000xi32>
    %mul3A_96 = arith.constant 128 : i32
    %mul3A_97 = vector.broadcast %mul3A_96 : i32 to vector<1x1x20000xi32>
    %mul3A_98 = arith.muli %select_n3A_95, %mul3A_97 : vector<1x1x20000xi32>
    %add3A_99 = arith.addi %mul3A_75, %mul3A_98 : vector<1x1x20000xi32>
    %jit3A_100 = arith.constant 128 : i32
    %eq3A_101 = arith.constant 0 : i32
    %eq3A_102 = arith.cmpi eq, %jit3A_100, %eq3A_101 : i32
    %jit3A_103 = arith.constant 1 : i32
    %select_n3A_104 = arith.select %eq3A_102, %jit3A_103, %jit3A_100 : i32
    %rem3A_105 = vector.broadcast %select_n3A_104 : i32 to vector<1x1x20000xi32>
    %rem3A_106 = arith.remsi %min3A_15, %rem3A_105 : vector<1x1x20000xi32>
    %ne3A_107 = arith.constant 0 : i32
    %ne3A_108 = vector.broadcast %ne3A_107 : i32 to vector<1x1x20000xi32>
    %ne3A_109 = arith.cmpi ne, %rem3A_106, %ne3A_108 : vector<1x1x20000xi32>
    %lt3A_110 = arith.constant 0 : i32
    %lt3A_111 = vector.broadcast %lt3A_110 : i32 to vector<1x1x20000xi32>
    %lt3A_112 = arith.cmpi slt, %rem3A_106, %lt3A_111 : vector<1x1x20000xi32>
    %lt3A_113 = arith.constant 0 : i32
    %lt3A_114 = arith.cmpi slt, %select_n3A_104, %lt3A_113 : i32
    %ne3A_115 = vector.broadcast %lt3A_114 : i1 to vector<1x1x20000xi1>
    %ne3A_116 = vector.broadcast %ne3A_115 : vector<1x1x20000xi1> to vector<1x1x20000xi1>
    %ne3A_117 = arith.xori %lt3A_112, %ne3A_116 : vector<1x1x20000xi1>
    %and3A_118 = arith.andi %ne3A_117, %ne3A_109 : vector<1x1x20000xi1>
    %add3A_119 = vector.broadcast %select_n3A_104 : i32 to vector<1x1x20000xi32>
    %add3A_120 = arith.addi %rem3A_106, %add3A_119 : vector<1x1x20000xi32>
    %select_n3A_121 = arith.select %and3A_118, %add3A_120, %rem3A_106 : vector<1x1x20000xi1>, vector<1x1x20000xi32>
    %add3A_122 = arith.addi %add3A_99, %select_n3A_121 : vector<1x1x20000xi32>
    %swap3A = arith.constant 0 : index
    %swap3A_123 = arith.constant 0 : index
    %swap3A_124 = arith.constant 0 : index
    %swap3A_125 = vector.load %arg3[%swap3A, %swap3A_123, %swap3A_124] : memref<1x1x20000xi32, #tpu.memory_space<vmem>>, vector<1x1x20000xi32>
    tpu.vector_store %arg3[%swap3A, %swap3A_123, %swap3A_124], %add3A_122 {strides = array<i32>} : memref<1x1x20000xi32, #tpu.memory_space<vmem>>, vector<1x1x20000xi32>,
    return
  }
  func.func @transform_0(%arg0: i32) -> (i32, i32, i32) {
    %c0_i32 = arith.constant 0 : i32
    %c0_i32_0 = arith.constant 0 : i32
    %c0_i32_1 = arith.constant 0 : i32
    return %arg0, %c0_i32, %c0_i32_0 : i32, i32, i32
  }
  func.func @transform_1(%arg0: i32) -> (i32, i32, i32) {
    %c0_i32 = arith.constant 0 : i32
    %c0_i32_0 = arith.constant 0 : i32
    %c0_i32_1 = arith.constant 0 : i32
    return %arg0, %c0_i32, %c0_i32_0 : i32, i32, i32
  }
  func.func @transform_2(%arg0: i32) -> (i32, i32, i32) {
    %c0_i32 = arith.constant 0 : i32
    %c0_i32_0 = arith.constant 0 : i32
    %c0_i32_1 = arith.constant 0 : i32
    return %arg0, %c0_i32, %c0_i32_0 : i32, i32, i32
  }
}

module attributes {stable_mosaic.version = 14 : i64} {
  func.func @_tc1_body(%arg0: i32, %arg1: memref<1x128x2048xbf16, #tpu.memory_space<vmem>>, %arg2: memref<1x2048x128xf32, #tpu.memory_space<vmem>>, %arg3: memref<128x128xf32, #tpu.memory_space<vmem>>, %arg4: memref<128x1xf32, #tpu.memory_space<vmem>>, %arg5: memref<128x128xf32, #tpu.memory_space<vmem>>, %arg6: memref<1x4x2048xf32, #tpu.memory_space<vmem>>) attributes {dimension_semantics = [#tpu.dimension_semantics<arbitrary>], iteration_bounds = array<i64: 10>, scalar_prefetch = 0 : i64, scratch_operands = 0 : i64, tpu.core_type = #tpu.core_type<tc>, window_params = [{transform_indices = @transform_0, window_bounds = array<i64: 1, 128, 2048>}, {transform_indices = @transform_1, window_bounds = array<i64: 1, 2048, 128>}, {pipeline_mode = #tpu.pipeline_mode<synchronous>, transform_indices = @transform_2, window_bounds = array<i64: 128, 128>}, {pipeline_mode = #tpu.pipeline_mode<synchronous>, transform_indices = @transform_3, window_bounds = array<i64: 128, 1>}, {pipeline_mode = #tpu.pipeline_mode<synchronous>, transform_indices = @transform_4, window_bounds = array<i64: 128, 128>}, {transform_indices = @transform_5, window_bounds = array<i64: 1, 4, 2048>}]} {
    %get3A = arith.constant 0 : index
    %get3A_0 = arith.constant 0 : index
    %get3A_1 = arith.constant 0 : index
    %get3A_2 = vector.load %arg1[%get3A, %get3A_0, %get3A_1] : memref<1x128x2048xbf16, #tpu.memory_space<vmem>>, vector<1x128x2048xbf16>
    %get3A_3 = vector.shape_cast %get3A_2 : vector<1x128x2048xbf16> to vector<128x2048xbf16>
    %convert_element_type3A = arith.extf %get3A_3 : vector<128x2048xbf16> to vector<128x2048xf32>
    %get3A_4 = arith.constant 0 : index
    %get3A_5 = arith.constant 0 : index
    %get3A_6 = arith.constant 0 : index
    %get3A_7 = vector.load %arg2[%get3A_4, %get3A_5, %get3A_6] : memref<1x2048x128xf32, #tpu.memory_space<vmem>>, vector<1x2048x128xf32>
    %get3A_8 = vector.shape_cast %get3A_7 : vector<1x2048x128xf32> to vector<2048x128xf32>
    %get3A_9 = arith.constant 0 : index
    %get3A_10 = arith.constant 0 : index
    %get3A_11 = vector.load %arg3[%get3A_9, %get3A_10] : memref<128x128xf32, #tpu.memory_space<vmem>>, vector<128x128xf32>
    %dot_general3A = arith.constant dense<0.000000e+00> : vector<128x2048xf32>
    %dot_general3A_12 = tpu.matmul %get3A_11, %convert_element_type3A, %dot_general3A {dimension_numbers = #tpu.dot_dimension_numbers<[1], [0], [0], [1], [0, 0, 1, 1], [], []>, transpose_lhs_hint = false} : vector<128x128xf32>, vector<128x2048xf32>, vector<128x2048xf32> -> vector<128x2048xf32>
    %get3A_13 = arith.constant 0 : index
    %get3A_14 = arith.constant 0 : index
    %get3A_15 = vector.load %arg4[%get3A_13, %get3A_14] : memref<128x1xf32, #tpu.memory_space<vmem>>, vector<128x1xf32>
    %add3A = vector.broadcast %get3A_15 : vector<128x1xf32> to vector<128x2048xf32>
    %add3A_16 = arith.addf %dot_general3A_12, %add3A : vector<128x2048xf32>
    %get3A_17 = arith.constant 0 : index
    %get3A_18 = arith.constant 0 : index
    %get3A_19 = vector.load %arg5[%get3A_17, %get3A_18] : memref<128x128xf32, #tpu.memory_space<vmem>>, vector<128x128xf32>
    %dot_general3A_20 = arith.constant dense<0.000000e+00> : vector<128x2048xf32>
    %dot_general3A_21 = tpu.matmul %get3A_19, %get3A_8, %dot_general3A_20 {dimension_numbers = #tpu.dot_dimension_numbers<[1], [1], [0], [0], [0, 0, 1, 0], [], []>, transpose_lhs_hint = false} : vector<128x128xf32>, vector<2048x128xf32>, vector<128x2048xf32> -> vector<128x2048xf32>
    %iota3A = tpu.iota {dimensions = array<i32: 1>} : vector<4x128xi32>
    %jit3A = arith.constant 32 : i32
    %div3A = vector.broadcast %jit3A : i32 to vector<4x128xi32>
    %div3A_22 = arith.divsi %iota3A, %div3A : vector<4x128xi32>
    %sign3A = arith.constant 0 : i32
    %sign3A_23 = vector.broadcast %sign3A : i32 to vector<4x128xi32>
    %sign3A_24 = arith.cmpi sgt, %iota3A, %sign3A_23 : vector<4x128xi32>
    %sign3A_25 = arith.extui %sign3A_24 : vector<4x128xi1> to vector<4x128xi32>
    %sign3A_26 = arith.constant 0 : i32
    %sign3A_27 = vector.broadcast %sign3A_26 : i32 to vector<4x128xi32>
    %sign3A_28 = arith.cmpi slt, %iota3A, %sign3A_27 : vector<4x128xi32>
    %sign3A_29 = arith.extui %sign3A_28 : vector<4x128xi1> to vector<4x128xi32>
    %sign3A_30 = arith.subi %sign3A_25, %sign3A_29 : vector<4x128xi32>
    %sign3A_31 = arith.constant 0 : i32
    %sign3A_32 = arith.cmpi sgt, %jit3A, %sign3A_31 : i32
    %sign3A_33 = arith.extui %sign3A_32 : i1 to i32
    %sign3A_34 = arith.constant 0 : i32
    %sign3A_35 = arith.cmpi slt, %jit3A, %sign3A_34 : i32
    %sign3A_36 = arith.extui %sign3A_35 : i1 to i32
    %sign3A_37 = arith.subi %sign3A_33, %sign3A_36 : i32
    %ne3A = vector.broadcast %sign3A_37 : i32 to vector<4x128xi32>
    %ne3A_38 = arith.cmpi ne, %sign3A_30, %ne3A : vector<4x128xi32>
    %rem3A = vector.broadcast %jit3A : i32 to vector<4x128xi32>
    %rem3A_39 = arith.remsi %iota3A, %rem3A : vector<4x128xi32>
    %ne3A_40 = arith.constant 0 : i32
    %ne3A_41 = vector.broadcast %ne3A_40 : i32 to vector<4x128xi32>
    %ne3A_42 = arith.cmpi ne, %rem3A_39, %ne3A_41 : vector<4x128xi32>
    %and3A = arith.andi %ne3A_38, %ne3A_42 : vector<4x128xi1>
    %sub3A = arith.constant 1 : i32
    %sub3A_43 = vector.broadcast %sub3A : i32 to vector<4x128xi32>
    %sub3A_44 = arith.subi %div3A_22, %sub3A_43 : vector<4x128xi32>
    %select_n3A = arith.select %and3A, %sub3A_44, %div3A_22 : vector<4x128xi1>, vector<4x128xi32>
    %iota3A_45 = tpu.iota {dimensions = array<i32: 0>} : vector<4x128xi32>
    %eq3A = arith.cmpi eq, %select_n3A, %iota3A_45 : vector<4x128xi32>
    %convert_element_type3A_46 = arith.extui %eq3A : vector<4x128xi1> to vector<4x128xi32>
    %convert_element_type3A_47 = arith.sitofp %convert_element_type3A_46 : vector<4x128xi32> to vector<4x128xf32>
    %mul3A = arith.mulf %add3A_16, %dot_general3A_21 : vector<128x2048xf32>
    %dot_general3A_48 = arith.constant dense<0.000000e+00> : vector<4x2048xf32>
    %dot_general3A_49 = tpu.matmul %convert_element_type3A_47, %mul3A, %dot_general3A_48 {dimension_numbers = #tpu.dot_dimension_numbers<[1], [0], [0], [1], [0, 0, 1, 1], [], []>, transpose_lhs_hint = false} : vector<4x128xf32>, vector<128x2048xf32>, vector<4x2048xf32> -> vector<4x2048xf32>
    %mul3A_50 = arith.constant 0.176776692 : f32
    %mul3A_51 = vector.broadcast %mul3A_50 : f32 to vector<4x2048xf32>
    %mul3A_52 = arith.mulf %dot_general3A_49, %mul3A_51 : vector<4x2048xf32>
    %swap3A = arith.constant 0 : index
    %swap3A_53 = arith.constant 0 : index
    %swap3A_54 = arith.constant 0 : index
    %swap3A_55 = vector.load %arg6[%swap3A, %swap3A_53, %swap3A_54] : memref<1x4x2048xf32, #tpu.memory_space<vmem>>, vector<1x4x2048xf32>
    %swap3A_56 = vector.shape_cast %swap3A_55 : vector<1x4x2048xf32> to vector<4x2048xf32>
    %swap3A_57 = vector.shape_cast %mul3A_52 : vector<4x2048xf32> to vector<1x4x2048xf32>
    tpu.vector_store %arg6[%swap3A, %swap3A_53, %swap3A_54], %swap3A_57 {strides = array<i32>} : memref<1x4x2048xf32, #tpu.memory_space<vmem>>, vector<1x4x2048xf32>,
    return
  }
  func.func @transform_0(%arg0: i32) -> (i32, i32, i32) {
    %c0_i32 = arith.constant 0 : i32
    %c0_i32_0 = arith.constant 0 : i32
    %c0_i32_1 = arith.constant 0 : i32
    return %c0_i32, %c0_i32_0, %arg0 : i32, i32, i32
  }
  func.func @transform_1(%arg0: i32) -> (i32, i32, i32) {
    %c0_i32 = arith.constant 0 : i32
    %c0_i32_0 = arith.constant 0 : i32
    %c0_i32_1 = arith.constant 0 : i32
    return %c0_i32, %arg0, %c0_i32_0 : i32, i32, i32
  }
  func.func @transform_2(%arg0: i32) -> (i32, i32) {
    %c0_i32 = arith.constant 0 : i32
    %c0_i32_0 = arith.constant 0 : i32
    %c0_i32_1 = arith.constant 0 : i32
    return %c0_i32, %c0_i32_0 : i32, i32
  }
  func.func @transform_3(%arg0: i32) -> (i32, i32) {
    %c0_i32 = arith.constant 0 : i32
    %c0_i32_0 = arith.constant 0 : i32
    %c0_i32_1 = arith.constant 0 : i32
    return %c0_i32, %c0_i32_0 : i32, i32
  }
  func.func @transform_4(%arg0: i32) -> (i32, i32) {
    %c0_i32 = arith.constant 0 : i32
    %c0_i32_0 = arith.constant 0 : i32
    %c0_i32_1 = arith.constant 0 : i32
    return %c0_i32, %c0_i32_0 : i32, i32
  }
  func.func @transform_5(%arg0: i32) -> (i32, i32, i32) {
    %c0_i32 = arith.constant 0 : i32
    %c0_i32_0 = arith.constant 0 : i32
    %c0_i32_1 = arith.constant 0 : i32
    return %c0_i32, %c0_i32_0, %arg0 : i32, i32, i32
  }
}

module attributes {stable_mosaic.version = 14 : i64} {
  func.func @_tc2_body(%arg0: i32, %arg1: memref<1x4x20480xf32, #tpu.memory_space<vmem>>, %arg2: memref<1x1x2048xf32, #tpu.memory_space<vmem>>, %arg3: memref<1x2048x128xf32, #tpu.memory_space<vmem>>, %arg4: memref<128x128xf32, #tpu.memory_space<vmem>>, %arg5: memref<128x128xf32, #tpu.memory_space<vmem>>, %arg6: memref<1x128x2048xbf16, #tpu.memory_space<vmem>>, %arg7: memref<1x128x1xf32, #tpu.memory_space<vmem>>, %arg8: memref<8x128xf32, #tpu.memory_space<vmem>>) attributes {dimension_semantics = [#tpu.dimension_semantics<arbitrary>], iteration_bounds = array<i64: 10>, scalar_prefetch = 0 : i64, scratch_operands = 1 : i64, tpu.core_type = #tpu.core_type<tc>, window_params = [{pipeline_mode = #tpu.pipeline_mode<synchronous>, transform_indices = @transform_0, window_bounds = array<i64: 1, 4, 20480>}, {transform_indices = @transform_1, window_bounds = array<i64: 1, 1, 2048>}, {transform_indices = @transform_2, window_bounds = array<i64: 1, 2048, 128>}, {pipeline_mode = #tpu.pipeline_mode<synchronous>, transform_indices = @transform_3, window_bounds = array<i64: 128, 128>}, {pipeline_mode = #tpu.pipeline_mode<synchronous>, transform_indices = @transform_4, window_bounds = array<i64: 128, 128>}, {transform_indices = @transform_5, window_bounds = array<i64: 1, 128, 2048>}, {pipeline_mode = #tpu.pipeline_mode<synchronous>, transform_indices = @transform_6, window_bounds = array<i64: 1, 128, 1>}]} {
    %iota3A = tpu.iota {dimensions = array<i32: 1>} : vector<4x20480xi32>
    %eq3A = arith.constant 0 : i32
    %eq3A_0 = arith.cmpi eq, %arg0, %eq3A : i32
    %convert_element_type3A = arith.extui %eq3A_0 : i1 to i32
    %cond3A = arith.constant 0 : i32
    %cond3A_1 = arith.cmpi ne, %convert_element_type3A, %cond3A : i32
    scf.if %cond3A_1 {
      %get3A_110 = arith.constant 0 : index
      %get3A_111 = arith.constant 0 : index
      %get3A_112 = arith.constant 0 : index
      %get3A_113 = vector.load %arg1[%get3A_110, %get3A_111, %get3A_112] : memref<1x4x20480xf32, #tpu.memory_space<vmem>>, vector<1x4x20480xf32>
      %get3A_114 = vector.shape_cast %get3A_113 : vector<1x4x20480xf32> to vector<4x20480xf32>
      %lt3A_115 = arith.constant 20000 : i32
      %lt3A_116 = vector.broadcast %lt3A_115 : i32 to vector<4x20480xi32>
      %lt3A_117 = arith.cmpi slt, %iota3A, %lt3A_116 : vector<4x20480xi32>
      %jit3A_118 = arith.constant 0xFF800000 : f32
      %broadcast_in_dim3A_119 = vector.broadcast %jit3A_118 : f32 to vector<4x20480xf32>
      %select_n3A_120 = arith.select %lt3A_117, %get3A_114, %broadcast_in_dim3A_119 : vector<4x20480xi1>, vector<4x20480xf32>
      %reduce_max3A = arith.constant dense<0xFF800000> : vector<4xf32>
      %reduce_max3A_121 = vector.multi_reduction <maximumf>, %select_n3A_120, %reduce_max3A [1] : vector<4x20480xf32> to vector<4xf32>
      %broadcast_in_dim3A_122 = vector.shape_cast %reduce_max3A_121 : vector<4xf32> to vector<4x1xf32>
      %lt3A_123 = arith.constant 20000 : i32
      %lt3A_124 = vector.broadcast %lt3A_123 : i32 to vector<4x20480xi32>
      %lt3A_125 = arith.cmpi slt, %iota3A, %lt3A_124 : vector<4x20480xi32>
      %sub3A_126 = vector.broadcast %broadcast_in_dim3A_122 : vector<4x1xf32> to vector<4x20480xf32>
      %sub3A_127 = arith.subf %select_n3A_120, %sub3A_126 : vector<4x20480xf32>
      %exp3A_128 = math.exp %sub3A_127 : vector<4x20480xf32>
      %jit3A_129 = arith.constant 0.000000e+00 : f32
      %broadcast_in_dim3A_130 = vector.broadcast %jit3A_129 : f32 to vector<4x20480xf32>
      %select_n3A_131 = arith.select %lt3A_125, %exp3A_128, %broadcast_in_dim3A_130 : vector<4x20480xi1>, vector<4x20480xf32>
      %reduce_sum3A_132 = arith.constant dense<0.000000e+00> : vector<4xf32>
      %reduce_sum3A_133 = vector.multi_reduction <add>, %select_n3A_131, %reduce_sum3A_132 [1] : vector<4x20480xf32> to vector<4xf32>
      %broadcast_in_dim3A_134 = vector.shape_cast %reduce_sum3A_133 : vector<4xf32> to vector<4x1xf32>
      %swap3A_135 = arith.constant 0 : index
      %swap3A_136 = arith.constant 0 : index
      %swap3A_137 = vector.load %arg8[%swap3A_135, %swap3A_136] : memref<8x128xf32, #tpu.memory_space<vmem>>, vector<4x1xf32>
      tpu.vector_store %arg8[%swap3A_135, %swap3A_136], %broadcast_in_dim3A_122 {strides = array<i32>} : memref<8x128xf32, #tpu.memory_space<vmem>>, vector<4x1xf32>,
      %swap3A_138 = arith.constant 0 : index
      %swap3A_139 = arith.constant 1 : index
      %swap3A_140 = vector.load %arg8[%swap3A_138, %swap3A_139] : memref<8x128xf32, #tpu.memory_space<vmem>>, vector<4x1xf32>
      tpu.vector_store %arg8[%swap3A_138, %swap3A_139], %broadcast_in_dim3A_134 {strides = array<i32>} : memref<8x128xf32, #tpu.memory_space<vmem>>, vector<4x1xf32>,
    } else {
    }
    %get3A = arith.constant 0 : index
    %get3A_2 = arith.constant 0 : index
    %get3A_3 = vector.load %arg8[%get3A, %get3A_2] : memref<8x128xf32, #tpu.memory_space<vmem>>, vector<4x1xf32>
    %get3A_4 = arith.constant 0 : index
    %get3A_5 = arith.constant 1 : index
    %get3A_6 = vector.load %arg8[%get3A_4, %get3A_5] : memref<8x128xf32, #tpu.memory_space<vmem>>, vector<4x1xf32>
    %mul3A = arith.constant 2048 : i32
    %mul3A_7 = arith.muli %arg0, %mul3A : i32
    %get3A_8 = arith.constant 0 : index
    %get3A_9 = arith.constant 0 : index
    %get3A_10 = arith.index_cast %mul3A_7 : i32 to index
    %get3A_11 = vector.load %arg1[%get3A_8, %get3A_9, %get3A_10] : memref<1x4x20480xf32, #tpu.memory_space<vmem>>, vector<1x4x2048xf32>
    %get3A_12 = vector.shape_cast %get3A_11 : vector<1x4x2048xf32> to vector<4x2048xf32>
    %iota3A_13 = tpu.iota {dimensions = array<i32: 1>} : vector<4x2048xi32>
    %mul3A_14 = arith.constant 2048 : i32
    %mul3A_15 = arith.muli %arg0, %mul3A_14 : i32
    %add3A = vector.broadcast %mul3A_15 : i32 to vector<4x2048xi32>
    %add3A_16 = arith.addi %iota3A_13, %add3A : vector<4x2048xi32>
    %lt3A = arith.constant 20000 : i32
    %lt3A_17 = vector.broadcast %lt3A : i32 to vector<4x2048xi32>
    %lt3A_18 = arith.cmpi slt, %add3A_16, %lt3A_17 : vector<4x2048xi32>
    %sub3A = vector.broadcast %get3A_3 : vector<4x1xf32> to vector<4x2048xf32>
    %sub3A_19 = arith.subf %get3A_12, %sub3A : vector<4x2048xf32>
    %exp3A = math.exp %sub3A_19 : vector<4x2048xf32>
    %div3A = vector.broadcast %get3A_6 : vector<4x1xf32> to vector<4x2048xf32>
    %div3A_20 = arith.divf %exp3A, %div3A : vector<4x2048xf32>
    %jit3A = arith.constant 0.000000e+00 : f32
    %broadcast_in_dim3A = vector.broadcast %jit3A : f32 to vector<4x2048xf32>
    %select_n3A = arith.select %lt3A_18, %div3A_20, %broadcast_in_dim3A : vector<4x2048xi1>, vector<4x2048xf32>
    %get3A_21 = arith.constant 0 : index
    %get3A_22 = arith.constant 0 : index
    %get3A_23 = arith.constant 0 : index
    %get3A_24 = vector.load %arg2[%get3A_21, %get3A_22, %get3A_23] : memref<1x1x2048xf32, #tpu.memory_space<vmem>>, vector<1x1x2048xf32>
    %get3A_25 = vector.shape_cast %get3A_24 : vector<1x1x2048xf32> to vector<1x2048xf32>
    %mul3A_26 = vector.broadcast %get3A_25 : vector<1x2048xf32> to vector<4x2048xf32>
    %mul3A_27 = arith.mulf %select_n3A, %mul3A_26 : vector<4x2048xf32>
    %get3A_28 = arith.constant 0 : index
    %get3A_29 = arith.constant 0 : index
    %get3A_30 = arith.constant 0 : index
    %get3A_31 = vector.load %arg3[%get3A_28, %get3A_29, %get3A_30] : memref<1x2048x128xf32, #tpu.memory_space<vmem>>, vector<1x2048x128xf32>
    %get3A_32 = vector.shape_cast %get3A_31 : vector<1x2048x128xf32> to vector<2048x128xf32>
    %get3A_33 = arith.constant 0 : index
    %get3A_34 = arith.constant 0 : index
    %get3A_35 = vector.load %arg4[%get3A_33, %get3A_34] : memref<128x128xf32, #tpu.memory_space<vmem>>, vector<128x128xf32>
    %dot_general3A = arith.constant dense<0.000000e+00> : vector<128x2048xf32>
    %dot_general3A_36 = tpu.matmul %get3A_35, %get3A_32, %dot_general3A {dimension_numbers = #tpu.dot_dimension_numbers<[1], [1], [0], [0], [0, 0, 1, 0], [], []>, transpose_lhs_hint = false} : vector<128x128xf32>, vector<2048x128xf32>, vector<128x2048xf32> -> vector<128x2048xf32>
    %iota3A_37 = tpu.iota {dimensions = array<i32: 1>} : vector<4x128xi32>
    %jit3A_38 = arith.constant 32 : i32
    %div3A_39 = vector.broadcast %jit3A_38 : i32 to vector<4x128xi32>
    %div3A_40 = arith.divsi %iota3A_37, %div3A_39 : vector<4x128xi32>
    %sign3A = arith.constant 0 : i32
    %sign3A_41 = vector.broadcast %sign3A : i32 to vector<4x128xi32>
    %sign3A_42 = arith.cmpi sgt, %iota3A_37, %sign3A_41 : vector<4x128xi32>
    %sign3A_43 = arith.extui %sign3A_42 : vector<4x128xi1> to vector<4x128xi32>
    %sign3A_44 = arith.constant 0 : i32
    %sign3A_45 = vector.broadcast %sign3A_44 : i32 to vector<4x128xi32>
    %sign3A_46 = arith.cmpi slt, %iota3A_37, %sign3A_45 : vector<4x128xi32>
    %sign3A_47 = arith.extui %sign3A_46 : vector<4x128xi1> to vector<4x128xi32>
    %sign3A_48 = arith.subi %sign3A_43, %sign3A_47 : vector<4x128xi32>
    %sign3A_49 = arith.constant 0 : i32
    %sign3A_50 = arith.cmpi sgt, %jit3A_38, %sign3A_49 : i32
    %sign3A_51 = arith.extui %sign3A_50 : i1 to i32
    %sign3A_52 = arith.constant 0 : i32
    %sign3A_53 = arith.cmpi slt, %jit3A_38, %sign3A_52 : i32
    %sign3A_54 = arith.extui %sign3A_53 : i1 to i32
    %sign3A_55 = arith.subi %sign3A_51, %sign3A_54 : i32
    %ne3A = vector.broadcast %sign3A_55 : i32 to vector<4x128xi32>
    %ne3A_56 = arith.cmpi ne, %sign3A_48, %ne3A : vector<4x128xi32>
    %rem3A = vector.broadcast %jit3A_38 : i32 to vector<4x128xi32>
    %rem3A_57 = arith.remsi %iota3A_37, %rem3A : vector<4x128xi32>
    %ne3A_58 = arith.constant 0 : i32
    %ne3A_59 = vector.broadcast %ne3A_58 : i32 to vector<4x128xi32>
    %ne3A_60 = arith.cmpi ne, %rem3A_57, %ne3A_59 : vector<4x128xi32>
    %and3A = arith.andi %ne3A_56, %ne3A_60 : vector<4x128xi1>
    %sub3A_61 = arith.constant 1 : i32
    %sub3A_62 = vector.broadcast %sub3A_61 : i32 to vector<4x128xi32>
    %sub3A_63 = arith.subi %div3A_40, %sub3A_62 : vector<4x128xi32>
    %select_n3A_64 = arith.select %and3A, %sub3A_63, %div3A_40 : vector<4x128xi1>, vector<4x128xi32>
    %iota3A_65 = tpu.iota {dimensions = array<i32: 0>} : vector<4x128xi32>
    %eq3A_66 = arith.cmpi eq, %select_n3A_64, %iota3A_65 : vector<4x128xi32>
    %convert_element_type3A_67 = arith.extui %eq3A_66 : vector<4x128xi1> to vector<4x128xi32>
    %convert_element_type3A_68 = arith.sitofp %convert_element_type3A_67 : vector<4x128xi32> to vector<4x128xf32>
    %dot_general3A_69 = arith.constant dense<0.000000e+00> : vector<128x2048xf32>
    %dot_general3A_70 = tpu.matmul %convert_element_type3A_68, %mul3A_27, %dot_general3A_69 {dimension_numbers = #tpu.dot_dimension_numbers<[0], [0], [1], [1], [0, 1, 1, 1], [], []>, transpose_lhs_hint = false} : vector<4x128xf32>, vector<4x2048xf32>, vector<128x2048xf32> -> vector<128x2048xf32>
    %iota3A_71 = tpu.iota {dimensions = array<i32: 1>} : vector<128x2048xi32>
    %mul3A_72 = arith.constant 2048 : i32
    %mul3A_73 = arith.muli %arg0, %mul3A_72 : i32
    %add3A_74 = vector.broadcast %mul3A_73 : i32 to vector<128x2048xi32>
    %add3A_75 = arith.addi %iota3A_71, %add3A_74 : vector<128x2048xi32>
    %lt3A_76 = arith.constant 20000 : i32
    %lt3A_77 = vector.broadcast %lt3A_76 : i32 to vector<128x2048xi32>
    %lt3A_78 = arith.cmpi slt, %add3A_75, %lt3A_77 : vector<128x2048xi32>
    %mul3A_79 = arith.mulf %dot_general3A_70, %dot_general3A_36 : vector<128x2048xf32>
    %jit3A_80 = arith.constant 0.000000e+00 : f32
    %broadcast_in_dim3A_81 = vector.broadcast %jit3A_80 : f32 to vector<128x2048xf32>
    %select_n3A_82 = arith.select %lt3A_78, %mul3A_79, %broadcast_in_dim3A_81 : vector<128x2048xi1>, vector<128x2048xf32>
    %get3A_83 = arith.constant 0 : index
    %get3A_84 = arith.constant 0 : index
    %get3A_85 = vector.load %arg5[%get3A_83, %get3A_84] : memref<128x128xf32, #tpu.memory_space<vmem>>, vector<128x128xf32>
    %dot_general3A_86 = arith.constant dense<0.000000e+00> : vector<128x2048xf32>
    %dot_general3A_87 = tpu.matmul %get3A_85, %select_n3A_82, %dot_general3A_86 {dimension_numbers = #tpu.dot_dimension_numbers<[1], [0], [0], [1], [0, 0, 1, 1], [], []>, transpose_lhs_hint = false} : vector<128x128xf32>, vector<128x2048xf32>, vector<128x2048xf32> -> vector<128x2048xf32>
    %convert_element_type3A_88 = arith.truncf %dot_general3A_87 : vector<128x2048xf32> to vector<128x2048xbf16>
    %swap3A = arith.constant 0 : index
    %swap3A_89 = arith.constant 0 : index
    %swap3A_90 = arith.constant 0 : index
    %swap3A_91 = vector.load %arg6[%swap3A, %swap3A_89, %swap3A_90] : memref<1x128x2048xbf16, #tpu.memory_space<vmem>>, vector<1x128x2048xbf16>
    %swap3A_92 = vector.shape_cast %swap3A_91 : vector<1x128x2048xbf16> to vector<128x2048xbf16>
    %swap3A_93 = vector.shape_cast %convert_element_type3A_88 : vector<128x2048xbf16> to vector<1x128x2048xbf16>
    tpu.vector_store %arg6[%swap3A, %swap3A_89, %swap3A_90], %swap3A_93 {strides = array<i32>} : memref<1x128x2048xbf16, #tpu.memory_space<vmem>>, vector<1x128x2048xbf16>,
    %get3A_94 = arith.constant 0 : index
    %get3A_95 = arith.constant 0 : index
    %get3A_96 = vector.load %arg5[%get3A_94, %get3A_95] : memref<128x128xf32, #tpu.memory_space<vmem>>, vector<128x128xf32>
    %reduce_sum3A = arith.constant dense<0.000000e+00> : vector<128xf32>
    %reduce_sum3A_97 = vector.multi_reduction <add>, %select_n3A_82, %reduce_sum3A [1] : vector<128x2048xf32> to vector<128xf32>
    %broadcast_in_dim3A_98 = vector.shape_cast %reduce_sum3A_97 : vector<128xf32> to vector<128x1xf32>
    %dot_general3A_99 = arith.constant dense<0.000000e+00> : vector<128x1xf32>
    %dot_general3A_100 = tpu.matmul %get3A_96, %broadcast_in_dim3A_98, %dot_general3A_99 {dimension_numbers = #tpu.dot_dimension_numbers<[1], [0], [0], [1], [0, 0, 1, 1], [], []>, transpose_lhs_hint = false} : vector<128x128xf32>, vector<128x1xf32>, vector<128x1xf32> -> vector<128x1xf32>
    %eq3A_101 = arith.constant 0 : i32
    %eq3A_102 = arith.cmpi eq, %arg0, %eq3A_101 : i32
    %convert_element_type3A_103 = arith.extui %eq3A_102 : i1 to i32
    %cond3A_104 = arith.constant 0 : i32
    %cond3A_105 = arith.cmpi ne, %convert_element_type3A_103, %cond3A_104 : i32
    scf.if %cond3A_105 {
      %swap3A_110 = arith.constant 0 : index
      %swap3A_111 = arith.constant 0 : index
      %swap3A_112 = arith.constant 0 : index
      %swap3A_113 = vector.load %arg7[%swap3A_110, %swap3A_111, %swap3A_112] : memref<1x128x1xf32, #tpu.memory_space<vmem>>, vector<1x128x1xf32>
      %swap3A_114 = vector.shape_cast %swap3A_113 : vector<1x128x1xf32> to vector<128x1xf32>
      %swap3A_115 = vector.shape_cast %dot_general3A_100 : vector<128x1xf32> to vector<1x128x1xf32>
      tpu.vector_store %arg7[%swap3A_110, %swap3A_111, %swap3A_112], %swap3A_115 {strides = array<i32>} : memref<1x128x1xf32, #tpu.memory_space<vmem>>, vector<1x128x1xf32>,
    } else {
    }
    %gt3A = arith.constant 0 : i32
    %gt3A_106 = arith.cmpi sgt, %arg0, %gt3A : i32
    %convert_element_type3A_107 = arith.extui %gt3A_106 : i1 to i32
    %cond3A_108 = arith.constant 0 : i32
    %cond3A_109 = arith.cmpi ne, %convert_element_type3A_107, %cond3A_108 : i32
    scf.if %cond3A_109 {
      %get3A_110 = arith.constant 0 : index
      %get3A_111 = arith.constant 0 : index
      %get3A_112 = arith.constant 0 : index
      %get3A_113 = vector.load %arg7[%get3A_110, %get3A_111, %get3A_112] : memref<1x128x1xf32, #tpu.memory_space<vmem>>, vector<1x128x1xf32>
      %get3A_114 = vector.shape_cast %get3A_113 : vector<1x128x1xf32> to vector<128x1xf32>
      %add3A_115 = arith.addf %get3A_114, %dot_general3A_100 : vector<128x1xf32>
      %swap3A_116 = arith.constant 0 : index
      %swap3A_117 = arith.constant 0 : index
      %swap3A_118 = arith.constant 0 : index
      %swap3A_119 = vector.load %arg7[%swap3A_116, %swap3A_117, %swap3A_118] : memref<1x128x1xf32, #tpu.memory_space<vmem>>, vector<1x128x1xf32>
      %swap3A_120 = vector.shape_cast %swap3A_119 : vector<1x128x1xf32> to vector<128x1xf32>
      %swap3A_121 = vector.shape_cast %add3A_115 : vector<128x1xf32> to vector<1x128x1xf32>
      tpu.vector_store %arg7[%swap3A_116, %swap3A_117, %swap3A_118], %swap3A_121 {strides = array<i32>} : memref<1x128x1xf32, #tpu.memory_space<vmem>>, vector<1x128x1xf32>,
    } else {
    }
    return
  }
  func.func @transform_0(%arg0: i32) -> (i32, i32, i32) {
    %c0_i32 = arith.constant 0 : i32
    %c0_i32_0 = arith.constant 0 : i32
    %c0_i32_1 = arith.constant 0 : i32
    %c0_i32_2 = arith.constant 0 : i32
    return %c0_i32, %c0_i32_0, %c0_i32_1 : i32, i32, i32
  }
  func.func @transform_1(%arg0: i32) -> (i32, i32, i32) {
    %c0_i32 = arith.constant 0 : i32
    %c0_i32_0 = arith.constant 0 : i32
    %c0_i32_1 = arith.constant 0 : i32
    return %c0_i32, %c0_i32_0, %arg0 : i32, i32, i32
  }
  func.func @transform_2(%arg0: i32) -> (i32, i32, i32) {
    %c0_i32 = arith.constant 0 : i32
    %c0_i32_0 = arith.constant 0 : i32
    %c0_i32_1 = arith.constant 0 : i32
    return %c0_i32, %arg0, %c0_i32_0 : i32, i32, i32
  }
  func.func @transform_3(%arg0: i32) -> (i32, i32) {
    %c0_i32 = arith.constant 0 : i32
    %c0_i32_0 = arith.constant 0 : i32
    %c0_i32_1 = arith.constant 0 : i32
    return %c0_i32, %c0_i32_0 : i32, i32
  }
  func.func @transform_4(%arg0: i32) -> (i32, i32) {
    %c0_i32 = arith.constant 0 : i32
    %c0_i32_0 = arith.constant 0 : i32
    %c0_i32_1 = arith.constant 0 : i32
    return %c0_i32, %c0_i32_0 : i32, i32
  }
  func.func @transform_5(%arg0: i32) -> (i32, i32, i32) {
    %c0_i32 = arith.constant 0 : i32
    %c0_i32_0 = arith.constant 0 : i32
    %c0_i32_1 = arith.constant 0 : i32
    return %c0_i32, %c0_i32_0, %arg0 : i32, i32, i32
  }
  func.func @transform_6(%arg0: i32) -> (i32, i32, i32) {
    %c0_i32 = arith.constant 0 : i32
    %c0_i32_0 = arith.constant 0 : i32
    %c0_i32_1 = arith.constant 0 : i32
    %c0_i32_2 = arith.constant 0 : i32
    return %c0_i32, %c0_i32_0, %c0_i32_1 : i32, i32, i32
  }
}

module attributes {stable_mosaic.version = 14 : i64} {
  func.func @_tc1_body(%arg0: i32, %arg1: memref<1x128x2048xbf16, #tpu.memory_space<vmem>>, %arg2: memref<1x2048x128xf32, #tpu.memory_space<vmem>>, %arg3: memref<128x128xf32, #tpu.memory_space<vmem>>, %arg4: memref<128x1xf32, #tpu.memory_space<vmem>>, %arg5: memref<128x128xf32, #tpu.memory_space<vmem>>, %arg6: memref<1x4x2048xf32, #tpu.memory_space<vmem>>) attributes {dimension_semantics = [#tpu.dimension_semantics<arbitrary>], iteration_bounds = array<i64: 10>, scalar_prefetch = 0 : i64, scratch_operands = 0 : i64, tpu.core_type = #tpu.core_type<tc>, window_params = [{transform_indices = @transform_0, window_bounds = array<i64: 1, 128, 2048>}, {transform_indices = @transform_1, window_bounds = array<i64: 1, 2048, 128>}, {pipeline_mode = #tpu.pipeline_mode<synchronous>, transform_indices = @transform_2, window_bounds = array<i64: 128, 128>}, {pipeline_mode = #tpu.pipeline_mode<synchronous>, transform_indices = @transform_3, window_bounds = array<i64: 128, 1>}, {pipeline_mode = #tpu.pipeline_mode<synchronous>, transform_indices = @transform_4, window_bounds = array<i64: 128, 128>}, {transform_indices = @transform_5, window_bounds = array<i64: 1, 4, 2048>}]} {
    %get3A = arith.constant 0 : index
    %get3A_0 = arith.constant 0 : index
    %get3A_1 = arith.constant 0 : index
    %get3A_2 = vector.load %arg1[%get3A, %get3A_0, %get3A_1] : memref<1x128x2048xbf16, #tpu.memory_space<vmem>>, vector<1x128x2048xbf16>
    %get3A_3 = vector.shape_cast %get3A_2 : vector<1x128x2048xbf16> to vector<128x2048xbf16>
    %convert_element_type3A = arith.extf %get3A_3 : vector<128x2048xbf16> to vector<128x2048xf32>
    %get3A_4 = arith.constant 0 : index
    %get3A_5 = arith.constant 0 : index
    %get3A_6 = arith.constant 0 : index
    %get3A_7 = vector.load %arg2[%get3A_4, %get3A_5, %get3A_6] : memref<1x2048x128xf32, #tpu.memory_space<vmem>>, vector<1x2048x128xf32>
    %get3A_8 = vector.shape_cast %get3A_7 : vector<1x2048x128xf32> to vector<2048x128xf32>
    %get3A_9 = arith.constant 0 : index
    %get3A_10 = arith.constant 0 : index
    %get3A_11 = vector.load %arg3[%get3A_9, %get3A_10] : memref<128x128xf32, #tpu.memory_space<vmem>>, vector<128x128xf32>
    %dot_general3A = arith.constant dense<0.000000e+00> : vector<128x2048xf32>
    %dot_general3A_12 = tpu.matmul %get3A_11, %convert_element_type3A, %dot_general3A {dimension_numbers = #tpu.dot_dimension_numbers<[1], [0], [0], [1], [0, 0, 1, 1], [], []>, transpose_lhs_hint = false} : vector<128x128xf32>, vector<128x2048xf32>, vector<128x2048xf32> -> vector<128x2048xf32>
    %get3A_13 = arith.constant 0 : index
    %get3A_14 = arith.constant 0 : index
    %get3A_15 = vector.load %arg4[%get3A_13, %get3A_14] : memref<128x1xf32, #tpu.memory_space<vmem>>, vector<128x1xf32>
    %add3A = vector.broadcast %get3A_15 : vector<128x1xf32> to vector<128x2048xf32>
    %add3A_16 = arith.addf %dot_general3A_12, %add3A : vector<128x2048xf32>
    %get3A_17 = arith.constant 0 : index
    %get3A_18 = arith.constant 0 : index
    %get3A_19 = vector.load %arg5[%get3A_17, %get3A_18] : memref<128x128xf32, #tpu.memory_space<vmem>>, vector<128x128xf32>
    %dot_general3A_20 = arith.constant dense<0.000000e+00> : vector<128x2048xf32>
    %dot_general3A_21 = tpu.matmul %get3A_19, %get3A_8, %dot_general3A_20 {dimension_numbers = #tpu.dot_dimension_numbers<[1], [1], [0], [0], [0, 0, 1, 0], [], []>, transpose_lhs_hint = false} : vector<128x128xf32>, vector<2048x128xf32>, vector<128x2048xf32> -> vector<128x2048xf32>
    %iota3A = tpu.iota {dimensions = array<i32: 1>} : vector<4x128xi32>
    %jit3A = arith.constant 32 : i32
    %div3A = vector.broadcast %jit3A : i32 to vector<4x128xi32>
    %div3A_22 = arith.divsi %iota3A, %div3A : vector<4x128xi32>
    %sign3A = arith.constant 0 : i32
    %sign3A_23 = vector.broadcast %sign3A : i32 to vector<4x128xi32>
    %sign3A_24 = arith.cmpi sgt, %iota3A, %sign3A_23 : vector<4x128xi32>
    %sign3A_25 = arith.extui %sign3A_24 : vector<4x128xi1> to vector<4x128xi32>
    %sign3A_26 = arith.constant 0 : i32
    %sign3A_27 = vector.broadcast %sign3A_26 : i32 to vector<4x128xi32>
    %sign3A_28 = arith.cmpi slt, %iota3A, %sign3A_27 : vector<4x128xi32>
    %sign3A_29 = arith.extui %sign3A_28 : vector<4x128xi1> to vector<4x128xi32>
    %sign3A_30 = arith.subi %sign3A_25, %sign3A_29 : vector<4x128xi32>
    %sign3A_31 = arith.constant 0 : i32
    %sign3A_32 = arith.cmpi sgt, %jit3A, %sign3A_31 : i32
    %sign3A_33 = arith.extui %sign3A_32 : i1 to i32
    %sign3A_34 = arith.constant 0 : i32
    %sign3A_35 = arith.cmpi slt, %jit3A, %sign3A_34 : i32
    %sign3A_36 = arith.extui %sign3A_35 : i1 to i32
    %sign3A_37 = arith.subi %sign3A_33, %sign3A_36 : i32
    %ne3A = vector.broadcast %sign3A_37 : i32 to vector<4x128xi32>
    %ne3A_38 = arith.cmpi ne, %sign3A_30, %ne3A : vector<4x128xi32>
    %rem3A = vector.broadcast %jit3A : i32 to vector<4x128xi32>
    %rem3A_39 = arith.remsi %iota3A, %rem3A : vector<4x128xi32>
    %ne3A_40 = arith.constant 0 : i32
    %ne3A_41 = vector.broadcast %ne3A_40 : i32 to vector<4x128xi32>
    %ne3A_42 = arith.cmpi ne, %rem3A_39, %ne3A_41 : vector<4x128xi32>
    %and3A = arith.andi %ne3A_38, %ne3A_42 : vector<4x128xi1>
    %sub3A = arith.constant 1 : i32
    %sub3A_43 = vector.broadcast %sub3A : i32 to vector<4x128xi32>
    %sub3A_44 = arith.subi %div3A_22, %sub3A_43 : vector<4x128xi32>
    %select_n3A = arith.select %and3A, %sub3A_44, %div3A_22 : vector<4x128xi1>, vector<4x128xi32>
    %iota3A_45 = tpu.iota {dimensions = array<i32: 0>} : vector<4x128xi32>
    %eq3A = arith.cmpi eq, %select_n3A, %iota3A_45 : vector<4x128xi32>
    %convert_element_type3A_46 = arith.extui %eq3A : vector<4x128xi1> to vector<4x128xi32>
    %convert_element_type3A_47 = arith.sitofp %convert_element_type3A_46 : vector<4x128xi32> to vector<4x128xf32>
    %mul3A = arith.mulf %add3A_16, %dot_general3A_21 : vector<128x2048xf32>
    %dot_general3A_48 = arith.constant dense<0.000000e+00> : vector<4x2048xf32>
    %dot_general3A_49 = tpu.matmul %convert_element_type3A_47, %mul3A, %dot_general3A_48 {dimension_numbers = #tpu.dot_dimension_numbers<[1], [0], [0], [1], [0, 0, 1, 1], [], []>, transpose_lhs_hint = false} : vector<4x128xf32>, vector<128x2048xf32>, vector<4x2048xf32> -> vector<4x2048xf32>
    %mul3A_50 = arith.constant 0.176776692 : f32
    %mul3A_51 = vector.broadcast %mul3A_50 : f32 to vector<4x2048xf32>
    %mul3A_52 = arith.mulf %dot_general3A_49, %mul3A_51 : vector<4x2048xf32>
    %swap3A = arith.constant 0 : index
    %swap3A_53 = arith.constant 0 : index
    %swap3A_54 = arith.constant 0 : index
    %swap3A_55 = vector.load %arg6[%swap3A, %swap3A_53, %swap3A_54] : memref<1x4x2048xf32, #tpu.memory_space<vmem>>, vector<1x4x2048xf32>
    %swap3A_56 = vector.shape_cast %swap3A_55 : vector<1x4x2048xf32> to vector<4x2048xf32>
    %swap3A_57 = vector.shape_cast %mul3A_52 : vector<4x2048xf32> to vector<1x4x2048xf32>
    tpu.vector_store %arg6[%swap3A, %swap3A_53, %swap3A_54], %swap3A_57 {strides = array<i32>} : memref<1x4x2048xf32, #tpu.memory_space<vmem>>, vector<1x4x2048xf32>,
    return
  }
  func.func @transform_0(%arg0: i32) -> (i32, i32, i32) {
    %c0_i32 = arith.constant 0 : i32
    %c0_i32_0 = arith.constant 0 : i32
    %c0_i32_1 = arith.constant 0 : i32
    return %c0_i32, %c0_i32_0, %arg0 : i32, i32, i32
  }
  func.func @transform_1(%arg0: i32) -> (i32, i32, i32) {
    %c1_i32 = arith.constant 1 : i32
    %c0_i32 = arith.constant 0 : i32
    %c0_i32_0 = arith.constant 0 : i32
    return %c1_i32, %arg0, %c0_i32 : i32, i32, i32
  }
  func.func @transform_2(%arg0: i32) -> (i32, i32) {
    %c0_i32 = arith.constant 0 : i32
    %c0_i32_0 = arith.constant 0 : i32
    %c0_i32_1 = arith.constant 0 : i32
    return %c0_i32, %c0_i32_0 : i32, i32
  }
  func.func @transform_3(%arg0: i32) -> (i32, i32) {
    %c0_i32 = arith.constant 0 : i32
    %c0_i32_0 = arith.constant 0 : i32
    %c0_i32_1 = arith.constant 0 : i32
    return %c0_i32, %c0_i32_0 : i32, i32
  }
  func.func @transform_4(%arg0: i32) -> (i32, i32) {
    %c0_i32 = arith.constant 0 : i32
    %c0_i32_0 = arith.constant 0 : i32
    %c0_i32_1 = arith.constant 0 : i32
    return %c0_i32, %c0_i32_0 : i32, i32
  }
  func.func @transform_5(%arg0: i32) -> (i32, i32, i32) {
    %c0_i32 = arith.constant 0 : i32
    %c0_i32_0 = arith.constant 0 : i32
    %c0_i32_1 = arith.constant 0 : i32
    return %c0_i32, %c0_i32_0, %arg0 : i32, i32, i32
  }
}

module attributes {stable_mosaic.version = 14 : i64} {
  func.func @_tc2_body(%arg0: i32, %arg1: memref<1x4x20480xf32, #tpu.memory_space<vmem>>, %arg2: memref<1x1x2048xf32, #tpu.memory_space<vmem>>, %arg3: memref<1x2048x128xf32, #tpu.memory_space<vmem>>, %arg4: memref<128x128xf32, #tpu.memory_space<vmem>>, %arg5: memref<128x128xf32, #tpu.memory_space<vmem>>, %arg6: memref<1x128x2048xbf16, #tpu.memory_space<vmem>>, %arg7: memref<1x128x1xf32, #tpu.memory_space<vmem>>, %arg8: memref<8x128xf32, #tpu.memory_space<vmem>>) attributes {dimension_semantics = [#tpu.dimension_semantics<arbitrary>], iteration_bounds = array<i64: 10>, scalar_prefetch = 0 : i64, scratch_operands = 1 : i64, tpu.core_type = #tpu.core_type<tc>, window_params = [{pipeline_mode = #tpu.pipeline_mode<synchronous>, transform_indices = @transform_0, window_bounds = array<i64: 1, 4, 20480>}, {transform_indices = @transform_1, window_bounds = array<i64: 1, 1, 2048>}, {transform_indices = @transform_2, window_bounds = array<i64: 1, 2048, 128>}, {pipeline_mode = #tpu.pipeline_mode<synchronous>, transform_indices = @transform_3, window_bounds = array<i64: 128, 128>}, {pipeline_mode = #tpu.pipeline_mode<synchronous>, transform_indices = @transform_4, window_bounds = array<i64: 128, 128>}, {transform_indices = @transform_5, window_bounds = array<i64: 1, 128, 2048>}, {pipeline_mode = #tpu.pipeline_mode<synchronous>, transform_indices = @transform_6, window_bounds = array<i64: 1, 128, 1>}]} {
    %iota3A = tpu.iota {dimensions = array<i32: 1>} : vector<4x20480xi32>
    %eq3A = arith.constant 0 : i32
    %eq3A_0 = arith.cmpi eq, %arg0, %eq3A : i32
    %convert_element_type3A = arith.extui %eq3A_0 : i1 to i32
    %cond3A = arith.constant 0 : i32
    %cond3A_1 = arith.cmpi ne, %convert_element_type3A, %cond3A : i32
    scf.if %cond3A_1 {
      %get3A_110 = arith.constant 0 : index
      %get3A_111 = arith.constant 0 : index
      %get3A_112 = arith.constant 0 : index
      %get3A_113 = vector.load %arg1[%get3A_110, %get3A_111, %get3A_112] : memref<1x4x20480xf32, #tpu.memory_space<vmem>>, vector<1x4x20480xf32>
      %get3A_114 = vector.shape_cast %get3A_113 : vector<1x4x20480xf32> to vector<4x20480xf32>
      %lt3A_115 = arith.constant 20000 : i32
      %lt3A_116 = vector.broadcast %lt3A_115 : i32 to vector<4x20480xi32>
      %lt3A_117 = arith.cmpi slt, %iota3A, %lt3A_116 : vector<4x20480xi32>
      %jit3A_118 = arith.constant 0xFF800000 : f32
      %broadcast_in_dim3A_119 = vector.broadcast %jit3A_118 : f32 to vector<4x20480xf32>
      %select_n3A_120 = arith.select %lt3A_117, %get3A_114, %broadcast_in_dim3A_119 : vector<4x20480xi1>, vector<4x20480xf32>
      %reduce_max3A = arith.constant dense<0xFF800000> : vector<4xf32>
      %reduce_max3A_121 = vector.multi_reduction <maximumf>, %select_n3A_120, %reduce_max3A [1] : vector<4x20480xf32> to vector<4xf32>
      %broadcast_in_dim3A_122 = vector.shape_cast %reduce_max3A_121 : vector<4xf32> to vector<4x1xf32>
      %lt3A_123 = arith.constant 20000 : i32
      %lt3A_124 = vector.broadcast %lt3A_123 : i32 to vector<4x20480xi32>
      %lt3A_125 = arith.cmpi slt, %iota3A, %lt3A_124 : vector<4x20480xi32>
      %sub3A_126 = vector.broadcast %broadcast_in_dim3A_122 : vector<4x1xf32> to vector<4x20480xf32>
      %sub3A_127 = arith.subf %select_n3A_120, %sub3A_126 : vector<4x20480xf32>
      %exp3A_128 = math.exp %sub3A_127 : vector<4x20480xf32>
      %jit3A_129 = arith.constant 0.000000e+00 : f32
      %broadcast_in_dim3A_130 = vector.broadcast %jit3A_129 : f32 to vector<4x20480xf32>
      %select_n3A_131 = arith.select %lt3A_125, %exp3A_128, %broadcast_in_dim3A_130 : vector<4x20480xi1>, vector<4x20480xf32>
      %reduce_sum3A_132 = arith.constant dense<0.000000e+00> : vector<4xf32>
      %reduce_sum3A_133 = vector.multi_reduction <add>, %select_n3A_131, %reduce_sum3A_132 [1] : vector<4x20480xf32> to vector<4xf32>
      %broadcast_in_dim3A_134 = vector.shape_cast %reduce_sum3A_133 : vector<4xf32> to vector<4x1xf32>
      %swap3A_135 = arith.constant 0 : index
      %swap3A_136 = arith.constant 0 : index
      %swap3A_137 = vector.load %arg8[%swap3A_135, %swap3A_136] : memref<8x128xf32, #tpu.memory_space<vmem>>, vector<4x1xf32>
      tpu.vector_store %arg8[%swap3A_135, %swap3A_136], %broadcast_in_dim3A_122 {strides = array<i32>} : memref<8x128xf32, #tpu.memory_space<vmem>>, vector<4x1xf32>,
      %swap3A_138 = arith.constant 0 : index
      %swap3A_139 = arith.constant 1 : index
      %swap3A_140 = vector.load %arg8[%swap3A_138, %swap3A_139] : memref<8x128xf32, #tpu.memory_space<vmem>>, vector<4x1xf32>
      tpu.vector_store %arg8[%swap3A_138, %swap3A_139], %broadcast_in_dim3A_134 {strides = array<i32>} : memref<8x128xf32, #tpu.memory_space<vmem>>, vector<4x1xf32>,
    } else {
    }
    %get3A = arith.constant 0 : index
    %get3A_2 = arith.constant 0 : index
    %get3A_3 = vector.load %arg8[%get3A, %get3A_2] : memref<8x128xf32, #tpu.memory_space<vmem>>, vector<4x1xf32>
    %get3A_4 = arith.constant 0 : index
    %get3A_5 = arith.constant 1 : index
    %get3A_6 = vector.load %arg8[%get3A_4, %get3A_5] : memref<8x128xf32, #tpu.memory_space<vmem>>, vector<4x1xf32>
    %mul3A = arith.constant 2048 : i32
    %mul3A_7 = arith.muli %arg0, %mul3A : i32
    %get3A_8 = arith.constant 0 : index
    %get3A_9 = arith.constant 0 : index
    %get3A_10 = arith.index_cast %mul3A_7 : i32 to index
    %get3A_11 = vector.load %arg1[%get3A_8, %get3A_9, %get3A_10] : memref<1x4x20480xf32, #tpu.memory_space<vmem>>, vector<1x4x2048xf32>
    %get3A_12 = vector.shape_cast %get3A_11 : vector<1x4x2048xf32> to vector<4x2048xf32>
    %iota3A_13 = tpu.iota {dimensions = array<i32: 1>} : vector<4x2048xi32>
    %mul3A_14 = arith.constant 2048 : i32
    %mul3A_15 = arith.muli %arg0, %mul3A_14 : i32
    %add3A = vector.broadcast %mul3A_15 : i32 to vector<4x2048xi32>
    %add3A_16 = arith.addi %iota3A_13, %add3A : vector<4x2048xi32>
    %lt3A = arith.constant 20000 : i32
    %lt3A_17 = vector.broadcast %lt3A : i32 to vector<4x2048xi32>
    %lt3A_18 = arith.cmpi slt, %add3A_16, %lt3A_17 : vector<4x2048xi32>
    %sub3A = vector.broadcast %get3A_3 : vector<4x1xf32> to vector<4x2048xf32>
    %sub3A_19 = arith.subf %get3A_12, %sub3A : vector<4x2048xf32>
    %exp3A = math.exp %sub3A_19 : vector<4x2048xf32>
    %div3A = vector.broadcast %get3A_6 : vector<4x1xf32> to vector<4x2048xf32>
    %div3A_20 = arith.divf %exp3A, %div3A : vector<4x2048xf32>
    %jit3A = arith.constant 0.000000e+00 : f32
    %broadcast_in_dim3A = vector.broadcast %jit3A : f32 to vector<4x2048xf32>
    %select_n3A = arith.select %lt3A_18, %div3A_20, %broadcast_in_dim3A : vector<4x2048xi1>, vector<4x2048xf32>
    %get3A_21 = arith.constant 0 : index
    %get3A_22 = arith.constant 0 : index
    %get3A_23 = arith.constant 0 : index
    %get3A_24 = vector.load %arg2[%get3A_21, %get3A_22, %get3A_23] : memref<1x1x2048xf32, #tpu.memory_space<vmem>>, vector<1x1x2048xf32>
    %get3A_25 = vector.shape_cast %get3A_24 : vector<1x1x2048xf32> to vector<1x2048xf32>
    %mul3A_26 = vector.broadcast %get3A_25 : vector<1x2048xf32> to vector<4x2048xf32>
    %mul3A_27 = arith.mulf %select_n3A, %mul3A_26 : vector<4x2048xf32>
    %get3A_28 = arith.constant 0 : index
    %get3A_29 = arith.constant 0 : index
    %get3A_30 = arith.constant 0 : index
    %get3A_31 = vector.load %arg3[%get3A_28, %get3A_29, %get3A_30] : memref<1x2048x128xf32, #tpu.memory_space<vmem>>, vector<1x2048x128xf32>
    %get3A_32 = vector.shape_cast %get3A_31 : vector<1x2048x128xf32> to vector<2048x128xf32>
    %get3A_33 = arith.constant 0 : index
    %get3A_34 = arith.constant 0 : index
    %get3A_35 = vector.load %arg4[%get3A_33, %get3A_34] : memref<128x128xf32, #tpu.memory_space<vmem>>, vector<128x128xf32>
    %dot_general3A = arith.constant dense<0.000000e+00> : vector<128x2048xf32>
    %dot_general3A_36 = tpu.matmul %get3A_35, %get3A_32, %dot_general3A {dimension_numbers = #tpu.dot_dimension_numbers<[1], [1], [0], [0], [0, 0, 1, 0], [], []>, transpose_lhs_hint = false} : vector<128x128xf32>, vector<2048x128xf32>, vector<128x2048xf32> -> vector<128x2048xf32>
    %iota3A_37 = tpu.iota {dimensions = array<i32: 1>} : vector<4x128xi32>
    %jit3A_38 = arith.constant 32 : i32
    %div3A_39 = vector.broadcast %jit3A_38 : i32 to vector<4x128xi32>
    %div3A_40 = arith.divsi %iota3A_37, %div3A_39 : vector<4x128xi32>
    %sign3A = arith.constant 0 : i32
    %sign3A_41 = vector.broadcast %sign3A : i32 to vector<4x128xi32>
    %sign3A_42 = arith.cmpi sgt, %iota3A_37, %sign3A_41 : vector<4x128xi32>
    %sign3A_43 = arith.extui %sign3A_42 : vector<4x128xi1> to vector<4x128xi32>
    %sign3A_44 = arith.constant 0 : i32
    %sign3A_45 = vector.broadcast %sign3A_44 : i32 to vector<4x128xi32>
    %sign3A_46 = arith.cmpi slt, %iota3A_37, %sign3A_45 : vector<4x128xi32>
    %sign3A_47 = arith.extui %sign3A_46 : vector<4x128xi1> to vector<4x128xi32>
    %sign3A_48 = arith.subi %sign3A_43, %sign3A_47 : vector<4x128xi32>
    %sign3A_49 = arith.constant 0 : i32
    %sign3A_50 = arith.cmpi sgt, %jit3A_38, %sign3A_49 : i32
    %sign3A_51 = arith.extui %sign3A_50 : i1 to i32
    %sign3A_52 = arith.constant 0 : i32
    %sign3A_53 = arith.cmpi slt, %jit3A_38, %sign3A_52 : i32
    %sign3A_54 = arith.extui %sign3A_53 : i1 to i32
    %sign3A_55 = arith.subi %sign3A_51, %sign3A_54 : i32
    %ne3A = vector.broadcast %sign3A_55 : i32 to vector<4x128xi32>
    %ne3A_56 = arith.cmpi ne, %sign3A_48, %ne3A : vector<4x128xi32>
    %rem3A = vector.broadcast %jit3A_38 : i32 to vector<4x128xi32>
    %rem3A_57 = arith.remsi %iota3A_37, %rem3A : vector<4x128xi32>
    %ne3A_58 = arith.constant 0 : i32
    %ne3A_59 = vector.broadcast %ne3A_58 : i32 to vector<4x128xi32>
    %ne3A_60 = arith.cmpi ne, %rem3A_57, %ne3A_59 : vector<4x128xi32>
    %and3A = arith.andi %ne3A_56, %ne3A_60 : vector<4x128xi1>
    %sub3A_61 = arith.constant 1 : i32
    %sub3A_62 = vector.broadcast %sub3A_61 : i32 to vector<4x128xi32>
    %sub3A_63 = arith.subi %div3A_40, %sub3A_62 : vector<4x128xi32>
    %select_n3A_64 = arith.select %and3A, %sub3A_63, %div3A_40 : vector<4x128xi1>, vector<4x128xi32>
    %iota3A_65 = tpu.iota {dimensions = array<i32: 0>} : vector<4x128xi32>
    %eq3A_66 = arith.cmpi eq, %select_n3A_64, %iota3A_65 : vector<4x128xi32>
    %convert_element_type3A_67 = arith.extui %eq3A_66 : vector<4x128xi1> to vector<4x128xi32>
    %convert_element_type3A_68 = arith.sitofp %convert_element_type3A_67 : vector<4x128xi32> to vector<4x128xf32>
    %dot_general3A_69 = arith.constant dense<0.000000e+00> : vector<128x2048xf32>
    %dot_general3A_70 = tpu.matmul %convert_element_type3A_68, %mul3A_27, %dot_general3A_69 {dimension_numbers = #tpu.dot_dimension_numbers<[0], [0], [1], [1], [0, 1, 1, 1], [], []>, transpose_lhs_hint = false} : vector<4x128xf32>, vector<4x2048xf32>, vector<128x2048xf32> -> vector<128x2048xf32>
    %iota3A_71 = tpu.iota {dimensions = array<i32: 1>} : vector<128x2048xi32>
    %mul3A_72 = arith.constant 2048 : i32
    %mul3A_73 = arith.muli %arg0, %mul3A_72 : i32
    %add3A_74 = vector.broadcast %mul3A_73 : i32 to vector<128x2048xi32>
    %add3A_75 = arith.addi %iota3A_71, %add3A_74 : vector<128x2048xi32>
    %lt3A_76 = arith.constant 20000 : i32
    %lt3A_77 = vector.broadcast %lt3A_76 : i32 to vector<128x2048xi32>
    %lt3A_78 = arith.cmpi slt, %add3A_75, %lt3A_77 : vector<128x2048xi32>
    %mul3A_79 = arith.mulf %dot_general3A_70, %dot_general3A_36 : vector<128x2048xf32>
    %jit3A_80 = arith.constant 0.000000e+00 : f32
    %broadcast_in_dim3A_81 = vector.broadcast %jit3A_80 : f32 to vector<128x2048xf32>
    %select_n3A_82 = arith.select %lt3A_78, %mul3A_79, %broadcast_in_dim3A_81 : vector<128x2048xi1>, vector<128x2048xf32>
    %get3A_83 = arith.constant 0 : index
    %get3A_84 = arith.constant 0 : index
    %get3A_85 = vector.load %arg5[%get3A_83, %get3A_84] : memref<128x128xf32, #tpu.memory_space<vmem>>, vector<128x128xf32>
    %dot_general3A_86 = arith.constant dense<0.000000e+00> : vector<128x2048xf32>
    %dot_general3A_87 = tpu.matmul %get3A_85, %select_n3A_82, %dot_general3A_86 {dimension_numbers = #tpu.dot_dimension_numbers<[1], [0], [0], [1], [0, 0, 1, 1], [], []>, transpose_lhs_hint = false} : vector<128x128xf32>, vector<128x2048xf32>, vector<128x2048xf32> -> vector<128x2048xf32>
    %convert_element_type3A_88 = arith.truncf %dot_general3A_87 : vector<128x2048xf32> to vector<128x2048xbf16>
    %swap3A = arith.constant 0 : index
    %swap3A_89 = arith.constant 0 : index
    %swap3A_90 = arith.constant 0 : index
    %swap3A_91 = vector.load %arg6[%swap3A, %swap3A_89, %swap3A_90] : memref<1x128x2048xbf16, #tpu.memory_space<vmem>>, vector<1x128x2048xbf16>
    %swap3A_92 = vector.shape_cast %swap3A_91 : vector<1x128x2048xbf16> to vector<128x2048xbf16>
    %swap3A_93 = vector.shape_cast %convert_element_type3A_88 : vector<128x2048xbf16> to vector<1x128x2048xbf16>
    tpu.vector_store %arg6[%swap3A, %swap3A_89, %swap3A_90], %swap3A_93 {strides = array<i32>} : memref<1x128x2048xbf16, #tpu.memory_space<vmem>>, vector<1x128x2048xbf16>,
    %get3A_94 = arith.constant 0 : index
    %get3A_95 = arith.constant 0 : index
    %get3A_96 = vector.load %arg5[%get3A_94, %get3A_95] : memref<128x128xf32, #tpu.memory_space<vmem>>, vector<128x128xf32>
    %reduce_sum3A = arith.constant dense<0.000000e+00> : vector<128xf32>
    %reduce_sum3A_97 = vector.multi_reduction <add>, %select_n3A_82, %reduce_sum3A [1] : vector<128x2048xf32> to vector<128xf32>
    %broadcast_in_dim3A_98 = vector.shape_cast %reduce_sum3A_97 : vector<128xf32> to vector<128x1xf32>
    %dot_general3A_99 = arith.constant dense<0.000000e+00> : vector<128x1xf32>
    %dot_general3A_100 = tpu.matmul %get3A_96, %broadcast_in_dim3A_98, %dot_general3A_99 {dimension_numbers = #tpu.dot_dimension_numbers<[1], [0], [0], [1], [0, 0, 1, 1], [], []>, transpose_lhs_hint = false} : vector<128x128xf32>, vector<128x1xf32>, vector<128x1xf32> -> vector<128x1xf32>
    %eq3A_101 = arith.constant 0 : i32
    %eq3A_102 = arith.cmpi eq, %arg0, %eq3A_101 : i32
    %convert_element_type3A_103 = arith.extui %eq3A_102 : i1 to i32
    %cond3A_104 = arith.constant 0 : i32
    %cond3A_105 = arith.cmpi ne, %convert_element_type3A_103, %cond3A_104 : i32
    scf.if %cond3A_105 {
      %swap3A_110 = arith.constant 0 : index
      %swap3A_111 = arith.constant 0 : index
      %swap3A_112 = arith.constant 0 : index
      %swap3A_113 = vector.load %arg7[%swap3A_110, %swap3A_111, %swap3A_112] : memref<1x128x1xf32, #tpu.memory_space<vmem>>, vector<1x128x1xf32>
      %swap3A_114 = vector.shape_cast %swap3A_113 : vector<1x128x1xf32> to vector<128x1xf32>
      %swap3A_115 = vector.shape_cast %dot_general3A_100 : vector<128x1xf32> to vector<1x128x1xf32>
      tpu.vector_store %arg7[%swap3A_110, %swap3A_111, %swap3A_112], %swap3A_115 {strides = array<i32>} : memref<1x128x1xf32, #tpu.memory_space<vmem>>, vector<1x128x1xf32>,
    } else {
    }
    %gt3A = arith.constant 0 : i32
    %gt3A_106 = arith.cmpi sgt, %arg0, %gt3A : i32
    %convert_element_type3A_107 = arith.extui %gt3A_106 : i1 to i32
    %cond3A_108 = arith.constant 0 : i32
    %cond3A_109 = arith.cmpi ne, %convert_element_type3A_107, %cond3A_108 : i32
    scf.if %cond3A_109 {
      %get3A_110 = arith.constant 0 : index
      %get3A_111 = arith.constant 0 : index
      %get3A_112 = arith.constant 0 : index
      %get3A_113 = vector.load %arg7[%get3A_110, %get3A_111, %get3A_112] : memref<1x128x1xf32, #tpu.memory_space<vmem>>, vector<1x128x1xf32>
      %get3A_114 = vector.shape_cast %get3A_113 : vector<1x128x1xf32> to vector<128x1xf32>
      %add3A_115 = arith.addf %get3A_114, %dot_general3A_100 : vector<128x1xf32>
      %swap3A_116 = arith.constant 0 : index
      %swap3A_117 = arith.constant 0 : index
      %swap3A_118 = arith.constant 0 : index
      %swap3A_119 = vector.load %arg7[%swap3A_116, %swap3A_117, %swap3A_118] : memref<1x128x1xf32, #tpu.memory_space<vmem>>, vector<1x128x1xf32>
      %swap3A_120 = vector.shape_cast %swap3A_119 : vector<1x128x1xf32> to vector<128x1xf32>
      %swap3A_121 = vector.shape_cast %add3A_115 : vector<128x1xf32> to vector<1x128x1xf32>
      tpu.vector_store %arg7[%swap3A_116, %swap3A_117, %swap3A_118], %swap3A_121 {strides = array<i32>} : memref<1x128x1xf32, #tpu.memory_space<vmem>>, vector<1x128x1xf32>,
    } else {
    }
    return
  }
  func.func @transform_0(%arg0: i32) -> (i32, i32, i32) {
    %c0_i32 = arith.constant 0 : i32
    %c0_i32_0 = arith.constant 0 : i32
    %c0_i32_1 = arith.constant 0 : i32
    %c0_i32_2 = arith.constant 0 : i32
    return %c0_i32, %c0_i32_0, %c0_i32_1 : i32, i32, i32
  }
  func.func @transform_1(%arg0: i32) -> (i32, i32, i32) {
    %c1_i32 = arith.constant 1 : i32
    %c0_i32 = arith.constant 0 : i32
    %c0_i32_0 = arith.constant 0 : i32
    return %c1_i32, %c0_i32, %arg0 : i32, i32, i32
  }
  func.func @transform_2(%arg0: i32) -> (i32, i32, i32) {
    %c1_i32 = arith.constant 1 : i32
    %c0_i32 = arith.constant 0 : i32
    %c0_i32_0 = arith.constant 0 : i32
    return %c1_i32, %arg0, %c0_i32 : i32, i32, i32
  }
  func.func @transform_3(%arg0: i32) -> (i32, i32) {
    %c0_i32 = arith.constant 0 : i32
    %c0_i32_0 = arith.constant 0 : i32
    %c0_i32_1 = arith.constant 0 : i32
    return %c0_i32, %c0_i32_0 : i32, i32
  }
  func.func @transform_4(%arg0: i32) -> (i32, i32) {
    %c0_i32 = arith.constant 0 : i32
    %c0_i32_0 = arith.constant 0 : i32
    %c0_i32_1 = arith.constant 0 : i32
    return %c0_i32, %c0_i32_0 : i32, i32
  }
  func.func @transform_5(%arg0: i32) -> (i32, i32, i32) {
    %c0_i32 = arith.constant 0 : i32
    %c0_i32_0 = arith.constant 0 : i32
    %c0_i32_1 = arith.constant 0 : i32
    return %c0_i32, %c0_i32_0, %arg0 : i32, i32, i32
  }
  func.func @transform_6(%arg0: i32) -> (i32, i32, i32) {
    %c0_i32 = arith.constant 0 : i32
    %c0_i32_0 = arith.constant 0 : i32
    %c0_i32_1 = arith.constant 0 : i32
    %c0_i32_2 = arith.constant 0 : i32
    return %c0_i32, %c0_i32_0, %c0_i32_1 : i32, i32, i32
  }
}

module attributes {stable_mosaic.version = 14 : i64} {
  func.func @_combine_body(%arg0: i32, %arg1: memref<1x128x8x256xf32, #tpu.memory_space<vmem>>, %arg2: memref<128x1x2x8x128xf32, #tpu.memory_space<vmem>>, %arg3: memref<1x1x8x256xf32, #tpu.memory_space<vmem>>, %arg4: memref<1x2x8x128xf32, #tpu.memory_space<vmem>>, %arg5: memref<32x2x8x128xf32, #tpu.memory_space<vmem>>, %arg6: memref<1x128x1xf32, #tpu.memory_space<vmem>>, %arg7: memref<1x128x8x256xf32, #tpu.memory_space<vmem>>) attributes {dimension_semantics = [#tpu.dimension_semantics<arbitrary>], iteration_bounds = array<i64: 32>, scalar_prefetch = 0 : i64, scratch_operands = 0 : i64, tpu.core_type = #tpu.core_type<tc>, window_params = [{transform_indices = @transform_0, window_bounds = array<i64: 1, 128, 8, 256>}, {transform_indices = @transform_1, window_bounds = array<i64: 128, 1, 2, 8, 128>}, {transform_indices = @transform_2, window_bounds = array<i64: 1, 1, 8, 256>}, {transform_indices = @transform_3, window_bounds = array<i64: 1, 2, 8, 128>}, {pipeline_mode = #tpu.pipeline_mode<synchronous>, transform_indices = @transform_4, window_bounds = array<i64: 32, 2, 8, 128>}, {pipeline_mode = #tpu.pipeline_mode<synchronous>, transform_indices = @transform_5, window_bounds = array<i64: 1, 128, 1>}, {transform_indices = @transform_6, window_bounds = array<i64: 1, 128, 8, 256>}]} {
    %get3A = arith.constant 0 : index
    %get3A_0 = arith.constant 0 : index
    %get3A_1 = arith.constant 0 : index
    %get3A_2 = arith.constant 0 : index
    %get3A_3 = vector.load %arg5[%get3A, %get3A_0, %get3A_1, %get3A_2] : memref<32x2x8x128xf32, #tpu.memory_space<vmem>>, vector<32x2x8x128xf32>
    %gt3A = arith.constant 0.000000e+00 : f32
    %gt3A_4 = vector.broadcast %gt3A : f32 to vector<32x2x8x128xf32>
    %gt3A_5 = arith.cmpf ogt, %get3A_3, %gt3A_4 : vector<32x2x8x128xf32>
    %convert_element_type3A = arith.extui %gt3A_5 : vector<32x2x8x128xi1> to vector<32x2x8x128xi32>
    %convert_element_type3A_6 = arith.sitofp %convert_element_type3A : vector<32x2x8x128xi32> to vector<32x2x8x128xf32>
    %reduce_sum3A = vector.shape_cast %convert_element_type3A_6 : vector<32x2x8x128xf32> to vector<1x32x2x8x128xf32>
    %reduce_sum3A_7 = arith.constant dense<0.000000e+00> : vector<1xf32>
    %reduce_sum3A_8 = vector.multi_reduction <add>, %reduce_sum3A, %reduce_sum3A_7 [1, 2, 3, 4] : vector<1x32x2x8x128xf32> to vector<1xf32>
    %reduce_sum3A_9 = vector.shape_cast %reduce_sum3A_8 : vector<1xf32> to vector<1x1x1x1x1xf32>
    %reduce_sum3A_10 = vector.extract %reduce_sum3A_9[0, 0, 0, 0, 0] : f32 from vector<1x1x1x1x1xf32>
    %get3A_11 = arith.constant 0 : index
    %get3A_12 = arith.constant 0 : index
    %get3A_13 = arith.constant 0 : index
    %get3A_14 = vector.load %arg6[%get3A_11, %get3A_12, %get3A_13] : memref<1x128x1xf32, #tpu.memory_space<vmem>>, vector<1x128x1xf32>
    %get3A_15 = vector.shape_cast %get3A_14 : vector<1x128x1xf32> to vector<128x1xf32>
    %reshape3A = vector.shape_cast %get3A_15 : vector<128x1xf32> to vector<128x1x1xf32>
    %add3A = arith.constant 9.99999997E-7 : f32
    %add3A_16 = arith.addf %reduce_sum3A_10, %add3A : f32
    %div3A = vector.broadcast %add3A_16 : f32 to vector<128x1x1xf32>
    %div3A_17 = arith.divf %reshape3A, %div3A : vector<128x1x1xf32>
    %get3A_18 = arith.constant 0 : index
    %get3A_19 = arith.constant 0 : index
    %get3A_20 = arith.constant 0 : index
    %get3A_21 = arith.constant 0 : index
    %get3A_22 = arith.constant 0 : index
    %get3A_23 = vector.load %arg2[%get3A_18, %get3A_19, %get3A_20, %get3A_21, %get3A_22] : memref<128x1x2x8x128xf32, #tpu.memory_space<vmem>>, vector<128x1x2x8x128xf32>
    %get3A_24 = vector.shape_cast %get3A_23 : vector<128x1x2x8x128xf32> to vector<128x2x8x128xf32>
    %slice3A = vector.extract_strided_slice %get3A_24 {offsets = [0, 0, 0, 0], sizes = [128, 1, 8, 128], strides = [1, 1, 1, 1]} : vector<128x2x8x128xf32> to vector<128x1x8x128xf32>
    %squeeze3A = vector.shape_cast %slice3A : vector<128x1x8x128xf32> to vector<128x8x128xf32>
    %slice3A_25 = vector.extract_strided_slice %get3A_24 {offsets = [0, 1, 0, 0], sizes = [128, 1, 8, 128], strides = [1, 1, 1, 1]} : vector<128x2x8x128xf32> to vector<128x1x8x128xf32>
    %squeeze3A_26 = vector.shape_cast %slice3A_25 : vector<128x1x8x128xf32> to vector<128x8x128xf32>
    %concatenate3A = tpu.concatenate %squeeze3A, %squeeze3A_26 in 2 : vector<128x8x128xf32>, vector<128x8x128xf32> -> vector<128x8x256xf32>
    %get3A_27 = arith.constant 0 : index
    %get3A_28 = arith.constant 0 : index
    %get3A_29 = arith.constant 0 : index
    %get3A_30 = arith.constant 0 : index
    %get3A_31 = vector.load %arg4[%get3A_27, %get3A_28, %get3A_29, %get3A_30] : memref<1x2x8x128xf32, #tpu.memory_space<vmem>>, vector<1x2x8x128xf32>
    %get3A_32 = vector.shape_cast %get3A_31 : vector<1x2x8x128xf32> to vector<2x8x128xf32>
    %slice3A_33 = vector.extract_strided_slice %get3A_32 {offsets = [0, 0, 0], sizes = [1, 8, 128], strides = [1, 1, 1]} : vector<2x8x128xf32> to vector<1x8x128xf32>
    %squeeze3A_34 = vector.shape_cast %slice3A_33 : vector<1x8x128xf32> to vector<8x128xf32>
    %slice3A_35 = vector.extract_strided_slice %get3A_32 {offsets = [1, 0, 0], sizes = [1, 8, 128], strides = [1, 1, 1]} : vector<2x8x128xf32> to vector<1x8x128xf32>
    %squeeze3A_36 = vector.shape_cast %slice3A_35 : vector<1x8x128xf32> to vector<8x128xf32>
    %concatenate3A_37 = tpu.concatenate %squeeze3A_34, %squeeze3A_36 in 1 : vector<8x128xf32>, vector<8x128xf32> -> vector<8x256xf32>
    %gt3A_38 = arith.constant 0.000000e+00 : f32
    %gt3A_39 = vector.broadcast %gt3A_38 : f32 to vector<8x256xf32>
    %gt3A_40 = arith.cmpf ogt, %concatenate3A_37, %gt3A_39 : vector<8x256xf32>
    %broadcast_in_dim3A = vector.shape_cast %gt3A_40 : vector<8x256xi1> to vector<1x8x256xi1>
    %sub3A = vector.broadcast %div3A_17 : vector<128x1x1xf32> to vector<128x8x256xf32>
    %sub3A_41 = arith.subf %concatenate3A, %sub3A : vector<128x8x256xf32>
    %jit3A = arith.constant 0.000000e+00 : f32
    %broadcast_in_dim3A_42 = vector.shape_cast %broadcast_in_dim3A : vector<1x8x256xi1> to vector<1x8x256xi1>
    %broadcast_in_dim3A_43 = vector.broadcast %broadcast_in_dim3A_42 : vector<1x8x256xi1> to vector<128x8x256xi1>
    %broadcast_in_dim3A_44 = vector.broadcast %jit3A : f32 to vector<128x8x256xf32>
    %select_n3A = arith.select %broadcast_in_dim3A_43, %sub3A_41, %broadcast_in_dim3A_44 : vector<128x8x256xi1>, vector<128x8x256xf32>
    %get3A_45 = arith.constant 0 : index
    %get3A_46 = arith.constant 0 : index
    %get3A_47 = arith.constant 0 : index
    %get3A_48 = arith.constant 0 : index
    %get3A_49 = vector.load %arg1[%get3A_45, %get3A_46, %get3A_47, %get3A_48] : memref<1x128x8x256xf32, #tpu.memory_space<vmem>>, vector<1x128x8x256xf32>
    %get3A_50 = vector.shape_cast %get3A_49 : vector<1x128x8x256xf32> to vector<128x8x256xf32>
    %get3A_51 = arith.constant 0 : index
    %get3A_52 = arith.constant 0 : index
    %get3A_53 = arith.constant 0 : index
    %get3A_54 = arith.constant 0 : index
    %get3A_55 = vector.load %arg3[%get3A_51, %get3A_52, %get3A_53, %get3A_54] : memref<1x1x8x256xf32, #tpu.memory_space<vmem>>, vector<1x1x8x256xf32>
    %get3A_56 = vector.shape_cast %get3A_55 : vector<1x1x8x256xf32> to vector<1x8x256xf32>
    %mul3A = arith.constant 8.000000e-02 : f32
    %mul3A_57 = vector.broadcast %mul3A : f32 to vector<1x8x256xf32>
    %mul3A_58 = arith.mulf %get3A_56, %mul3A_57 : vector<1x8x256xf32>
    %mul3A_59 = vector.broadcast %mul3A_58 : vector<1x8x256xf32> to vector<128x8x256xf32>
    %mul3A_60 = arith.mulf %select_n3A, %mul3A_59 : vector<128x8x256xf32>
    %add3A_61 = arith.addf %get3A_50, %mul3A_60 : vector<128x8x256xf32>
    %swap3A = arith.constant 0 : index
    %swap3A_62 = arith.constant 0 : index
    %swap3A_63 = arith.constant 0 : index
    %swap3A_64 = arith.constant 0 : index
    %swap3A_65 = vector.load %arg7[%swap3A, %swap3A_62, %swap3A_63, %swap3A_64] : memref<1x128x8x256xf32, #tpu.memory_space<vmem>>, vector<1x128x8x256xf32>
    %swap3A_66 = vector.shape_cast %swap3A_65 : vector<1x128x8x256xf32> to vector<128x8x256xf32>
    %swap3A_67 = vector.shape_cast %add3A_61 : vector<128x8x256xf32> to vector<1x128x8x256xf32>
    tpu.vector_store %arg7[%swap3A, %swap3A_62, %swap3A_63, %swap3A_64], %swap3A_67 {strides = array<i32>} : memref<1x128x8x256xf32, #tpu.memory_space<vmem>>, vector<1x128x8x256xf32>,
    return
  }
  func.func @transform_0(%arg0: i32) -> (i32, i32, i32, i32) {
    %c0_i32 = arith.constant 0 : i32
    %c0_i32_0 = arith.constant 0 : i32
    %c0_i32_1 = arith.constant 0 : i32
    %c0_i32_2 = arith.constant 0 : i32
    return %c0_i32, %c0_i32_0, %arg0, %c0_i32_1 : i32, i32, i32, i32
  }
  func.func @transform_1(%arg0: i32) -> (i32, i32, i32, i32, i32) {
    %c0_i32 = arith.constant 0 : i32
    %c0_i32_0 = arith.constant 0 : i32
    %c0_i32_1 = arith.constant 0 : i32
    %c0_i32_2 = arith.constant 0 : i32
    %c0_i32_3 = arith.constant 0 : i32
    return %c0_i32, %arg0, %c0_i32_0, %c0_i32_1, %c0_i32_2 : i32, i32, i32, i32, i32
  }
  func.func @transform_2(%arg0: i32) -> (i32, i32, i32, i32) {
    %c0_i32 = arith.constant 0 : i32
    %c0_i32_0 = arith.constant 0 : i32
    %c0_i32_1 = arith.constant 0 : i32
    %c0_i32_2 = arith.constant 0 : i32
    return %c0_i32, %c0_i32_0, %arg0, %c0_i32_1 : i32, i32, i32, i32
  }
  func.func @transform_3(%arg0: i32) -> (i32, i32, i32, i32) {
    %c0_i32 = arith.constant 0 : i32
    %c0_i32_0 = arith.constant 0 : i32
    %c0_i32_1 = arith.constant 0 : i32
    %c0_i32_2 = arith.constant 0 : i32
    return %arg0, %c0_i32, %c0_i32_0, %c0_i32_1 : i32, i32, i32, i32
  }
  func.func @transform_4(%arg0: i32) -> (i32, i32, i32, i32) {
    %c0_i32 = arith.constant 0 : i32
    %c0_i32_0 = arith.constant 0 : i32
    %c0_i32_1 = arith.constant 0 : i32
    %c0_i32_2 = arith.constant 0 : i32
    %c0_i32_3 = arith.constant 0 : i32
    return %c0_i32, %c0_i32_0, %c0_i32_1, %c0_i32_2 : i32, i32, i32, i32
  }
  func.func @transform_5(%arg0: i32) -> (i32, i32, i32) {
    %c0_i32 = arith.constant 0 : i32
    %c0_i32_0 = arith.constant 0 : i32
    %c0_i32_1 = arith.constant 0 : i32
    %c0_i32_2 = arith.constant 0 : i32
    return %c0_i32, %c0_i32_0, %c0_i32_1 : i32, i32, i32
  }
  func.func @transform_6(%arg0: i32) -> (i32, i32, i32, i32) {
    %c0_i32 = arith.constant 0 : i32
    %c0_i32_0 = arith.constant 0 : i32
    %c0_i32_1 = arith.constant 0 : i32
    %c0_i32_2 = arith.constant 0 : i32
    return %c0_i32, %c0_i32_0, %arg0, %c0_i32_1 : i32, i32, i32, i32
  }
}

module attributes {stable_mosaic.version = 14 : i64} {
  func.func @_combine_body(%arg0: i32, %arg1: memref<1x128x8x256xf32, #tpu.memory_space<vmem>>, %arg2: memref<128x1x2x8x128xf32, #tpu.memory_space<vmem>>, %arg3: memref<1x1x8x256xf32, #tpu.memory_space<vmem>>, %arg4: memref<1x2x8x128xf32, #tpu.memory_space<vmem>>, %arg5: memref<32x2x8x128xf32, #tpu.memory_space<vmem>>, %arg6: memref<1x128x1xf32, #tpu.memory_space<vmem>>, %arg7: memref<1x128x8x256xf32, #tpu.memory_space<vmem>>, %arg8: memref<1x128x8x256xf32, #tpu.memory_space<vmem>>) attributes {dimension_semantics = [#tpu.dimension_semantics<arbitrary>], iteration_bounds = array<i64: 32>, scalar_prefetch = 0 : i64, scratch_operands = 0 : i64, tpu.core_type = #tpu.core_type<tc>, window_params = [{transform_indices = @transform_0, window_bounds = array<i64: 1, 128, 8, 256>}, {transform_indices = @transform_1, window_bounds = array<i64: 128, 1, 2, 8, 128>}, {transform_indices = @transform_2, window_bounds = array<i64: 1, 1, 8, 256>}, {transform_indices = @transform_3, window_bounds = array<i64: 1, 2, 8, 128>}, {pipeline_mode = #tpu.pipeline_mode<synchronous>, transform_indices = @transform_4, window_bounds = array<i64: 32, 2, 8, 128>}, {pipeline_mode = #tpu.pipeline_mode<synchronous>, transform_indices = @transform_5, window_bounds = array<i64: 1, 128, 1>}, {transform_indices = @transform_6, window_bounds = array<i64: 1, 128, 8, 256>}, {transform_indices = @transform_7, window_bounds = array<i64: 1, 128, 8, 256>}]} {
    %get3A = arith.constant 0 : index
    %get3A_0 = arith.constant 0 : index
    %get3A_1 = arith.constant 0 : index
    %get3A_2 = arith.constant 0 : index
    %get3A_3 = vector.load %arg5[%get3A, %get3A_0, %get3A_1, %get3A_2] : memref<32x2x8x128xf32, #tpu.memory_space<vmem>>, vector<32x2x8x128xf32>
    %gt3A = arith.constant 0.000000e+00 : f32
    %gt3A_4 = vector.broadcast %gt3A : f32 to vector<32x2x8x128xf32>
    %gt3A_5 = arith.cmpf ogt, %get3A_3, %gt3A_4 : vector<32x2x8x128xf32>
    %convert_element_type3A = arith.extui %gt3A_5 : vector<32x2x8x128xi1> to vector<32x2x8x128xi32>
    %convert_element_type3A_6 = arith.sitofp %convert_element_type3A : vector<32x2x8x128xi32> to vector<32x2x8x128xf32>
    %reduce_sum3A = vector.shape_cast %convert_element_type3A_6 : vector<32x2x8x128xf32> to vector<1x32x2x8x128xf32>
    %reduce_sum3A_7 = arith.constant dense<0.000000e+00> : vector<1xf32>
    %reduce_sum3A_8 = vector.multi_reduction <add>, %reduce_sum3A, %reduce_sum3A_7 [1, 2, 3, 4] : vector<1x32x2x8x128xf32> to vector<1xf32>
    %reduce_sum3A_9 = vector.shape_cast %reduce_sum3A_8 : vector<1xf32> to vector<1x1x1x1x1xf32>
    %reduce_sum3A_10 = vector.extract %reduce_sum3A_9[0, 0, 0, 0, 0] : f32 from vector<1x1x1x1x1xf32>
    %get3A_11 = arith.constant 0 : index
    %get3A_12 = arith.constant 0 : index
    %get3A_13 = arith.constant 0 : index
    %get3A_14 = vector.load %arg6[%get3A_11, %get3A_12, %get3A_13] : memref<1x128x1xf32, #tpu.memory_space<vmem>>, vector<1x128x1xf32>
    %get3A_15 = vector.shape_cast %get3A_14 : vector<1x128x1xf32> to vector<128x1xf32>
    %reshape3A = vector.shape_cast %get3A_15 : vector<128x1xf32> to vector<128x1x1xf32>
    %add3A = arith.constant 9.99999997E-7 : f32
    %add3A_16 = arith.addf %reduce_sum3A_10, %add3A : f32
    %div3A = vector.broadcast %add3A_16 : f32 to vector<128x1x1xf32>
    %div3A_17 = arith.divf %reshape3A, %div3A : vector<128x1x1xf32>
    %get3A_18 = arith.constant 0 : index
    %get3A_19 = arith.constant 0 : index
    %get3A_20 = arith.constant 0 : index
    %get3A_21 = arith.constant 0 : index
    %get3A_22 = arith.constant 0 : index
    %get3A_23 = vector.load %arg2[%get3A_18, %get3A_19, %get3A_20, %get3A_21, %get3A_22] : memref<128x1x2x8x128xf32, #tpu.memory_space<vmem>>, vector<128x1x2x8x128xf32>
    %get3A_24 = vector.shape_cast %get3A_23 : vector<128x1x2x8x128xf32> to vector<128x2x8x128xf32>
    %slice3A = vector.extract_strided_slice %get3A_24 {offsets = [0, 0, 0, 0], sizes = [128, 1, 8, 128], strides = [1, 1, 1, 1]} : vector<128x2x8x128xf32> to vector<128x1x8x128xf32>
    %squeeze3A = vector.shape_cast %slice3A : vector<128x1x8x128xf32> to vector<128x8x128xf32>
    %slice3A_25 = vector.extract_strided_slice %get3A_24 {offsets = [0, 1, 0, 0], sizes = [128, 1, 8, 128], strides = [1, 1, 1, 1]} : vector<128x2x8x128xf32> to vector<128x1x8x128xf32>
    %squeeze3A_26 = vector.shape_cast %slice3A_25 : vector<128x1x8x128xf32> to vector<128x8x128xf32>
    %concatenate3A = tpu.concatenate %squeeze3A, %squeeze3A_26 in 2 : vector<128x8x128xf32>, vector<128x8x128xf32> -> vector<128x8x256xf32>
    %get3A_27 = arith.constant 0 : index
    %get3A_28 = arith.constant 0 : index
    %get3A_29 = arith.constant 0 : index
    %get3A_30 = arith.constant 0 : index
    %get3A_31 = vector.load %arg4[%get3A_27, %get3A_28, %get3A_29, %get3A_30] : memref<1x2x8x128xf32, #tpu.memory_space<vmem>>, vector<1x2x8x128xf32>
    %get3A_32 = vector.shape_cast %get3A_31 : vector<1x2x8x128xf32> to vector<2x8x128xf32>
    %slice3A_33 = vector.extract_strided_slice %get3A_32 {offsets = [0, 0, 0], sizes = [1, 8, 128], strides = [1, 1, 1]} : vector<2x8x128xf32> to vector<1x8x128xf32>
    %squeeze3A_34 = vector.shape_cast %slice3A_33 : vector<1x8x128xf32> to vector<8x128xf32>
    %slice3A_35 = vector.extract_strided_slice %get3A_32 {offsets = [1, 0, 0], sizes = [1, 8, 128], strides = [1, 1, 1]} : vector<2x8x128xf32> to vector<1x8x128xf32>
    %squeeze3A_36 = vector.shape_cast %slice3A_35 : vector<1x8x128xf32> to vector<8x128xf32>
    %concatenate3A_37 = tpu.concatenate %squeeze3A_34, %squeeze3A_36 in 1 : vector<8x128xf32>, vector<8x128xf32> -> vector<8x256xf32>
    %gt3A_38 = arith.constant 0.000000e+00 : f32
    %gt3A_39 = vector.broadcast %gt3A_38 : f32 to vector<8x256xf32>
    %gt3A_40 = arith.cmpf ogt, %concatenate3A_37, %gt3A_39 : vector<8x256xf32>
    %broadcast_in_dim3A = vector.shape_cast %gt3A_40 : vector<8x256xi1> to vector<1x8x256xi1>
    %sub3A = vector.broadcast %div3A_17 : vector<128x1x1xf32> to vector<128x8x256xf32>
    %sub3A_41 = arith.subf %concatenate3A, %sub3A : vector<128x8x256xf32>
    %jit3A = arith.constant 0.000000e+00 : f32
    %broadcast_in_dim3A_42 = vector.shape_cast %broadcast_in_dim3A : vector<1x8x256xi1> to vector<1x8x256xi1>
    %broadcast_in_dim3A_43 = vector.broadcast %broadcast_in_dim3A_42 : vector<1x8x256xi1> to vector<128x8x256xi1>
    %broadcast_in_dim3A_44 = vector.broadcast %jit3A : f32 to vector<128x8x256xf32>
    %select_n3A = arith.select %broadcast_in_dim3A_43, %sub3A_41, %broadcast_in_dim3A_44 : vector<128x8x256xi1>, vector<128x8x256xf32>
    %get3A_45 = arith.constant 0 : index
    %get3A_46 = arith.constant 0 : index
    %get3A_47 = arith.constant 0 : index
    %get3A_48 = arith.constant 0 : index
    %get3A_49 = vector.load %arg1[%get3A_45, %get3A_46, %get3A_47, %get3A_48] : memref<1x128x8x256xf32, #tpu.memory_space<vmem>>, vector<1x128x8x256xf32>
    %get3A_50 = vector.shape_cast %get3A_49 : vector<1x128x8x256xf32> to vector<128x8x256xf32>
    %get3A_51 = arith.constant 0 : index
    %get3A_52 = arith.constant 0 : index
    %get3A_53 = arith.constant 0 : index
    %get3A_54 = arith.constant 0 : index
    %get3A_55 = vector.load %arg3[%get3A_51, %get3A_52, %get3A_53, %get3A_54] : memref<1x1x8x256xf32, #tpu.memory_space<vmem>>, vector<1x1x8x256xf32>
    %get3A_56 = vector.shape_cast %get3A_55 : vector<1x1x8x256xf32> to vector<1x8x256xf32>
    %mul3A = arith.constant 8.000000e-02 : f32
    %mul3A_57 = vector.broadcast %mul3A : f32 to vector<1x8x256xf32>
    %mul3A_58 = arith.mulf %get3A_56, %mul3A_57 : vector<1x8x256xf32>
    %mul3A_59 = vector.broadcast %mul3A_58 : vector<1x8x256xf32> to vector<128x8x256xf32>
    %mul3A_60 = arith.mulf %select_n3A, %mul3A_59 : vector<128x8x256xf32>
    %add3A_61 = arith.addf %get3A_50, %mul3A_60 : vector<128x8x256xf32>
    %swap3A = arith.constant 0 : index
    %swap3A_62 = arith.constant 0 : index
    %swap3A_63 = arith.constant 0 : index
    %swap3A_64 = arith.constant 0 : index
    %swap3A_65 = vector.load %arg8[%swap3A, %swap3A_62, %swap3A_63, %swap3A_64] : memref<1x128x8x256xf32, #tpu.memory_space<vmem>>, vector<1x128x8x256xf32>
    %swap3A_66 = vector.shape_cast %swap3A_65 : vector<1x128x8x256xf32> to vector<128x8x256xf32>
    %swap3A_67 = vector.shape_cast %add3A_61 : vector<128x8x256xf32> to vector<1x128x8x256xf32>
    tpu.vector_store %arg8[%swap3A, %swap3A_62, %swap3A_63, %swap3A_64], %swap3A_67 {strides = array<i32>} : memref<1x128x8x256xf32, #tpu.memory_space<vmem>>, vector<1x128x8x256xf32>,
    return
  }
  func.func @transform_0(%arg0: i32) -> (i32, i32, i32, i32) {
    %c1_i32 = arith.constant 1 : i32
    %c0_i32 = arith.constant 0 : i32
    %c0_i32_0 = arith.constant 0 : i32
    %c0_i32_1 = arith.constant 0 : i32
    return %c1_i32, %c0_i32, %arg0, %c0_i32_0 : i32, i32, i32, i32
  }
  func.func @transform_1(%arg0: i32) -> (i32, i32, i32, i32, i32) {
    %c0_i32 = arith.constant 0 : i32
    %c0_i32_0 = arith.constant 0 : i32
    %c0_i32_1 = arith.constant 0 : i32
    %c0_i32_2 = arith.constant 0 : i32
    %c0_i32_3 = arith.constant 0 : i32
    return %c0_i32, %arg0, %c0_i32_0, %c0_i32_1, %c0_i32_2 : i32, i32, i32, i32, i32
  }
  func.func @transform_2(%arg0: i32) -> (i32, i32, i32, i32) {
    %c0_i32 = arith.constant 0 : i32
    %c0_i32_0 = arith.constant 0 : i32
    %c0_i32_1 = arith.constant 0 : i32
    %c0_i32_2 = arith.constant 0 : i32
    return %c0_i32, %c0_i32_0, %arg0, %c0_i32_1 : i32, i32, i32, i32
  }
  func.func @transform_3(%arg0: i32) -> (i32, i32, i32, i32) {
    %c0_i32 = arith.constant 0 : i32
    %c0_i32_0 = arith.constant 0 : i32
    %c0_i32_1 = arith.constant 0 : i32
    %c0_i32_2 = arith.constant 0 : i32
    return %arg0, %c0_i32, %c0_i32_0, %c0_i32_1 : i32, i32, i32, i32
  }
  func.func @transform_4(%arg0: i32) -> (i32, i32, i32, i32) {
    %c0_i32 = arith.constant 0 : i32
    %c0_i32_0 = arith.constant 0 : i32
    %c0_i32_1 = arith.constant 0 : i32
    %c0_i32_2 = arith.constant 0 : i32
    %c0_i32_3 = arith.constant 0 : i32
    return %c0_i32, %c0_i32_0, %c0_i32_1, %c0_i32_2 : i32, i32, i32, i32
  }
  func.func @transform_5(%arg0: i32) -> (i32, i32, i32) {
    %c0_i32 = arith.constant 0 : i32
    %c0_i32_0 = arith.constant 0 : i32
    %c0_i32_1 = arith.constant 0 : i32
    %c0_i32_2 = arith.constant 0 : i32
    return %c0_i32, %c0_i32_0, %c0_i32_1 : i32, i32, i32
  }
  func.func @transform_6(%arg0: i32) -> (i32, i32, i32, i32) {
    %c0_i32 = arith.constant 0 : i32
    %c0_i32_0 = arith.constant 0 : i32
    %c0_i32_1 = arith.constant 0 : i32
    %c0_i32_2 = arith.constant 0 : i32
    %c0_i32_3 = arith.constant 0 : i32
    return %c0_i32, %c0_i32_0, %c0_i32_1, %c0_i32_2 : i32, i32, i32, i32
  }
  func.func @transform_7(%arg0: i32) -> (i32, i32, i32, i32) {
    %c1_i32 = arith.constant 1 : i32
    %c0_i32 = arith.constant 0 : i32
    %c0_i32_0 = arith.constant 0 : i32
    %c0_i32_1 = arith.constant 0 : i32
    return %c1_i32, %c0_i32, %arg0, %c0_i32_0 : i32, i32, i32, i32
  }
}

</mosaic_0001>

<sc_bundles>
// kernel: kernel.13.cloned.1.call-start
scs
__scs_entry_jumppad:
0x0: {  	(pc) =	sbr.rel $0x88, $3  }
0x1: {  	(tag) =	ssettag $0x0;
	lr =	simm.s32 $0x1  }
0x2: {  	[smem:$0x3F97] =	sst lr;
	_ =	strace $0xD0000000  }
0x3: {  	_ = 	snop  }
0x4: {  	_ = 	snop  }
0x5: {  	_ = 	snop  }
0x6: {  	_ = 	snop  }
0x7: {  	_ = 	snop  }
__scs_overlays_trampoline_lowered:
0x8: {  	[smem:$0x3FA6] =	sst s0  }
0x9: {  	[smem:$0x3FA7] =	sst s1  }
0xa: {  	[smem:$0x3FA8] =	sst s2  }
0xb: {  	[smem:$0x3FA9] =	sst s3  }
0xc: {  	[smem:$0x3FAA] =	sst s4  }
0xd: {  	[smem:$0x3FAB] =	sst s5  }
0xe: {  	[smem:$0x3FAC] =	sst s6  }
0xf: {  	[smem:$0x3FAD] =	sst s7  }
0x10: {  	[smem:$0x3FAE] =	sst s8  }
0x11: {  	[smem:$0x3FAF] =	sst s9;
	s0 =	simm.s32 @!p0 $0x0  }
0x12: {  	s1 =	sld [smem:$0x3F95];
	s0 =	simm.s32 @p0 $0x1  }
0x13: {  	[smem:$0x3FB0] =	sst s0;
	s0 =	simm.s32 @!p1 $0x0  }
0x14: {  	s2 =	sld [smem:$0x3F94];
	s0 =	simm.s32 @p1 $0x1  }
0x15: {  	[smem:$0x3FB1] =	sst s0;
	s0 =	simm.s32 @!p2 $0x0  }
0x16: {  	s3 =	sld [smem:$0x3FDB];
	s0 =	simm.s32 @p2 $0x1  }
0x17: {  	s4 =	simm.s32 $0x1BF5;
	[smem:$0x3FB3] =	sst s0  }
0x18: {  	s0 =	sld [smem:$0x3F96];
	_ =	swait.ge [sflag:s4], $0x0  }
0x19: {  	s7 =	sld [smem:$0x3F97]  }
0x1a: {  	s8 =	sadd.s32 $0xFFFFE003, lr  }
0x1b: {  	s9 =	sadd.s32 $0xFFFFFEF7, lr;
	s5 =	simm.s32 $0xFFFFFFFF;
	p2 =	slt.u32 s8, $0xFFFFF086  }
0x1c: {  	p1 =	slt.u32 s9, $0xF7A;
	s5 =	simm.s32 @!p2 $0x0  }
0x1d: {  	s5 =	simm.s32 @p1 $0x1;
	p0 =	seq.s32 s7, s2  }
0x1e: {  	s7 =	smul.u32 @!p0 $0xF7A, s2;
	p2 =	seq.s32 @!p0 s5, $0x0  }
0x1f: {  	s9 =	smul.u32 $0xF7A, s1;
	s8 =	simm.s32 @!p0 $0x1BF5;
	p2 =	por !p2, p0  }
0x20: {  	[sflag:s8] =	ssyncset.s32 @!p0 $0xFFFFF086;
	s6 =	sadd.s32 @!p0 s3, s7;
	s7 =	simm.s32 @!p0 $0x108  }
0x21: {  	s3 =	sadd.s32 s3, s9;
	s6 =	sadd.s32 @!p0 $0x88, s6;
	s7 =	simm.s32 @p2 $0x1082  }
0x22: {  	[simem:s7], [sflag:s8] =	dma.local @!p0 [hbm:s6], $0xF7A  }
0x23: {  	s9 =	sor.u32 $0xD0000000, s2;
	s6 =	simm.s32 $0x108;
	_ =	swait.ge @!p0 [sflag:s8], $0x0  }
0x24: {  	s3 =	sadd.s32 $0x88, s3;
	s6 =	simm.s32 @!p1 $0x1082;
	[sflag:s4] =	ssyncset.s32 $0xFFFFF086  }
0x25: {  	[simem:s6], [sflag:s4] =	dma.local [hbm:s3], $0xF7A  }
0x26: {  	[smem:$0x3F97] =	sst s1;
	(tag) =	ssettag s2;
	_ =	strace s9  }
0x27: {  	s1 =	sld [smem:$0x3FA7]  }
0x28: {  	s2 =	sld [smem:$0x3FA8]  }
0x29: {  	s4 =	sld [smem:$0x3FAA]  }
0x2a: {  	p0 =	seq.s32 s5, $0x0;
	s5 =	sld [smem:$0x3FAB]  }
0x2b: {  	s6 =	sld [smem:$0x3FAC]  }
0x2c: {  	s7 =	sld [smem:$0x3FAD]  }
0x2d: {  	s3 =	simm.s32 $0x108;
	s8 =	sld [smem:$0x3FAE]  }
0x2e: {  	s3 =	simm.s32 @!p0 $0x1082;
	s9 =	sld [smem:$0x3FAF]  }
0x2f: {  	lr =	sadd.s32 s0, s3;
	s0 =	sld [smem:$0x3FA6]  }
0x30: {  	s3 =	sld [smem:$0x3FA9]  }
0x31: {  	[smem:$0x3FB2] =	sst s10  }
0x32: {  	s10 =	sld [smem:$0x3FB0];
	_ =	sdelay $0x3  }
0x33: {  	p0 =	seq.s32 s10, $0x1;
	s10 =	sld [smem:$0x3FB2];
	_ =	sdelay $0x3  }
0x34: {  	[smem:$0x3FB2] =	sst s10  }
0x35: {  	s10 =	sld [smem:$0x3FB1];
	_ =	sdelay $0x3  }
0x36: {  	p1 =	seq.s32 s10, $0x1;
	s10 =	sld [smem:$0x3FB2];
	_ =	sdelay $0x3  }
0x37: {  	[smem:$0x3FB2] =	sst s10  }
0x38: {  	s10 =	sld [smem:$0x3FB3]  }
0x39: {  	_ = 	snop;
	(pc) =	sbr.ind lr, $3  }
0x3a: {  	_ = 	snop  }
0x3b: {  	_ = 	snop  }
0x3c: {  	p2 =	seq.s32 s10, $0x1;
	s10 =	sld [smem:$0x3FB2]  }
0x3d: {  	_ =	shalt  }
0x3e: {  	_ =	shalt  }
0x3f: {  	_ =	shalt  }
0x40: {  	_ =	shalt  }
0x41: {  	_ =	shalt  }
0x42: {  	_ =	shalt  }
0x43: {  	_ =	shalt  }
0x44: {  	_ =	shalt  }
0x45: {  	_ =	shalt  }
0x46: {  	_ =	shalt  }
0x47: {  	_ =	shalt  }
0x48: {  	_ =	shalt  }
0x49: {  	_ =	shalt  }
0x4a: {  	_ =	shalt  }
0x4b: {  	_ =	shalt  }
0x4c: {  	_ =	shalt  }
0x4d: {  	_ =	shalt  }
0x4e: {  	_ =	shalt  }
0x4f: {  	_ =	shalt  }
0x50: {  	_ =	shalt  }
0x51: {  	_ =	shalt  }
0x52: {  	_ =	shalt  }
0x53: {  	_ =	shalt  }
0x54: {  	_ =	shalt  }
0x55: {  	_ =	shalt  }
0x56: {  	_ =	shalt  }
0x57: {  	_ =	shalt  }
0x58: {  	_ =	shalt  }
0x59: {  	_ =	shalt  }
0x5a: {  	_ =	shalt  }
0x5b: {  	_ =	shalt  }
0x5c: {  	_ =	shalt  }
0x5d: {  	_ =	shalt  }
0x5e: {  	_ =	shalt  }
0x5f: {  	_ =	shalt  }
0x60: {  	_ =	shalt  }
0x61: {  	_ =	shalt  }
0x62: {  	_ =	shalt  }
0x63: {  	_ =	shalt  }
0x64: {  	_ =	shalt  }
0x65: {  	_ =	shalt  }
0x66: {  	_ =	shalt  }
0x67: {  	_ =	shalt  }
0x68: {  	_ =	shalt  }
0x69: {  	_ =	shalt  }
0x6a: {  	_ =	shalt  }
0x6b: {  	_ =	shalt  }
0x6c: {  	_ =	shalt  }
0x6d: {  	_ =	shalt  }
0x6e: {  	_ =	shalt  }
0x6f: {  	_ =	shalt  }
0x70: {  	_ =	shalt  }
0x71: {  	_ =	shalt  }
0x72: {  	_ =	shalt  }
0x73: {  	_ =	shalt  }
0x74: {  	_ =	shalt  }
0x75: {  	_ =	shalt  }
0x76: {  	_ =	shalt  }
0x77: {  	_ =	shalt  }
0x78: {  	_ =	shalt  }
0x79: {  	_ =	shalt  }
0x7a: {  	_ =	shalt  }
0x7b: {  	_ =	shalt  }
0x7c: {  	_ =	shalt  }
0x7d: {  	_ =	shalt  }
0x7e: {  	_ =	shalt  }
0x7f: {  	_ =	shalt  }
0x80: {  	_ =	shalt  }
0x81: {  	_ =	shalt  }
0x82: {  	_ =	shalt  }
0x83: {  	_ =	shalt  }
0x84: {  	_ =	shalt  }
0x85: {  	_ =	shalt  }
0x86: {  	_ =	shalt  }
0x87: {  	_ =	shalt  }
.Lfunc_end0:
.L_simem_size_0:
called_computation_lowered:
.L_overlay_start_0:
0x88: {  	s2 =	sld [smem:$0x3FD9]  }
0x89: {  	s3 =	sld [smem:$0x3FFE];
	_ =	sdelay $0x1  }
0x8a: {  	s1 =	srdreg.scid  }
0x8b: {  	s0 =	sand.u32 $0x1, s1  }
0x8c: {  	s17 =	sshll.u32 s0, $0xA;
	s2 =	sadd.s32 s3, s2  }
0x8d: {  	s2 =	sadd.s32 s2, s17  }
0x8e: {  	[smem:$0x3FBE] =	sst s2  }
0x8f: {  	_ = 	snop  }
0x90: {  	s2 =	sld [smem:$0x3FC9]  }
0x91: {  	s18 =	sld [smem:$0x3FD0];
	(tm) =	ssettm $0x1  }
0x92: {  	s4 =	sld [smem:$0x3FFB];
	_ =	sdelay $0x3  }
0x93: {  	_ =	strace s4  }
0x94: {  	s4 =	sld [smem:$0x3FFC];
	_ =	sdelay $0x3  }
0x95: {  	_ =	strace s4  }
0x96: {  	s4 =	sld [smem:$0x3FFD];
	_ =	sdelay $0x3  }
0x97: {  	_ =	strace s4  }
0x98: {  	_ =	strace $0x8FFFFFFF  }
0x99: {  	s19 =	sld [smem:$0x3FDB];
	_ =	sdelay $0x1  }
0x9a: {  	s5 =	simm.s32 $_scs_section_size  }
0x9b: {  	s6 =	simm.s32 $_size__tile_overlayer_lowered;
	s7 =	simm.s32 $_tile_overlayer_lowered  }
0x9c: {  	s22 =	simm.s32 $0x1BFF;
	s21 =	sshll.u32 s7, $0x1;
	s4 =	sadd.s32 s5, s19  }
0x9d: {  	s8 =	simm.s32 $0x0;
	s20 =	sshll.u32 s6, $0x1;
	s6 =	sadd.s32 s21, s4  }
0x9e: {  	[timem:s8], [sflag:s22] =	dma.local [hbm:s6], s20  }
0x9f: {  	_ =	swait.ge [sflag:s22], s20  }
0xa0: {  	s5 =	ssub.s32 $0x0, s20;
	[sflag:s22] =	ssyncset.done $0x0  }
0xa1: {  	[sflag:s22] =	ssyncadd.s32 s5;
	_ =	sdelay $0x1  }
0xa2: {  	s23 =	simm.s32 $0x1B8B  }
0xa3: {  	_ =	swait.ge [sflag:s23], $0x1  }
0xa4: {  	[sflag:s23] =	ssyncset.done $0x0  }
0xa5: {  	s25 =	simm.s32 $0x1B8E;
	s24 =	sld [smem:$0x3FFE];
	[sflag:s23] =	ssyncadd.s32 $0xFFFFFFFF  }
0xa6: {  	s26 =	simm.s32 $execute0_lowered;
	[smem:$0x3FD2] =	sst s25  }
0xa7: {  	s6 =	sshll.u32 s26, $0x1;
	_ =	strace $0x80000046;
	[dreg:$0x1] =	wrdreg $0xFFFFFFFF  }
0xa8: {  	s28 =	simm.s32 $_size_execute0_lowered;
	s4 =	sadd.s32 s4, s6;
	[dreg:$0x0] =	wrdreg $0x0  }
0xa9: {  	s6 =	sshll.u32 s28, $0x1;
	[dreg:$0x2] =	wrdreg s4  }
0xaa: {  	[dreg:$0x3] =	wrdreg s6  }
0xab: {  	[dreg:$0x4] =	wrdreg $0xC0  }
0xac: {  	_ =	task [dreg:s8], $0x5FFFF  }
0xad: {  	[dreg:$0x1] =	wrdreg $0xFFFFFFFF  }
0xae: {  	[dreg:$0x0] =	wrdreg $0x60  }
0xaf: {  	[dreg:$0x2] =	wrdreg s2  }
0xb0: {  	[dreg:$0x3] =	wrdreg s24  }
0xb1: {  	[dreg:$0x4] =	wrdreg s18  }
0xb2: {  	[dreg:$0x5] =	wrdreg $0x9  }
0xb3: {  	_ =	task.clear_ibuf [dreg:s8], $0x6FFFF;
	_ =	strace $0x90000046  }
0xb4: {  	s29 =	simm.s32 $0x9;
	_ =	strace $0x80000048  }
0xb5: {  	_ =	swait.ge [sflag:s29], $0x1  }
0xb6: {  	[sflag:s29] =	ssyncadd.s32 $0xFFFFFFFF  }
0xb7: {  	_ =	strace $0x90000048  }
0xb8: {  	_ =	sfence  }
0xb9: {  	s30 =	sld [smem:$0x0];
	_ =	sdelay $0x2  }
0xba: {  	s31 =	sshll.u32 s1, $0xD;
	s1 =	sshrl.u32 s1, $0x2  }
0xbb: {  	s3 =	sand.u32 $0x4000, s31;
	s1 =	sadd.s32 s1, s30  }
0xbc: {  	s0 =	sor.u32 s3, s0;
	s1 =	sshll.u32 s1, $0x11  }
0xbd: {  	s0 =	sor.u32 s1, s0  }
0xbe: {  	s0 =	sadd.s32 $0x8F2B, s0  }
0xbf: {  	[sflag:s0] =	ssyncadd.remote.s32 $0x1  }
0xc0: {  	_ =	sfence.sel $0xFFFF  }
0xc1: {  	[dreg:$0x0] =	wrdreg $0xFFFFFFFF;
	(pc) =	sbr.abs _section_cstart, $3  }
0xc2: {  	[dreg:$0x1] =	wrdreg $0xFFFFFFFF  }
0xc3: {  	_ =	task.clear_ibuf [dreg:s8], $0x2FFFF;
	_ =	strace $0x9FFFFFFF  }
0xc4: {  	(tm) =	ssettm $0x7FFFFFFF  }
0xc5: {  	_ =	shalt  }
tec
execute0_lowered:
.L_overlay_start_1:
0x0: {  	(tag) =	ssettag $0x1  }
0x1: {  	s10 =	rddreg [dreg:$0x0]  }
0x2: {  	s3 =	rddreg [dreg:$0x1]  }
0x3: {  	s11 =	rddreg [dreg:$0x2]  }
0x4: {  	s0 =	rddreg [dreg:$0x3];
	s4 =	srdreg.scid  }
0x5: {  	s2 =	simm.s32 $0x0;
	s1 =	stileid.u32;
	s16 =	simm.s32 $0x0  }
0x6: {  	s4 =	sand.u32 $0x1, s4;
	[smem:$0x7FF] =	sst s2;
	s6 =	sshll.u32 s1, $0x1  }
0x7: {  	s3 =	sadd.s32 $0x2C00, s3;
	s5 =	ssub.s32 $0x2, s4;
	s8 =	sor.u32 s4, s6  }
0x8: {  	_ =	strace $0x80000047;
	s7 =	sshrl.u32 s5, $0x1;
	s26 =	sshll.u32 s8, $0x2  }
0x9: {  	s4 =	sshll.u32 s8, $0xF;
	s28 =	smul.u32 $0x13C0, s8;
	s8 =	sshllo.u32 s8, $0x2  }
0xa: {  	s12 =	ssub.s32 s5, s7;
	s29 =	sor.u32 $0x1, s26;
	s4 =	sadd.s32 s10, s4  }
0xb: {  	s30 =	sor.u32 $0x2, s26;
	s14 =	sshll.u32 s8, $0xD;
	s15 =	smul.u32 $0x4F0, s8  }
0xc: {  	s9 =	sshll.u32 s29, $0xD;
	s13 =	smul.u32 $0x4F0, s29;
	s5 =	sadd.s32 s11, s28  }
0xd: {  	s31 =	smul.u32 $0x4F0, s30;
	s6 =	sadd.s32 s10, s9;
	s9 =	sshll.u32 s30, $0xD  }
0xe: {  	s12 =	smax.u32 s12, $0x1;
	s7 =	sadd.s32 s11, s13;
	s8 =	sadd.s32 s10, s9  }
0xf: {  	s9 =	sadd.s32 s11, s31;
	s10 =	sadd.s32 s10, s14;
	s11 =	sadd.s32 s11, s15  }
0x10: {  	s13 =	simm.s32 $0x10000;
	s14 =	simm.s32 $0x1;
	s15 =	simm.s32 $0x14E80  }
.LBB2_1:
0x11: {  	[tilespmem:s13], [sflag:$0x1] =	stream.linear.gather [hbm4b:s3+s2], $0x4E20, $0x38;
	[tilespmem:$0x17600] =	vst v63  }
0x12: {  	_ =	swait.ge [sflag:s14], $0x4E20  }
0x13: {  	[sflag:s14] =	ssyncset.done $0x0  }
0x14: {  	[sflag:s14] =	ssyncadd.s32 $0xFFFFB1E0  }
0x15: {  	[tilespmem:s2], [sflag:$0x1] =	stream.linear.gather [hbm4b:s4+s2], $0x10000, $0x38;
	[tilespmem:$0x17600] =	vst v63  }
0x16: {  	_ =	swait.ge [sflag:s14], $0x10000  }
0x17: {  	[sflag:s14] =	ssyncset.done $0x0  }
0x18: {  	s17 =	simm.s32 $0x10040;
	[sflag:s14] =	ssyncadd.s32 $0xFFFF0000  }
0x19: {  	v0 =	vld [tilespmem:s17+$0x20]  }
0x1a: {  	v1 =	vld [tilespmem:s17+$0x30]  }
0x1b: {  	v2 =	vld [tilespmem:s17+$0xFFFFFFC0]  }
0x1c: {  	v3 =	vld [tilespmem:s17+$0xFFFFFFD0]  }
0x1d: {  	v4 =	vld [tilespmem:s17+$0xFFFFFFE0]  }
0x1e: {  	v5 =	vld [tilespmem:s17+$0xFFFFFFF0]  }
0x1f: {  	v6 =	vld [tilespmem:s17+$0x0]  }
0x20: {  	v7 =	vld [tilespmem:s17+$0x10]  }
0x21: {  	v8 =	vld.idx.msk [tilespmem:v0+s2+$0x0], $0xffff  }
0x22: {  	v9 =	vld.idx.msk [tilespmem:v1+s2+$0x0], $0xffff  }
0x23: {  	p0 =	por $0x0, $0x0;
	s18 =	simm.s32 $0x1;
	v0 =	vld.idx.msk [tilespmem:v2+s2+$0x0], $0xffff  }
0x24: {  	s18 =	simm.s32 @!p0 $0x0;
	v2 =	vld.idx.msk [tilespmem:v3+s2+$0x0], $0xffff  }
0x25: {  	s19 =	sand.u32 $0x7F00, s2;
	s18 =	sadd.s32 $0x0, s18;
	v1 =	vld.idx.msk [tilespmem:v4+s2+$0x0], $0xffff  }
0x26: {  	s22 =	sshrl.u32 s19, $0x1;
	s20 =	sor.u32 $0x80, s18;
	s18 =	sor.u32 $0xC0, s18;
	v4 =	vld.idx.msk [tilespmem:v5+s2+$0x0], $0xffff  }
0x27: {  	s19 =	simm.s32 $0x0;
	s21 =	sshra.s32 s20, $0x1;
	s23 =	sshra.s32 s18, $0x1;
	v3 =	vld.idx.msk [tilespmem:v6+s2+$0x0], $0xffff  }
0x28: {  	s18 =	simm.s32 $0x100C0;
	s20 =	simm.s32 $0x0;
	s17 =	simm.s32 $0x0;
	v5 =	vld.idx.msk [tilespmem:v7+s2+$0x0], $0xffff;
	v6 =	vpack.i.f32.bf16 v9, v8  }
.LBB2_2:
0x29: {  	v7 =	vld [tilespmem:s18+$0x20];
	s24 =	sadd.s32 $0x14E80, s22;
	[tilespmem:s23+$0x14E80] =	vst v6;
	s19 =	sadd.s32 $0x1, s19  }
0x2a: {  	s17 =	sadd.s32 $0x4, s17;
	v0 =	vpack.i.f32.bf16 v2, v0;
	v6 =	vld [tilespmem:s18+$0x30]  }
0x2b: {  	p1 =	slt.u32 s17, $0x26C;
	v2 =	vld [tilespmem:s18+$0xFFFFFFC0];
	[tilespmem:s22+$0x14E80] =	vst v0  }
0x2c: {  	v0 =	vpack.i.f32.bf16 v4, v1;
	v8 =	vld [tilespmem:s18+$0xFFFFFFD0]  }
0x2d: {  	v1 =	vld [tilespmem:s18+$0xFFFFFFE0];
	[tilespmem:s24+$0x20] =	vst v0  }
0x2e: {  	v0 =	vpack.i.f32.bf16 v5, v3;
	v4 =	vld [tilespmem:s18+$0xFFFFFFF0]  }
0x2f: {  	v3 =	vld [tilespmem:s18+$0x0];
	[tilespmem:s21+$0x14E80] =	vst v0  }
0x30: {  	v5 =	vld [tilespmem:s18+$0x10]  }
0x31: {  	v7 =	vld.idx.msk [tilespmem:v7+s2+$0x0], $0xffff  }
0x32: {  	v6 =	vld.idx.msk [tilespmem:v6+s2+$0x0], $0xffff  }
0x33: {  	v0 =	vld.idx.msk [tilespmem:v2+s2+$0x0], $0xffff  }
.Ltmp0:
0x34: {  	p0 =	por !p0, !p0;
	s21 =	simm.s32 $0x1;
	v2 =	vld.idx.msk [tilespmem:v8+s2+$0x0], $0xffff;
	(pc) =	sbr.rel @p1 .LBB2_2-.Ltmp0, $4  }
0x35: {  	s20 =	sadd.s32 $0x80, s20;
	s21 =	simm.s32 @!p0 $0x0;
	v1 =	vld.idx.msk [tilespmem:v1+s2+$0x0], $0xffff  }
0x36: {  	s22 =	sand.u32 $0x7F00, s20;
	s21 =	sadd.s32 s21, s20;
	v4 =	vld.idx.msk [tilespmem:v4+s2+$0x0], $0xffff  }
0x37: {  	s22 =	sshrl.u32 s22, $0x1;
	s23 =	sor.u32 $0x80, s21;
	s24 =	sor.u32 $0xC0, s21;
	v3 =	vld.idx.msk [tilespmem:v3+s2+$0x0], $0xffff  }
0x38: {  	s18 =	sadd.s32 $0x80, s18;
	s21 =	sshra.s32 s23, $0x1;
	s23 =	sshra.s32 s24, $0x1;
	v6 =	vpack.i.f32.bf16 v6, v7;
	v5 =	vld.idx.msk [tilespmem:v5+s2+$0x0], $0xffff  }
0x39: {  	_ =	sdelay $0x1  }
0x3a: {  	[tilespmem:s23+$0x14E80] =	vst v6;
	v0 =	vpack.i.f32.bf16 v2, v0  }
0x3b: {  	s17 =	sadd.s32 $0x14E80, s22;
	[tilespmem:s22+$0x14E80] =	vst v0;
	v0 =	vpack.i.f32.bf16 v4, v1  }
0x3c: {  	[tilespmem:s17+$0x20] =	vst v0;
	v0 =	vpack.i.f32.bf16 v5, v3  }
0x3d: {  	[tilespmem:s21+$0x14E80] =	vst v0  }
0x3e: {  	v0 =	vld [tilespmem:$0x14E00]  }
0x3f: {  	v1 =	vld [tilespmem:$0x14E10];
	_ =	sdelay $0x5  }
0x40: {  	s17 =	simm.s32 $0x0  }
0x41: {  	v0 =	vld.idx.msk [tilespmem:v0+s17+$0x0], $0xffff  }
0x42: {  	v1 =	vld.idx.msk [tilespmem:v1+s17+$0x0], $0xffff;
	_ =	sdelay $0x4  }
0x43: {  	v0 =	vpack.i.f32.bf16 v1, v0  }
0x44: {  	[tilespmem:$0x17580] =	vst v0  }
0x45: {  	[hbm4b:s5+s17] =	stream.linear.scatter [tilespmem:s15], [sflag:$0x1], $0x2780, $0x38;
	[tilespmem:$0x17600] =	vst v63  }
0x46: {  	_ =	swait.ge [sflag:s14], $0x2780  }
0x47: {  	[sflag:s14] =	ssyncset.done $0x0  }
0x48: {  	[sflag:s14] =	ssyncadd.s32 $0xFFFFD880  }
0x49: {  	[tilespmem:s17], [sflag:$0x1] =	stream.linear.gather [hbm4b:s6+s17], $0x10000, $0x38;
	[tilespmem:$0x17600] =	vst v63  }
0x4a: {  	_ =	swait.ge [sflag:s14], $0x10000  }
0x4b: {  	[sflag:s14] =	ssyncset.done $0x0  }
0x4c: {  	s18 =	simm.s32 $0x10040;
	[sflag:s14] =	ssyncadd.s32 $0xFFFF0000  }
0x4d: {  	v0 =	vld [tilespmem:s18+$0x20]  }
0x4e: {  	v1 =	vld [tilespmem:s18+$0x30]  }
0x4f: {  	v2 =	vld [tilespmem:s18+$0xFFFFFFC0]  }
0x50: {  	v3 =	vld [tilespmem:s18+$0xFFFFFFD0]  }
0x51: {  	v4 =	vld [tilespmem:s18+$0xFFFFFFE0]  }
0x52: {  	v5 =	vld [tilespmem:s18+$0xFFFFFFF0]  }
0x53: {  	v6 =	vld [tilespmem:s18+$0x0]  }
0x54: {  	v7 =	vld [tilespmem:s18+$0x10]  }
0x55: {  	v8 =	vld.idx.msk [tilespmem:v0+s2+$0x0], $0xffff  }
0x56: {  	v9 =	vld.idx.msk [tilespmem:v1+s2+$0x0], $0xffff  }
0x57: {  	v0 =	vld.idx.msk [tilespmem:v2+s2+$0x0], $0xffff  }
0x58: {  	p0 =	por $0x0, $0x0;
	s18 =	simm.s32 $0x1;
	v2 =	vld.idx.msk [tilespmem:v3+s2+$0x0], $0xffff  }
0x59: {  	s20 =	sand.u32 $0x7F00, s17;
	s18 =	simm.s32 @!p0 $0x0;
	v1 =	vld.idx.msk [tilespmem:v4+s2+$0x0], $0xffff  }
0x5a: {  	s22 =	sshrl.u32 s20, $0x1;
	s20 =	simm.s32 $0x0;
	s19 =	sadd.s32 $0x0, s18;
	v4 =	vld.idx.msk [tilespmem:v5+s2+$0x0], $0xffff  }
0x5b: {  	s18 =	simm.s32 $0x0;
	s31 =	sor.u32 $0x80, s19;
	s19 =	sor.u32 $0xC0, s19;
	v3 =	vld.idx.msk [tilespmem:v6+s2+$0x0], $0xffff  }
0x5c: {  	s21 =	sshra.s32 s31, $0x1;
	s23 =	sshra.s32 s19, $0x1;
	s19 =	simm.s32 $0x100C0;
	v5 =	vld.idx.msk [tilespmem:v7+s2+$0x0], $0xffff;
	v6 =	vpack.i.f32.bf16 v9, v8  }
.LBB2_4:
0x5d: {  	v7 =	vld [tilespmem:s19+$0x20];
	s24 =	sadd.s32 $0x14E80, s22;
	[tilespmem:s23+$0x14E80] =	vst v6;
	s17 =	sadd.s32 $0x1, s17  }
0x5e: {  	s18 =	sadd.s32 $0x4, s18;
	v0 =	vpack.i.f32.bf16 v2, v0;
	v6 =	vld [tilespmem:s19+$0x30]  }
0x5f: {  	p1 =	slt.u32 s18, $0x26C;
	v2 =	vld [tilespmem:s19+$0xFFFFFFC0];
	[tilespmem:s22+$0x14E80] =	vst v0  }
0x60: {  	v0 =	vpack.i.f32.bf16 v4, v1;
	v8 =	vld [tilespmem:s19+$0xFFFFFFD0]  }
0x61: {  	v1 =	vld [tilespmem:s19+$0xFFFFFFE0];
	[tilespmem:s24+$0x20] =	vst v0  }
0x62: {  	v0 =	vpack.i.f32.bf16 v5, v3;
	v4 =	vld [tilespmem:s19+$0xFFFFFFF0]  }
0x63: {  	v3 =	vld [tilespmem:s19+$0x0];
	[tilespmem:s21+$0x14E80] =	vst v0  }
0x64: {  	v5 =	vld [tilespmem:s19+$0x10]  }
0x65: {  	v7 =	vld.idx.msk [tilespmem:v7+s2+$0x0], $0xffff  }
0x66: {  	v6 =	vld.idx.msk [tilespmem:v6+s2+$0x0], $0xffff  }
0x67: {  	v0 =	vld.idx.msk [tilespmem:v2+s2+$0x0], $0xffff  }
.Ltmp1:
0x68: {  	p0 =	por !p0, !p0;
	s21 =	simm.s32 $0x1;
	v2 =	vld.idx.msk [tilespmem:v8+s2+$0x0], $0xffff;
	(pc) =	sbr.rel @p1 .LBB2_4-.Ltmp1, $4  }
0x69: {  	s20 =	sadd.s32 $0x80, s20;
	s21 =	simm.s32 @!p0 $0x0;
	v1 =	vld.idx.msk [tilespmem:v1+s2+$0x0], $0xffff  }
0x6a: {  	s22 =	sand.u32 $0x7F00, s20;
	s21 =	sadd.s32 s21, s20;
	v4 =	vld.idx.msk [tilespmem:v4+s2+$0x0], $0xffff  }
0x6b: {  	s22 =	sshrl.u32 s22, $0x1;
	s23 =	sor.u32 $0x80, s21;
	s24 =	sor.u32 $0xC0, s21;
	v3 =	vld.idx.msk [tilespmem:v3+s2+$0x0], $0xffff  }
0x6c: {  	s19 =	sadd.s32 $0x80, s19;
	s21 =	sshra.s32 s23, $0x1;
	s23 =	sshra.s32 s24, $0x1;
	v6 =	vpack.i.f32.bf16 v6, v7;
	v5 =	vld.idx.msk [tilespmem:v5+s2+$0x0], $0xffff  }
0x6d: {  	_ =	sdelay $0x1  }
0x6e: {  	[tilespmem:s23+$0x14E80] =	vst v6;
	v0 =	vpack.i.f32.bf16 v2, v0  }
0x6f: {  	s17 =	sadd.s32 $0x14E80, s22;
	[tilespmem:s22+$0x14E80] =	vst v0;
	v0 =	vpack.i.f32.bf16 v4, v1  }
0x70: {  	[tilespmem:s17+$0x20] =	vst v0;
	v0 =	vpack.i.f32.bf16 v5, v3  }
0x71: {  	[tilespmem:s21+$0x14E80] =	vst v0  }
0x72: {  	v0 =	vld [tilespmem:$0x14E00]  }
0x73: {  	v1 =	vld [tilespmem:$0x14E10];
	_ =	sdelay $0x5  }
0x74: {  	s17 =	simm.s32 $0x0  }
0x75: {  	v0 =	vld.idx.msk [tilespmem:v0+s17+$0x0], $0xffff  }
0x76: {  	v1 =	vld.idx.msk [tilespmem:v1+s17+$0x0], $0xffff;
	_ =	sdelay $0x4  }
0x77: {  	v0 =	vpack.i.f32.bf16 v1, v0  }
0x78: {  	[tilespmem:$0x17580] =	vst v0  }
0x79: {  	[hbm4b:s7+s17] =	stream.linear.scatter [tilespmem:s15], [sflag:$0x1], $0x2780, $0x38;
	[tilespmem:$0x17600] =	vst v63  }
0x7a: {  	_ =	swait.ge [sflag:s14], $0x2780  }
0x7b: {  	[sflag:s14] =	ssyncset.done $0x0  }
0x7c: {  	[sflag:s14] =	ssyncadd.s32 $0xFFFFD880  }
0x7d: {  	[tilespmem:s17], [sflag:$0x1] =	stream.linear.gather [hbm4b:s8+s17], $0x10000, $0x38;
	[tilespmem:$0x17600] =	vst v63  }
0x7e: {  	_ =	swait.ge [sflag:s14], $0x10000  }
0x7f: {  	[sflag:s14] =	ssyncset.done $0x0  }
0x80: {  	s18 =	simm.s32 $0x10040;
	[sflag:s14] =	ssyncadd.s32 $0xFFFF0000  }
0x81: {  	v0 =	vld [tilespmem:s18+$0x20]  }
0x82: {  	v1 =	vld [tilespmem:s18+$0x30]  }
0x83: {  	v2 =	vld [tilespmem:s18+$0xFFFFFFC0]  }
0x84: {  	v3 =	vld [tilespmem:s18+$0xFFFFFFD0]  }
0x85: {  	v4 =	vld [tilespmem:s18+$0xFFFFFFE0]  }
0x86: {  	v5 =	vld [tilespmem:s18+$0xFFFFFFF0]  }
0x87: {  	v6 =	vld [tilespmem:s18+$0x0]  }
0x88: {  	v7 =	vld [tilespmem:s18+$0x10]  }
0x89: {  	v8 =	vld.idx.msk [tilespmem:v0+s2+$0x0], $0xffff  }
0x8a: {  	v9 =	vld.idx.msk [tilespmem:v1+s2+$0x0], $0xffff  }
0x8b: {  	v0 =	vld.idx.msk [tilespmem:v2+s2+$0x0], $0xffff  }
0x8c: {  	p0 =	por $0x0, $0x0;
	s18 =	simm.s32 $0x1;
	v2 =	vld.idx.msk [tilespmem:v3+s2+$0x0], $0xffff  }
0x8d: {  	s20 =	sand.u32 $0x7F00, s17;
	s18 =	simm.s32 @!p0 $0x0;
	v1 =	vld.idx.msk [tilespmem:v4+s2+$0x0], $0xffff  }
0x8e: {  	s22 =	sshrl.u32 s20, $0x1;
	s20 =	simm.s32 $0x0;
	s19 =	sadd.s32 $0x0, s18;
	v4 =	vld.idx.msk [tilespmem:v5+s2+$0x0], $0xffff  }
0x8f: {  	s18 =	simm.s32 $0x0;
	s31 =	sor.u32 $0x80, s19;
	s19 =	sor.u32 $0xC0, s19;
	v3 =	vld.idx.msk [tilespmem:v6+s2+$0x0], $0xffff  }
0x90: {  	s21 =	sshra.s32 s31, $0x1;
	s23 =	sshra.s32 s19, $0x1;
	s19 =	simm.s32 $0x100C0;
	v5 =	vld.idx.msk [tilespmem:v7+s2+$0x0], $0xffff;
	v6 =	vpack.i.f32.bf16 v9, v8  }
.LBB2_6:
0x91: {  	v7 =	vld [tilespmem:s19+$0x20];
	s24 =	sadd.s32 $0x14E80, s22;
	[tilespmem:s23+$0x14E80] =	vst v6;
	s17 =	sadd.s32 $0x1, s17  }
0x92: {  	s18 =	sadd.s32 $0x4, s18;
	v0 =	vpack.i.f32.bf16 v2, v0;
	v6 =	vld [tilespmem:s19+$0x30]  }
0x93: {  	p1 =	slt.u32 s18, $0x26C;
	v2 =	vld [tilespmem:s19+$0xFFFFFFC0];
	[tilespmem:s22+$0x14E80] =	vst v0  }
0x94: {  	v0 =	vpack.i.f32.bf16 v4, v1;
	v8 =	vld [tilespmem:s19+$0xFFFFFFD0]  }
0x95: {  	v1 =	vld [tilespmem:s19+$0xFFFFFFE0];
	[tilespmem:s24+$0x20] =	vst v0  }
0x96: {  	v0 =	vpack.i.f32.bf16 v5, v3;
	v4 =	vld [tilespmem:s19+$0xFFFFFFF0]  }
0x97: {  	v3 =	vld [tilespmem:s19+$0x0];
	[tilespmem:s21+$0x14E80] =	vst v0  }
0x98: {  	v5 =	vld [tilespmem:s19+$0x10]  }
0x99: {  	v7 =	vld.idx.msk [tilespmem:v7+s2+$0x0], $0xffff  }
0x9a: {  	v6 =	vld.idx.msk [tilespmem:v6+s2+$0x0], $0xffff  }
0x9b: {  	v0 =	vld.idx.msk [tilespmem:v2+s2+$0x0], $0xffff  }
.Ltmp2:
0x9c: {  	p0 =	por !p0, !p0;
	s21 =	simm.s32 $0x1;
	v2 =	vld.idx.msk [tilespmem:v8+s2+$0x0], $0xffff;
	(pc) =	sbr.rel @p1 .LBB2_6-.Ltmp2, $4  }
0x9d: {  	s20 =	sadd.s32 $0x80, s20;
	s21 =	simm.s32 @!p0 $0x0;
	v1 =	vld.idx.msk [tilespmem:v1+s2+$0x0], $0xffff  }
0x9e: {  	s22 =	sand.u32 $0x7F00, s20;
	s21 =	sadd.s32 s21, s20;
	v4 =	vld.idx.msk [tilespmem:v4+s2+$0x0], $0xffff  }
0x9f: {  	s22 =	sshrl.u32 s22, $0x1;
	s23 =	sor.u32 $0x80, s21;
	s24 =	sor.u32 $0xC0, s21;
	v3 =	vld.idx.msk [tilespmem:v3+s2+$0x0], $0xffff  }
0xa0: {  	s19 =	sadd.s32 $0x80, s19;
	s21 =	sshra.s32 s23, $0x1;
	s23 =	sshra.s32 s24, $0x1;
	v6 =	vpack.i.f32.bf16 v6, v7;
	v5 =	vld.idx.msk [tilespmem:v5+s2+$0x0], $0xffff  }
0xa1: {  	_ =	sdelay $0x1  }
0xa2: {  	[tilespmem:s23+$0x14E80] =	vst v6;
	v0 =	vpack.i.f32.bf16 v2, v0  }
0xa3: {  	s17 =	sadd.s32 $0x14E80, s22;
	[tilespmem:s22+$0x14E80] =	vst v0;
	v0 =	vpack.i.f32.bf16 v4, v1  }
0xa4: {  	[tilespmem:s17+$0x20] =	vst v0;
	v0 =	vpack.i.f32.bf16 v5, v3  }
0xa5: {  	[tilespmem:s21+$0x14E80] =	vst v0  }
0xa6: {  	v0 =	vld [tilespmem:$0x14E00]  }
0xa7: {  	v1 =	vld [tilespmem:$0x14E10];
	_ =	sdelay $0x5  }
0xa8: {  	s17 =	simm.s32 $0x0  }
0xa9: {  	v0 =	vld.idx.msk [tilespmem:v0+s17+$0x0], $0xffff  }
0xaa: {  	v1 =	vld.idx.msk [tilespmem:v1+s17+$0x0], $0xffff;
	_ =	sdelay $0x4  }
0xab: {  	v0 =	vpack.i.f32.bf16 v1, v0  }
0xac: {  	[tilespmem:$0x17580] =	vst v0  }
0xad: {  	[hbm4b:s9+s17] =	stream.linear.scatter [tilespmem:s15], [sflag:$0x1], $0x2780, $0x38;
	[tilespmem:$0x17600] =	vst v63  }
0xae: {  	_ =	swait.ge [sflag:s14], $0x2780  }
0xaf: {  	[sflag:s14] =	ssyncset.done $0x0  }
0xb0: {  	[sflag:s14] =	ssyncadd.s32 $0xFFFFD880  }
0xb1: {  	[tilespmem:s17], [sflag:$0x1] =	stream.linear.gather [hbm4b:s10+s17], $0x10000, $0x38;
	[tilespmem:$0x17600] =	vst v63  }
0xb2: {  	_ =	swait.ge [sflag:s14], $0x10000  }
0xb3: {  	[sflag:s14] =	ssyncset.done $0x0  }
0xb4: {  	s18 =	simm.s32 $0x10040;
	[sflag:s14] =	ssyncadd.s32 $0xFFFF0000  }
0xb5: {  	v0 =	vld [tilespmem:s18+$0x20]  }
0xb6: {  	v1 =	vld [tilespmem:s18+$0x30]  }
0xb7: {  	v2 =	vld [tilespmem:s18+$0xFFFFFFC0]  }
0xb8: {  	v3 =	vld [tilespmem:s18+$0xFFFFFFD0]  }
0xb9: {  	v4 =	vld [tilespmem:s18+$0xFFFFFFE0]  }
0xba: {  	v5 =	vld [tilespmem:s18+$0xFFFFFFF0]  }
0xbb: {  	v6 =	vld [tilespmem:s18+$0x0]  }
0xbc: {  	v7 =	vld [tilespmem:s18+$0x10]  }
0xbd: {  	v8 =	vld.idx.msk [tilespmem:v0+s2+$0x0], $0xffff  }
0xbe: {  	v9 =	vld.idx.msk [tilespmem:v1+s2+$0x0], $0xffff  }
0xbf: {  	v0 =	vld.idx.msk [tilespmem:v2+s2+$0x0], $0xffff  }
0xc0: {  	p0 =	por $0x0, $0x0;
	s18 =	simm.s32 $0x1;
	v2 =	vld.idx.msk [tilespmem:v3+s2+$0x0], $0xffff  }
0xc1: {  	s20 =	sand.u32 $0x7F00, s17;
	s18 =	simm.s32 @!p0 $0x0;
	v1 =	vld.idx.msk [tilespmem:v4+s2+$0x0], $0xffff  }
0xc2: {  	s22 =	sshrl.u32 s20, $0x1;
	s20 =	simm.s32 $0x0;
	s19 =	sadd.s32 $0x0, s18;
	v4 =	vld.idx.msk [tilespmem:v5+s2+$0x0], $0xffff  }
0xc3: {  	s18 =	simm.s32 $0x0;
	s31 =	sor.u32 $0x80, s19;
	s19 =	sor.u32 $0xC0, s19;
	v3 =	vld.idx.msk [tilespmem:v6+s2+$0x0], $0xffff  }
0xc4: {  	s21 =	sshra.s32 s31, $0x1;
	s23 =	sshra.s32 s19, $0x1;
	s19 =	simm.s32 $0x100C0;
	v5 =	vld.idx.msk [tilespmem:v7+s2+$0x0], $0xffff;
	v6 =	vpack.i.f32.bf16 v9, v8  }
.LBB2_8:
0xc5: {  	v7 =	vld [tilespmem:s19+$0x20];
	s24 =	sadd.s32 $0x14E80, s22;
	[tilespmem:s23+$0x14E80] =	vst v6;
	s17 =	sadd.s32 $0x1, s17  }
0xc6: {  	s18 =	sadd.s32 $0x4, s18;
	v0 =	vpack.i.f32.bf16 v2, v0;
	v6 =	vld [tilespmem:s19+$0x30]  }
0xc7: {  	p1 =	slt.u32 s18, $0x26C;
	v2 =	vld [tilespmem:s19+$0xFFFFFFC0];
	[tilespmem:s22+$0x14E80] =	vst v0  }
0xc8: {  	v0 =	vpack.i.f32.bf16 v4, v1;
	v8 =	vld [tilespmem:s19+$0xFFFFFFD0]  }
0xc9: {  	v1 =	vld [tilespmem:s19+$0xFFFFFFE0];
	[tilespmem:s24+$0x20] =	vst v0  }
0xca: {  	v0 =	vpack.i.f32.bf16 v5, v3;
	v4 =	vld [tilespmem:s19+$0xFFFFFFF0]  }
0xcb: {  	v3 =	vld [tilespmem:s19+$0x0];
	[tilespmem:s21+$0x14E80] =	vst v0  }
0xcc: {  	v5 =	vld [tilespmem:s19+$0x10]  }
0xcd: {  	v7 =	vld.idx.msk [tilespmem:v7+s2+$0x0], $0xffff  }
0xce: {  	v6 =	vld.idx.msk [tilespmem:v6+s2+$0x0], $0xffff  }
0xcf: {  	v0 =	vld.idx.msk [tilespmem:v2+s2+$0x0], $0xffff  }
.Ltmp3:
0xd0: {  	p0 =	por !p0, !p0;
	s21 =	simm.s32 $0x1;
	v2 =	vld.idx.msk [tilespmem:v8+s2+$0x0], $0xffff;
	(pc) =	sbr.rel @p1 .LBB2_8-.Ltmp3, $4  }
0xd1: {  	s20 =	sadd.s32 $0x80, s20;
	s21 =	simm.s32 @!p0 $0x0;
	v1 =	vld.idx.msk [tilespmem:v1+s2+$0x0], $0xffff  }
0xd2: {  	s22 =	sand.u32 $0x7F00, s20;
	s21 =	sadd.s32 s21, s20;
	v4 =	vld.idx.msk [tilespmem:v4+s2+$0x0], $0xffff  }
0xd3: {  	s22 =	sshrl.u32 s22, $0x1;
	s23 =	sor.u32 $0x80, s21;
	s24 =	sor.u32 $0xC0, s21;
	v3 =	vld.idx.msk [tilespmem:v3+s2+$0x0], $0xffff  }
0xd4: {  	s19 =	sadd.s32 $0x80, s19;
	s21 =	sshra.s32 s23, $0x1;
	s23 =	sshra.s32 s24, $0x1;
	v6 =	vpack.i.f32.bf16 v6, v7;
	v5 =	vld.idx.msk [tilespmem:v5+s2+$0x0], $0xffff  }
0xd5: {  	_ =	sdelay $0x1  }
0xd6: {  	[tilespmem:s23+$0x14E80] =	vst v6;
	v0 =	vpack.i.f32.bf16 v2, v0  }
0xd7: {  	s17 =	sadd.s32 $0x14E80, s22;
	[tilespmem:s22+$0x14E80] =	vst v0;
	v61 =	vpack.i.f32.bf16 v4, v1  }
0xd8: {  	[tilespmem:s17+$0x20] =	vst v61;
	v62 =	vpack.i.f32.bf16 v5, v3  }
0xd9: {  	[tilespmem:s21+$0x14E80] =	vst v62  }
0xda: {  	v0 =	vld [tilespmem:$0x14E00]  }
0xdb: {  	v63 =	vld [tilespmem:$0x14E10];
	_ =	sdelay $0x6  }
0xdc: {  	v0 =	vld.idx.msk [tilespmem:v0+s2+$0x0], $0xffff  }
0xdd: {  	v1 =	vld.idx.msk [tilespmem:v63+s2+$0x0], $0xffff;
	_ =	sdelay $0x3  }
0xde: {  	s16 =	sadd.s32 $0x1, s16  }
0xdf: {  	p0 =	sne.s32 s16, s12;
	v0 =	vpack.i.f32.bf16 v1, v0  }
.Ltmp4:
0xe0: {  	[tilespmem:$0x17580] =	vst v0;
	(pc) =	sbr.rel @p0 .LBB2_1-.Ltmp4, $4  }
0xe1: {  	[hbm4b:s11+s2] =	stream.linear.scatter [tilespmem:s15], [sflag:$0x1], $0x2780, $0x38;
	[tilespmem:$0x17600] =	vst v63  }
0xe2: {  	_ =	swait.ge [sflag:s14], $0x2780  }
0xe3: {  	[sflag:s14] =	ssyncset.done $0x0  }
0xe4: {  	[sflag:s14] =	ssyncadd.s32 $0xFFFFD880  }
0xe5: {  	_ =	sfence.sel $0x180000  }
0xe6: {  	[bflag:$0x0] =	sbarrier.arrive $0xFFFF  }
0xe7: {  	p0 =	sne.s32 s1, $0x0;
	_ =	strace $0x90000047  }
0xe8: {  	s0 =	sadd.s32 @!p0 $0x100000, s0;
	[bflag:$0x2] =	sbarrier.arrive $0xFFFF  }
0xe9: {  	[sflag:s0] =	ssyncadd.tile.s32 @!p0 $0x1;
	_ =	shalt  }
.Lfunc_end2:
_tile_overlayer_lowered:
.L_overlay_start_2:
0xea: {  	(tag) =	ssettag $0x2  }
0xeb: {  	s0 =	rddreg [dreg:$0x0];
	s2 =	stileid.u32  }
0xec: {  	s1 =	rddreg [dreg:$0x1];
	p0 =	sne.s32 s2, $0x0  }
0xed: {  	s3 =	rddreg [dreg:$0x2];
	[bflag:$0x3] =	sbarrier.arrive $0xFFFF;
	s2 =	simm.s32 @!p0 $0x1C01  }
0xee: {  	[timem:s3], [sflag:s2] =	dma.local @!p0 [hbm:s0], s1  }
0xef: {  	s0 =	simm.s32 @!p0 $0x1  }
0xf0: {  	_ =	swait.ge @!p0 [sflag:s0], s1  }
0xf1: {  	s1 =	ssub.s32 @!p0 $0x0, s1;
	[sflag:s0] =	ssyncset.done @!p0 $0x0  }
0xf2: {  	[sflag:s0] =	ssyncadd.s32 @!p0 s1  }
0xf3: {  	[bflag:$0x3] =	sbarrier.arrive $0xFFFF  }
0xf4: {  	_ =	shalt  }

// kernel: kernel.16.cloned.1.call-start
scs
__scs_entry_jumppad:
0x0: {  	(pc) =	sbr.rel $0x88, $3  }
0x1: {  	(tag) =	ssettag $0x0;
	lr =	simm.s32 $0x1  }
0x2: {  	[smem:$0x3F97] =	sst lr;
	_ =	strace $0xD0000000  }
0x3: {  	_ = 	snop  }
0x4: {  	_ = 	snop  }
0x5: {  	_ = 	snop  }
0x6: {  	_ = 	snop  }
0x7: {  	_ = 	snop  }
__scs_overlays_trampoline_lowered:
0x8: {  	[smem:$0x3FA6] =	sst s0  }
0x9: {  	[smem:$0x3FA7] =	sst s1  }
0xa: {  	[smem:$0x3FA8] =	sst s2  }
0xb: {  	[smem:$0x3FA9] =	sst s3  }
0xc: {  	[smem:$0x3FAA] =	sst s4  }
0xd: {  	[smem:$0x3FAB] =	sst s5  }
0xe: {  	[smem:$0x3FAC] =	sst s6  }
0xf: {  	[smem:$0x3FAD] =	sst s7  }
0x10: {  	[smem:$0x3FAE] =	sst s8  }
0x11: {  	[smem:$0x3FAF] =	sst s9;
	s0 =	simm.s32 @!p0 $0x0  }
0x12: {  	s1 =	sld [smem:$0x3F95];
	s0 =	simm.s32 @p0 $0x1  }
0x13: {  	[smem:$0x3FB0] =	sst s0;
	s0 =	simm.s32 @!p1 $0x0  }
0x14: {  	s2 =	sld [smem:$0x3F94];
	s0 =	simm.s32 @p1 $0x1  }
0x15: {  	[smem:$0x3FB1] =	sst s0;
	s0 =	simm.s32 @!p2 $0x0  }
0x16: {  	s3 =	sld [smem:$0x3FDB];
	s0 =	simm.s32 @p2 $0x1  }
0x17: {  	s4 =	simm.s32 $0x1BF5;
	[smem:$0x3FB3] =	sst s0  }
0x18: {  	s0 =	sld [smem:$0x3F96];
	_ =	swait.ge [sflag:s4], $0x0  }
0x19: {  	s7 =	sld [smem:$0x3F97]  }
0x1a: {  	s8 =	sadd.s32 $0xFFFFE003, lr  }
0x1b: {  	s9 =	sadd.s32 $0xFFFFFEF7, lr;
	s5 =	simm.s32 $0xFFFFFFFF;
	p2 =	slt.u32 s8, $0xFFFFF086  }
0x1c: {  	p1 =	slt.u32 s9, $0xF7A;
	s5 =	simm.s32 @!p2 $0x0  }
0x1d: {  	s5 =	simm.s32 @p1 $0x1;
	p0 =	seq.s32 s7, s2  }
0x1e: {  	s7 =	smul.u32 @!p0 $0xF7A, s2;
	p2 =	seq.s32 @!p0 s5, $0x0  }
0x1f: {  	s9 =	smul.u32 $0xF7A, s1;
	s8 =	simm.s32 @!p0 $0x1BF5;
	p2 =	por !p2, p0  }
0x20: {  	[sflag:s8] =	ssyncset.s32 @!p0 $0xFFFFF086;
	s6 =	sadd.s32 @!p0 s3, s7;
	s7 =	simm.s32 @!p0 $0x108  }
0x21: {  	s3 =	sadd.s32 s3, s9;
	s6 =	sadd.s32 @!p0 $0x88, s6;
	s7 =	simm.s32 @p2 $0x1082  }
0x22: {  	[simem:s7], [sflag:s8] =	dma.local @!p0 [hbm:s6], $0xF7A  }
0x23: {  	s9 =	sor.u32 $0xD0000000, s2;
	s6 =	simm.s32 $0x108;
	_ =	swait.ge @!p0 [sflag:s8], $0x0  }
0x24: {  	s3 =	sadd.s32 $0x88, s3;
	s6 =	simm.s32 @!p1 $0x1082;
	[sflag:s4] =	ssyncset.s32 $0xFFFFF086  }
0x25: {  	[simem:s6], [sflag:s4] =	dma.local [hbm:s3], $0xF7A  }
0x26: {  	[smem:$0x3F97] =	sst s1;
	(tag) =	ssettag s2;
	_ =	strace s9  }
0x27: {  	s1 =	sld [smem:$0x3FA7]  }
0x28: {  	s2 =	sld [smem:$0x3FA8]  }
0x29: {  	s4 =	sld [smem:$0x3FAA]  }
0x2a: {  	p0 =	seq.s32 s5, $0x0;
	s5 =	sld [smem:$0x3FAB]  }
0x2b: {  	s6 =	sld [smem:$0x3FAC]  }
0x2c: {  	s7 =	sld [smem:$0x3FAD]  }
0x2d: {  	s3 =	simm.s32 $0x108;
	s8 =	sld [smem:$0x3FAE]  }
0x2e: {  	s3 =	simm.s32 @!p0 $0x1082;
	s9 =	sld [smem:$0x3FAF]  }
0x2f: {  	lr =	sadd.s32 s0, s3;
	s0 =	sld [smem:$0x3FA6]  }
0x30: {  	s3 =	sld [smem:$0x3FA9]  }
0x31: {  	[smem:$0x3FB2] =	sst s10  }
0x32: {  	s10 =	sld [smem:$0x3FB0];
	_ =	sdelay $0x3  }
0x33: {  	p0 =	seq.s32 s10, $0x1;
	s10 =	sld [smem:$0x3FB2];
	_ =	sdelay $0x3  }
0x34: {  	[smem:$0x3FB2] =	sst s10  }
0x35: {  	s10 =	sld [smem:$0x3FB1];
	_ =	sdelay $0x3  }
0x36: {  	p1 =	seq.s32 s10, $0x1;
	s10 =	sld [smem:$0x3FB2];
	_ =	sdelay $0x3  }
0x37: {  	[smem:$0x3FB2] =	sst s10  }
0x38: {  	s10 =	sld [smem:$0x3FB3]  }
0x39: {  	_ = 	snop;
	(pc) =	sbr.ind lr, $3  }
0x3a: {  	_ = 	snop  }
0x3b: {  	_ = 	snop  }
0x3c: {  	p2 =	seq.s32 s10, $0x1;
	s10 =	sld [smem:$0x3FB2]  }
0x3d: {  	_ =	shalt  }
0x3e: {  	_ =	shalt  }
0x3f: {  	_ =	shalt  }
0x40: {  	_ =	shalt  }
0x41: {  	_ =	shalt  }
0x42: {  	_ =	shalt  }
0x43: {  	_ =	shalt  }
0x44: {  	_ =	shalt  }
0x45: {  	_ =	shalt  }
0x46: {  	_ =	shalt  }
0x47: {  	_ =	shalt  }
0x48: {  	_ =	shalt  }
0x49: {  	_ =	shalt  }
0x4a: {  	_ =	shalt  }
0x4b: {  	_ =	shalt  }
0x4c: {  	_ =	shalt  }
0x4d: {  	_ =	shalt  }
0x4e: {  	_ =	shalt  }
0x4f: {  	_ =	shalt  }
0x50: {  	_ =	shalt  }
0x51: {  	_ =	shalt  }
0x52: {  	_ =	shalt  }
0x53: {  	_ =	shalt  }
0x54: {  	_ =	shalt  }
0x55: {  	_ =	shalt  }
0x56: {  	_ =	shalt  }
0x57: {  	_ =	shalt  }
0x58: {  	_ =	shalt  }
0x59: {  	_ =	shalt  }
0x5a: {  	_ =	shalt  }
0x5b: {  	_ =	shalt  }
0x5c: {  	_ =	shalt  }
0x5d: {  	_ =	shalt  }
0x5e: {  	_ =	shalt  }
0x5f: {  	_ =	shalt  }
0x60: {  	_ =	shalt  }
0x61: {  	_ =	shalt  }
0x62: {  	_ =	shalt  }
0x63: {  	_ =	shalt  }
0x64: {  	_ =	shalt  }
0x65: {  	_ =	shalt  }
0x66: {  	_ =	shalt  }
0x67: {  	_ =	shalt  }
0x68: {  	_ =	shalt  }
0x69: {  	_ =	shalt  }
0x6a: {  	_ =	shalt  }
0x6b: {  	_ =	shalt  }
0x6c: {  	_ =	shalt  }
0x6d: {  	_ =	shalt  }
0x6e: {  	_ =	shalt  }
0x6f: {  	_ =	shalt  }
0x70: {  	_ =	shalt  }
0x71: {  	_ =	shalt  }
0x72: {  	_ =	shalt  }
0x73: {  	_ =	shalt  }
0x74: {  	_ =	shalt  }
0x75: {  	_ =	shalt  }
0x76: {  	_ =	shalt  }
0x77: {  	_ =	shalt  }
0x78: {  	_ =	shalt  }
0x79: {  	_ =	shalt  }
0x7a: {  	_ =	shalt  }
0x7b: {  	_ =	shalt  }
0x7c: {  	_ =	shalt  }
0x7d: {  	_ =	shalt  }
0x7e: {  	_ =	shalt  }
0x7f: {  	_ =	shalt  }
0x80: {  	_ =	shalt  }
0x81: {  	_ =	shalt  }
0x82: {  	_ =	shalt  }
0x83: {  	_ =	shalt  }
0x84: {  	_ =	shalt  }
0x85: {  	_ =	shalt  }
0x86: {  	_ =	shalt  }
0x87: {  	_ =	shalt  }
.Lfunc_end0:
.L_simem_size_0:
called_computation.1_lowered:
.L_overlay_start_0:
0x88: {  	s2 =	sld [smem:$0x3FD9]  }
0x89: {  	s3 =	sld [smem:$0x3FFE];
	_ =	sdelay $0x1  }
0x8a: {  	s1 =	srdreg.scid  }
0x8b: {  	s0 =	sand.u32 $0x1, s1  }
0x8c: {  	s17 =	sshll.u32 s0, $0xA;
	s2 =	sadd.s32 s3, s2  }
0x8d: {  	s2 =	sadd.s32 s2, s17  }
0x8e: {  	[smem:$0x3FBE] =	sst s2  }
0x8f: {  	_ = 	snop  }
0x90: {  	s18 =	sld [smem:$0x3FD0];
	(tm) =	ssettm $0x1  }
0x91: {  	s19 =	sld [smem:$0x3FFB];
	_ =	sdelay $0x3  }
0x92: {  	_ =	strace s19  }
0x93: {  	s2 =	sld [smem:$0x3FFC];
	_ =	sdelay $0x3  }
0x94: {  	_ =	strace s2  }
0x95: {  	s2 =	sld [smem:$0x3FFD];
	_ =	sdelay $0x3  }
0x96: {  	_ =	strace s2  }
0x97: {  	_ =	strace $0x8FFFFFFF  }
0x98: {  	s20 =	sld [smem:$0x3FDB];
	_ =	sdelay $0x1  }
0x99: {  	s4 =	simm.s32 $_scs_section_size  }
0x9a: {  	s5 =	simm.s32 $_size__tile_overlayer_lowered;
	s6 =	simm.s32 $_tile_overlayer_lowered  }
0x9b: {  	s7 =	simm.s32 $0x1BFF;
	s21 =	sshll.u32 s6, $0x1;
	s4 =	sadd.s32 s4, s20  }
0x9c: {  	s22 =	simm.s32 $0x0;
	s5 =	sshll.u32 s5, $0x1;
	s6 =	sadd.s32 s21, s4  }
0x9d: {  	[timem:s22], [sflag:s7] =	dma.local [hbm:s6], s5  }
0x9e: {  	_ =	swait.ge [sflag:s7], s5  }
0x9f: {  	s5 =	ssub.s32 $0x0, s5;
	[sflag:s7] =	ssyncset.done $0x0  }
0xa0: {  	[sflag:s7] =	ssyncadd.s32 s5;
	_ =	sdelay $0x1  }
0xa1: {  	s23 =	simm.s32 $0x1B8B  }
0xa2: {  	_ =	swait.ge [sflag:s23], $0x1  }
0xa3: {  	[sflag:s23] =	ssyncset.done $0x0  }
0xa4: {  	[sflag:s23] =	ssyncadd.s32 $0xFFFFFFFF  }
0xa5: {  	s5 =	sld [smem:$0x0]  }
0xa6: {  	s6 =	sand.u32 $0xFFFFFFFE, s1  }
0xa7: {  	p0 =	sne.s32 s1, s6  }
0xa8: {  	s6 =	sshll.u32 @p0 s6, $0xE  }
0xa9: {  	s6 =	sadd.s32 @p0 $0x11B8D, s6;
	s7 =	sshll.u32 @p0 s5, $0x11  }
0xaa: {  	s6 =	sor.u32 @p0 s7, s6  }
0xab: {  	[sflag:s6] =	ssyncadd.remote.s32 @p0 $0x1;
	_ =	sdelay $0x1  }
0xac: {  	s6 =	simm.s32 @p0 $0x1B8D  }
0xad: {  	_ =	swait.eq @p0 [sflag:s6], $0x1  }
0xae: {  	[sflag:s6] =	ssyncadd.s32 @p0 $0xFFFFFFFF  }
0xaf: {  	s7 =	sshll.u32 @!p0 s1, $0xE  }
0xb0: {  	s7 =	sor.u32 @!p0 $0x4000, s7;
	s6 =	simm.s32 @!p0 $0x1B8D  }
0xb1: {  	s5 =	sshll.u32 @!p0 s5, $0x11;
	s7 =	sadd.s32 @!p0 $0x11B8D, s7;
	_ =	swait.eq @!p0 [sflag:s6], $0x1  }
0xb2: {  	s5 =	sor.u32 @!p0 s5, s7;
	[sflag:s6] =	ssyncadd.s32 @!p0 $0xFFFFFFFF  }
0xb3: {  	s25 =	simm.s32 $0x1B8E;
	s24 =	sld [smem:$0x3FFE];
	[sflag:s5] =	ssyncadd.remote.s32 @!p0 $0x1  }
0xb4: {  	s26 =	simm.s32 $execute0_lowered;
	[smem:$0x3FD2] =	sst s25  }
0xb5: {  	s6 =	sshll.u32 s26, $0x1;
	_ =	strace $0x8000004C;
	[dreg:$0x1] =	wrdreg $0xFFFFFFFF  }
0xb6: {  	s28 =	simm.s32 $_size_execute0_lowered;
	s4 =	sadd.s32 s4, s6;
	[dreg:$0x0] =	wrdreg $0x0  }
0xb7: {  	s6 =	sshll.u32 s28, $0x1;
	[dreg:$0x2] =	wrdreg s4  }
0xb8: {  	[dreg:$0x3] =	wrdreg s6  }
0xb9: {  	[dreg:$0x4] =	wrdreg $0xC0  }
0xba: {  	_ =	task [dreg:s22], $0x5FFFF  }
0xbb: {  	[dreg:$0x1] =	wrdreg $0xFFFFFFFF  }
0xbc: {  	[dreg:$0x0] =	wrdreg $0x60  }
0xbd: {  	[dreg:$0x2] =	wrdreg s18  }
0xbe: {  	[dreg:$0x3] =	wrdreg s24  }
0xbf: {  	[dreg:$0x4] =	wrdreg $0x9  }
0xc0: {  	_ =	task.clear_ibuf [dreg:s22], $0x5FFFF;
	_ =	strace $0x9000004C  }
0xc1: {  	s29 =	simm.s32 $0x9;
	_ =	strace $0x8000004E  }
0xc2: {  	_ =	swait.ge [sflag:s29], $0x1  }
0xc3: {  	[sflag:s29] =	ssyncadd.s32 $0xFFFFFFFF  }
0xc4: {  	_ =	strace $0x9000004E  }
0xc5: {  	_ =	sfence  }
0xc6: {  	s30 =	sld [smem:$0x0];
	_ =	sdelay $0x2  }
0xc7: {  	s31 =	sshll.u32 s1, $0xD;
	s1 =	sshrl.u32 s1, $0x2  }
0xc8: {  	s4 =	sand.u32 $0x4000, s31;
	s1 =	sadd.s32 s1, s30  }
0xc9: {  	s0 =	sor.u32 s4, s0;
	s1 =	sshll.u32 s1, $0x11  }
0xca: {  	s0 =	sor.u32 s1, s0  }
0xcb: {  	s0 =	sadd.s32 $0x8F2B, s0  }
0xcc: {  	[sflag:s0] =	ssyncadd.remote.s32 $0x1  }
0xcd: {  	_ =	sfence.sel $0xFFFF  }
0xce: {  	[dreg:$0x0] =	wrdreg $0xFFFFFFFF;
	(pc) =	sbr.abs _section_cstart, $3  }
0xcf: {  	[dreg:$0x1] =	wrdreg $0xFFFFFFFF  }
0xd0: {  	_ =	task.clear_ibuf [dreg:s22], $0x2FFFF;
	_ =	strace $0x9FFFFFFF  }
0xd1: {  	(tm) =	ssettm $0x7FFFFFFF  }
tec
execute0_lowered:
.L_overlay_start_1:
0x0: {  	(tag) =	ssettag $0x1  }
0x1: {  	s11 =	rddreg [dreg:$0x0]  }
0x2: {  	s4 =	rddreg [dreg:$0x1]  }
0x3: {  	s0 =	rddreg [dreg:$0x2];
	s2 =	simm.s32 $0x0;
	s3 =	srdreg.scid  }
0x4: {  	s1 =	stileid.u32;
	[smem:$0x7FF] =	sst s2  }
0x5: {  	s5 =	sand.u32 $0x1, s3;
	s6 =	sshll.u32 s1, $0x1;
	s3 =	sadd.s32 $0x2C00, s4  }
0x6: {  	s12 =	sadd.s32 $0x2D800, s4;
	s4 =	sadd.s32 $0x2B800, s4;
	s7 =	ssub.s32 $0x2, s5  }
0x7: {  	_ =	strace $0x8000004D;
	s14 =	sor.u32 s5, s6;
	s28 =	sshrl.u32 s7, $0x1  }
0x8: {  	s6 =	smul.u32 $0x13C0, s14;
	s29 =	sshll.u32 s14, $0x2;
	s30 =	sshll.u32 s14, $0xF  }
0x9: {  	s16 =	sshllo.u32 s14, $0x2;
	p0 =	sne.s32 s14, $0x0;
	s14 =	simm.s32 $0x10000  }
0xa: {  	s13 =	ssub.s32 s7, s28;
	s8 =	sor.u32 $0x1, s29;
	s10 =	sor.u32 $0x2, s29  }
0xb: {  	s17 =	smul.u32 $0x4F0, s16;
	s31 =	sshll.u32 s16, $0xD;
	s16 =	simm.s32 $0x14E80  }
0xc: {  	s5 =	sadd.s32 s11, s6;
	s6 =	sadd.s32 s12, s30;
	s9 =	smul.u32 $0x4F0, s8  }
0xd: {  	s8 =	sshll.u32 s8, $0xD;
	s15 =	smul.u32 $0x4F0, s10;
	s10 =	sshll.u32 s10, $0xD  }
0xe: {  	s13 =	smax.u32 s13, $0x1;
	s8 =	sadd.s32 s12, s8;
	s10 =	sadd.s32 s12, s10  }
0xf: {  	s12 =	sadd.s32 s12, s31;
	s7 =	sadd.s32 s11, s9;
	s9 =	sadd.s32 s11, s15  }
0x10: {  	v0 =	vimm.f32 $0.0e+00;
	v1 =	vimm.f32 $1.000000000e+00;
	s11 =	sadd.s32 s11, s17;
	s15 =	simm.s32 $0x1;
	s17 =	simm.s32 $0x0  }
.LBB2_1:
.Ltmp0:
0x11: {  	(pc) =	sbr.rel @p0 .LBB2_9-.Ltmp0, $4  }
0x12: {  	[tilespmem:s14], [sflag:$0x1] =	stream.linear.gather [hbm4b:s3+s2], $0x4E20, $0x38;
	[tilespmem:$0x17600] =	vst v63  }
0x13: {  	_ =	swait.ge [sflag:s15], $0x4E20  }
0x14: {  	[sflag:s15] =	ssyncset.done $0x0  }
0x15: {  	[sflag:s15] =	ssyncadd.s32 $0xFFFFB1E0  }
0x16: {  	s19 =	simm.s32 $0x40  }
0x17: {  	[tilespmem:s19+$0xFFFFFFC0] =	vst v0  }
0x18: {  	[tilespmem:s19+$0x30] =	vst v0  }
0x19: {  	[tilespmem:s19+$0x20] =	vst v0  }
0x1a: {  	[tilespmem:s19+$0x10] =	vst v0  }
0x1b: {  	[tilespmem:s19+$0x0] =	vst v0  }
0x1c: {  	[tilespmem:s19+$0xFFFFFFF0] =	vst v0  }
0x1d: {  	s20 =	simm.s32 $0x0;
	[tilespmem:s19+$0xFFFFFFE0] =	vst v0  }
.LBB2_3:
0x1e: {  	s20 =	sadd.s32 $0x8, s20;
	[tilespmem:s19+$0xFFFFFFD0] =	vst v0;
	s19 =	sadd.s32 $0x80, s19;
	s18 =	simm.s32 $0x10040  }
0x1f: {  	[tilespmem:s19+$0xFFFFFFC0] =	vst v0;
	p1 =	slt.u32 s20, $0xFF8  }
0x20: {  	[tilespmem:s19+$0x30] =	vst v0  }
.Ltmp1:
0x21: {  	[tilespmem:s19+$0x20] =	vst v0;
	(pc) =	sbr.rel @p1 .LBB2_3-.Ltmp1, $4  }
0x22: {  	[tilespmem:s19+$0x10] =	vst v0  }
0x23: {  	[tilespmem:s19+$0x0] =	vst v0  }
0x24: {  	[tilespmem:s19+$0xFFFFFFF0] =	vst v0  }
0x25: {  	[tilespmem:s19+$0xFFFFFFE0] =	vst v0  }
0x26: {  	[tilespmem:s19+$0xFFFFFFD0] =	vst v0  }
0x27: {  	v3 =	vld [tilespmem:s18+$0xFFFFFFC0]  }
0x28: {  	v4 =	vld [tilespmem:s18+$0x30]  }
0x29: {  	v5 =	vld [tilespmem:s18+$0x20]  }
0x2a: {  	v6 =	vld [tilespmem:s18+$0x10]  }
0x2b: {  	v7 =	vld [tilespmem:s18+$0x0]  }
0x2c: {  	v8 =	vld [tilespmem:s18+$0xFFFFFFF0]  }
0x2d: {  	v9 =	vld [tilespmem:s18+$0xFFFFFFE0]  }
0x2e: {  	s19 =	simm.s32 $0x0;
	v2 =	vld [tilespmem:s18+$0xFFFFFFD0]  }
0x2f: {  	[tilespmem:v3+s19+$0x0] =	vst.idx.add.f32.msk $0xffff, v1  }
0x30: {  	[tilespmem:v4+s19+$0x0] =	vst.idx.add.f32.msk $0xffff, v1  }
0x31: {  	[tilespmem:v5+s19+$0x0] =	vst.idx.add.f32.msk $0xffff, v1  }
0x32: {  	[tilespmem:v6+s19+$0x0] =	vst.idx.add.f32.msk $0xffff, v1  }
0x33: {  	[tilespmem:v7+s19+$0x0] =	vst.idx.add.f32.msk $0xffff, v1  }
0x34: {  	[tilespmem:v8+s19+$0x0] =	vst.idx.add.f32.msk $0xffff, v1  }
0x35: {  	s20 =	simm.s32 $0x0;
	[tilespmem:v9+s19+$0x0] =	vst.idx.add.f32.msk $0xffff, v1  }
.LBB2_5:
0x36: {  	s20 =	sadd.s32 $0x8, s20;
	[tilespmem:v2+s19+$0x0] =	vst.idx.add.f32.msk $0xffff, v1;
	s18 =	sadd.s32 $0x80, s18  }
0x37: {  	v3 =	vld [tilespmem:s18+$0xFFFFFFC0];
	p1 =	slt.u32 s20, $0x4D8  }
0x38: {  	v4 =	vld [tilespmem:s18+$0x30]  }
0x39: {  	v5 =	vld [tilespmem:s18+$0x20]  }
0x3a: {  	v6 =	vld [tilespmem:s18+$0x10]  }
0x3b: {  	v7 =	vld [tilespmem:s18+$0x0]  }
0x3c: {  	v8 =	vld [tilespmem:s18+$0xFFFFFFF0]  }
0x3d: {  	v9 =	vld [tilespmem:s18+$0xFFFFFFE0]  }
0x3e: {  	v2 =	vld [tilespmem:s18+$0xFFFFFFD0]  }
0x3f: {  	[tilespmem:v3+s19+$0x0] =	vst.idx.add.f32.msk $0xffff, v1  }
0x40: {  	[tilespmem:v4+s19+$0x0] =	vst.idx.add.f32.msk $0xffff, v1  }
.Ltmp2:
0x41: {  	[tilespmem:v5+s19+$0x0] =	vst.idx.add.f32.msk $0xffff, v1;
	(pc) =	sbr.rel @p1 .LBB2_5-.Ltmp2, $4  }
0x42: {  	[tilespmem:v6+s19+$0x0] =	vst.idx.add.f32.msk $0xffff, v1  }
0x43: {  	[tilespmem:v7+s19+$0x0] =	vst.idx.add.f32.msk $0xffff, v1  }
0x44: {  	[tilespmem:v8+s19+$0x0] =	vst.idx.add.f32.msk $0xffff, v1  }
0x45: {  	[tilespmem:v9+s19+$0x0] =	vst.idx.add.f32.msk $0xffff, v1  }
0x46: {  	_ =	sdelay $0x3  }
0x47: {  	[tilespmem:v2+s19+$0x0] =	vst.idx.add.f32.msk $0xffff, v1  }
.LBB2_7:
0x48: {  	s18 =	sshra.s32 s19, $0x2  }
0x49: {  	v2 =	vld [tilespmem:s18+$0x14E00];
	_ =	sdelay $0x2  }
0x4a: {  	p1 =	sne.s32 s19, $0x40  }
.Ltmp3:
0x4b: {  	_ = 	snop;
	(pc) =	sbr.rel @p1 .LBB2_7-.Ltmp3, $2  }
0x4c: {  	_ =	sdelay $0x2  }
0x4d: {  	s19 =	sadd.s32 $0x40, s19;
	[tilespmem:v2+s2+$0x0] =	vst.idx.add.f32.msk $0xffff, v1  }
0x4e: {  	[hbm4b:s4+s2] =	stream.linear.scatter [tilespmem:s2], [sflag:$0x1], $0x10000, $0x38;
	[tilespmem:$0x17600] =	vst v63  }
0x4f: {  	_ =	swait.ge [sflag:s15], $0x10000  }
0x50: {  	[sflag:s15] =	ssyncset.done $0x0  }
0x51: {  	[sflag:s15] =	ssyncadd.s32 $0xFFFF0000  }
.LBB2_9:
0x52: {  	[tilespmem:s16], [sflag:$0x1] =	stream.linear.gather [hbm4b:s5+s2], $0x2780, $0x38;
	[tilespmem:$0x17600] =	vst v63  }
0x53: {  	_ =	swait.ge [sflag:s15], $0x2780  }
0x54: {  	[sflag:s15] =	ssyncset.done $0x0  }
0x55: {  	s18 =	simm.s32 $0x10040;
	[sflag:s15] =	ssyncadd.s32 $0xFFFFD880  }
0x56: {  	v2 =	vld [tilespmem:s18+$0x30]  }
0x57: {  	v3 =	vld [tilespmem:s18+$0xFFFFFFD0]  }
0x58: {  	v4 =	vld [tilespmem:s18+$0xFFFFFFE0]  }
0x59: {  	v5 =	vld [tilespmem:s18+$0xFFFFFFF0]  }
0x5a: {  	v6 =	vld [tilespmem:s18+$0x0]  }
0x5b: {  	v7 =	vld [tilespmem:s18+$0x10]  }
0x5c: {  	v8 =	vld [tilespmem:s18+$0x20]  }
0x5d: {  	s19 =	simm.s32 $0x0;
	s20 =	simm.s32 $0x100C0;
	v9 =	vld [tilespmem:s18+$0xFFFFFFC0];
	s18 =	simm.s32 $0x0  }
.LBB2_10:
0x5e: {  	s19 =	sadd.s32 $0x8, s19;
	[tilespmem:v2+s18+$0x0] =	vst.idx.msk $0xffff, v0;
	v2 =	vld [tilespmem:s20+$0x30]  }
0x5f: {  	p1 =	slt.u32 s19, $0x4D8;
	[tilespmem:v3+s18+$0x0] =	vst.idx.msk $0xffff, v0;
	v3 =	vld [tilespmem:s20+$0xFFFFFFD0]  }
0x60: {  	[tilespmem:v4+s18+$0x0] =	vst.idx.msk $0xffff, v0;
	v4 =	vld [tilespmem:s20+$0xFFFFFFE0]  }
.Ltmp4:
0x61: {  	[tilespmem:v5+s18+$0x0] =	vst.idx.msk $0xffff, v0;
	v5 =	vld [tilespmem:s20+$0xFFFFFFF0];
	(pc) =	sbr.rel @p1 .LBB2_10-.Ltmp4, $4  }
0x62: {  	[tilespmem:v6+s18+$0x0] =	vst.idx.msk $0xffff, v0;
	v6 =	vld [tilespmem:s20+$0x0]  }
0x63: {  	[tilespmem:v7+s18+$0x0] =	vst.idx.msk $0xffff, v0;
	v7 =	vld [tilespmem:s20+$0x10]  }
0x64: {  	[tilespmem:v8+s18+$0x0] =	vst.idx.msk $0xffff, v0;
	v8 =	vld [tilespmem:s20+$0x20]  }
0x65: {  	[tilespmem:v9+s18+$0x0] =	vst.idx.msk $0xffff, v0;
	v9 =	vld [tilespmem:s20+$0xFFFFFFC0];
	s20 =	sadd.s32 $0x80, s20  }
0x66: {  	_ =	sdelay $0x3  }
0x67: {  	[tilespmem:v2+s18+$0x0] =	vst.idx.msk $0xffff, v0  }
0x68: {  	[tilespmem:v3+s18+$0x0] =	vst.idx.msk $0xffff, v0  }
0x69: {  	[tilespmem:v4+s18+$0x0] =	vst.idx.msk $0xffff, v0  }
0x6a: {  	[tilespmem:v5+s18+$0x0] =	vst.idx.msk $0xffff, v0  }
0x6b: {  	[tilespmem:v6+s18+$0x0] =	vst.idx.msk $0xffff, v0  }
0x6c: {  	[tilespmem:v7+s18+$0x0] =	vst.idx.msk $0xffff, v0  }
0x6d: {  	[tilespmem:v8+s18+$0x0] =	vst.idx.msk $0xffff, v0  }
0x6e: {  	s19 =	smov.u32 s18;
	[tilespmem:v9+s18+$0x0] =	vst.idx.msk $0xffff, v0  }
.LBB2_12:
0x6f: {  	s20 =	sshra.s32 s19, $0x2  }
0x70: {  	v2 =	vld [tilespmem:s20+$0x14E00];
	_ =	sdelay $0x2  }
0x71: {  	p1 =	sne.s32 s19, $0x40  }
.Ltmp5:
0x72: {  	_ = 	snop;
	(pc) =	sbr.rel @p1 .LBB2_12-.Ltmp5, $2  }
0x73: {  	_ =	sdelay $0x2  }
0x74: {  	s19 =	sadd.s32 $0x40, s19;
	[tilespmem:v2+s18+$0x0] =	vst.idx.msk $0xffff, v0  }
0x75: {  	p1 =	por $0x0, $0x0;
	s20 =	simm.s32 $0x1  }
0x76: {  	s19 =	simm.s32 $0x10040;
	s20 =	simm.s32 @!p1 $0x0  }
0x77: {  	v2 =	vld [tilespmem:s19+$0x20];
	s20 =	sadd.s32 $0x0, s20  }
0x78: {  	v3 =	vld [tilespmem:s19+$0x30];
	s21 =	sor.u32 $0xC0, s20  }
0x79: {  	v11 =	vld [tilespmem:s19+$0xFFFFFFC0];
	s21 =	sshra.s32 s21, $0x1  }
0x7a: {  	v4 =	vld [tilespmem:s21+$0x14E80]  }
0x7b: {  	s22 =	sand.u32 $0x7F00, s18;
	v12 =	vld [tilespmem:s19+$0xFFFFFFD0]  }
0x7c: {  	s22 =	sshrl.u32 s22, $0x1;
	v7 =	vld [tilespmem:s19+$0xFFFFFFE0]  }
0x7d: {  	s31 =	sadd.s32 $0x14E80, s22;
	v10 =	vld [tilespmem:s22+$0x14E80];
	s20 =	sor.u32 $0x80, s20  }
0x7e: {  	v8 =	vld [tilespmem:s31+$0x20];
	s20 =	sshra.s32 s20, $0x1  }
0x7f: {  	v5 =	vld [tilespmem:s20+$0x14E80];
	v6 =	vunpack.i.l.bf16.f32 v4  }
0x80: {  	[tilespmem:v2+s2+$0x0] =	vst.idx.add.f32.msk $0xffff, v6  }
0x81: {  	v6 =	vld [tilespmem:s19+$0xFFFFFFF0]  }
0x82: {  	v9 =	vld [tilespmem:s19+$0x10];
	v4 =	vunpack.i.u.bf16.f32 v4  }
0x83: {  	[tilespmem:v3+s2+$0x0] =	vst.idx.add.f32.msk $0xffff, v4  }
0x84: {  	v4 =	vld [tilespmem:s19+$0x0];
	v3 =	vunpack.i.l.bf16.f32 v10  }
0x85: {  	v2 =	vunpack.i.u.bf16.f32 v5;
	v10 =	vunpack.i.u.bf16.f32 v10;
	[tilespmem:v11+s2+$0x0] =	vst.idx.add.f32.msk $0xffff, v3  }
0x86: {  	p1 =	por !p1, !p1;
	s20 =	simm.s32 $0x0;
	s21 =	simm.s32 $0x1;
	v3 =	vunpack.i.l.bf16.f32 v5;
	v5 =	vunpack.i.u.bf16.f32 v8;
	v8 =	vunpack.i.l.bf16.f32 v8;
	[tilespmem:v12+s2+$0x0] =	vst.idx.add.f32.msk $0xffff, v10  }
.LBB2_14:
0x87: {  	s22 =	simm.s32 $0x1  }
0x88: {  	[tilespmem:v7+s2+$0x0] =	vst.idx.add.f32.msk $0xffff, v8;
	s18 =	sadd.s32 $0x80, s18;
	v10 =	vmov v9;
	s22 =	simm.s32 @!p1 $0x0  }
0x89: {  	s20 =	sadd.s32 $0x4, s20;
	s19 =	sadd.s32 $0x80, s19;
	s22 =	sadd.s32 s22, s18;
	[tilespmem:v6+s2+$0x0] =	vst.idx.add.f32.msk $0xffff, v5  }
0x8a: {  	s23 =	sand.u32 $0x7F00, s18;
	p2 =	slt.u32 s20, $0x26C;
	s24 =	sor.u32 $0xC0, s22;
	v5 =	vld [tilespmem:s19+$0x20]  }
0x8b: {  	s23 =	sshrl.u32 s23, $0x1;
	s22 =	sor.u32 $0x80, s22;
	s24 =	sshra.s32 s24, $0x1;
	v6 =	vld [tilespmem:s19+$0x30]  }
0x8c: {  	s25 =	sadd.s32 $0x14E80, s23;
	s22 =	sshra.s32 s22, $0x1;
	v7 =	vld [tilespmem:s24+$0x14E80]  }
0x8d: {  	v8 =	vld [tilespmem:s22+$0x14E80]  }
0x8e: {  	v9 =	vld [tilespmem:s25+$0x20]  }
0x8f: {  	v11 =	vld [tilespmem:s23+$0x14E80]  }
0x90: {  	v12 =	vld [tilespmem:s19+$0xFFFFFFC0]  }
0x91: {  	v13 =	vld [tilespmem:s19+$0xFFFFFFD0];
	v14 =	vunpack.i.l.bf16.f32 v7  }
0x92: {  	v7 =	vunpack.i.u.bf16.f32 v7;
	v15 =	vunpack.i.u.bf16.f32 v8;
	v16 =	vunpack.i.l.bf16.f32 v8;
	[tilespmem:v5+s2+$0x0] =	vst.idx.add.f32.msk $0xffff, v14  }
0x93: {  	s21 =	sadd.s32 $0x1, s21;
	v5 =	vunpack.i.u.bf16.f32 v9;
	v8 =	vunpack.i.l.bf16.f32 v9;
	[tilespmem:v6+s2+$0x0] =	vst.idx.add.f32.msk $0xffff, v7  }
0x94: {  	v14 =	vunpack.i.u.bf16.f32 v11;
	v11 =	vunpack.i.l.bf16.f32 v11;
	v7 =	vld [tilespmem:s19+$0xFFFFFFE0]  }
0x95: {  	v6 =	vld [tilespmem:s19+$0xFFFFFFF0]  }
0x96: {  	v17 =	vld [tilespmem:s19+$0x0]  }
.Ltmp6:
0x97: {  	v9 =	vld [tilespmem:s19+$0x10];
	(pc) =	sbr.rel @p2 .LBB2_14-.Ltmp6, $4  }
0x98: {  	[tilespmem:v4+s2+$0x0] =	vst.idx.add.f32.msk $0xffff, v3;
	v3 =	vmov v16  }
0x99: {  	[tilespmem:v10+s2+$0x0] =	vst.idx.add.f32.msk $0xffff, v2;
	v2 =	vmov v15  }
0x9a: {  	[tilespmem:v12+s2+$0x0] =	vst.idx.add.f32.msk $0xffff, v11  }
0x9b: {  	p1 =	por !p1, !p1;
	[tilespmem:v13+s2+$0x0] =	vst.idx.add.f32.msk $0xffff, v14;
	v4 =	vmov v17  }
0x9c: {  	_ =	sdelay $0x3  }
0x9d: {  	[tilespmem:v7+s2+$0x0] =	vst.idx.add.f32.msk $0xffff, v8  }
0x9e: {  	[tilespmem:v4+s2+$0x0] =	vst.idx.add.f32.msk $0xffff, v3  }
0x9f: {  	[tilespmem:v6+s2+$0x0] =	vst.idx.add.f32.msk $0xffff, v5  }
0xa0: {  	[tilespmem:v9+s2+$0x0] =	vst.idx.add.f32.msk $0xffff, v2  }
0xa1: {  	v2 =	vld [tilespmem:$0x14E00]  }
0xa2: {  	v3 =	vld [tilespmem:$0x14E10]  }
0xa3: {  	v4 =	vld [tilespmem:$0x17580];
	_ =	sdelay $0x4  }
0xa4: {  	v5 =	vunpack.i.l.bf16.f32 v4  }
0xa5: {  	v4 =	vunpack.i.u.bf16.f32 v4;
	[tilespmem:v2+s2+$0x0] =	vst.idx.add.f32.msk $0xffff, v5  }
0xa6: {  	[tilespmem:v3+s2+$0x0] =	vst.idx.add.f32.msk $0xffff, v4  }
0xa7: {  	[hbm4b:s6+s2] =	stream.linear.scatter [tilespmem:s2], [sflag:$0x1], $0x10000, $0x38;
	[tilespmem:$0x17600] =	vst v63  }
0xa8: {  	_ =	swait.ge [sflag:s15], $0x10000  }
0xa9: {  	[sflag:s15] =	ssyncset.done $0x0  }
0xaa: {  	[sflag:s15] =	ssyncadd.s32 $0xFFFF0000  }
0xab: {  	[tilespmem:s16], [sflag:$0x1] =	stream.linear.gather [hbm4b:s7+s2], $0x2780, $0x38;
	[tilespmem:$0x17600] =	vst v63  }
0xac: {  	_ =	swait.ge [sflag:s15], $0x2780  }
0xad: {  	[sflag:s15] =	ssyncset.done $0x0  }
0xae: {  	s18 =	simm.s32 $0x10040;
	[sflag:s15] =	ssyncadd.s32 $0xFFFFD880  }
0xaf: {  	v2 =	vld [tilespmem:s18+$0x30]  }
0xb0: {  	v3 =	vld [tilespmem:s18+$0xFFFFFFD0]  }
0xb1: {  	v4 =	vld [tilespmem:s18+$0xFFFFFFE0]  }
0xb2: {  	v5 =	vld [tilespmem:s18+$0xFFFFFFF0]  }
0xb3: {  	v6 =	vld [tilespmem:s18+$0x0]  }
0xb4: {  	v7 =	vld [tilespmem:s18+$0x10]  }
0xb5: {  	v8 =	vld [tilespmem:s18+$0x20]  }
0xb6: {  	s19 =	simm.s32 $0x0;
	s20 =	simm.s32 $0x100C0;
	v9 =	vld [tilespmem:s18+$0xFFFFFFC0];
	s18 =	simm.s32 $0x0  }
.LBB2_16:
0xb7: {  	s19 =	sadd.s32 $0x8, s19;
	[tilespmem:v2+s18+$0x0] =	vst.idx.msk $0xffff, v0;
	v2 =	vld [tilespmem:s20+$0x30]  }
0xb8: {  	p1 =	slt.u32 s19, $0x4D8;
	[tilespmem:v3+s18+$0x0] =	vst.idx.msk $0xffff, v0;
	v3 =	vld [tilespmem:s20+$0xFFFFFFD0]  }
0xb9: {  	[tilespmem:v4+s18+$0x0] =	vst.idx.msk $0xffff, v0;
	v4 =	vld [tilespmem:s20+$0xFFFFFFE0]  }
.Ltmp7:
0xba: {  	[tilespmem:v5+s18+$0x0] =	vst.idx.msk $0xffff, v0;
	v5 =	vld [tilespmem:s20+$0xFFFFFFF0];
	(pc) =	sbr.rel @p1 .LBB2_16-.Ltmp7, $4  }
0xbb: {  	[tilespmem:v6+s18+$0x0] =	vst.idx.msk $0xffff, v0;
	v6 =	vld [tilespmem:s20+$0x0]  }
0xbc: {  	[tilespmem:v7+s18+$0x0] =	vst.idx.msk $0xffff, v0;
	v7 =	vld [tilespmem:s20+$0x10]  }
0xbd: {  	[tilespmem:v8+s18+$0x0] =	vst.idx.msk $0xffff, v0;
	v8 =	vld [tilespmem:s20+$0x20]  }
0xbe: {  	[tilespmem:v9+s18+$0x0] =	vst.idx.msk $0xffff, v0;
	v9 =	vld [tilespmem:s20+$0xFFFFFFC0];
	s20 =	sadd.s32 $0x80, s20  }
0xbf: {  	_ =	sdelay $0x3  }
0xc0: {  	[tilespmem:v2+s18+$0x0] =	vst.idx.msk $0xffff, v0  }
0xc1: {  	[tilespmem:v3+s18+$0x0] =	vst.idx.msk $0xffff, v0  }
0xc2: {  	[tilespmem:v4+s18+$0x0] =	vst.idx.msk $0xffff, v0  }
0xc3: {  	[tilespmem:v5+s18+$0x0] =	vst.idx.msk $0xffff, v0  }
0xc4: {  	[tilespmem:v6+s18+$0x0] =	vst.idx.msk $0xffff, v0  }
0xc5: {  	[tilespmem:v7+s18+$0x0] =	vst.idx.msk $0xffff, v0  }
0xc6: {  	[tilespmem:v8+s18+$0x0] =	vst.idx.msk $0xffff, v0  }
0xc7: {  	s19 =	smov.u32 s18;
	[tilespmem:v9+s18+$0x0] =	vst.idx.msk $0xffff, v0  }
.LBB2_18:
0xc8: {  	s20 =	sshra.s32 s19, $0x2  }
0xc9: {  	v2 =	vld [tilespmem:s20+$0x14E00];
	_ =	sdelay $0x2  }
0xca: {  	p1 =	sne.s32 s19, $0x40  }
.Ltmp8:
0xcb: {  	_ = 	snop;
	(pc) =	sbr.rel @p1 .LBB2_18-.Ltmp8, $2  }
0xcc: {  	_ =	sdelay $0x2  }
0xcd: {  	s19 =	sadd.s32 $0x40, s19;
	[tilespmem:v2+s18+$0x0] =	vst.idx.msk $0xffff, v0  }
0xce: {  	p1 =	por $0x0, $0x0;
	s20 =	simm.s32 $0x1  }
0xcf: {  	s19 =	simm.s32 $0x10040;
	s20 =	simm.s32 @!p1 $0x0  }
0xd0: {  	v2 =	vld [tilespmem:s19+$0x20];
	s20 =	sadd.s32 $0x0, s20  }
0xd1: {  	v3 =	vld [tilespmem:s19+$0x30];
	s21 =	sor.u32 $0xC0, s20  }
0xd2: {  	v11 =	vld [tilespmem:s19+$0xFFFFFFC0];
	s21 =	sshra.s32 s21, $0x1  }
0xd3: {  	v4 =	vld [tilespmem:s21+$0x14E80]  }
0xd4: {  	s22 =	sand.u32 $0x7F00, s18;
	v12 =	vld [tilespmem:s19+$0xFFFFFFD0]  }
0xd5: {  	s22 =	sshrl.u32 s22, $0x1;
	v7 =	vld [tilespmem:s19+$0xFFFFFFE0]  }
0xd6: {  	s31 =	sadd.s32 $0x14E80, s22;
	v10 =	vld [tilespmem:s22+$0x14E80];
	s20 =	sor.u32 $0x80, s20  }
0xd7: {  	v8 =	vld [tilespmem:s31+$0x20];
	s20 =	sshra.s32 s20, $0x1  }
0xd8: {  	v5 =	vld [tilespmem:s20+$0x14E80];
	v6 =	vunpack.i.l.bf16.f32 v4  }
0xd9: {  	[tilespmem:v2+s2+$0x0] =	vst.idx.add.f32.msk $0xffff, v6  }
0xda: {  	v6 =	vld [tilespmem:s19+$0xFFFFFFF0]  }
0xdb: {  	v9 =	vld [tilespmem:s19+$0x10];
	v4 =	vunpack.i.u.bf16.f32 v4  }
0xdc: {  	[tilespmem:v3+s2+$0x0] =	vst.idx.add.f32.msk $0xffff, v4  }
0xdd: {  	v4 =	vld [tilespmem:s19+$0x0];
	v3 =	vunpack.i.l.bf16.f32 v10  }
0xde: {  	v2 =	vunpack.i.u.bf16.f32 v5;
	v10 =	vunpack.i.u.bf16.f32 v10;
	[tilespmem:v11+s2+$0x0] =	vst.idx.add.f32.msk $0xffff, v3  }
0xdf: {  	p1 =	por !p1, !p1;
	s20 =	simm.s32 $0x0;
	s21 =	simm.s32 $0x1;
	v3 =	vunpack.i.l.bf16.f32 v5;
	v5 =	vunpack.i.u.bf16.f32 v8;
	v8 =	vunpack.i.l.bf16.f32 v8;
	[tilespmem:v12+s2+$0x0] =	vst.idx.add.f32.msk $0xffff, v10  }
.LBB2_20:
0xe0: {  	s22 =	simm.s32 $0x1  }
0xe1: {  	[tilespmem:v7+s2+$0x0] =	vst.idx.add.f32.msk $0xffff, v8;
	s18 =	sadd.s32 $0x80, s18;
	v10 =	vmov v9;
	s22 =	simm.s32 @!p1 $0x0  }
0xe2: {  	s20 =	sadd.s32 $0x4, s20;
	s19 =	sadd.s32 $0x80, s19;
	s22 =	sadd.s32 s22, s18;
	[tilespmem:v6+s2+$0x0] =	vst.idx.add.f32.msk $0xffff, v5  }
0xe3: {  	s23 =	sand.u32 $0x7F00, s18;
	p2 =	slt.u32 s20, $0x26C;
	s24 =	sor.u32 $0xC0, s22;
	v5 =	vld [tilespmem:s19+$0x20]  }
0xe4: {  	s23 =	sshrl.u32 s23, $0x1;
	s22 =	sor.u32 $0x80, s22;
	s24 =	sshra.s32 s24, $0x1;
	v6 =	vld [tilespmem:s19+$0x30]  }
0xe5: {  	s25 =	sadd.s32 $0x14E80, s23;
	s22 =	sshra.s32 s22, $0x1;
	v7 =	vld [tilespmem:s24+$0x14E80]  }
0xe6: {  	v8 =	vld [tilespmem:s22+$0x14E80]  }
0xe7: {  	v9 =	vld [tilespmem:s25+$0x20]  }
0xe8: {  	v11 =	vld [tilespmem:s23+$0x14E80]  }
0xe9: {  	v12 =	vld [tilespmem:s19+$0xFFFFFFC0]  }
0xea: {  	v13 =	vld [tilespmem:s19+$0xFFFFFFD0];
	v14 =	vunpack.i.l.bf16.f32 v7  }
0xeb: {  	v7 =	vunpack.i.u.bf16.f32 v7;
	v15 =	vunpack.i.u.bf16.f32 v8;
	v16 =	vunpack.i.l.bf16.f32 v8;
	[tilespmem:v5+s2+$0x0] =	vst.idx.add.f32.msk $0xffff, v14  }
0xec: {  	s21 =	sadd.s32 $0x1, s21;
	v5 =	vunpack.i.u.bf16.f32 v9;
	v8 =	vunpack.i.l.bf16.f32 v9;
	[tilespmem:v6+s2+$0x0] =	vst.idx.add.f32.msk $0xffff, v7  }
0xed: {  	v14 =	vunpack.i.u.bf16.f32 v11;
	v11 =	vunpack.i.l.bf16.f32 v11;
	v7 =	vld [tilespmem:s19+$0xFFFFFFE0]  }
0xee: {  	v6 =	vld [tilespmem:s19+$0xFFFFFFF0]  }
0xef: {  	v17 =	vld [tilespmem:s19+$0x0]  }
.Ltmp9:
0xf0: {  	v9 =	vld [tilespmem:s19+$0x10];
	(pc) =	sbr.rel @p2 .LBB2_20-.Ltmp9, $4  }
0xf1: {  	[tilespmem:v4+s2+$0x0] =	vst.idx.add.f32.msk $0xffff, v3;
	v3 =	vmov v16  }
0xf2: {  	[tilespmem:v10+s2+$0x0] =	vst.idx.add.f32.msk $0xffff, v2;
	v2 =	vmov v15  }
0xf3: {  	[tilespmem:v12+s2+$0x0] =	vst.idx.add.f32.msk $0xffff, v11  }
0xf4: {  	p1 =	por !p1, !p1;
	[tilespmem:v13+s2+$0x0] =	vst.idx.add.f32.msk $0xffff, v14;
	v4 =	vmov v17  }
0xf5: {  	_ =	sdelay $0x3  }
0xf6: {  	[tilespmem:v7+s2+$0x0] =	vst.idx.add.f32.msk $0xffff, v8  }
0xf7: {  	[tilespmem:v4+s2+$0x0] =	vst.idx.add.f32.msk $0xffff, v3  }
0xf8: {  	[tilespmem:v6+s2+$0x0] =	vst.idx.add.f32.msk $0xffff, v5  }
0xf9: {  	[tilespmem:v9+s2+$0x0] =	vst.idx.add.f32.msk $0xffff, v2  }
0xfa: {  	v2 =	vld [tilespmem:$0x14E00]  }
0xfb: {  	v3 =	vld [tilespmem:$0x14E10]  }
0xfc: {  	v4 =	vld [tilespmem:$0x17580];
	_ =	sdelay $0x4  }
0xfd: {  	v5 =	vunpack.i.l.bf16.f32 v4  }
0xfe: {  	v4 =	vunpack.i.u.bf16.f32 v4;
	[tilespmem:v2+s2+$0x0] =	vst.idx.add.f32.msk $0xffff, v5  }
0xff: {  	[tilespmem:v3+s2+$0x0] =	vst.idx.add.f32.msk $0xffff, v4  }
0x100: {  	[hbm4b:s8+s2] =	stream.linear.scatter [tilespmem:s2], [sflag:$0x1], $0x10000, $0x38;
	[tilespmem:$0x17600] =	vst v63  }
0x101: {  	_ =	swait.ge [sflag:s15], $0x10000  }
0x102: {  	[sflag:s15] =	ssyncset.done $0x0  }
0x103: {  	[sflag:s15] =	ssyncadd.s32 $0xFFFF0000  }
0x104: {  	[tilespmem:s16], [sflag:$0x1] =	stream.linear.gather [hbm4b:s9+s2], $0x2780, $0x38;
	[tilespmem:$0x17600] =	vst v63  }
0x105: {  	_ =	swait.ge [sflag:s15], $0x2780  }
0x106: {  	[sflag:s15] =	ssyncset.done $0x0  }
0x107: {  	s18 =	simm.s32 $0x10040;
	[sflag:s15] =	ssyncadd.s32 $0xFFFFD880  }
0x108: {  	v2 =	vld [tilespmem:s18+$0x30]  }
0x109: {  	v3 =	vld [tilespmem:s18+$0xFFFFFFD0]  }
0x10a: {  	v4 =	vld [tilespmem:s18+$0xFFFFFFE0]  }
0x10b: {  	v5 =	vld [tilespmem:s18+$0xFFFFFFF0]  }
0x10c: {  	v6 =	vld [tilespmem:s18+$0x0]  }
0x10d: {  	v7 =	vld [tilespmem:s18+$0x10]  }
0x10e: {  	v8 =	vld [tilespmem:s18+$0x20]  }
0x10f: {  	s19 =	simm.s32 $0x0;
	s20 =	simm.s32 $0x100C0;
	v9 =	vld [tilespmem:s18+$0xFFFFFFC0];
	s18 =	simm.s32 $0x0  }
.LBB2_22:
0x110: {  	s19 =	sadd.s32 $0x8, s19;
	[tilespmem:v2+s18+$0x0] =	vst.idx.msk $0xffff, v0;
	v2 =	vld [tilespmem:s20+$0x30]  }
0x111: {  	p1 =	slt.u32 s19, $0x4D8;
	[tilespmem:v3+s18+$0x0] =	vst.idx.msk $0xffff, v0;
	v3 =	vld [tilespmem:s20+$0xFFFFFFD0]  }
0x112: {  	[tilespmem:v4+s18+$0x0] =	vst.idx.msk $0xffff, v0;
	v4 =	vld [tilespmem:s20+$0xFFFFFFE0]  }
.Ltmp10:
0x113: {  	[tilespmem:v5+s18+$0x0] =	vst.idx.msk $0xffff, v0;
	v5 =	vld [tilespmem:s20+$0xFFFFFFF0];
	(pc) =	sbr.rel @p1 .LBB2_22-.Ltmp10, $4  }
0x114: {  	[tilespmem:v6+s18+$0x0] =	vst.idx.msk $0xffff, v0;
	v6 =	vld [tilespmem:s20+$0x0]  }
0x115: {  	[tilespmem:v7+s18+$0x0] =	vst.idx.msk $0xffff, v0;
	v7 =	vld [tilespmem:s20+$0x10]  }
0x116: {  	[tilespmem:v8+s18+$0x0] =	vst.idx.msk $0xffff, v0;
	v8 =	vld [tilespmem:s20+$0x20]  }
0x117: {  	[tilespmem:v9+s18+$0x0] =	vst.idx.msk $0xffff, v0;
	v9 =	vld [tilespmem:s20+$0xFFFFFFC0];
	s20 =	sadd.s32 $0x80, s20  }
0x118: {  	_ =	sdelay $0x3  }
0x119: {  	[tilespmem:v2+s18+$0x0] =	vst.idx.msk $0xffff, v0  }
0x11a: {  	[tilespmem:v3+s18+$0x0] =	vst.idx.msk $0xffff, v0  }
0x11b: {  	[tilespmem:v4+s18+$0x0] =	vst.idx.msk $0xffff, v0  }
0x11c: {  	[tilespmem:v5+s18+$0x0] =	vst.idx.msk $0xffff, v0  }
0x11d: {  	[tilespmem:v6+s18+$0x0] =	vst.idx.msk $0xffff, v0  }
0x11e: {  	[tilespmem:v7+s18+$0x0] =	vst.idx.msk $0xffff, v0  }
0x11f: {  	[tilespmem:v8+s18+$0x0] =	vst.idx.msk $0xffff, v0  }
0x120: {  	s19 =	smov.u32 s18;
	[tilespmem:v9+s18+$0x0] =	vst.idx.msk $0xffff, v0  }
.LBB2_24:
0x121: {  	s20 =	sshra.s32 s19, $0x2  }
0x122: {  	v2 =	vld [tilespmem:s20+$0x14E00];
	_ =	sdelay $0x2  }
0x123: {  	p1 =	sne.s32 s19, $0x40  }
.Ltmp11:
0x124: {  	_ = 	snop;
	(pc) =	sbr.rel @p1 .LBB2_24-.Ltmp11, $2  }
0x125: {  	_ =	sdelay $0x2  }
0x126: {  	s19 =	sadd.s32 $0x40, s19;
	[tilespmem:v2+s18+$0x0] =	vst.idx.msk $0xffff, v0  }
0x127: {  	p1 =	por $0x0, $0x0;
	s20 =	simm.s32 $0x1  }
0x128: {  	s19 =	simm.s32 $0x10040;
	s20 =	simm.s32 @!p1 $0x0  }
0x129: {  	v2 =	vld [tilespmem:s19+$0x20];
	s20 =	sadd.s32 $0x0, s20  }
0x12a: {  	v3 =	vld [tilespmem:s19+$0x30];
	s21 =	sor.u32 $0xC0, s20  }
0x12b: {  	v11 =	vld [tilespmem:s19+$0xFFFFFFC0];
	s21 =	sshra.s32 s21, $0x1  }
0x12c: {  	v4 =	vld [tilespmem:s21+$0x14E80]  }
0x12d: {  	s22 =	sand.u32 $0x7F00, s18;
	v12 =	vld [tilespmem:s19+$0xFFFFFFD0]  }
0x12e: {  	s22 =	sshrl.u32 s22, $0x1;
	v7 =	vld [tilespmem:s19+$0xFFFFFFE0]  }
0x12f: {  	s31 =	sadd.s32 $0x14E80, s22;
	v10 =	vld [tilespmem:s22+$0x14E80];
	s20 =	sor.u32 $0x80, s20  }
0x130: {  	v8 =	vld [tilespmem:s31+$0x20];
	s20 =	sshra.s32 s20, $0x1  }
0x131: {  	v5 =	vld [tilespmem:s20+$0x14E80];
	v6 =	vunpack.i.l.bf16.f32 v4  }
0x132: {  	[tilespmem:v2+s2+$0x0] =	vst.idx.add.f32.msk $0xffff, v6  }
0x133: {  	v6 =	vld [tilespmem:s19+$0xFFFFFFF0]  }
0x134: {  	v9 =	vld [tilespmem:s19+$0x10];
	v4 =	vunpack.i.u.bf16.f32 v4  }
0x135: {  	[tilespmem:v3+s2+$0x0] =	vst.idx.add.f32.msk $0xffff, v4  }
0x136: {  	v4 =	vld [tilespmem:s19+$0x0];
	v3 =	vunpack.i.l.bf16.f32 v10  }
0x137: {  	v2 =	vunpack.i.u.bf16.f32 v5;
	v10 =	vunpack.i.u.bf16.f32 v10;
	[tilespmem:v11+s2+$0x0] =	vst.idx.add.f32.msk $0xffff, v3  }
0x138: {  	p1 =	por !p1, !p1;
	s20 =	simm.s32 $0x0;
	s21 =	simm.s32 $0x1;
	v3 =	vunpack.i.l.bf16.f32 v5;
	v5 =	vunpack.i.u.bf16.f32 v8;
	v8 =	vunpack.i.l.bf16.f32 v8;
	[tilespmem:v12+s2+$0x0] =	vst.idx.add.f32.msk $0xffff, v10  }
.LBB2_26:
0x139: {  	s22 =	simm.s32 $0x1  }
0x13a: {  	[tilespmem:v7+s2+$0x0] =	vst.idx.add.f32.msk $0xffff, v8;
	s18 =	sadd.s32 $0x80, s18;
	v10 =	vmov v9;
	s22 =	simm.s32 @!p1 $0x0  }
0x13b: {  	s20 =	sadd.s32 $0x4, s20;
	s19 =	sadd.s32 $0x80, s19;
	s22 =	sadd.s32 s22, s18;
	[tilespmem:v6+s2+$0x0] =	vst.idx.add.f32.msk $0xffff, v5  }
0x13c: {  	s23 =	sand.u32 $0x7F00, s18;
	p2 =	slt.u32 s20, $0x26C;
	s24 =	sor.u32 $0xC0, s22;
	v5 =	vld [tilespmem:s19+$0x20]  }
0x13d: {  	s23 =	sshrl.u32 s23, $0x1;
	s22 =	sor.u32 $0x80, s22;
	s24 =	sshra.s32 s24, $0x1;
	v6 =	vld [tilespmem:s19+$0x30]  }
0x13e: {  	s25 =	sadd.s32 $0x14E80, s23;
	s22 =	sshra.s32 s22, $0x1;
	v7 =	vld [tilespmem:s24+$0x14E80]  }
0x13f: {  	v8 =	vld [tilespmem:s22+$0x14E80]  }
0x140: {  	v9 =	vld [tilespmem:s25+$0x20]  }
0x141: {  	v11 =	vld [tilespmem:s23+$0x14E80]  }
0x142: {  	v12 =	vld [tilespmem:s19+$0xFFFFFFC0]  }
0x143: {  	v13 =	vld [tilespmem:s19+$0xFFFFFFD0];
	v14 =	vunpack.i.l.bf16.f32 v7  }
0x144: {  	v7 =	vunpack.i.u.bf16.f32 v7;
	v15 =	vunpack.i.u.bf16.f32 v8;
	v16 =	vunpack.i.l.bf16.f32 v8;
	[tilespmem:v5+s2+$0x0] =	vst.idx.add.f32.msk $0xffff, v14  }
0x145: {  	s21 =	sadd.s32 $0x1, s21;
	v5 =	vunpack.i.u.bf16.f32 v9;
	v8 =	vunpack.i.l.bf16.f32 v9;
	[tilespmem:v6+s2+$0x0] =	vst.idx.add.f32.msk $0xffff, v7  }
0x146: {  	v14 =	vunpack.i.u.bf16.f32 v11;
	v11 =	vunpack.i.l.bf16.f32 v11;
	v7 =	vld [tilespmem:s19+$0xFFFFFFE0]  }
0x147: {  	v6 =	vld [tilespmem:s19+$0xFFFFFFF0]  }
0x148: {  	v17 =	vld [tilespmem:s19+$0x0]  }
.Ltmp12:
0x149: {  	v9 =	vld [tilespmem:s19+$0x10];
	(pc) =	sbr.rel @p2 .LBB2_26-.Ltmp12, $4  }
0x14a: {  	[tilespmem:v4+s2+$0x0] =	vst.idx.add.f32.msk $0xffff, v3;
	v3 =	vmov v16  }
0x14b: {  	[tilespmem:v10+s2+$0x0] =	vst.idx.add.f32.msk $0xffff, v2;
	v2 =	vmov v15  }
0x14c: {  	[tilespmem:v12+s2+$0x0] =	vst.idx.add.f32.msk $0xffff, v11  }
0x14d: {  	p1 =	por !p1, !p1;
	[tilespmem:v13+s2+$0x0] =	vst.idx.add.f32.msk $0xffff, v14;
	v4 =	vmov v17  }
0x14e: {  	_ =	sdelay $0x3  }
0x14f: {  	[tilespmem:v7+s2+$0x0] =	vst.idx.add.f32.msk $0xffff, v8  }
0x150: {  	[tilespmem:v4+s2+$0x0] =	vst.idx.add.f32.msk $0xffff, v3  }
0x151: {  	[tilespmem:v6+s2+$0x0] =	vst.idx.add.f32.msk $0xffff, v5  }
0x152: {  	[tilespmem:v9+s2+$0x0] =	vst.idx.add.f32.msk $0xffff, v2  }
0x153: {  	v2 =	vld [tilespmem:$0x14E00]  }
0x154: {  	v3 =	vld [tilespmem:$0x14E10]  }
0x155: {  	v4 =	vld [tilespmem:$0x17580];
	_ =	sdelay $0x4  }
0x156: {  	v5 =	vunpack.i.l.bf16.f32 v4  }
0x157: {  	v4 =	vunpack.i.u.bf16.f32 v4;
	[tilespmem:v2+s2+$0x0] =	vst.idx.add.f32.msk $0xffff, v5  }
0x158: {  	[tilespmem:v3+s2+$0x0] =	vst.idx.add.f32.msk $0xffff, v4  }
0x159: {  	[hbm4b:s10+s2] =	stream.linear.scatter [tilespmem:s2], [sflag:$0x1], $0x10000, $0x38;
	[tilespmem:$0x17600] =	vst v63  }
0x15a: {  	_ =	swait.ge [sflag:s15], $0x10000  }
0x15b: {  	[sflag:s15] =	ssyncset.done $0x0  }
0x15c: {  	[sflag:s15] =	ssyncadd.s32 $0xFFFF0000  }
0x15d: {  	[tilespmem:s16], [sflag:$0x1] =	stream.linear.gather [hbm4b:s11+s2], $0x2780, $0x38;
	[tilespmem:$0x17600] =	vst v63  }
0x15e: {  	_ =	swait.ge [sflag:s15], $0x2780  }
0x15f: {  	[sflag:s15] =	ssyncset.done $0x0  }
0x160: {  	s18 =	simm.s32 $0x10040;
	[sflag:s15] =	ssyncadd.s32 $0xFFFFD880  }
0x161: {  	v2 =	vld [tilespmem:s18+$0x30]  }
0x162: {  	v3 =	vld [tilespmem:s18+$0xFFFFFFD0]  }
0x163: {  	v4 =	vld [tilespmem:s18+$0xFFFFFFE0]  }
0x164: {  	v5 =	vld [tilespmem:s18+$0xFFFFFFF0]  }
0x165: {  	v6 =	vld [tilespmem:s18+$0x0]  }
0x166: {  	v7 =	vld [tilespmem:s18+$0x10]  }
0x167: {  	v8 =	vld [tilespmem:s18+$0x20]  }
0x168: {  	s19 =	simm.s32 $0x0;
	s20 =	simm.s32 $0x100C0;
	v9 =	vld [tilespmem:s18+$0xFFFFFFC0];
	s18 =	simm.s32 $0x0  }
.LBB2_28:
0x169: {  	s19 =	sadd.s32 $0x8, s19;
	[tilespmem:v2+s18+$0x0] =	vst.idx.msk $0xffff, v0;
	v2 =	vld [tilespmem:s20+$0x30]  }
0x16a: {  	p1 =	slt.u32 s19, $0x4D8;
	[tilespmem:v3+s18+$0x0] =	vst.idx.msk $0xffff, v0;
	v3 =	vld [tilespmem:s20+$0xFFFFFFD0]  }
0x16b: {  	[tilespmem:v4+s18+$0x0] =	vst.idx.msk $0xffff, v0;
	v4 =	vld [tilespmem:s20+$0xFFFFFFE0]  }
.Ltmp13:
0x16c: {  	[tilespmem:v5+s18+$0x0] =	vst.idx.msk $0xffff, v0;
	v5 =	vld [tilespmem:s20+$0xFFFFFFF0];
	(pc) =	sbr.rel @p1 .LBB2_28-.Ltmp13, $4  }
0x16d: {  	[tilespmem:v6+s18+$0x0] =	vst.idx.msk $0xffff, v0;
	v6 =	vld [tilespmem:s20+$0x0]  }
0x16e: {  	[tilespmem:v7+s18+$0x0] =	vst.idx.msk $0xffff, v0;
	v7 =	vld [tilespmem:s20+$0x10]  }
0x16f: {  	[tilespmem:v8+s18+$0x0] =	vst.idx.msk $0xffff, v0;
	v8 =	vld [tilespmem:s20+$0x20]  }
0x170: {  	[tilespmem:v9+s18+$0x0] =	vst.idx.msk $0xffff, v0;
	v9 =	vld [tilespmem:s20+$0xFFFFFFC0];
	s20 =	sadd.s32 $0x80, s20  }
0x171: {  	_ =	sdelay $0x3  }
0x172: {  	[tilespmem:v2+s18+$0x0] =	vst.idx.msk $0xffff, v0  }
0x173: {  	[tilespmem:v3+s18+$0x0] =	vst.idx.msk $0xffff, v0  }
0x174: {  	[tilespmem:v4+s18+$0x0] =	vst.idx.msk $0xffff, v0  }
0x175: {  	[tilespmem:v5+s18+$0x0] =	vst.idx.msk $0xffff, v0  }
0x176: {  	[tilespmem:v6+s18+$0x0] =	vst.idx.msk $0xffff, v0  }
0x177: {  	[tilespmem:v7+s18+$0x0] =	vst.idx.msk $0xffff, v0  }
0x178: {  	[tilespmem:v8+s18+$0x0] =	vst.idx.msk $0xffff, v0  }
0x179: {  	s19 =	smov.u32 s18;
	[tilespmem:v9+s18+$0x0] =	vst.idx.msk $0xffff, v0  }
.LBB2_30:
0x17a: {  	s20 =	sshra.s32 s19, $0x2  }
0x17b: {  	v2 =	vld [tilespmem:s20+$0x14E00];
	_ =	sdelay $0x2  }
0x17c: {  	p1 =	sne.s32 s19, $0x40  }
.Ltmp14:
0x17d: {  	_ = 	snop;
	(pc) =	sbr.rel @p1 .LBB2_30-.Ltmp14, $2  }
0x17e: {  	_ =	sdelay $0x2  }
0x17f: {  	s19 =	sadd.s32 $0x40, s19;
	[tilespmem:v2+s18+$0x0] =	vst.idx.msk $0xffff, v0  }
0x180: {  	p1 =	por $0x0, $0x0;
	s20 =	simm.s32 $0x1  }
0x181: {  	s19 =	simm.s32 $0x10040;
	s20 =	simm.s32 @!p1 $0x0  }
0x182: {  	v2 =	vld [tilespmem:s19+$0x20];
	s20 =	sadd.s32 $0x0, s20  }
0x183: {  	v3 =	vld [tilespmem:s19+$0x30];
	s21 =	sor.u32 $0xC0, s20  }
0x184: {  	v11 =	vld [tilespmem:s19+$0xFFFFFFC0];
	s21 =	sshra.s32 s21, $0x1  }
0x185: {  	v4 =	vld [tilespmem:s21+$0x14E80]  }
0x186: {  	s22 =	sand.u32 $0x7F00, s18;
	v12 =	vld [tilespmem:s19+$0xFFFFFFD0]  }
0x187: {  	s22 =	sshrl.u32 s22, $0x1;
	v7 =	vld [tilespmem:s19+$0xFFFFFFE0]  }
0x188: {  	s31 =	sadd.s32 $0x14E80, s22;
	v10 =	vld [tilespmem:s22+$0x14E80];
	s20 =	sor.u32 $0x80, s20  }
0x189: {  	v8 =	vld [tilespmem:s31+$0x20];
	s20 =	sshra.s32 s20, $0x1  }
0x18a: {  	v5 =	vld [tilespmem:s20+$0x14E80];
	v6 =	vunpack.i.l.bf16.f32 v4  }
0x18b: {  	[tilespmem:v2+s2+$0x0] =	vst.idx.add.f32.msk $0xffff, v6  }
0x18c: {  	v6 =	vld [tilespmem:s19+$0xFFFFFFF0]  }
0x18d: {  	v9 =	vld [tilespmem:s19+$0x10];
	v4 =	vunpack.i.u.bf16.f32 v4  }
0x18e: {  	[tilespmem:v3+s2+$0x0] =	vst.idx.add.f32.msk $0xffff, v4  }
0x18f: {  	v4 =	vld [tilespmem:s19+$0x0];
	v3 =	vunpack.i.l.bf16.f32 v10  }
0x190: {  	v2 =	vunpack.i.u.bf16.f32 v5;
	v10 =	vunpack.i.u.bf16.f32 v10;
	[tilespmem:v11+s2+$0x0] =	vst.idx.add.f32.msk $0xffff, v3  }
0x191: {  	p1 =	por !p1, !p1;
	s20 =	simm.s32 $0x0;
	s21 =	simm.s32 $0x1;
	v3 =	vunpack.i.l.bf16.f32 v5;
	v5 =	vunpack.i.u.bf16.f32 v8;
	v8 =	vunpack.i.l.bf16.f32 v8;
	[tilespmem:v12+s2+$0x0] =	vst.idx.add.f32.msk $0xffff, v10  }
.LBB2_32:
0x192: {  	s22 =	simm.s32 $0x1  }
0x193: {  	[tilespmem:v7+s2+$0x0] =	vst.idx.add.f32.msk $0xffff, v8;
	s18 =	sadd.s32 $0x80, s18;
	v10 =	vmov v9;
	s22 =	simm.s32 @!p1 $0x0  }
0x194: {  	s20 =	sadd.s32 $0x4, s20;
	s19 =	sadd.s32 $0x80, s19;
	s22 =	sadd.s32 s22, s18;
	[tilespmem:v6+s2+$0x0] =	vst.idx.add.f32.msk $0xffff, v5  }
0x195: {  	s23 =	sand.u32 $0x7F00, s18;
	p2 =	slt.u32 s20, $0x26C;
	s24 =	sor.u32 $0xC0, s22;
	v5 =	vld [tilespmem:s19+$0x20]  }
0x196: {  	s23 =	sshrl.u32 s23, $0x1;
	s22 =	sor.u32 $0x80, s22;
	s24 =	sshra.s32 s24, $0x1;
	v6 =	vld [tilespmem:s19+$0x30]  }
0x197: {  	s25 =	sadd.s32 $0x14E80, s23;
	s22 =	sshra.s32 s22, $0x1;
	v7 =	vld [tilespmem:s24+$0x14E80]  }
0x198: {  	v8 =	vld [tilespmem:s22+$0x14E80]  }
0x199: {  	v9 =	vld [tilespmem:s25+$0x20]  }
0x19a: {  	v11 =	vld [tilespmem:s23+$0x14E80]  }
0x19b: {  	v12 =	vld [tilespmem:s19+$0xFFFFFFC0]  }
0x19c: {  	v13 =	vld [tilespmem:s19+$0xFFFFFFD0];
	v14 =	vunpack.i.l.bf16.f32 v7  }
0x19d: {  	v7 =	vunpack.i.u.bf16.f32 v7;
	v15 =	vunpack.i.u.bf16.f32 v8;
	v16 =	vunpack.i.l.bf16.f32 v8;
	[tilespmem:v5+s2+$0x0] =	vst.idx.add.f32.msk $0xffff, v14  }
0x19e: {  	s21 =	sadd.s32 $0x1, s21;
	v5 =	vunpack.i.u.bf16.f32 v9;
	v8 =	vunpack.i.l.bf16.f32 v9;
	[tilespmem:v6+s2+$0x0] =	vst.idx.add.f32.msk $0xffff, v7  }
0x19f: {  	v14 =	vunpack.i.u.bf16.f32 v11;
	v11 =	vunpack.i.l.bf16.f32 v11;
	v7 =	vld [tilespmem:s19+$0xFFFFFFE0]  }
0x1a0: {  	v6 =	vld [tilespmem:s19+$0xFFFFFFF0]  }
0x1a1: {  	v17 =	vld [tilespmem:s19+$0x0]  }
.Ltmp15:
0x1a2: {  	v9 =	vld [tilespmem:s19+$0x10];
	(pc) =	sbr.rel @p2 .LBB2_32-.Ltmp15, $4  }
0x1a3: {  	[tilespmem:v4+s2+$0x0] =	vst.idx.add.f32.msk $0xffff, v3;
	v3 =	vmov v16  }
0x1a4: {  	[tilespmem:v10+s2+$0x0] =	vst.idx.add.f32.msk $0xffff, v2;
	v2 =	vmov v15  }
0x1a5: {  	[tilespmem:v12+s2+$0x0] =	vst.idx.add.f32.msk $0xffff, v11  }
0x1a6: {  	p1 =	por !p1, !p1;
	[tilespmem:v13+s2+$0x0] =	vst.idx.add.f32.msk $0xffff, v14;
	v4 =	vmov v17  }
0x1a7: {  	_ =	sdelay $0x3  }
0x1a8: {  	[tilespmem:v7+s2+$0x0] =	vst.idx.add.f32.msk $0xffff, v8  }
0x1a9: {  	[tilespmem:v4+s2+$0x0] =	vst.idx.add.f32.msk $0xffff, v3  }
0x1aa: {  	[tilespmem:v6+s2+$0x0] =	vst.idx.add.f32.msk $0xffff, v5  }
0x1ab: {  	[tilespmem:v9+s2+$0x0] =	vst.idx.add.f32.msk $0xffff, v2  }
0x1ac: {  	v2 =	vld [tilespmem:$0x14E00]  }
0x1ad: {  	v3 =	vld [tilespmem:$0x14E10]  }
0x1ae: {  	v4 =	vld [tilespmem:$0x17580];
	_ =	sdelay $0x4  }
0x1af: {  	s17 =	sadd.s32 $0x1, s17;
	v63 =	vunpack.i.l.bf16.f32 v4  }
0x1b0: {  	p1 =	sne.s32 s17, s13;
	v4 =	vunpack.i.u.bf16.f32 v4;
	[tilespmem:v2+s2+$0x0] =	vst.idx.add.f32.msk $0xffff, v63  }
.Ltmp16:
0x1b1: {  	[tilespmem:v3+s2+$0x0] =	vst.idx.add.f32.msk $0xffff, v4;
	(pc) =	sbr.rel @p1 .LBB2_1-.Ltmp16, $4  }
0x1b2: {  	[hbm4b:s12+s2] =	stream.linear.scatter [tilespmem:s2], [sflag:$0x1], $0x10000, $0x38;
	[tilespmem:$0x17600] =	vst v63  }
0x1b3: {  	_ =	swait.ge [sflag:s15], $0x10000  }
0x1b4: {  	[sflag:s15] =	ssyncset.done $0x0  }
0x1b5: {  	[sflag:s15] =	ssyncadd.s32 $0xFFFF0000  }
0x1b6: {  	_ =	sfence.sel $0x180000  }
0x1b7: {  	[bflag:$0x0] =	sbarrier.arrive $0xFFFF  }
0x1b8: {  	p0 =	sne.s32 s1, $0x0;
	_ =	strace $0x9000004D  }
0x1b9: {  	s0 =	sadd.s32 @!p0 $0x100000, s0;
	[bflag:$0x2] =	sbarrier.arrive $0xFFFF  }
0x1ba: {  	[sflag:s0] =	ssyncadd.tile.s32 @!p0 $0x1;
	_ =	shalt  }
.Lfunc_end2:
_tile_overlayer_lowered:
.L_overlay_start_2:
0x1bb: {  	(tag) =	ssettag $0x2  }
0x1bc: {  	s0 =	rddreg [dreg:$0x0];
	s2 =	stileid.u32  }
0x1bd: {  	s1 =	rddreg [dreg:$0x1];
	p0 =	sne.s32 s2, $0x0  }
0x1be: {  	s3 =	rddreg [dreg:$0x2];
	[bflag:$0x3] =	sbarrier.arrive $0xFFFF;
	s2 =	simm.s32 @!p0 $0x1C01  }
0x1bf: {  	[timem:s3], [sflag:s2] =	dma.local @!p0 [hbm:s0], s1  }
0x1c0: {  	s0 =	simm.s32 @!p0 $0x1  }
0x1c1: {  	_ =	swait.ge @!p0 [sflag:s0], s1  }
0x1c2: {  	s1 =	ssub.s32 @!p0 $0x0, s1;
	[sflag:s0] =	ssyncset.done @!p0 $0x0  }
0x1c3: {  	[sflag:s0] =	ssyncadd.s32 @!p0 s1  }
0x1c4: {  	[bflag:$0x3] =	sbarrier.arrive $0xFFFF  }
0x1c5: {  	_ =	shalt  }

// kernel: kernel.19.cloned.1.call-start
scs
__scs_entry_jumppad:
0x0: {  	(pc) =	sbr.rel $0x88, $3  }
0x1: {  	(tag) =	ssettag $0x0;
	lr =	simm.s32 $0x1  }
0x2: {  	[smem:$0x3F97] =	sst lr;
	_ =	strace $0xD0000000  }
0x3: {  	_ = 	snop  }
0x4: {  	_ = 	snop  }
0x5: {  	_ = 	snop  }
0x6: {  	_ = 	snop  }
0x7: {  	_ = 	snop  }
__scs_overlays_trampoline_lowered:
0x8: {  	[smem:$0x3FA6] =	sst s0  }
0x9: {  	[smem:$0x3FA7] =	sst s1  }
0xa: {  	[smem:$0x3FA8] =	sst s2  }
0xb: {  	[smem:$0x3FA9] =	sst s3  }
0xc: {  	[smem:$0x3FAA] =	sst s4  }
0xd: {  	[smem:$0x3FAB] =	sst s5  }
0xe: {  	[smem:$0x3FAC] =	sst s6  }
0xf: {  	[smem:$0x3FAD] =	sst s7  }
0x10: {  	[smem:$0x3FAE] =	sst s8  }
0x11: {  	[smem:$0x3FAF] =	sst s9;
	s0 =	simm.s32 @!p0 $0x0  }
0x12: {  	s1 =	sld [smem:$0x3F95];
	s0 =	simm.s32 @p0 $0x1  }
0x13: {  	[smem:$0x3FB0] =	sst s0;
	s0 =	simm.s32 @!p1 $0x0  }
0x14: {  	s2 =	sld [smem:$0x3F94];
	s0 =	simm.s32 @p1 $0x1  }
0x15: {  	[smem:$0x3FB1] =	sst s0;
	s0 =	simm.s32 @!p2 $0x0  }
0x16: {  	s3 =	sld [smem:$0x3FDB];
	s0 =	simm.s32 @p2 $0x1  }
0x17: {  	s4 =	simm.s32 $0x1BF5;
	[smem:$0x3FB3] =	sst s0  }
0x18: {  	s0 =	sld [smem:$0x3F96];
	_ =	swait.ge [sflag:s4], $0x0  }
0x19: {  	s7 =	sld [smem:$0x3F97]  }
0x1a: {  	s8 =	sadd.s32 $0xFFFFE003, lr  }
0x1b: {  	s9 =	sadd.s32 $0xFFFFFEF7, lr;
	s5 =	simm.s32 $0xFFFFFFFF;
	p2 =	slt.u32 s8, $0xFFFFF086  }
0x1c: {  	p1 =	slt.u32 s9, $0xF7A;
	s5 =	simm.s32 @!p2 $0x0  }
0x1d: {  	s5 =	simm.s32 @p1 $0x1;
	p0 =	seq.s32 s7, s2  }
0x1e: {  	s7 =	smul.u32 @!p0 $0xF7A, s2;
	p2 =	seq.s32 @!p0 s5, $0x0  }
0x1f: {  	s9 =	smul.u32 $0xF7A, s1;
	s8 =	simm.s32 @!p0 $0x1BF5;
	p2 =	por !p2, p0  }
0x20: {  	[sflag:s8] =	ssyncset.s32 @!p0 $0xFFFFF086;
	s6 =	sadd.s32 @!p0 s3, s7;
	s7 =	simm.s32 @!p0 $0x108  }
0x21: {  	s3 =	sadd.s32 s3, s9;
	s6 =	sadd.s32 @!p0 $0x88, s6;
	s7 =	simm.s32 @p2 $0x1082  }
0x22: {  	[simem:s7], [sflag:s8] =	dma.local @!p0 [hbm:s6], $0xF7A  }
0x23: {  	s9 =	sor.u32 $0xD0000000, s2;
	s6 =	simm.s32 $0x108;
	_ =	swait.ge @!p0 [sflag:s8], $0x0  }
0x24: {  	s3 =	sadd.s32 $0x88, s3;
	s6 =	simm.s32 @!p1 $0x1082;
	[sflag:s4] =	ssyncset.s32 $0xFFFFF086  }
0x25: {  	[simem:s6], [sflag:s4] =	dma.local [hbm:s3], $0xF7A  }
0x26: {  	[smem:$0x3F97] =	sst s1;
	(tag) =	ssettag s2;
	_ =	strace s9  }
0x27: {  	s1 =	sld [smem:$0x3FA7]  }
0x28: {  	s2 =	sld [smem:$0x3FA8]  }
0x29: {  	s4 =	sld [smem:$0x3FAA]  }
0x2a: {  	p0 =	seq.s32 s5, $0x0;
	s5 =	sld [smem:$0x3FAB]  }
0x2b: {  	s6 =	sld [smem:$0x3FAC]  }
0x2c: {  	s7 =	sld [smem:$0x3FAD]  }
0x2d: {  	s3 =	simm.s32 $0x108;
	s8 =	sld [smem:$0x3FAE]  }
0x2e: {  	s3 =	simm.s32 @!p0 $0x1082;
	s9 =	sld [smem:$0x3FAF]  }
0x2f: {  	lr =	sadd.s32 s0, s3;
	s0 =	sld [smem:$0x3FA6]  }
0x30: {  	s3 =	sld [smem:$0x3FA9]  }
0x31: {  	[smem:$0x3FB2] =	sst s10  }
0x32: {  	s10 =	sld [smem:$0x3FB0];
	_ =	sdelay $0x3  }
0x33: {  	p0 =	seq.s32 s10, $0x1;
	s10 =	sld [smem:$0x3FB2];
	_ =	sdelay $0x3  }
0x34: {  	[smem:$0x3FB2] =	sst s10  }
0x35: {  	s10 =	sld [smem:$0x3FB1];
	_ =	sdelay $0x3  }
0x36: {  	p1 =	seq.s32 s10, $0x1;
	s10 =	sld [smem:$0x3FB2];
	_ =	sdelay $0x3  }
0x37: {  	[smem:$0x3FB2] =	sst s10  }
0x38: {  	s10 =	sld [smem:$0x3FB3]  }
0x39: {  	_ = 	snop;
	(pc) =	sbr.ind lr, $3  }
0x3a: {  	_ = 	snop  }
0x3b: {  	_ = 	snop  }
0x3c: {  	p2 =	seq.s32 s10, $0x1;
	s10 =	sld [smem:$0x3FB2]  }
0x3d: {  	_ =	shalt  }
0x3e: {  	_ =	shalt  }
0x3f: {  	_ =	shalt  }
0x40: {  	_ =	shalt  }
0x41: {  	_ =	shalt  }
0x42: {  	_ =	shalt  }
0x43: {  	_ =	shalt  }
0x44: {  	_ =	shalt  }
0x45: {  	_ =	shalt  }
0x46: {  	_ =	shalt  }
0x47: {  	_ =	shalt  }
0x48: {  	_ =	shalt  }
0x49: {  	_ =	shalt  }
0x4a: {  	_ =	shalt  }
0x4b: {  	_ =	shalt  }
0x4c: {  	_ =	shalt  }
0x4d: {  	_ =	shalt  }
0x4e: {  	_ =	shalt  }
0x4f: {  	_ =	shalt  }
0x50: {  	_ =	shalt  }
0x51: {  	_ =	shalt  }
0x52: {  	_ =	shalt  }
0x53: {  	_ =	shalt  }
0x54: {  	_ =	shalt  }
0x55: {  	_ =	shalt  }
0x56: {  	_ =	shalt  }
0x57: {  	_ =	shalt  }
0x58: {  	_ =	shalt  }
0x59: {  	_ =	shalt  }
0x5a: {  	_ =	shalt  }
0x5b: {  	_ =	shalt  }
0x5c: {  	_ =	shalt  }
0x5d: {  	_ =	shalt  }
0x5e: {  	_ =	shalt  }
0x5f: {  	_ =	shalt  }
0x60: {  	_ =	shalt  }
0x61: {  	_ =	shalt  }
0x62: {  	_ =	shalt  }
0x63: {  	_ =	shalt  }
0x64: {  	_ =	shalt  }
0x65: {  	_ =	shalt  }
0x66: {  	_ =	shalt  }
0x67: {  	_ =	shalt  }
0x68: {  	_ =	shalt  }
0x69: {  	_ =	shalt  }
0x6a: {  	_ =	shalt  }
0x6b: {  	_ =	shalt  }
0x6c: {  	_ =	shalt  }
0x6d: {  	_ =	shalt  }
0x6e: {  	_ =	shalt  }
0x6f: {  	_ =	shalt  }
0x70: {  	_ =	shalt  }
0x71: {  	_ =	shalt  }
0x72: {  	_ =	shalt  }
0x73: {  	_ =	shalt  }
0x74: {  	_ =	shalt  }
0x75: {  	_ =	shalt  }
0x76: {  	_ =	shalt  }
0x77: {  	_ =	shalt  }
0x78: {  	_ =	shalt  }
0x79: {  	_ =	shalt  }
0x7a: {  	_ =	shalt  }
0x7b: {  	_ =	shalt  }
0x7c: {  	_ =	shalt  }
0x7d: {  	_ =	shalt  }
0x7e: {  	_ =	shalt  }
0x7f: {  	_ =	shalt  }
0x80: {  	_ =	shalt  }
0x81: {  	_ =	shalt  }
0x82: {  	_ =	shalt  }
0x83: {  	_ =	shalt  }
0x84: {  	_ =	shalt  }
0x85: {  	_ =	shalt  }
0x86: {  	_ =	shalt  }
0x87: {  	_ =	shalt  }
.Lfunc_end0:
.L_simem_size_0:
called_computation.2_lowered:
.L_overlay_start_0:
0x88: {  	s2 =	sld [smem:$0x3FD9]  }
0x89: {  	s3 =	sld [smem:$0x3FFE];
	_ =	sdelay $0x1  }
0x8a: {  	s1 =	srdreg.scid  }
0x8b: {  	s0 =	sand.u32 $0x1, s1  }
0x8c: {  	s17 =	sshll.u32 s0, $0xA;
	s2 =	sadd.s32 s3, s2  }
0x8d: {  	s2 =	sadd.s32 s2, s17  }
0x8e: {  	[smem:$0x3FBE] =	sst s2  }
0x8f: {  	_ = 	snop  }
0x90: {  	s18 =	sld [smem:$0x3FC9];
	(tm) =	ssettm $0x1  }
0x91: {  	s19 =	sld [smem:$0x3FFB];
	_ =	sdelay $0x3  }
0x92: {  	_ =	strace s19  }
0x93: {  	s2 =	sld [smem:$0x3FFC];
	_ =	sdelay $0x3  }
0x94: {  	_ =	strace s2  }
0x95: {  	s2 =	sld [smem:$0x3FFD];
	_ =	sdelay $0x3  }
0x96: {  	_ =	strace s2  }
0x97: {  	_ =	strace $0x8FFFFFFF  }
0x98: {  	s20 =	sld [smem:$0x3FDB];
	_ =	sdelay $0x1  }
0x99: {  	s4 =	simm.s32 $_scs_section_size  }
0x9a: {  	s5 =	simm.s32 $_size__tile_overlayer_lowered;
	s6 =	simm.s32 $_tile_overlayer_lowered  }
0x9b: {  	s7 =	simm.s32 $0x1BFF;
	s21 =	sshll.u32 s6, $0x1;
	s4 =	sadd.s32 s4, s20  }
0x9c: {  	s22 =	simm.s32 $0x0;
	s5 =	sshll.u32 s5, $0x1;
	s6 =	sadd.s32 s21, s4  }
0x9d: {  	[timem:s22], [sflag:s7] =	dma.local [hbm:s6], s5  }
0x9e: {  	_ =	swait.ge [sflag:s7], s5  }
0x9f: {  	s5 =	ssub.s32 $0x0, s5;
	[sflag:s7] =	ssyncset.done $0x0  }
0xa0: {  	[sflag:s7] =	ssyncadd.s32 s5;
	_ =	sdelay $0x1  }
0xa1: {  	s23 =	simm.s32 $0x1B8B  }
0xa2: {  	_ =	swait.ge [sflag:s23], $0x1  }
0xa3: {  	[sflag:s23] =	ssyncset.done $0x0  }
0xa4: {  	[sflag:s23] =	ssyncadd.s32 $0xFFFFFFFF  }
0xa5: {  	s5 =	sld [smem:$0x0]  }
0xa6: {  	s6 =	sand.u32 $0xFFFFFFFE, s1  }
0xa7: {  	p0 =	sne.s32 s1, s6  }
0xa8: {  	s6 =	sshll.u32 @p0 s6, $0xE  }
0xa9: {  	s6 =	sadd.s32 @p0 $0x11B8D, s6;
	s7 =	sshll.u32 @p0 s5, $0x11  }
0xaa: {  	s6 =	sor.u32 @p0 s7, s6  }
0xab: {  	[sflag:s6] =	ssyncadd.remote.s32 @p0 $0x1;
	_ =	sdelay $0x1  }
0xac: {  	s6 =	simm.s32 @p0 $0x1B8D  }
0xad: {  	_ =	swait.eq @p0 [sflag:s6], $0x1  }
0xae: {  	[sflag:s6] =	ssyncadd.s32 @p0 $0xFFFFFFFF  }
0xaf: {  	s7 =	sshll.u32 @!p0 s1, $0xE  }
0xb0: {  	s7 =	sor.u32 @!p0 $0x4000, s7;
	s6 =	simm.s32 @!p0 $0x1B8D  }
0xb1: {  	s5 =	sshll.u32 @!p0 s5, $0x11;
	s7 =	sadd.s32 @!p0 $0x11B8D, s7;
	_ =	swait.eq @!p0 [sflag:s6], $0x1  }
0xb2: {  	s5 =	sor.u32 @!p0 s5, s7;
	[sflag:s6] =	ssyncadd.s32 @!p0 $0xFFFFFFFF  }
0xb3: {  	s25 =	simm.s32 $0x1B8E;
	s24 =	sld [smem:$0x3FFE];
	[sflag:s5] =	ssyncadd.remote.s32 @!p0 $0x1  }
0xb4: {  	s26 =	simm.s32 $execute0_lowered;
	[smem:$0x3FD2] =	sst s25  }
0xb5: {  	s6 =	sshll.u32 s26, $0x1;
	_ =	strace $0x80000049;
	[dreg:$0x1] =	wrdreg $0xFFFFFFFF  }
0xb6: {  	s28 =	simm.s32 $_size_execute0_lowered;
	s4 =	sadd.s32 s4, s6;
	[dreg:$0x0] =	wrdreg $0x0  }
0xb7: {  	s6 =	sshll.u32 s28, $0x1;
	[dreg:$0x2] =	wrdreg s4  }
0xb8: {  	[dreg:$0x3] =	wrdreg s6  }
0xb9: {  	[dreg:$0x4] =	wrdreg $0xC0  }
0xba: {  	_ =	task [dreg:s22], $0x5FFFF  }
0xbb: {  	[dreg:$0x1] =	wrdreg $0xFFFFFFFF  }
0xbc: {  	[dreg:$0x0] =	wrdreg $0x60  }
0xbd: {  	[dreg:$0x2] =	wrdreg s18  }
0xbe: {  	[dreg:$0x3] =	wrdreg s24  }
0xbf: {  	[dreg:$0x4] =	wrdreg $0xA  }
0xc0: {  	_ =	task.clear_ibuf [dreg:s22], $0x5FFFF;
	_ =	strace $0x90000049  }
0xc1: {  	s29 =	simm.s32 $0xA;
	_ =	strace $0x8000004B  }
0xc2: {  	_ =	swait.ge [sflag:s29], $0x1  }
0xc3: {  	[sflag:s29] =	ssyncadd.s32 $0xFFFFFFFF  }
0xc4: {  	_ =	strace $0x9000004B  }
0xc5: {  	_ =	sfence  }
0xc6: {  	s30 =	sld [smem:$0x0];
	_ =	sdelay $0x2  }
0xc7: {  	s31 =	sshll.u32 s1, $0xD;
	s1 =	sshrl.u32 s1, $0x2  }
0xc8: {  	s4 =	sand.u32 $0x4000, s31;
	s1 =	sadd.s32 s1, s30  }
0xc9: {  	s0 =	sor.u32 s4, s0;
	s1 =	sshll.u32 s1, $0x11  }
0xca: {  	s0 =	sor.u32 s1, s0  }
0xcb: {  	s0 =	sadd.s32 $0x8F2B, s0  }
0xcc: {  	[sflag:s0] =	ssyncadd.remote.s32 $0x1  }
0xcd: {  	_ =	sfence.sel $0xFFFF  }
0xce: {  	[dreg:$0x0] =	wrdreg $0xFFFFFFFF;
	(pc) =	sbr.abs _section_cstart, $3  }
0xcf: {  	[dreg:$0x1] =	wrdreg $0xFFFFFFFF  }
0xd0: {  	_ =	task.clear_ibuf [dreg:s22], $0x2FFFF;
	_ =	strace $0x9FFFFFFF  }
0xd1: {  	(tm) =	ssettm $0x7FFFFFFF  }
tec
execute0_lowered:
.L_overlay_start_1:
0x0: {  	(tag) =	ssettag $0x1  }
0x1: {  	s3 =	rddreg [dreg:$0x0]  }
0x2: {  	s4 =	rddreg [dreg:$0x1]  }
0x3: {  	s0 =	rddreg [dreg:$0x2]  }
0x4: {  	s5 =	srdreg.scid;
	s1 =	stileid.u32  }
0x5: {  	s2 =	simm.s32 $0x0;
	s13 =	simm.s32 $0x10000;
	s14 =	simm.s32 $0x1  }
0x6: {  	s15 =	simm.s32 $0x14E80;
	s16 =	simm.s32 $0x0;
	s5 =	sand.u32 $0x1, s5  }
0x7: {  	s6 =	sshll.u32 s1, $0x1;
	[smem:$0x7FF] =	sst s2;
	s9 =	sadd.s32 $0x4000, s4  }
0x8: {  	s7 =	ssub.s32 $0x2, s5;
	s5 =	sor.u32 s5, s6;
	_ =	strace $0x8000004A  }
0x9: {  	s29 =	sshrl.u32 s7, $0x1;
	s8 =	smul.u32 $0x13C00, s5;
	s30 =	sshll.u32 s5, $0xF  }
0xa: {  	s5 =	smul.u32 $0x13C0, s5;
	s12 =	ssub.s32 s7, s29;
	s10 =	sadd.s32 s30, s3  }
0xb: {  	s3 =	sadd.s32 $0x35C4, s4;
	s31 =	sshrl.u32 s8, $0x4;
	s4 =	sadd.s32 $0x100000, s10  }
0xc: {  	s5 =	sadd.s32 s9, s5;
	s6 =	sadd.s32 $0x102000, s10;
	s8 =	sadd.s32 $0x104000, s10  }
0xd: {  	s10 =	sadd.s32 $0x106000, s10;
	s12 =	smax.u32 s12, $0x1;
	s11 =	sadd.s32 s9, s31  }
0xe: {  	s7 =	sadd.s32 $0x4F0, s11;
	s9 =	sadd.s32 $0x9E0, s11;
	s11 =	sadd.s32 $0xED0, s11  }
.LBB2_1:
0xf: {  	[tilespmem:s13], [sflag:$0x1] =	stream.linear.gather [hbm4b:s3+s2], $0x4E20, $0x38;
	[tilespmem:$0x17600] =	vst v63  }
0x10: {  	_ =	swait.ge [sflag:s14], $0x4E20  }
0x11: {  	[sflag:s14] =	ssyncset.done $0x0  }
0x12: {  	[sflag:s14] =	ssyncadd.s32 $0xFFFFB1E0  }
0x13: {  	[tilespmem:s2], [sflag:$0x1] =	stream.linear.gather [hbm4b:s4+s2], $0x10000, $0x38;
	[tilespmem:$0x17600] =	vst v63  }
0x14: {  	_ =	swait.ge [sflag:s14], $0x10000  }
0x15: {  	[sflag:s14] =	ssyncset.done $0x0  }
0x16: {  	s17 =	simm.s32 $0x10040;
	[sflag:s14] =	ssyncadd.s32 $0xFFFF0000  }
0x17: {  	v0 =	vld [tilespmem:s17+$0x20]  }
0x18: {  	v1 =	vld [tilespmem:s17+$0x30]  }
0x19: {  	v2 =	vld [tilespmem:s17+$0xFFFFFFC0]  }
0x1a: {  	v3 =	vld [tilespmem:s17+$0xFFFFFFD0]  }
0x1b: {  	v4 =	vld [tilespmem:s17+$0xFFFFFFE0]  }
0x1c: {  	v5 =	vld [tilespmem:s17+$0xFFFFFFF0]  }
0x1d: {  	v6 =	vld [tilespmem:s17+$0x0]  }
0x1e: {  	v7 =	vld [tilespmem:s17+$0x10]  }
0x1f: {  	v8 =	vld.idx.msk [tilespmem:v0+s2+$0x0], $0xffff  }
0x20: {  	v9 =	vld.idx.msk [tilespmem:v1+s2+$0x0], $0xffff  }
0x21: {  	p0 =	por $0x0, $0x0;
	s18 =	simm.s32 $0x1;
	v0 =	vld.idx.msk [tilespmem:v2+s2+$0x0], $0xffff  }
0x22: {  	s18 =	simm.s32 @!p0 $0x0;
	v2 =	vld.idx.msk [tilespmem:v3+s2+$0x0], $0xffff  }
0x23: {  	s19 =	sand.u32 $0x7F00, s2;
	s18 =	sadd.s32 $0x0, s18;
	v1 =	vld.idx.msk [tilespmem:v4+s2+$0x0], $0xffff  }
0x24: {  	s22 =	sshrl.u32 s19, $0x1;
	s20 =	sor.u32 $0x80, s18;
	s18 =	sor.u32 $0xC0, s18;
	v4 =	vld.idx.msk [tilespmem:v5+s2+$0x0], $0xffff  }
0x25: {  	s19 =	simm.s32 $0x0;
	s21 =	sshra.s32 s20, $0x1;
	s23 =	sshra.s32 s18, $0x1;
	v3 =	vld.idx.msk [tilespmem:v6+s2+$0x0], $0xffff  }
0x26: {  	s18 =	simm.s32 $0x100C0;
	s20 =	simm.s32 $0x0;
	s17 =	simm.s32 $0x0;
	v5 =	vld.idx.msk [tilespmem:v7+s2+$0x0], $0xffff;
	v6 =	vpack.i.f32.bf16 v9, v8  }
.LBB2_2:
0x27: {  	v7 =	vld [tilespmem:s18+$0x20];
	s24 =	sadd.s32 $0x14E80, s22;
	[tilespmem:s23+$0x14E80] =	vst v6;
	s19 =	sadd.s32 $0x1, s19  }
0x28: {  	s17 =	sadd.s32 $0x4, s17;
	v0 =	vpack.i.f32.bf16 v2, v0;
	v6 =	vld [tilespmem:s18+$0x30]  }
0x29: {  	p1 =	slt.u32 s17, $0x26C;
	v2 =	vld [tilespmem:s18+$0xFFFFFFC0];
	[tilespmem:s22+$0x14E80] =	vst v0  }
0x2a: {  	v0 =	vpack.i.f32.bf16 v4, v1;
	v8 =	vld [tilespmem:s18+$0xFFFFFFD0]  }
0x2b: {  	v1 =	vld [tilespmem:s18+$0xFFFFFFE0];
	[tilespmem:s24+$0x20] =	vst v0  }
0x2c: {  	v0 =	vpack.i.f32.bf16 v5, v3;
	v4 =	vld [tilespmem:s18+$0xFFFFFFF0]  }
0x2d: {  	v3 =	vld [tilespmem:s18+$0x0];
	[tilespmem:s21+$0x14E80] =	vst v0  }
0x2e: {  	v5 =	vld [tilespmem:s18+$0x10]  }
0x2f: {  	v7 =	vld.idx.msk [tilespmem:v7+s2+$0x0], $0xffff  }
0x30: {  	v6 =	vld.idx.msk [tilespmem:v6+s2+$0x0], $0xffff  }
0x31: {  	v0 =	vld.idx.msk [tilespmem:v2+s2+$0x0], $0xffff  }
.Ltmp0:
0x32: {  	p0 =	por !p0, !p0;
	s21 =	simm.s32 $0x1;
	v2 =	vld.idx.msk [tilespmem:v8+s2+$0x0], $0xffff;
	(pc) =	sbr.rel @p1 .LBB2_2-.Ltmp0, $4  }
0x33: {  	s20 =	sadd.s32 $0x80, s20;
	s21 =	simm.s32 @!p0 $0x0;
	v1 =	vld.idx.msk [tilespmem:v1+s2+$0x0], $0xffff  }
0x34: {  	s22 =	sand.u32 $0x7F00, s20;
	s21 =	sadd.s32 s21, s20;
	v4 =	vld.idx.msk [tilespmem:v4+s2+$0x0], $0xffff  }
0x35: {  	s22 =	sshrl.u32 s22, $0x1;
	s23 =	sor.u32 $0x80, s21;
	s24 =	sor.u32 $0xC0, s21;
	v3 =	vld.idx.msk [tilespmem:v3+s2+$0x0], $0xffff  }
0x36: {  	s18 =	sadd.s32 $0x80, s18;
	s21 =	sshra.s32 s23, $0x1;
	s23 =	sshra.s32 s24, $0x1;
	v6 =	vpack.i.f32.bf16 v6, v7;
	v5 =	vld.idx.msk [tilespmem:v5+s2+$0x0], $0xffff  }
0x37: {  	_ =	sdelay $0x1  }
0x38: {  	[tilespmem:s23+$0x14E80] =	vst v6;
	v0 =	vpack.i.f32.bf16 v2, v0  }
0x39: {  	s17 =	sadd.s32 $0x14E80, s22;
	[tilespmem:s22+$0x14E80] =	vst v0;
	v0 =	vpack.i.f32.bf16 v4, v1  }
0x3a: {  	[tilespmem:s17+$0x20] =	vst v0;
	v0 =	vpack.i.f32.bf16 v5, v3  }
0x3b: {  	[tilespmem:s21+$0x14E80] =	vst v0  }
0x3c: {  	v0 =	vld [tilespmem:$0x14E00]  }
0x3d: {  	v1 =	vld [tilespmem:$0x14E10];
	_ =	sdelay $0x5  }
0x3e: {  	s17 =	simm.s32 $0x0  }
0x3f: {  	v0 =	vld.idx.msk [tilespmem:v0+s17+$0x0], $0xffff  }
0x40: {  	v1 =	vld.idx.msk [tilespmem:v1+s17+$0x0], $0xffff;
	_ =	sdelay $0x4  }
0x41: {  	v0 =	vpack.i.f32.bf16 v1, v0  }
0x42: {  	[tilespmem:$0x17580] =	vst v0  }
0x43: {  	[hbm4b:s5+s17] =	stream.linear.scatter [tilespmem:s15], [sflag:$0x1], $0x2780, $0x38;
	[tilespmem:$0x17600] =	vst v63  }
0x44: {  	_ =	swait.ge [sflag:s14], $0x2780  }
0x45: {  	[sflag:s14] =	ssyncset.done $0x0  }
0x46: {  	[sflag:s14] =	ssyncadd.s32 $0xFFFFD880  }
0x47: {  	[tilespmem:s17], [sflag:$0x1] =	stream.linear.gather [hbm4b:s6+s17], $0x10000, $0x38;
	[tilespmem:$0x17600] =	vst v63  }
0x48: {  	_ =	swait.ge [sflag:s14], $0x10000  }
0x49: {  	[sflag:s14] =	ssyncset.done $0x0  }
0x4a: {  	s18 =	simm.s32 $0x10040;
	[sflag:s14] =	ssyncadd.s32 $0xFFFF0000  }
0x4b: {  	v0 =	vld [tilespmem:s18+$0x20]  }
0x4c: {  	v1 =	vld [tilespmem:s18+$0x30]  }
0x4d: {  	v2 =	vld [tilespmem:s18+$0xFFFFFFC0]  }
0x4e: {  	v3 =	vld [tilespmem:s18+$0xFFFFFFD0]  }
0x4f: {  	v4 =	vld [tilespmem:s18+$0xFFFFFFE0]  }
0x50: {  	v5 =	vld [tilespmem:s18+$0xFFFFFFF0]  }
0x51: {  	v6 =	vld [tilespmem:s18+$0x0]  }
0x52: {  	v7 =	vld [tilespmem:s18+$0x10]  }
0x53: {  	v8 =	vld.idx.msk [tilespmem:v0+s2+$0x0], $0xffff  }
0x54: {  	v9 =	vld.idx.msk [tilespmem:v1+s2+$0x0], $0xffff  }
0x55: {  	v0 =	vld.idx.msk [tilespmem:v2+s2+$0x0], $0xffff  }
0x56: {  	p0 =	por $0x0, $0x0;
	s18 =	simm.s32 $0x1;
	v2 =	vld.idx.msk [tilespmem:v3+s2+$0x0], $0xffff  }
0x57: {  	s20 =	sand.u32 $0x7F00, s17;
	s18 =	simm.s32 @!p0 $0x0;
	v1 =	vld.idx.msk [tilespmem:v4+s2+$0x0], $0xffff  }
0x58: {  	s22 =	sshrl.u32 s20, $0x1;
	s20 =	simm.s32 $0x0;
	s19 =	sadd.s32 $0x0, s18;
	v4 =	vld.idx.msk [tilespmem:v5+s2+$0x0], $0xffff  }
0x59: {  	s18 =	simm.s32 $0x0;
	s31 =	sor.u32 $0x80, s19;
	s19 =	sor.u32 $0xC0, s19;
	v3 =	vld.idx.msk [tilespmem:v6+s2+$0x0], $0xffff  }
0x5a: {  	s21 =	sshra.s32 s31, $0x1;
	s23 =	sshra.s32 s19, $0x1;
	s19 =	simm.s32 $0x100C0;
	v5 =	vld.idx.msk [tilespmem:v7+s2+$0x0], $0xffff;
	v6 =	vpack.i.f32.bf16 v9, v8  }
.LBB2_4:
0x5b: {  	v7 =	vld [tilespmem:s19+$0x20];
	s24 =	sadd.s32 $0x14E80, s22;
	[tilespmem:s23+$0x14E80] =	vst v6;
	s17 =	sadd.s32 $0x1, s17  }
0x5c: {  	s18 =	sadd.s32 $0x4, s18;
	v0 =	vpack.i.f32.bf16 v2, v0;
	v6 =	vld [tilespmem:s19+$0x30]  }
0x5d: {  	p1 =	slt.u32 s18, $0x26C;
	v2 =	vld [tilespmem:s19+$0xFFFFFFC0];
	[tilespmem:s22+$0x14E80] =	vst v0  }
0x5e: {  	v0 =	vpack.i.f32.bf16 v4, v1;
	v8 =	vld [tilespmem:s19+$0xFFFFFFD0]  }
0x5f: {  	v1 =	vld [tilespmem:s19+$0xFFFFFFE0];
	[tilespmem:s24+$0x20] =	vst v0  }
0x60: {  	v0 =	vpack.i.f32.bf16 v5, v3;
	v4 =	vld [tilespmem:s19+$0xFFFFFFF0]  }
0x61: {  	v3 =	vld [tilespmem:s19+$0x0];
	[tilespmem:s21+$0x14E80] =	vst v0  }
0x62: {  	v5 =	vld [tilespmem:s19+$0x10]  }
0x63: {  	v7 =	vld.idx.msk [tilespmem:v7+s2+$0x0], $0xffff  }
0x64: {  	v6 =	vld.idx.msk [tilespmem:v6+s2+$0x0], $0xffff  }
0x65: {  	v0 =	vld.idx.msk [tilespmem:v2+s2+$0x0], $0xffff  }
.Ltmp1:
0x66: {  	p0 =	por !p0, !p0;
	s21 =	simm.s32 $0x1;
	v2 =	vld.idx.msk [tilespmem:v8+s2+$0x0], $0xffff;
	(pc) =	sbr.rel @p1 .LBB2_4-.Ltmp1, $4  }
0x67: {  	s20 =	sadd.s32 $0x80, s20;
	s21 =	simm.s32 @!p0 $0x0;
	v1 =	vld.idx.msk [tilespmem:v1+s2+$0x0], $0xffff  }
0x68: {  	s22 =	sand.u32 $0x7F00, s20;
	s21 =	sadd.s32 s21, s20;
	v4 =	vld.idx.msk [tilespmem:v4+s2+$0x0], $0xffff  }
0x69: {  	s22 =	sshrl.u32 s22, $0x1;
	s23 =	sor.u32 $0x80, s21;
	s24 =	sor.u32 $0xC0, s21;
	v3 =	vld.idx.msk [tilespmem:v3+s2+$0x0], $0xffff  }
0x6a: {  	s19 =	sadd.s32 $0x80, s19;
	s21 =	sshra.s32 s23, $0x1;
	s23 =	sshra.s32 s24, $0x1;
	v6 =	vpack.i.f32.bf16 v6, v7;
	v5 =	vld.idx.msk [tilespmem:v5+s2+$0x0], $0xffff  }
0x6b: {  	_ =	sdelay $0x1  }
0x6c: {  	[tilespmem:s23+$0x14E80] =	vst v6;
	v0 =	vpack.i.f32.bf16 v2, v0  }
0x6d: {  	s17 =	sadd.s32 $0x14E80, s22;
	[tilespmem:s22+$0x14E80] =	vst v0;
	v0 =	vpack.i.f32.bf16 v4, v1  }
0x6e: {  	[tilespmem:s17+$0x20] =	vst v0;
	v0 =	vpack.i.f32.bf16 v5, v3  }
0x6f: {  	[tilespmem:s21+$0x14E80] =	vst v0  }
0x70: {  	v0 =	vld [tilespmem:$0x14E00]  }
0x71: {  	v1 =	vld [tilespmem:$0x14E10];
	_ =	sdelay $0x5  }
0x72: {  	s17 =	simm.s32 $0x0  }
0x73: {  	v0 =	vld.idx.msk [tilespmem:v0+s17+$0x0], $0xffff  }
0x74: {  	v1 =	vld.idx.msk [tilespmem:v1+s17+$0x0], $0xffff;
	_ =	sdelay $0x4  }
0x75: {  	v0 =	vpack.i.f32.bf16 v1, v0  }
0x76: {  	[tilespmem:$0x17580] =	vst v0  }
0x77: {  	[hbm4b:s7+s17] =	stream.linear.scatter [tilespmem:s15], [sflag:$0x1], $0x2780, $0x38;
	[tilespmem:$0x17600] =	vst v63  }
0x78: {  	_ =	swait.ge [sflag:s14], $0x2780  }
0x79: {  	[sflag:s14] =	ssyncset.done $0x0  }
0x7a: {  	[sflag:s14] =	ssyncadd.s32 $0xFFFFD880  }
0x7b: {  	[tilespmem:s17], [sflag:$0x1] =	stream.linear.gather [hbm4b:s8+s17], $0x10000, $0x38;
	[tilespmem:$0x17600] =	vst v63  }
0x7c: {  	_ =	swait.ge [sflag:s14], $0x10000  }
0x7d: {  	[sflag:s14] =	ssyncset.done $0x0  }
0x7e: {  	s18 =	simm.s32 $0x10040;
	[sflag:s14] =	ssyncadd.s32 $0xFFFF0000  }
0x7f: {  	v0 =	vld [tilespmem:s18+$0x20]  }
0x80: {  	v1 =	vld [tilespmem:s18+$0x30]  }
0x81: {  	v2 =	vld [tilespmem:s18+$0xFFFFFFC0]  }
0x82: {  	v3 =	vld [tilespmem:s18+$0xFFFFFFD0]  }
0x83: {  	v4 =	vld [tilespmem:s18+$0xFFFFFFE0]  }
0x84: {  	v5 =	vld [tilespmem:s18+$0xFFFFFFF0]  }
0x85: {  	v6 =	vld [tilespmem:s18+$0x0]  }
0x86: {  	v7 =	vld [tilespmem:s18+$0x10]  }
0x87: {  	v8 =	vld.idx.msk [tilespmem:v0+s2+$0x0], $0xffff  }
0x88: {  	v9 =	vld.idx.msk [tilespmem:v1+s2+$0x0], $0xffff  }
0x89: {  	v0 =	vld.idx.msk [tilespmem:v2+s2+$0x0], $0xffff  }
0x8a: {  	p0 =	por $0x0, $0x0;
	s18 =	simm.s32 $0x1;
	v2 =	vld.idx.msk [tilespmem:v3+s2+$0x0], $0xffff  }
0x8b: {  	s20 =	sand.u32 $0x7F00, s17;
	s18 =	simm.s32 @!p0 $0x0;
	v1 =	vld.idx.msk [tilespmem:v4+s2+$0x0], $0xffff  }
0x8c: {  	s22 =	sshrl.u32 s20, $0x1;
	s20 =	simm.s32 $0x0;
	s19 =	sadd.s32 $0x0, s18;
	v4 =	vld.idx.msk [tilespmem:v5+s2+$0x0], $0xffff  }
0x8d: {  	s18 =	simm.s32 $0x0;
	s31 =	sor.u32 $0x80, s19;
	s19 =	sor.u32 $0xC0, s19;
	v3 =	vld.idx.msk [tilespmem:v6+s2+$0x0], $0xffff  }
0x8e: {  	s21 =	sshra.s32 s31, $0x1;
	s23 =	sshra.s32 s19, $0x1;
	s19 =	simm.s32 $0x100C0;
	v5 =	vld.idx.msk [tilespmem:v7+s2+$0x0], $0xffff;
	v6 =	vpack.i.f32.bf16 v9, v8  }
.LBB2_6:
0x8f: {  	v7 =	vld [tilespmem:s19+$0x20];
	s24 =	sadd.s32 $0x14E80, s22;
	[tilespmem:s23+$0x14E80] =	vst v6;
	s17 =	sadd.s32 $0x1, s17  }
0x90: {  	s18 =	sadd.s32 $0x4, s18;
	v0 =	vpack.i.f32.bf16 v2, v0;
	v6 =	vld [tilespmem:s19+$0x30]  }
0x91: {  	p1 =	slt.u32 s18, $0x26C;
	v2 =	vld [tilespmem:s19+$0xFFFFFFC0];
	[tilespmem:s22+$0x14E80] =	vst v0  }
0x92: {  	v0 =	vpack.i.f32.bf16 v4, v1;
	v8 =	vld [tilespmem:s19+$0xFFFFFFD0]  }
0x93: {  	v1 =	vld [tilespmem:s19+$0xFFFFFFE0];
	[tilespmem:s24+$0x20] =	vst v0  }
0x94: {  	v0 =	vpack.i.f32.bf16 v5, v3;
	v4 =	vld [tilespmem:s19+$0xFFFFFFF0]  }
0x95: {  	v3 =	vld [tilespmem:s19+$0x0];
	[tilespmem:s21+$0x14E80] =	vst v0  }
0x96: {  	v5 =	vld [tilespmem:s19+$0x10]  }
0x97: {  	v7 =	vld.idx.msk [tilespmem:v7+s2+$0x0], $0xffff  }
0x98: {  	v6 =	vld.idx.msk [tilespmem:v6+s2+$0x0], $0xffff  }
0x99: {  	v0 =	vld.idx.msk [tilespmem:v2+s2+$0x0], $0xffff  }
.Ltmp2:
0x9a: {  	p0 =	por !p0, !p0;
	s21 =	simm.s32 $0x1;
	v2 =	vld.idx.msk [tilespmem:v8+s2+$0x0], $0xffff;
	(pc) =	sbr.rel @p1 .LBB2_6-.Ltmp2, $4  }
0x9b: {  	s20 =	sadd.s32 $0x80, s20;
	s21 =	simm.s32 @!p0 $0x0;
	v1 =	vld.idx.msk [tilespmem:v1+s2+$0x0], $0xffff  }
0x9c: {  	s22 =	sand.u32 $0x7F00, s20;
	s21 =	sadd.s32 s21, s20;
	v4 =	vld.idx.msk [tilespmem:v4+s2+$0x0], $0xffff  }
0x9d: {  	s22 =	sshrl.u32 s22, $0x1;
	s23 =	sor.u32 $0x80, s21;
	s24 =	sor.u32 $0xC0, s21;
	v3 =	vld.idx.msk [tilespmem:v3+s2+$0x0], $0xffff  }
0x9e: {  	s19 =	sadd.s32 $0x80, s19;
	s21 =	sshra.s32 s23, $0x1;
	s23 =	sshra.s32 s24, $0x1;
	v6 =	vpack.i.f32.bf16 v6, v7;
	v5 =	vld.idx.msk [tilespmem:v5+s2+$0x0], $0xffff  }
0x9f: {  	_ =	sdelay $0x1  }
0xa0: {  	[tilespmem:s23+$0x14E80] =	vst v6;
	v0 =	vpack.i.f32.bf16 v2, v0  }
0xa1: {  	s17 =	sadd.s32 $0x14E80, s22;
	[tilespmem:s22+$0x14E80] =	vst v0;
	v0 =	vpack.i.f32.bf16 v4, v1  }
0xa2: {  	[tilespmem:s17+$0x20] =	vst v0;
	v0 =	vpack.i.f32.bf16 v5, v3  }
0xa3: {  	[tilespmem:s21+$0x14E80] =	vst v0  }
0xa4: {  	v0 =	vld [tilespmem:$0x14E00]  }
0xa5: {  	v1 =	vld [tilespmem:$0x14E10];
	_ =	sdelay $0x5  }
0xa6: {  	s17 =	simm.s32 $0x0  }
0xa7: {  	v0 =	vld.idx.msk [tilespmem:v0+s17+$0x0], $0xffff  }
0xa8: {  	v1 =	vld.idx.msk [tilespmem:v1+s17+$0x0], $0xffff;
	_ =	sdelay $0x4  }
0xa9: {  	v0 =	vpack.i.f32.bf16 v1, v0  }
0xaa: {  	[tilespmem:$0x17580] =	vst v0  }
0xab: {  	[hbm4b:s9+s17] =	stream.linear.scatter [tilespmem:s15], [sflag:$0x1], $0x2780, $0x38;
	[tilespmem:$0x17600] =	vst v63  }
0xac: {  	_ =	swait.ge [sflag:s14], $0x2780  }
0xad: {  	[sflag:s14] =	ssyncset.done $0x0  }
0xae: {  	[sflag:s14] =	ssyncadd.s32 $0xFFFFD880  }
0xaf: {  	[tilespmem:s17], [sflag:$0x1] =	stream.linear.gather [hbm4b:s10+s17], $0x10000, $0x38;
	[tilespmem:$0x17600] =	vst v63  }
0xb0: {  	_ =	swait.ge [sflag:s14], $0x10000  }
0xb1: {  	[sflag:s14] =	ssyncset.done $0x0  }
0xb2: {  	s18 =	simm.s32 $0x10040;
	[sflag:s14] =	ssyncadd.s32 $0xFFFF0000  }
0xb3: {  	v0 =	vld [tilespmem:s18+$0x20]  }
0xb4: {  	v1 =	vld [tilespmem:s18+$0x30]  }
0xb5: {  	v2 =	vld [tilespmem:s18+$0xFFFFFFC0]  }
0xb6: {  	v3 =	vld [tilespmem:s18+$0xFFFFFFD0]  }
0xb7: {  	v4 =	vld [tilespmem:s18+$0xFFFFFFE0]  }
0xb8: {  	v5 =	vld [tilespmem:s18+$0xFFFFFFF0]  }
0xb9: {  	v6 =	vld [tilespmem:s18+$0x0]  }
0xba: {  	v7 =	vld [tilespmem:s18+$0x10]  }
0xbb: {  	v8 =	vld.idx.msk [tilespmem:v0+s2+$0x0], $0xffff  }
0xbc: {  	v9 =	vld.idx.msk [tilespmem:v1+s2+$0x0], $0xffff  }
0xbd: {  	v0 =	vld.idx.msk [tilespmem:v2+s2+$0x0], $0xffff  }
0xbe: {  	p0 =	por $0x0, $0x0;
	s18 =	simm.s32 $0x1;
	v2 =	vld.idx.msk [tilespmem:v3+s2+$0x0], $0xffff  }
0xbf: {  	s20 =	sand.u32 $0x7F00, s17;
	s18 =	simm.s32 @!p0 $0x0;
	v1 =	vld.idx.msk [tilespmem:v4+s2+$0x0], $0xffff  }
0xc0: {  	s22 =	sshrl.u32 s20, $0x1;
	s20 =	simm.s32 $0x0;
	s19 =	sadd.s32 $0x0, s18;
	v4 =	vld.idx.msk [tilespmem:v5+s2+$0x0], $0xffff  }
0xc1: {  	s18 =	simm.s32 $0x0;
	s31 =	sor.u32 $0x80, s19;
	s19 =	sor.u32 $0xC0, s19;
	v3 =	vld.idx.msk [tilespmem:v6+s2+$0x0], $0xffff  }
0xc2: {  	s21 =	sshra.s32 s31, $0x1;
	s23 =	sshra.s32 s19, $0x1;
	s19 =	simm.s32 $0x100C0;
	v5 =	vld.idx.msk [tilespmem:v7+s2+$0x0], $0xffff;
	v6 =	vpack.i.f32.bf16 v9, v8  }
.LBB2_8:
0xc3: {  	v7 =	vld [tilespmem:s19+$0x20];
	s24 =	sadd.s32 $0x14E80, s22;
	[tilespmem:s23+$0x14E80] =	vst v6;
	s17 =	sadd.s32 $0x1, s17  }
0xc4: {  	s18 =	sadd.s32 $0x4, s18;
	v0 =	vpack.i.f32.bf16 v2, v0;
	v6 =	vld [tilespmem:s19+$0x30]  }
0xc5: {  	p1 =	slt.u32 s18, $0x26C;
	v2 =	vld [tilespmem:s19+$0xFFFFFFC0];
	[tilespmem:s22+$0x14E80] =	vst v0  }
0xc6: {  	v0 =	vpack.i.f32.bf16 v4, v1;
	v8 =	vld [tilespmem:s19+$0xFFFFFFD0]  }
0xc7: {  	v1 =	vld [tilespmem:s19+$0xFFFFFFE0];
	[tilespmem:s24+$0x20] =	vst v0  }
0xc8: {  	v0 =	vpack.i.f32.bf16 v5, v3;
	v4 =	vld [tilespmem:s19+$0xFFFFFFF0]  }
0xc9: {  	v3 =	vld [tilespmem:s19+$0x0];
	[tilespmem:s21+$0x14E80] =	vst v0  }
0xca: {  	v5 =	vld [tilespmem:s19+$0x10]  }
0xcb: {  	v7 =	vld.idx.msk [tilespmem:v7+s2+$0x0], $0xffff  }
0xcc: {  	v6 =	vld.idx.msk [tilespmem:v6+s2+$0x0], $0xffff  }
0xcd: {  	v0 =	vld.idx.msk [tilespmem:v2+s2+$0x0], $0xffff  }
.Ltmp3:
0xce: {  	p0 =	por !p0, !p0;
	s21 =	simm.s32 $0x1;
	v2 =	vld.idx.msk [tilespmem:v8+s2+$0x0], $0xffff;
	(pc) =	sbr.rel @p1 .LBB2_8-.Ltmp3, $4  }
0xcf: {  	s20 =	sadd.s32 $0x80, s20;
	s21 =	simm.s32 @!p0 $0x0;
	v1 =	vld.idx.msk [tilespmem:v1+s2+$0x0], $0xffff  }
0xd0: {  	s22 =	sand.u32 $0x7F00, s20;
	s21 =	sadd.s32 s21, s20;
	v4 =	vld.idx.msk [tilespmem:v4+s2+$0x0], $0xffff  }
0xd1: {  	s22 =	sshrl.u32 s22, $0x1;
	s23 =	sor.u32 $0x80, s21;
	s24 =	sor.u32 $0xC0, s21;
	v3 =	vld.idx.msk [tilespmem:v3+s2+$0x0], $0xffff  }
0xd2: {  	s19 =	sadd.s32 $0x80, s19;
	s21 =	sshra.s32 s23, $0x1;
	s23 =	sshra.s32 s24, $0x1;
	v6 =	vpack.i.f32.bf16 v6, v7;
	v5 =	vld.idx.msk [tilespmem:v5+s2+$0x0], $0xffff  }
0xd3: {  	_ =	sdelay $0x1  }
0xd4: {  	[tilespmem:s23+$0x14E80] =	vst v6;
	v0 =	vpack.i.f32.bf16 v2, v0  }
0xd5: {  	s17 =	sadd.s32 $0x14E80, s22;
	[tilespmem:s22+$0x14E80] =	vst v0;
	v61 =	vpack.i.f32.bf16 v4, v1  }
0xd6: {  	[tilespmem:s17+$0x20] =	vst v61;
	v62 =	vpack.i.f32.bf16 v5, v3  }
0xd7: {  	[tilespmem:s21+$0x14E80] =	vst v62  }
0xd8: {  	v0 =	vld [tilespmem:$0x14E00]  }
0xd9: {  	v63 =	vld [tilespmem:$0x14E10];
	_ =	sdelay $0x6  }
0xda: {  	v0 =	vld.idx.msk [tilespmem:v0+s2+$0x0], $0xffff  }
0xdb: {  	v1 =	vld.idx.msk [tilespmem:v63+s2+$0x0], $0xffff;
	_ =	sdelay $0x3  }
0xdc: {  	s16 =	sadd.s32 $0x1, s16  }
0xdd: {  	p0 =	sne.s32 s16, s12;
	v0 =	vpack.i.f32.bf16 v1, v0  }
.Ltmp4:
0xde: {  	[tilespmem:$0x17580] =	vst v0;
	(pc) =	sbr.rel @p0 .LBB2_1-.Ltmp4, $4  }
0xdf: {  	[hbm4b:s11+s2] =	stream.linear.scatter [tilespmem:s15], [sflag:$0x1], $0x2780, $0x38;
	[tilespmem:$0x17600] =	vst v63  }
0xe0: {  	_ =	swait.ge [sflag:s14], $0x2780  }
0xe1: {  	[sflag:s14] =	ssyncset.done $0x0  }
0xe2: {  	[sflag:s14] =	ssyncadd.s32 $0xFFFFD880  }
0xe3: {  	_ =	sfence.sel $0x180000  }
0xe4: {  	[bflag:$0x0] =	sbarrier.arrive $0xFFFF  }
0xe5: {  	p0 =	sne.s32 s1, $0x0;
	_ =	strace $0x9000004A  }
0xe6: {  	s0 =	sadd.s32 @!p0 $0x100000, s0;
	[bflag:$0x2] =	sbarrier.arrive $0xFFFF  }
0xe7: {  	[sflag:s0] =	ssyncadd.tile.s32 @!p0 $0x1;
	_ =	shalt  }
.Lfunc_end2:
_tile_overlayer_lowered:
.L_overlay_start_2:
0xe8: {  	(tag) =	ssettag $0x2  }
0xe9: {  	s0 =	rddreg [dreg:$0x0];
	s2 =	stileid.u32  }
0xea: {  	s1 =	rddreg [dreg:$0x1];
	p0 =	sne.s32 s2, $0x0  }
0xeb: {  	s3 =	rddreg [dreg:$0x2];
	[bflag:$0x3] =	sbarrier.arrive $0xFFFF;
	s2 =	simm.s32 @!p0 $0x1C01  }
0xec: {  	[timem:s3], [sflag:s2] =	dma.local @!p0 [hbm:s0], s1  }
0xed: {  	s0 =	simm.s32 @!p0 $0x1  }
0xee: {  	_ =	swait.ge @!p0 [sflag:s0], s1  }
0xef: {  	s1 =	ssub.s32 @!p0 $0x0, s1;
	[sflag:s0] =	ssyncset.done @!p0 $0x0  }
0xf0: {  	[sflag:s0] =	ssyncadd.s32 @!p0 s1  }
0xf1: {  	[bflag:$0x3] =	sbarrier.arrive $0xFFFF  }
0xf2: {  	_ =	shalt  }

// kernel: kernel.22.cloned.1.call-start
scs
__scs_entry_jumppad:
0x0: {  	(pc) =	sbr.rel $0x88, $3  }
0x1: {  	(tag) =	ssettag $0x0;
	lr =	simm.s32 $0x1  }
0x2: {  	[smem:$0x3F97] =	sst lr;
	_ =	strace $0xD0000000  }
0x3: {  	_ = 	snop  }
0x4: {  	_ = 	snop  }
0x5: {  	_ = 	snop  }
0x6: {  	_ = 	snop  }
0x7: {  	_ = 	snop  }
__scs_overlays_trampoline_lowered:
0x8: {  	[smem:$0x3FA6] =	sst s0  }
0x9: {  	[smem:$0x3FA7] =	sst s1  }
0xa: {  	[smem:$0x3FA8] =	sst s2  }
0xb: {  	[smem:$0x3FA9] =	sst s3  }
0xc: {  	[smem:$0x3FAA] =	sst s4  }
0xd: {  	[smem:$0x3FAB] =	sst s5  }
0xe: {  	[smem:$0x3FAC] =	sst s6  }
0xf: {  	[smem:$0x3FAD] =	sst s7  }
0x10: {  	[smem:$0x3FAE] =	sst s8  }
0x11: {  	[smem:$0x3FAF] =	sst s9;
	s0 =	simm.s32 @!p0 $0x0  }
0x12: {  	s1 =	sld [smem:$0x3F95];
	s0 =	simm.s32 @p0 $0x1  }
0x13: {  	[smem:$0x3FB0] =	sst s0;
	s0 =	simm.s32 @!p1 $0x0  }
0x14: {  	s2 =	sld [smem:$0x3F94];
	s0 =	simm.s32 @p1 $0x1  }
0x15: {  	[smem:$0x3FB1] =	sst s0;
	s0 =	simm.s32 @!p2 $0x0  }
0x16: {  	s3 =	sld [smem:$0x3FDB];
	s0 =	simm.s32 @p2 $0x1  }
0x17: {  	s4 =	simm.s32 $0x1BF5;
	[smem:$0x3FB3] =	sst s0  }
0x18: {  	s0 =	sld [smem:$0x3F96];
	_ =	swait.ge [sflag:s4], $0x0  }
0x19: {  	s7 =	sld [smem:$0x3F97]  }
0x1a: {  	s8 =	sadd.s32 $0xFFFFE003, lr  }
0x1b: {  	s9 =	sadd.s32 $0xFFFFFEF7, lr;
	s5 =	simm.s32 $0xFFFFFFFF;
	p2 =	slt.u32 s8, $0xFFFFF086  }
0x1c: {  	p1 =	slt.u32 s9, $0xF7A;
	s5 =	simm.s32 @!p2 $0x0  }
0x1d: {  	s5 =	simm.s32 @p1 $0x1;
	p0 =	seq.s32 s7, s2  }
0x1e: {  	s7 =	smul.u32 @!p0 $0xF7A, s2;
	p2 =	seq.s32 @!p0 s5, $0x0  }
0x1f: {  	s9 =	smul.u32 $0xF7A, s1;
	s8 =	simm.s32 @!p0 $0x1BF5;
	p2 =	por !p2, p0  }
0x20: {  	[sflag:s8] =	ssyncset.s32 @!p0 $0xFFFFF086;
	s6 =	sadd.s32 @!p0 s3, s7;
	s7 =	simm.s32 @!p0 $0x108  }
0x21: {  	s3 =	sadd.s32 s3, s9;
	s6 =	sadd.s32 @!p0 $0x88, s6;
	s7 =	simm.s32 @p2 $0x1082  }
0x22: {  	[simem:s7], [sflag:s8] =	dma.local @!p0 [hbm:s6], $0xF7A  }
0x23: {  	s9 =	sor.u32 $0xD0000000, s2;
	s6 =	simm.s32 $0x108;
	_ =	swait.ge @!p0 [sflag:s8], $0x0  }
0x24: {  	s3 =	sadd.s32 $0x88, s3;
	s6 =	simm.s32 @!p1 $0x1082;
	[sflag:s4] =	ssyncset.s32 $0xFFFFF086  }
0x25: {  	[simem:s6], [sflag:s4] =	dma.local [hbm:s3], $0xF7A  }
0x26: {  	[smem:$0x3F97] =	sst s1;
	(tag) =	ssettag s2;
	_ =	strace s9  }
0x27: {  	s1 =	sld [smem:$0x3FA7]  }
0x28: {  	s2 =	sld [smem:$0x3FA8]  }
0x29: {  	s4 =	sld [smem:$0x3FAA]  }
0x2a: {  	p0 =	seq.s32 s5, $0x0;
	s5 =	sld [smem:$0x3FAB]  }
0x2b: {  	s6 =	sld [smem:$0x3FAC]  }
0x2c: {  	s7 =	sld [smem:$0x3FAD]  }
0x2d: {  	s3 =	simm.s32 $0x108;
	s8 =	sld [smem:$0x3FAE]  }
0x2e: {  	s3 =	simm.s32 @!p0 $0x1082;
	s9 =	sld [smem:$0x3FAF]  }
0x2f: {  	lr =	sadd.s32 s0, s3;
	s0 =	sld [smem:$0x3FA6]  }
0x30: {  	s3 =	sld [smem:$0x3FA9]  }
0x31: {  	[smem:$0x3FB2] =	sst s10  }
0x32: {  	s10 =	sld [smem:$0x3FB0];
	_ =	sdelay $0x3  }
0x33: {  	p0 =	seq.s32 s10, $0x1;
	s10 =	sld [smem:$0x3FB2];
	_ =	sdelay $0x3  }
0x34: {  	[smem:$0x3FB2] =	sst s10  }
0x35: {  	s10 =	sld [smem:$0x3FB1];
	_ =	sdelay $0x3  }
0x36: {  	p1 =	seq.s32 s10, $0x1;
	s10 =	sld [smem:$0x3FB2];
	_ =	sdelay $0x3  }
0x37: {  	[smem:$0x3FB2] =	sst s10  }
0x38: {  	s10 =	sld [smem:$0x3FB3]  }
0x39: {  	_ = 	snop;
	(pc) =	sbr.ind lr, $3  }
0x3a: {  	_ = 	snop  }
0x3b: {  	_ = 	snop  }
0x3c: {  	p2 =	seq.s32 s10, $0x1;
	s10 =	sld [smem:$0x3FB2]  }
0x3d: {  	_ =	shalt  }
0x3e: {  	_ =	shalt  }
0x3f: {  	_ =	shalt  }
0x40: {  	_ =	shalt  }
0x41: {  	_ =	shalt  }
0x42: {  	_ =	shalt  }
0x43: {  	_ =	shalt  }
0x44: {  	_ =	shalt  }
0x45: {  	_ =	shalt  }
0x46: {  	_ =	shalt  }
0x47: {  	_ =	shalt  }
0x48: {  	_ =	shalt  }
0x49: {  	_ =	shalt  }
0x4a: {  	_ =	shalt  }
0x4b: {  	_ =	shalt  }
0x4c: {  	_ =	shalt  }
0x4d: {  	_ =	shalt  }
0x4e: {  	_ =	shalt  }
0x4f: {  	_ =	shalt  }
0x50: {  	_ =	shalt  }
0x51: {  	_ =	shalt  }
0x52: {  	_ =	shalt  }
0x53: {  	_ =	shalt  }
0x54: {  	_ =	shalt  }
0x55: {  	_ =	shalt  }
0x56: {  	_ =	shalt  }
0x57: {  	_ =	shalt  }
0x58: {  	_ =	shalt  }
0x59: {  	_ =	shalt  }
0x5a: {  	_ =	shalt  }
0x5b: {  	_ =	shalt  }
0x5c: {  	_ =	shalt  }
0x5d: {  	_ =	shalt  }
0x5e: {  	_ =	shalt  }
0x5f: {  	_ =	shalt  }
0x60: {  	_ =	shalt  }
0x61: {  	_ =	shalt  }
0x62: {  	_ =	shalt  }
0x63: {  	_ =	shalt  }
0x64: {  	_ =	shalt  }
0x65: {  	_ =	shalt  }
0x66: {  	_ =	shalt  }
0x67: {  	_ =	shalt  }
0x68: {  	_ =	shalt  }
0x69: {  	_ =	shalt  }
0x6a: {  	_ =	shalt  }
0x6b: {  	_ =	shalt  }
0x6c: {  	_ =	shalt  }
0x6d: {  	_ =	shalt  }
0x6e: {  	_ =	shalt  }
0x6f: {  	_ =	shalt  }
0x70: {  	_ =	shalt  }
0x71: {  	_ =	shalt  }
0x72: {  	_ =	shalt  }
0x73: {  	_ =	shalt  }
0x74: {  	_ =	shalt  }
0x75: {  	_ =	shalt  }
0x76: {  	_ =	shalt  }
0x77: {  	_ =	shalt  }
0x78: {  	_ =	shalt  }
0x79: {  	_ =	shalt  }
0x7a: {  	_ =	shalt  }
0x7b: {  	_ =	shalt  }
0x7c: {  	_ =	shalt  }
0x7d: {  	_ =	shalt  }
0x7e: {  	_ =	shalt  }
0x7f: {  	_ =	shalt  }
0x80: {  	_ =	shalt  }
0x81: {  	_ =	shalt  }
0x82: {  	_ =	shalt  }
0x83: {  	_ =	shalt  }
0x84: {  	_ =	shalt  }
0x85: {  	_ =	shalt  }
0x86: {  	_ =	shalt  }
0x87: {  	_ =	shalt  }
.Lfunc_end0:
.L_simem_size_0:
called_computation.3_lowered:
.L_overlay_start_0:
0x88: {  	s2 =	sld [smem:$0x3FD9]  }
0x89: {  	s3 =	sld [smem:$0x3FFE];
	_ =	sdelay $0x1  }
0x8a: {  	s1 =	srdreg.scid  }
0x8b: {  	s0 =	sand.u32 $0x1, s1  }
0x8c: {  	s17 =	sshll.u32 s0, $0xA;
	s2 =	sadd.s32 s3, s2  }
0x8d: {  	s2 =	sadd.s32 s2, s17  }
0x8e: {  	[smem:$0x3FBE] =	sst s2  }
0x8f: {  	_ = 	snop  }
0x90: {  	(tm) =	ssettm $0x1  }
0x91: {  	s18 =	sld [smem:$0x3FFB];
	_ =	sdelay $0x3  }
0x92: {  	_ =	strace s18  }
0x93: {  	s2 =	sld [smem:$0x3FFC];
	_ =	sdelay $0x3  }
0x94: {  	_ =	strace s2  }
0x95: {  	s2 =	sld [smem:$0x3FFD];
	_ =	sdelay $0x3  }
0x96: {  	_ =	strace s2  }
0x97: {  	_ =	strace $0x8FFFFFFF  }
0x98: {  	s19 =	sld [smem:$0x3FDB];
	_ =	sdelay $0x1  }
0x99: {  	s20 =	simm.s32 $_scs_section_size  }
0x9a: {  	s4 =	simm.s32 $_size__tile_overlayer_lowered;
	s5 =	simm.s32 $_tile_overlayer_lowered  }
0x9b: {  	s6 =	simm.s32 $0x1BFF;
	s21 =	sshll.u32 s5, $0x1;
	s3 =	sadd.s32 s20, s19  }
0x9c: {  	s22 =	simm.s32 $0x0;
	s4 =	sshll.u32 s4, $0x1;
	s5 =	sadd.s32 s21, s3  }
0x9d: {  	[timem:s22], [sflag:s6] =	dma.local [hbm:s5], s4  }
0x9e: {  	_ =	swait.ge [sflag:s6], s4  }
0x9f: {  	s4 =	ssub.s32 $0x0, s4;
	[sflag:s6] =	ssyncset.done $0x0  }
0xa0: {  	[sflag:s6] =	ssyncadd.s32 s4;
	_ =	sdelay $0x1  }
0xa1: {  	s23 =	simm.s32 $0x1B8B  }
0xa2: {  	_ =	swait.ge [sflag:s23], $0x1  }
0xa3: {  	[sflag:s23] =	ssyncset.done $0x0  }
0xa4: {  	[sflag:s23] =	ssyncadd.s32 $0xFFFFFFFF  }
0xa5: {  	s4 =	sld [smem:$0x0]  }
0xa6: {  	s5 =	sand.u32 $0xFFFFFFFE, s1  }
0xa7: {  	p0 =	sne.s32 s1, s5  }
0xa8: {  	s5 =	sshll.u32 @p0 s5, $0xE  }
0xa9: {  	s5 =	sadd.s32 @p0 $0x11B8D, s5;
	s6 =	sshll.u32 @p0 s4, $0x11  }
0xaa: {  	s5 =	sor.u32 @p0 s6, s5  }
0xab: {  	[sflag:s5] =	ssyncadd.remote.s32 @p0 $0x1;
	_ =	sdelay $0x1  }
0xac: {  	s5 =	simm.s32 @p0 $0x1B8D  }
0xad: {  	_ =	swait.eq @p0 [sflag:s5], $0x1  }
0xae: {  	[sflag:s5] =	ssyncadd.s32 @p0 $0xFFFFFFFF  }
0xaf: {  	s6 =	sshll.u32 @!p0 s1, $0xE  }
0xb0: {  	s6 =	sor.u32 @!p0 $0x4000, s6;
	s5 =	simm.s32 @!p0 $0x1B8D  }
0xb1: {  	s4 =	sshll.u32 @!p0 s4, $0x11;
	s6 =	sadd.s32 @!p0 $0x11B8D, s6;
	_ =	swait.eq @!p0 [sflag:s5], $0x1  }
0xb2: {  	s4 =	sor.u32 @!p0 s4, s6;
	[sflag:s5] =	ssyncadd.s32 @!p0 $0xFFFFFFFF  }
0xb3: {  	s25 =	simm.s32 $0x1B8E;
	s24 =	sld [smem:$0x3FFE];
	[sflag:s4] =	ssyncadd.remote.s32 @!p0 $0x1  }
0xb4: {  	s26 =	simm.s32 $execute0_lowered;
	[smem:$0x3FD2] =	sst s25  }
0xb5: {  	s5 =	sshll.u32 s26, $0x1;
	_ =	strace $0x8000004F;
	[dreg:$0x1] =	wrdreg $0xFFFFFFFF  }
0xb6: {  	s28 =	simm.s32 $_size_execute0_lowered;
	s3 =	sadd.s32 s3, s5;
	[dreg:$0x0] =	wrdreg $0x0  }
0xb7: {  	s5 =	sshll.u32 s28, $0x1;
	[dreg:$0x2] =	wrdreg s3  }
0xb8: {  	[dreg:$0x3] =	wrdreg s5  }
0xb9: {  	[dreg:$0x4] =	wrdreg $0xC0  }
0xba: {  	_ =	task [dreg:s22], $0x5FFFF  }
0xbb: {  	[dreg:$0x1] =	wrdreg $0xFFFFFFFF  }
0xbc: {  	[dreg:$0x0] =	wrdreg $0x60  }
0xbd: {  	[dreg:$0x2] =	wrdreg s24  }
0xbe: {  	[dreg:$0x3] =	wrdreg $0xA  }
0xbf: {  	_ =	task.clear_ibuf [dreg:s22], $0x4FFFF;
	_ =	strace $0x9000004F  }
0xc0: {  	s29 =	simm.s32 $0xA;
	_ =	strace $0x80000051  }
0xc1: {  	_ =	swait.ge [sflag:s29], $0x1  }
0xc2: {  	[sflag:s29] =	ssyncadd.s32 $0xFFFFFFFF  }
0xc3: {  	_ =	strace $0x90000051  }
0xc4: {  	_ =	sfence  }
0xc5: {  	s30 =	sld [smem:$0x0];
	_ =	sdelay $0x2  }
0xc6: {  	s31 =	sshll.u32 s1, $0xD;
	s1 =	sshrl.u32 s1, $0x2  }
0xc7: {  	s4 =	sand.u32 $0x4000, s31;
	s1 =	sadd.s32 s1, s30  }
0xc8: {  	s0 =	sor.u32 s4, s0;
	s1 =	sshll.u32 s1, $0x11  }
0xc9: {  	s0 =	sor.u32 s1, s0  }
0xca: {  	s0 =	sadd.s32 $0x8F2B, s0  }
0xcb: {  	[sflag:s0] =	ssyncadd.remote.s32 $0x1  }
0xcc: {  	_ =	sfence.sel $0xFFFF  }
0xcd: {  	[dreg:$0x0] =	wrdreg $0xFFFFFFFF;
	(pc) =	sbr.abs _section_cstart, $3  }
0xce: {  	[dreg:$0x1] =	wrdreg $0xFFFFFFFF  }
0xcf: {  	_ =	task.clear_ibuf [dreg:s22], $0x2FFFF;
	_ =	strace $0x9FFFFFFF  }
0xd0: {  	(tm) =	ssettm $0x7FFFFFFF  }
0xd1: {  	_ =	shalt  }
tec
execute0_lowered:
.L_overlay_start_1:
0x0: {  	(tag) =	ssettag $0x1  }
0x1: {  	s4 =	rddreg [dreg:$0x0]  }
0x2: {  	s0 =	rddreg [dreg:$0x1];
	s2 =	simm.s32 $0x0;
	s3 =	srdreg.scid  }
0x3: {  	s1 =	stileid.u32;
	[smem:$0x7FF] =	sst s2;
	s11 =	sadd.s32 $0x4000, s4  }
0x4: {  	s3 =	sand.u32 $0x1, s3;
	s5 =	sshll.u32 s1, $0x1;
	s12 =	sadd.s32 $0x12F800, s4  }
0x5: {  	_ =	strace $0x80000050;
	s6 =	ssub.s32 $0x2, s3;
	s14 =	sor.u32 s3, s5  }
0x6: {  	s3 =	sadd.s32 $0x12D800, s4;
	s4 =	sadd.s32 $0x35C4, s4;
	s26 =	sshrl.u32 s6, $0x1  }
0x7: {  	s7 =	smul.u32 $0x13C0, s14;
	s8 =	sshll.u32 s14, $0x2;
	s28 =	sshll.u32 s14, $0xF  }
0x8: {  	s16 =	sshllo.u32 s14, $0x2;
	p0 =	sne.s32 s14, $0x0;
	s14 =	simm.s32 $0x10000  }
0x9: {  	s13 =	ssub.s32 s6, s26;
	s29 =	sor.u32 $0x1, s8;
	s6 =	sadd.s32 s12, s28  }
0xa: {  	s10 =	sor.u32 $0x2, s8;
	s17 =	smul.u32 $0x4F0, s16;
	s31 =	sshll.u32 s16, $0xD  }
0xb: {  	s16 =	simm.s32 $0x14E80;
	s5 =	sadd.s32 s11, s7;
	s9 =	smul.u32 $0x4F0, s29  }
0xc: {  	s30 =	sshll.u32 s29, $0xD;
	s15 =	smul.u32 $0x4F0, s10;
	s10 =	sshll.u32 s10, $0xD  }
0xd: {  	s13 =	smax.u32 s13, $0x1;
	s8 =	sadd.s32 s12, s30;
	s10 =	sadd.s32 s12, s10  }
0xe: {  	s12 =	sadd.s32 s12, s31;
	s7 =	sadd.s32 s11, s9;
	s9 =	sadd.s32 s11, s15  }
0xf: {  	v0 =	vimm.f32 $0.0e+00;
	v1 =	vimm.f32 $1.000000000e+00;
	s11 =	sadd.s32 s11, s17;
	s15 =	simm.s32 $0x1;
	s17 =	simm.s32 $0x0  }
.LBB2_1:
.Ltmp0:
0x10: {  	(pc) =	sbr.rel @p0 .LBB2_9-.Ltmp0, $4  }
0x11: {  	[tilespmem:s14], [sflag:$0x1] =	stream.linear.gather [hbm4b:s4+s2], $0x4E20, $0x38;
	[tilespmem:$0x17600] =	vst v63  }
0x12: {  	_ =	swait.ge [sflag:s15], $0x4E20  }
0x13: {  	[sflag:s15] =	ssyncset.done $0x0  }
0x14: {  	[sflag:s15] =	ssyncadd.s32 $0xFFFFB1E0  }
0x15: {  	s19 =	simm.s32 $0x40  }
0x16: {  	[tilespmem:s19+$0xFFFFFFC0] =	vst v0  }
0x17: {  	[tilespmem:s19+$0x30] =	vst v0  }
0x18: {  	[tilespmem:s19+$0x20] =	vst v0  }
0x19: {  	[tilespmem:s19+$0x10] =	vst v0  }
0x1a: {  	[tilespmem:s19+$0x0] =	vst v0  }
0x1b: {  	[tilespmem:s19+$0xFFFFFFF0] =	vst v0  }
0x1c: {  	s20 =	simm.s32 $0x0;
	[tilespmem:s19+$0xFFFFFFE0] =	vst v0  }
.LBB2_3:
0x1d: {  	s20 =	sadd.s32 $0x8, s20;
	[tilespmem:s19+$0xFFFFFFD0] =	vst v0;
	s19 =	sadd.s32 $0x80, s19;
	s18 =	simm.s32 $0x10040  }
0x1e: {  	[tilespmem:s19+$0xFFFFFFC0] =	vst v0;
	p1 =	slt.u32 s20, $0xFF8  }
0x1f: {  	[tilespmem:s19+$0x30] =	vst v0  }
.Ltmp1:
0x20: {  	[tilespmem:s19+$0x20] =	vst v0;
	(pc) =	sbr.rel @p1 .LBB2_3-.Ltmp1, $4  }
0x21: {  	[tilespmem:s19+$0x10] =	vst v0  }
0x22: {  	[tilespmem:s19+$0x0] =	vst v0  }
0x23: {  	[tilespmem:s19+$0xFFFFFFF0] =	vst v0  }
0x24: {  	[tilespmem:s19+$0xFFFFFFE0] =	vst v0  }
0x25: {  	[tilespmem:s19+$0xFFFFFFD0] =	vst v0  }
0x26: {  	v3 =	vld [tilespmem:s18+$0xFFFFFFC0]  }
0x27: {  	v4 =	vld [tilespmem:s18+$0x30]  }
0x28: {  	v5 =	vld [tilespmem:s18+$0x20]  }
0x29: {  	v6 =	vld [tilespmem:s18+$0x10]  }
0x2a: {  	v7 =	vld [tilespmem:s18+$0x0]  }
0x2b: {  	v8 =	vld [tilespmem:s18+$0xFFFFFFF0]  }
0x2c: {  	v9 =	vld [tilespmem:s18+$0xFFFFFFE0]  }
0x2d: {  	s19 =	simm.s32 $0x0;
	v2 =	vld [tilespmem:s18+$0xFFFFFFD0]  }
0x2e: {  	[tilespmem:v3+s19+$0x0] =	vst.idx.add.f32.msk $0xffff, v1  }
0x2f: {  	[tilespmem:v4+s19+$0x0] =	vst.idx.add.f32.msk $0xffff, v1  }
0x30: {  	[tilespmem:v5+s19+$0x0] =	vst.idx.add.f32.msk $0xffff, v1  }
0x31: {  	[tilespmem:v6+s19+$0x0] =	vst.idx.add.f32.msk $0xffff, v1  }
0x32: {  	[tilespmem:v7+s19+$0x0] =	vst.idx.add.f32.msk $0xffff, v1  }
0x33: {  	[tilespmem:v8+s19+$0x0] =	vst.idx.add.f32.msk $0xffff, v1  }
0x34: {  	s20 =	simm.s32 $0x0;
	[tilespmem:v9+s19+$0x0] =	vst.idx.add.f32.msk $0xffff, v1  }
.LBB2_5:
0x35: {  	s20 =	sadd.s32 $0x8, s20;
	[tilespmem:v2+s19+$0x0] =	vst.idx.add.f32.msk $0xffff, v1;
	s18 =	sadd.s32 $0x80, s18  }
0x36: {  	v3 =	vld [tilespmem:s18+$0xFFFFFFC0];
	p1 =	slt.u32 s20, $0x4D8  }
0x37: {  	v4 =	vld [tilespmem:s18+$0x30]  }
0x38: {  	v5 =	vld [tilespmem:s18+$0x20]  }
0x39: {  	v6 =	vld [tilespmem:s18+$0x10]  }
0x3a: {  	v7 =	vld [tilespmem:s18+$0x0]  }
0x3b: {  	v8 =	vld [tilespmem:s18+$0xFFFFFFF0]  }
0x3c: {  	v9 =	vld [tilespmem:s18+$0xFFFFFFE0]  }
0x3d: {  	v2 =	vld [tilespmem:s18+$0xFFFFFFD0]  }
0x3e: {  	[tilespmem:v3+s19+$0x0] =	vst.idx.add.f32.msk $0xffff, v1  }
0x3f: {  	[tilespmem:v4+s19+$0x0] =	vst.idx.add.f32.msk $0xffff, v1  }
.Ltmp2:
0x40: {  	[tilespmem:v5+s19+$0x0] =	vst.idx.add.f32.msk $0xffff, v1;
	(pc) =	sbr.rel @p1 .LBB2_5-.Ltmp2, $4  }
0x41: {  	[tilespmem:v6+s19+$0x0] =	vst.idx.add.f32.msk $0xffff, v1  }
0x42: {  	[tilespmem:v7+s19+$0x0] =	vst.idx.add.f32.msk $0xffff, v1  }
0x43: {  	[tilespmem:v8+s19+$0x0] =	vst.idx.add.f32.msk $0xffff, v1  }
0x44: {  	[tilespmem:v9+s19+$0x0] =	vst.idx.add.f32.msk $0xffff, v1  }
0x45: {  	_ =	sdelay $0x3  }
0x46: {  	[tilespmem:v2+s19+$0x0] =	vst.idx.add.f32.msk $0xffff, v1  }
.LBB2_7:
0x47: {  	s18 =	sshra.s32 s19, $0x2  }
0x48: {  	v2 =	vld [tilespmem:s18+$0x14E00];
	_ =	sdelay $0x2  }
0x49: {  	p1 =	sne.s32 s19, $0x40  }
.Ltmp3:
0x4a: {  	_ = 	snop;
	(pc) =	sbr.rel @p1 .LBB2_7-.Ltmp3, $2  }
0x4b: {  	_ =	sdelay $0x2  }
0x4c: {  	s19 =	sadd.s32 $0x40, s19;
	[tilespmem:v2+s2+$0x0] =	vst.idx.add.f32.msk $0xffff, v1  }
0x4d: {  	[hbm4b:s3+s2] =	stream.linear.scatter [tilespmem:s2], [sflag:$0x1], $0x10000, $0x38;
	[tilespmem:$0x17600] =	vst v63  }
0x4e: {  	_ =	swait.ge [sflag:s15], $0x10000  }
0x4f: {  	[sflag:s15] =	ssyncset.done $0x0  }
0x50: {  	[sflag:s15] =	ssyncadd.s32 $0xFFFF0000  }
.LBB2_9:
0x51: {  	[tilespmem:s16], [sflag:$0x1] =	stream.linear.gather [hbm4b:s5+s2], $0x2780, $0x38;
	[tilespmem:$0x17600] =	vst v63  }
0x52: {  	_ =	swait.ge [sflag:s15], $0x2780  }
0x53: {  	[sflag:s15] =	ssyncset.done $0x0  }
0x54: {  	s18 =	simm.s32 $0x10040;
	[sflag:s15] =	ssyncadd.s32 $0xFFFFD880  }
0x55: {  	v2 =	vld [tilespmem:s18+$0x30]  }
0x56: {  	v3 =	vld [tilespmem:s18+$0xFFFFFFD0]  }
0x57: {  	v4 =	vld [tilespmem:s18+$0xFFFFFFE0]  }
0x58: {  	v5 =	vld [tilespmem:s18+$0xFFFFFFF0]  }
0x59: {  	v6 =	vld [tilespmem:s18+$0x0]  }
0x5a: {  	v7 =	vld [tilespmem:s18+$0x10]  }
0x5b: {  	v8 =	vld [tilespmem:s18+$0x20]  }
0x5c: {  	s19 =	simm.s32 $0x0;
	s20 =	simm.s32 $0x100C0;
	v9 =	vld [tilespmem:s18+$0xFFFFFFC0];
	s18 =	simm.s32 $0x0  }
.LBB2_10:
0x5d: {  	s19 =	sadd.s32 $0x8, s19;
	[tilespmem:v2+s18+$0x0] =	vst.idx.msk $0xffff, v0;
	v2 =	vld [tilespmem:s20+$0x30]  }
0x5e: {  	p1 =	slt.u32 s19, $0x4D8;
	[tilespmem:v3+s18+$0x0] =	vst.idx.msk $0xffff, v0;
	v3 =	vld [tilespmem:s20+$0xFFFFFFD0]  }
0x5f: {  	[tilespmem:v4+s18+$0x0] =	vst.idx.msk $0xffff, v0;
	v4 =	vld [tilespmem:s20+$0xFFFFFFE0]  }
.Ltmp4:
0x60: {  	[tilespmem:v5+s18+$0x0] =	vst.idx.msk $0xffff, v0;
	v5 =	vld [tilespmem:s20+$0xFFFFFFF0];
	(pc) =	sbr.rel @p1 .LBB2_10-.Ltmp4, $4  }
0x61: {  	[tilespmem:v6+s18+$0x0] =	vst.idx.msk $0xffff, v0;
	v6 =	vld [tilespmem:s20+$0x0]  }
0x62: {  	[tilespmem:v7+s18+$0x0] =	vst.idx.msk $0xffff, v0;
	v7 =	vld [tilespmem:s20+$0x10]  }
0x63: {  	[tilespmem:v8+s18+$0x0] =	vst.idx.msk $0xffff, v0;
	v8 =	vld [tilespmem:s20+$0x20]  }
0x64: {  	[tilespmem:v9+s18+$0x0] =	vst.idx.msk $0xffff, v0;
	v9 =	vld [tilespmem:s20+$0xFFFFFFC0];
	s20 =	sadd.s32 $0x80, s20  }
0x65: {  	_ =	sdelay $0x3  }
0x66: {  	[tilespmem:v2+s18+$0x0] =	vst.idx.msk $0xffff, v0  }
0x67: {  	[tilespmem:v3+s18+$0x0] =	vst.idx.msk $0xffff, v0  }
0x68: {  	[tilespmem:v4+s18+$0x0] =	vst.idx.msk $0xffff, v0  }
0x69: {  	[tilespmem:v5+s18+$0x0] =	vst.idx.msk $0xffff, v0  }
0x6a: {  	[tilespmem:v6+s18+$0x0] =	vst.idx.msk $0xffff, v0  }
0x6b: {  	[tilespmem:v7+s18+$0x0] =	vst.idx.msk $0xffff, v0  }
0x6c: {  	[tilespmem:v8+s18+$0x0] =	vst.idx.msk $0xffff, v0  }
0x6d: {  	s19 =	smov.u32 s18;
	[tilespmem:v9+s18+$0x0] =	vst.idx.msk $0xffff, v0  }
.LBB2_12:
0x6e: {  	s20 =	sshra.s32 s19, $0x2  }
0x6f: {  	v2 =	vld [tilespmem:s20+$0x14E00];
	_ =	sdelay $0x2  }
0x70: {  	p1 =	sne.s32 s19, $0x40  }
.Ltmp5:
0x71: {  	_ = 	snop;
	(pc) =	sbr.rel @p1 .LBB2_12-.Ltmp5, $2  }
0x72: {  	_ =	sdelay $0x2  }
0x73: {  	s19 =	sadd.s32 $0x40, s19;
	[tilespmem:v2+s18+$0x0] =	vst.idx.msk $0xffff, v0  }
0x74: {  	p1 =	por $0x0, $0x0;
	s20 =	simm.s32 $0x1  }
0x75: {  	s19 =	simm.s32 $0x10040;
	s20 =	simm.s32 @!p1 $0x0  }
0x76: {  	v2 =	vld [tilespmem:s19+$0x20];
	s20 =	sadd.s32 $0x0, s20  }
0x77: {  	v3 =	vld [tilespmem:s19+$0x30];
	s21 =	sor.u32 $0xC0, s20  }
0x78: {  	v11 =	vld [tilespmem:s19+$0xFFFFFFC0];
	s21 =	sshra.s32 s21, $0x1  }
0x79: {  	v4 =	vld [tilespmem:s21+$0x14E80]  }
0x7a: {  	s22 =	sand.u32 $0x7F00, s18;
	v12 =	vld [tilespmem:s19+$0xFFFFFFD0]  }
0x7b: {  	s22 =	sshrl.u32 s22, $0x1;
	v7 =	vld [tilespmem:s19+$0xFFFFFFE0]  }
0x7c: {  	s31 =	sadd.s32 $0x14E80, s22;
	v10 =	vld [tilespmem:s22+$0x14E80];
	s20 =	sor.u32 $0x80, s20  }
0x7d: {  	v8 =	vld [tilespmem:s31+$0x20];
	s20 =	sshra.s32 s20, $0x1  }
0x7e: {  	v5 =	vld [tilespmem:s20+$0x14E80];
	v6 =	vunpack.i.l.bf16.f32 v4  }
0x7f: {  	[tilespmem:v2+s2+$0x0] =	vst.idx.add.f32.msk $0xffff, v6  }
0x80: {  	v6 =	vld [tilespmem:s19+$0xFFFFFFF0]  }
0x81: {  	v9 =	vld [tilespmem:s19+$0x10];
	v4 =	vunpack.i.u.bf16.f32 v4  }
0x82: {  	[tilespmem:v3+s2+$0x0] =	vst.idx.add.f32.msk $0xffff, v4  }
0x83: {  	v4 =	vld [tilespmem:s19+$0x0];
	v3 =	vunpack.i.l.bf16.f32 v10  }
0x84: {  	v2 =	vunpack.i.u.bf16.f32 v5;
	v10 =	vunpack.i.u.bf16.f32 v10;
	[tilespmem:v11+s2+$0x0] =	vst.idx.add.f32.msk $0xffff, v3  }
0x85: {  	p1 =	por !p1, !p1;
	s20 =	simm.s32 $0x0;
	s21 =	simm.s32 $0x1;
	v3 =	vunpack.i.l.bf16.f32 v5;
	v5 =	vunpack.i.u.bf16.f32 v8;
	v8 =	vunpack.i.l.bf16.f32 v8;
	[tilespmem:v12+s2+$0x0] =	vst.idx.add.f32.msk $0xffff, v10  }
.LBB2_14:
0x86: {  	s22 =	simm.s32 $0x1  }
0x87: {  	[tilespmem:v7+s2+$0x0] =	vst.idx.add.f32.msk $0xffff, v8;
	s18 =	sadd.s32 $0x80, s18;
	v10 =	vmov v9;
	s22 =	simm.s32 @!p1 $0x0  }
0x88: {  	s20 =	sadd.s32 $0x4, s20;
	s19 =	sadd.s32 $0x80, s19;
	s22 =	sadd.s32 s22, s18;
	[tilespmem:v6+s2+$0x0] =	vst.idx.add.f32.msk $0xffff, v5  }
0x89: {  	s23 =	sand.u32 $0x7F00, s18;
	p2 =	slt.u32 s20, $0x26C;
	s24 =	sor.u32 $0xC0, s22;
	v5 =	vld [tilespmem:s19+$0x20]  }
0x8a: {  	s23 =	sshrl.u32 s23, $0x1;
	s22 =	sor.u32 $0x80, s22;
	s24 =	sshra.s32 s24, $0x1;
	v6 =	vld [tilespmem:s19+$0x30]  }
0x8b: {  	s25 =	sadd.s32 $0x14E80, s23;
	s22 =	sshra.s32 s22, $0x1;
	v7 =	vld [tilespmem:s24+$0x14E80]  }
0x8c: {  	v8 =	vld [tilespmem:s22+$0x14E80]  }
0x8d: {  	v9 =	vld [tilespmem:s25+$0x20]  }
0x8e: {  	v11 =	vld [tilespmem:s23+$0x14E80]  }
0x8f: {  	v12 =	vld [tilespmem:s19+$0xFFFFFFC0]  }
0x90: {  	v13 =	vld [tilespmem:s19+$0xFFFFFFD0];
	v14 =	vunpack.i.l.bf16.f32 v7  }
0x91: {  	v7 =	vunpack.i.u.bf16.f32 v7;
	v15 =	vunpack.i.u.bf16.f32 v8;
	v16 =	vunpack.i.l.bf16.f32 v8;
	[tilespmem:v5+s2+$0x0] =	vst.idx.add.f32.msk $0xffff, v14  }
0x92: {  	s21 =	sadd.s32 $0x1, s21;
	v5 =	vunpack.i.u.bf16.f32 v9;
	v8 =	vunpack.i.l.bf16.f32 v9;
	[tilespmem:v6+s2+$0x0] =	vst.idx.add.f32.msk $0xffff, v7  }
0x93: {  	v14 =	vunpack.i.u.bf16.f32 v11;
	v11 =	vunpack.i.l.bf16.f32 v11;
	v7 =	vld [tilespmem:s19+$0xFFFFFFE0]  }
0x94: {  	v6 =	vld [tilespmem:s19+$0xFFFFFFF0]  }
0x95: {  	v17 =	vld [tilespmem:s19+$0x0]  }
.Ltmp6:
0x96: {  	v9 =	vld [tilespmem:s19+$0x10];
	(pc) =	sbr.rel @p2 .LBB2_14-.Ltmp6, $4  }
0x97: {  	[tilespmem:v4+s2+$0x0] =	vst.idx.add.f32.msk $0xffff, v3;
	v3 =	vmov v16  }
0x98: {  	[tilespmem:v10+s2+$0x0] =	vst.idx.add.f32.msk $0xffff, v2;
	v2 =	vmov v15  }
0x99: {  	[tilespmem:v12+s2+$0x0] =	vst.idx.add.f32.msk $0xffff, v11  }
0x9a: {  	p1 =	por !p1, !p1;
	[tilespmem:v13+s2+$0x0] =	vst.idx.add.f32.msk $0xffff, v14;
	v4 =	vmov v17  }
0x9b: {  	_ =	sdelay $0x3  }
0x9c: {  	[tilespmem:v7+s2+$0x0] =	vst.idx.add.f32.msk $0xffff, v8  }
0x9d: {  	[tilespmem:v4+s2+$0x0] =	vst.idx.add.f32.msk $0xffff, v3  }
0x9e: {  	[tilespmem:v6+s2+$0x0] =	vst.idx.add.f32.msk $0xffff, v5  }
0x9f: {  	[tilespmem:v9+s2+$0x0] =	vst.idx.add.f32.msk $0xffff, v2  }
0xa0: {  	v2 =	vld [tilespmem:$0x14E00]  }
0xa1: {  	v3 =	vld [tilespmem:$0x14E10]  }
0xa2: {  	v4 =	vld [tilespmem:$0x17580];
	_ =	sdelay $0x4  }
0xa3: {  	v5 =	vunpack.i.l.bf16.f32 v4  }
0xa4: {  	v4 =	vunpack.i.u.bf16.f32 v4;
	[tilespmem:v2+s2+$0x0] =	vst.idx.add.f32.msk $0xffff, v5  }
0xa5: {  	[tilespmem:v3+s2+$0x0] =	vst.idx.add.f32.msk $0xffff, v4  }
0xa6: {  	[hbm4b:s6+s2] =	stream.linear.scatter [tilespmem:s2], [sflag:$0x1], $0x10000, $0x38;
	[tilespmem:$0x17600] =	vst v63  }
0xa7: {  	_ =	swait.ge [sflag:s15], $0x10000  }
0xa8: {  	[sflag:s15] =	ssyncset.done $0x0  }
0xa9: {  	[sflag:s15] =	ssyncadd.s32 $0xFFFF0000  }
0xaa: {  	[tilespmem:s16], [sflag:$0x1] =	stream.linear.gather [hbm4b:s7+s2], $0x2780, $0x38;
	[tilespmem:$0x17600] =	vst v63  }
0xab: {  	_ =	swait.ge [sflag:s15], $0x2780  }
0xac: {  	[sflag:s15] =	ssyncset.done $0x0  }
0xad: {  	s18 =	simm.s32 $0x10040;
	[sflag:s15] =	ssyncadd.s32 $0xFFFFD880  }
0xae: {  	v2 =	vld [tilespmem:s18+$0x30]  }
0xaf: {  	v3 =	vld [tilespmem:s18+$0xFFFFFFD0]  }
0xb0: {  	v4 =	vld [tilespmem:s18+$0xFFFFFFE0]  }
0xb1: {  	v5 =	vld [tilespmem:s18+$0xFFFFFFF0]  }
0xb2: {  	v6 =	vld [tilespmem:s18+$0x0]  }
0xb3: {  	v7 =	vld [tilespmem:s18+$0x10]  }
0xb4: {  	v8 =	vld [tilespmem:s18+$0x20]  }
0xb5: {  	s19 =	simm.s32 $0x0;
	s20 =	simm.s32 $0x100C0;
	v9 =	vld [tilespmem:s18+$0xFFFFFFC0];
	s18 =	simm.s32 $0x0  }
.LBB2_16:
0xb6: {  	s19 =	sadd.s32 $0x8, s19;
	[tilespmem:v2+s18+$0x0] =	vst.idx.msk $0xffff, v0;
	v2 =	vld [tilespmem:s20+$0x30]  }
0xb7: {  	p1 =	slt.u32 s19, $0x4D8;
	[tilespmem:v3+s18+$0x0] =	vst.idx.msk $0xffff, v0;
	v3 =	vld [tilespmem:s20+$0xFFFFFFD0]  }
0xb8: {  	[tilespmem:v4+s18+$0x0] =	vst.idx.msk $0xffff, v0;
	v4 =	vld [tilespmem:s20+$0xFFFFFFE0]  }
.Ltmp7:
0xb9: {  	[tilespmem:v5+s18+$0x0] =	vst.idx.msk $0xffff, v0;
	v5 =	vld [tilespmem:s20+$0xFFFFFFF0];
	(pc) =	sbr.rel @p1 .LBB2_16-.Ltmp7, $4  }
0xba: {  	[tilespmem:v6+s18+$0x0] =	vst.idx.msk $0xffff, v0;
	v6 =	vld [tilespmem:s20+$0x0]  }
0xbb: {  	[tilespmem:v7+s18+$0x0] =	vst.idx.msk $0xffff, v0;
	v7 =	vld [tilespmem:s20+$0x10]  }
0xbc: {  	[tilespmem:v8+s18+$0x0] =	vst.idx.msk $0xffff, v0;
	v8 =	vld [tilespmem:s20+$0x20]  }
0xbd: {  	[tilespmem:v9+s18+$0x0] =	vst.idx.msk $0xffff, v0;
	v9 =	vld [tilespmem:s20+$0xFFFFFFC0];
	s20 =	sadd.s32 $0x80, s20  }
0xbe: {  	_ =	sdelay $0x3  }
0xbf: {  	[tilespmem:v2+s18+$0x0] =	vst.idx.msk $0xffff, v0  }
0xc0: {  	[tilespmem:v3+s18+$0x0] =	vst.idx.msk $0xffff, v0  }
0xc1: {  	[tilespmem:v4+s18+$0x0] =	vst.idx.msk $0xffff, v0  }
0xc2: {  	[tilespmem:v5+s18+$0x0] =	vst.idx.msk $0xffff, v0  }
0xc3: {  	[tilespmem:v6+s18+$0x0] =	vst.idx.msk $0xffff, v0  }
0xc4: {  	[tilespmem:v7+s18+$0x0] =	vst.idx.msk $0xffff, v0  }
0xc5: {  	[tilespmem:v8+s18+$0x0] =	vst.idx.msk $0xffff, v0  }
0xc6: {  	s19 =	smov.u32 s18;
	[tilespmem:v9+s18+$0x0] =	vst.idx.msk $0xffff, v0  }
.LBB2_18:
0xc7: {  	s20 =	sshra.s32 s19, $0x2  }
0xc8: {  	v2 =	vld [tilespmem:s20+$0x14E00];
	_ =	sdelay $0x2  }
0xc9: {  	p1 =	sne.s32 s19, $0x40  }
.Ltmp8:
0xca: {  	_ = 	snop;
	(pc) =	sbr.rel @p1 .LBB2_18-.Ltmp8, $2  }
0xcb: {  	_ =	sdelay $0x2  }
0xcc: {  	s19 =	sadd.s32 $0x40, s19;
	[tilespmem:v2+s18+$0x0] =	vst.idx.msk $0xffff, v0  }
0xcd: {  	p1 =	por $0x0, $0x0;
	s20 =	simm.s32 $0x1  }
0xce: {  	s19 =	simm.s32 $0x10040;
	s20 =	simm.s32 @!p1 $0x0  }
0xcf: {  	v2 =	vld [tilespmem:s19+$0x20];
	s20 =	sadd.s32 $0x0, s20  }
0xd0: {  	v3 =	vld [tilespmem:s19+$0x30];
	s21 =	sor.u32 $0xC0, s20  }
0xd1: {  	v11 =	vld [tilespmem:s19+$0xFFFFFFC0];
	s21 =	sshra.s32 s21, $0x1  }
0xd2: {  	v4 =	vld [tilespmem:s21+$0x14E80]  }
0xd3: {  	s22 =	sand.u32 $0x7F00, s18;
	v12 =	vld [tilespmem:s19+$0xFFFFFFD0]  }
0xd4: {  	s22 =	sshrl.u32 s22, $0x1;
	v7 =	vld [tilespmem:s19+$0xFFFFFFE0]  }
0xd5: {  	s31 =	sadd.s32 $0x14E80, s22;
	v10 =	vld [tilespmem:s22+$0x14E80];
	s20 =	sor.u32 $0x80, s20  }
0xd6: {  	v8 =	vld [tilespmem:s31+$0x20];
	s20 =	sshra.s32 s20, $0x1  }
0xd7: {  	v5 =	vld [tilespmem:s20+$0x14E80];
	v6 =	vunpack.i.l.bf16.f32 v4  }
0xd8: {  	[tilespmem:v2+s2+$0x0] =	vst.idx.add.f32.msk $0xffff, v6  }
0xd9: {  	v6 =	vld [tilespmem:s19+$0xFFFFFFF0]  }
0xda: {  	v9 =	vld [tilespmem:s19+$0x10];
	v4 =	vunpack.i.u.bf16.f32 v4  }
0xdb: {  	[tilespmem:v3+s2+$0x0] =	vst.idx.add.f32.msk $0xffff, v4  }
0xdc: {  	v4 =	vld [tilespmem:s19+$0x0];
	v3 =	vunpack.i.l.bf16.f32 v10  }
0xdd: {  	v2 =	vunpack.i.u.bf16.f32 v5;
	v10 =	vunpack.i.u.bf16.f32 v10;
	[tilespmem:v11+s2+$0x0] =	vst.idx.add.f32.msk $0xffff, v3  }
0xde: {  	p1 =	por !p1, !p1;
	s20 =	simm.s32 $0x0;
	s21 =	simm.s32 $0x1;
	v3 =	vunpack.i.l.bf16.f32 v5;
	v5 =	vunpack.i.u.bf16.f32 v8;
	v8 =	vunpack.i.l.bf16.f32 v8;
	[tilespmem:v12+s2+$0x0] =	vst.idx.add.f32.msk $0xffff, v10  }
.LBB2_20:
0xdf: {  	s22 =	simm.s32 $0x1  }
0xe0: {  	[tilespmem:v7+s2+$0x0] =	vst.idx.add.f32.msk $0xffff, v8;
	s18 =	sadd.s32 $0x80, s18;
	v10 =	vmov v9;
	s22 =	simm.s32 @!p1 $0x0  }
0xe1: {  	s20 =	sadd.s32 $0x4, s20;
	s19 =	sadd.s32 $0x80, s19;
	s22 =	sadd.s32 s22, s18;
	[tilespmem:v6+s2+$0x0] =	vst.idx.add.f32.msk $0xffff, v5  }
0xe2: {  	s23 =	sand.u32 $0x7F00, s18;
	p2 =	slt.u32 s20, $0x26C;
	s24 =	sor.u32 $0xC0, s22;
	v5 =	vld [tilespmem:s19+$0x20]  }
0xe3: {  	s23 =	sshrl.u32 s23, $0x1;
	s22 =	sor.u32 $0x80, s22;
	s24 =	sshra.s32 s24, $0x1;
	v6 =	vld [tilespmem:s19+$0x30]  }
0xe4: {  	s25 =	sadd.s32 $0x14E80, s23;
	s22 =	sshra.s32 s22, $0x1;
	v7 =	vld [tilespmem:s24+$0x14E80]  }
0xe5: {  	v8 =	vld [tilespmem:s22+$0x14E80]  }
0xe6: {  	v9 =	vld [tilespmem:s25+$0x20]  }
0xe7: {  	v11 =	vld [tilespmem:s23+$0x14E80]  }
0xe8: {  	v12 =	vld [tilespmem:s19+$0xFFFFFFC0]  }
0xe9: {  	v13 =	vld [tilespmem:s19+$0xFFFFFFD0];
	v14 =	vunpack.i.l.bf16.f32 v7  }
0xea: {  	v7 =	vunpack.i.u.bf16.f32 v7;
	v15 =	vunpack.i.u.bf16.f32 v8;
	v16 =	vunpack.i.l.bf16.f32 v8;
	[tilespmem:v5+s2+$0x0] =	vst.idx.add.f32.msk $0xffff, v14  }
0xeb: {  	s21 =	sadd.s32 $0x1, s21;
	v5 =	vunpack.i.u.bf16.f32 v9;
	v8 =	vunpack.i.l.bf16.f32 v9;
	[tilespmem:v6+s2+$0x0] =	vst.idx.add.f32.msk $0xffff, v7  }
0xec: {  	v14 =	vunpack.i.u.bf16.f32 v11;
	v11 =	vunpack.i.l.bf16.f32 v11;
	v7 =	vld [tilespmem:s19+$0xFFFFFFE0]  }
0xed: {  	v6 =	vld [tilespmem:s19+$0xFFFFFFF0]  }
0xee: {  	v17 =	vld [tilespmem:s19+$0x0]  }
.Ltmp9:
0xef: {  	v9 =	vld [tilespmem:s19+$0x10];
	(pc) =	sbr.rel @p2 .LBB2_20-.Ltmp9, $4  }
0xf0: {  	[tilespmem:v4+s2+$0x0] =	vst.idx.add.f32.msk $0xffff, v3;
	v3 =	vmov v16  }
0xf1: {  	[tilespmem:v10+s2+$0x0] =	vst.idx.add.f32.msk $0xffff, v2;
	v2 =	vmov v15  }
0xf2: {  	[tilespmem:v12+s2+$0x0] =	vst.idx.add.f32.msk $0xffff, v11  }
0xf3: {  	p1 =	por !p1, !p1;
	[tilespmem:v13+s2+$0x0] =	vst.idx.add.f32.msk $0xffff, v14;
	v4 =	vmov v17  }
0xf4: {  	_ =	sdelay $0x3  }
0xf5: {  	[tilespmem:v7+s2+$0x0] =	vst.idx.add.f32.msk $0xffff, v8  }
0xf6: {  	[tilespmem:v4+s2+$0x0] =	vst.idx.add.f32.msk $0xffff, v3  }
0xf7: {  	[tilespmem:v6+s2+$0x0] =	vst.idx.add.f32.msk $0xffff, v5  }
0xf8: {  	[tilespmem:v9+s2+$0x0] =	vst.idx.add.f32.msk $0xffff, v2  }
0xf9: {  	v2 =	vld [tilespmem:$0x14E00]  }
0xfa: {  	v3 =	vld [tilespmem:$0x14E10]  }
0xfb: {  	v4 =	vld [tilespmem:$0x17580];
	_ =	sdelay $0x4  }
0xfc: {  	v5 =	vunpack.i.l.bf16.f32 v4  }
0xfd: {  	v4 =	vunpack.i.u.bf16.f32 v4;
	[tilespmem:v2+s2+$0x0] =	vst.idx.add.f32.msk $0xffff, v5  }
0xfe: {  	[tilespmem:v3+s2+$0x0] =	vst.idx.add.f32.msk $0xffff, v4  }
0xff: {  	[hbm4b:s8+s2] =	stream.linear.scatter [tilespmem:s2], [sflag:$0x1], $0x10000, $0x38;
	[tilespmem:$0x17600] =	vst v63  }
0x100: {  	_ =	swait.ge [sflag:s15], $0x10000  }
0x101: {  	[sflag:s15] =	ssyncset.done $0x0  }
0x102: {  	[sflag:s15] =	ssyncadd.s32 $0xFFFF0000  }
0x103: {  	[tilespmem:s16], [sflag:$0x1] =	stream.linear.gather [hbm4b:s9+s2], $0x2780, $0x38;
	[tilespmem:$0x17600] =	vst v63  }
0x104: {  	_ =	swait.ge [sflag:s15], $0x2780  }
0x105: {  	[sflag:s15] =	ssyncset.done $0x0  }
0x106: {  	s18 =	simm.s32 $0x10040;
	[sflag:s15] =	ssyncadd.s32 $0xFFFFD880  }
0x107: {  	v2 =	vld [tilespmem:s18+$0x30]  }
0x108: {  	v3 =	vld [tilespmem:s18+$0xFFFFFFD0]  }
0x109: {  	v4 =	vld [tilespmem:s18+$0xFFFFFFE0]  }
0x10a: {  	v5 =	vld [tilespmem:s18+$0xFFFFFFF0]  }
0x10b: {  	v6 =	vld [tilespmem:s18+$0x0]  }
0x10c: {  	v7 =	vld [tilespmem:s18+$0x10]  }
0x10d: {  	v8 =	vld [tilespmem:s18+$0x20]  }
0x10e: {  	s19 =	simm.s32 $0x0;
	s20 =	simm.s32 $0x100C0;
	v9 =	vld [tilespmem:s18+$0xFFFFFFC0];
	s18 =	simm.s32 $0x0  }
.LBB2_22:
0x10f: {  	s19 =	sadd.s32 $0x8, s19;
	[tilespmem:v2+s18+$0x0] =	vst.idx.msk $0xffff, v0;
	v2 =	vld [tilespmem:s20+$0x30]  }
0x110: {  	p1 =	slt.u32 s19, $0x4D8;
	[tilespmem:v3+s18+$0x0] =	vst.idx.msk $0xffff, v0;
	v3 =	vld [tilespmem:s20+$0xFFFFFFD0]  }
0x111: {  	[tilespmem:v4+s18+$0x0] =	vst.idx.msk $0xffff, v0;
	v4 =	vld [tilespmem:s20+$0xFFFFFFE0]  }
.Ltmp10:
0x112: {  	[tilespmem:v5+s18+$0x0] =	vst.idx.msk $0xffff, v0;
	v5 =	vld [tilespmem:s20+$0xFFFFFFF0];
	(pc) =	sbr.rel @p1 .LBB2_22-.Ltmp10, $4  }
0x113: {  	[tilespmem:v6+s18+$0x0] =	vst.idx.msk $0xffff, v0;
	v6 =	vld [tilespmem:s20+$0x0]  }
0x114: {  	[tilespmem:v7+s18+$0x0] =	vst.idx.msk $0xffff, v0;
	v7 =	vld [tilespmem:s20+$0x10]  }
0x115: {  	[tilespmem:v8+s18+$0x0] =	vst.idx.msk $0xffff, v0;
	v8 =	vld [tilespmem:s20+$0x20]  }
0x116: {  	[tilespmem:v9+s18+$0x0] =	vst.idx.msk $0xffff, v0;
	v9 =	vld [tilespmem:s20+$0xFFFFFFC0];
	s20 =	sadd.s32 $0x80, s20  }
0x117: {  	_ =	sdelay $0x3  }
0x118: {  	[tilespmem:v2+s18+$0x0] =	vst.idx.msk $0xffff, v0  }
0x119: {  	[tilespmem:v3+s18+$0x0] =	vst.idx.msk $0xffff, v0  }
0x11a: {  	[tilespmem:v4+s18+$0x0] =	vst.idx.msk $0xffff, v0  }
0x11b: {  	[tilespmem:v5+s18+$0x0] =	vst.idx.msk $0xffff, v0  }
0x11c: {  	[tilespmem:v6+s18+$0x0] =	vst.idx.msk $0xffff, v0  }
0x11d: {  	[tilespmem:v7+s18+$0x0] =	vst.idx.msk $0xffff, v0  }
0x11e: {  	[tilespmem:v8+s18+$0x0] =	vst.idx.msk $0xffff, v0  }
0x11f: {  	s19 =	smov.u32 s18;
	[tilespmem:v9+s18+$0x0] =	vst.idx.msk $0xffff, v0  }
.LBB2_24:
0x120: {  	s20 =	sshra.s32 s19, $0x2  }
0x121: {  	v2 =	vld [tilespmem:s20+$0x14E00];
	_ =	sdelay $0x2  }
0x122: {  	p1 =	sne.s32 s19, $0x40  }
.Ltmp11:
0x123: {  	_ = 	snop;
	(pc) =	sbr.rel @p1 .LBB2_24-.Ltmp11, $2  }
0x124: {  	_ =	sdelay $0x2  }
0x125: {  	s19 =	sadd.s32 $0x40, s19;
	[tilespmem:v2+s18+$0x0] =	vst.idx.msk $0xffff, v0  }
0x126: {  	p1 =	por $0x0, $0x0;
	s20 =	simm.s32 $0x1  }
0x127: {  	s19 =	simm.s32 $0x10040;
	s20 =	simm.s32 @!p1 $0x0  }
0x128: {  	v2 =	vld [tilespmem:s19+$0x20];
	s20 =	sadd.s32 $0x0, s20  }
0x129: {  	v3 =	vld [tilespmem:s19+$0x30];
	s21 =	sor.u32 $0xC0, s20  }
0x12a: {  	v11 =	vld [tilespmem:s19+$0xFFFFFFC0];
	s21 =	sshra.s32 s21, $0x1  }
0x12b: {  	v4 =	vld [tilespmem:s21+$0x14E80]  }
0x12c: {  	s22 =	sand.u32 $0x7F00, s18;
	v12 =	vld [tilespmem:s19+$0xFFFFFFD0]  }
0x12d: {  	s22 =	sshrl.u32 s22, $0x1;
	v7 =	vld [tilespmem:s19+$0xFFFFFFE0]  }
0x12e: {  	s31 =	sadd.s32 $0x14E80, s22;
	v10 =	vld [tilespmem:s22+$0x14E80];
	s20 =	sor.u32 $0x80, s20  }
0x12f: {  	v8 =	vld [tilespmem:s31+$0x20];
	s20 =	sshra.s32 s20, $0x1  }
0x130: {  	v5 =	vld [tilespmem:s20+$0x14E80];
	v6 =	vunpack.i.l.bf16.f32 v4  }
0x131: {  	[tilespmem:v2+s2+$0x0] =	vst.idx.add.f32.msk $0xffff, v6  }
0x132: {  	v6 =	vld [tilespmem:s19+$0xFFFFFFF0]  }
0x133: {  	v9 =	vld [tilespmem:s19+$0x10];
	v4 =	vunpack.i.u.bf16.f32 v4  }
0x134: {  	[tilespmem:v3+s2+$0x0] =	vst.idx.add.f32.msk $0xffff, v4  }
0x135: {  	v4 =	vld [tilespmem:s19+$0x0];
	v3 =	vunpack.i.l.bf16.f32 v10  }
0x136: {  	v2 =	vunpack.i.u.bf16.f32 v5;
	v10 =	vunpack.i.u.bf16.f32 v10;
	[tilespmem:v11+s2+$0x0] =	vst.idx.add.f32.msk $0xffff, v3  }
0x137: {  	p1 =	por !p1, !p1;
	s20 =	simm.s32 $0x0;
	s21 =	simm.s32 $0x1;
	v3 =	vunpack.i.l.bf16.f32 v5;
	v5 =	vunpack.i.u.bf16.f32 v8;
	v8 =	vunpack.i.l.bf16.f32 v8;
	[tilespmem:v12+s2+$0x0] =	vst.idx.add.f32.msk $0xffff, v10  }
.LBB2_26:
0x138: {  	s22 =	simm.s32 $0x1  }
0x139: {  	[tilespmem:v7+s2+$0x0] =	vst.idx.add.f32.msk $0xffff, v8;
	s18 =	sadd.s32 $0x80, s18;
	v10 =	vmov v9;
	s22 =	simm.s32 @!p1 $0x0  }
0x13a: {  	s20 =	sadd.s32 $0x4, s20;
	s19 =	sadd.s32 $0x80, s19;
	s22 =	sadd.s32 s22, s18;
	[tilespmem:v6+s2+$0x0] =	vst.idx.add.f32.msk $0xffff, v5  }
0x13b: {  	s23 =	sand.u32 $0x7F00, s18;
	p2 =	slt.u32 s20, $0x26C;
	s24 =	sor.u32 $0xC0, s22;
	v5 =	vld [tilespmem:s19+$0x20]  }
0x13c: {  	s23 =	sshrl.u32 s23, $0x1;
	s22 =	sor.u32 $0x80, s22;
	s24 =	sshra.s32 s24, $0x1;
	v6 =	vld [tilespmem:s19+$0x30]  }
0x13d: {  	s25 =	sadd.s32 $0x14E80, s23;
	s22 =	sshra.s32 s22, $0x1;
	v7 =	vld [tilespmem:s24+$0x14E80]  }
0x13e: {  	v8 =	vld [tilespmem:s22+$0x14E80]  }
0x13f: {  	v9 =	vld [tilespmem:s25+$0x20]  }
0x140: {  	v11 =	vld [tilespmem:s23+$0x14E80]  }
0x141: {  	v12 =	vld [tilespmem:s19+$0xFFFFFFC0]  }
0x142: {  	v13 =	vld [tilespmem:s19+$0xFFFFFFD0];
	v14 =	vunpack.i.l.bf16.f32 v7  }
0x143: {  	v7 =	vunpack.i.u.bf16.f32 v7;
	v15 =	vunpack.i.u.bf16.f32 v8;
	v16 =	vunpack.i.l.bf16.f32 v8;
	[tilespmem:v5+s2+$0x0] =	vst.idx.add.f32.msk $0xffff, v14  }
0x144: {  	s21 =	sadd.s32 $0x1, s21;
	v5 =	vunpack.i.u.bf16.f32 v9;
	v8 =	vunpack.i.l.bf16.f32 v9;
	[tilespmem:v6+s2+$0x0] =	vst.idx.add.f32.msk $0xffff, v7  }
0x145: {  	v14 =	vunpack.i.u.bf16.f32 v11;
	v11 =	vunpack.i.l.bf16.f32 v11;
	v7 =	vld [tilespmem:s19+$0xFFFFFFE0]  }
0x146: {  	v6 =	vld [tilespmem:s19+$0xFFFFFFF0]  }
0x147: {  	v17 =	vld [tilespmem:s19+$0x0]  }
.Ltmp12:
0x148: {  	v9 =	vld [tilespmem:s19+$0x10];
	(pc) =	sbr.rel @p2 .LBB2_26-.Ltmp12, $4  }
0x149: {  	[tilespmem:v4+s2+$0x0] =	vst.idx.add.f32.msk $0xffff, v3;
	v3 =	vmov v16  }
0x14a: {  	[tilespmem:v10+s2+$0x0] =	vst.idx.add.f32.msk $0xffff, v2;
	v2 =	vmov v15  }
0x14b: {  	[tilespmem:v12+s2+$0x0] =	vst.idx.add.f32.msk $0xffff, v11  }
0x14c: {  	p1 =	por !p1, !p1;
	[tilespmem:v13+s2+$0x0] =	vst.idx.add.f32.msk $0xffff, v14;
	v4 =	vmov v17  }
0x14d: {  	_ =	sdelay $0x3  }
0x14e: {  	[tilespmem:v7+s2+$0x0] =	vst.idx.add.f32.msk $0xffff, v8  }
0x14f: {  	[tilespmem:v4+s2+$0x0] =	vst.idx.add.f32.msk $0xffff, v3  }
0x150: {  	[tilespmem:v6+s2+$0x0] =	vst.idx.add.f32.msk $0xffff, v5  }
0x151: {  	[tilespmem:v9+s2+$0x0] =	vst.idx.add.f32.msk $0xffff, v2  }
0x152: {  	v2 =	vld [tilespmem:$0x14E00]  }
0x153: {  	v3 =	vld [tilespmem:$0x14E10]  }
0x154: {  	v4 =	vld [tilespmem:$0x17580];
	_ =	sdelay $0x4  }
0x155: {  	v5 =	vunpack.i.l.bf16.f32 v4  }
0x156: {  	v4 =	vunpack.i.u.bf16.f32 v4;
	[tilespmem:v2+s2+$0x0] =	vst.idx.add.f32.msk $0xffff, v5  }
0x157: {  	[tilespmem:v3+s2+$0x0] =	vst.idx.add.f32.msk $0xffff, v4  }
0x158: {  	[hbm4b:s10+s2] =	stream.linear.scatter [tilespmem:s2], [sflag:$0x1], $0x10000, $0x38;
	[tilespmem:$0x17600] =	vst v63  }
0x159: {  	_ =	swait.ge [sflag:s15], $0x10000  }
0x15a: {  	[sflag:s15] =	ssyncset.done $0x0  }
0x15b: {  	[sflag:s15] =	ssyncadd.s32 $0xFFFF0000  }
0x15c: {  	[tilespmem:s16], [sflag:$0x1] =	stream.linear.gather [hbm4b:s11+s2], $0x2780, $0x38;
	[tilespmem:$0x17600] =	vst v63  }
0x15d: {  	_ =	swait.ge [sflag:s15], $0x2780  }
0x15e: {  	[sflag:s15] =	ssyncset.done $0x0  }
0x15f: {  	s18 =	simm.s32 $0x10040;
	[sflag:s15] =	ssyncadd.s32 $0xFFFFD880  }
0x160: {  	v2 =	vld [tilespmem:s18+$0x30]  }
0x161: {  	v3 =	vld [tilespmem:s18+$0xFFFFFFD0]  }
0x162: {  	v4 =	vld [tilespmem:s18+$0xFFFFFFE0]  }
0x163: {  	v5 =	vld [tilespmem:s18+$0xFFFFFFF0]  }
0x164: {  	v6 =	vld [tilespmem:s18+$0x0]  }
0x165: {  	v7 =	vld [tilespmem:s18+$0x10]  }
0x166: {  	v8 =	vld [tilespmem:s18+$0x20]  }
0x167: {  	s19 =	simm.s32 $0x0;
	s20 =	simm.s32 $0x100C0;
	v9 =	vld [tilespmem:s18+$0xFFFFFFC0];
	s18 =	simm.s32 $0x0  }
.LBB2_28:
0x168: {  	s19 =	sadd.s32 $0x8, s19;
	[tilespmem:v2+s18+$0x0] =	vst.idx.msk $0xffff, v0;
	v2 =	vld [tilespmem:s20+$0x30]  }
0x169: {  	p1 =	slt.u32 s19, $0x4D8;
	[tilespmem:v3+s18+$0x0] =	vst.idx.msk $0xffff, v0;
	v3 =	vld [tilespmem:s20+$0xFFFFFFD0]  }
0x16a: {  	[tilespmem:v4+s18+$0x0] =	vst.idx.msk $0xffff, v0;
	v4 =	vld [tilespmem:s20+$0xFFFFFFE0]  }
.Ltmp13:
0x16b: {  	[tilespmem:v5+s18+$0x0] =	vst.idx.msk $0xffff, v0;
	v5 =	vld [tilespmem:s20+$0xFFFFFFF0];
	(pc) =	sbr.rel @p1 .LBB2_28-.Ltmp13, $4  }
0x16c: {  	[tilespmem:v6+s18+$0x0] =	vst.idx.msk $0xffff, v0;
	v6 =	vld [tilespmem:s20+$0x0]  }
0x16d: {  	[tilespmem:v7+s18+$0x0] =	vst.idx.msk $0xffff, v0;
	v7 =	vld [tilespmem:s20+$0x10]  }
0x16e: {  	[tilespmem:v8+s18+$0x0] =	vst.idx.msk $0xffff, v0;
	v8 =	vld [tilespmem:s20+$0x20]  }
0x16f: {  	[tilespmem:v9+s18+$0x0] =	vst.idx.msk $0xffff, v0;
	v9 =	vld [tilespmem:s20+$0xFFFFFFC0];
	s20 =	sadd.s32 $0x80, s20  }
0x170: {  	_ =	sdelay $0x3  }
0x171: {  	[tilespmem:v2+s18+$0x0] =	vst.idx.msk $0xffff, v0  }
0x172: {  	[tilespmem:v3+s18+$0x0] =	vst.idx.msk $0xffff, v0  }
0x173: {  	[tilespmem:v4+s18+$0x0] =	vst.idx.msk $0xffff, v0  }
0x174: {  	[tilespmem:v5+s18+$0x0] =	vst.idx.msk $0xffff, v0  }
0x175: {  	[tilespmem:v6+s18+$0x0] =	vst.idx.msk $0xffff, v0  }
0x176: {  	[tilespmem:v7+s18+$0x0] =	vst.idx.msk $0xffff, v0  }
0x177: {  	[tilespmem:v8+s18+$0x0] =	vst.idx.msk $0xffff, v0  }
0x178: {  	s19 =	smov.u32 s18;
	[tilespmem:v9+s18+$0x0] =	vst.idx.msk $0xffff, v0  }
.LBB2_30:
0x179: {  	s20 =	sshra.s32 s19, $0x2  }
0x17a: {  	v2 =	vld [tilespmem:s20+$0x14E00];
	_ =	sdelay $0x2  }
0x17b: {  	p1 =	sne.s32 s19, $0x40  }
.Ltmp14:
0x17c: {  	_ = 	snop;
	(pc) =	sbr.rel @p1 .LBB2_30-.Ltmp14, $2  }
0x17d: {  	_ =	sdelay $0x2  }
0x17e: {  	s19 =	sadd.s32 $0x40, s19;
	[tilespmem:v2+s18+$0x0] =	vst.idx.msk $0xffff, v0  }
0x17f: {  	p1 =	por $0x0, $0x0;
	s20 =	simm.s32 $0x1  }
0x180: {  	s19 =	simm.s32 $0x10040;
	s20 =	simm.s32 @!p1 $0x0  }
0x181: {  	v2 =	vld [tilespmem:s19+$0x20];
	s20 =	sadd.s32 $0x0, s20  }
0x182: {  	v3 =	vld [tilespmem:s19+$0x30];
	s21 =	sor.u32 $0xC0, s20  }
0x183: {  	v11 =	vld [tilespmem:s19+$0xFFFFFFC0];
	s21 =	sshra.s32 s21, $0x1  }
0x184: {  	v4 =	vld [tilespmem:s21+$0x14E80]  }
0x185: {  	s22 =	sand.u32 $0x7F00, s18;
	v12 =	vld [tilespmem:s19+$0xFFFFFFD0]  }
0x186: {  	s22 =	sshrl.u32 s22, $0x1;
	v7 =	vld [tilespmem:s19+$0xFFFFFFE0]  }
0x187: {  	s31 =	sadd.s32 $0x14E80, s22;
	v10 =	vld [tilespmem:s22+$0x14E80];
	s20 =	sor.u32 $0x80, s20  }
0x188: {  	v8 =	vld [tilespmem:s31+$0x20];
	s20 =	sshra.s32 s20, $0x1  }
0x189: {  	v5 =	vld [tilespmem:s20+$0x14E80];
	v6 =	vunpack.i.l.bf16.f32 v4  }
0x18a: {  	[tilespmem:v2+s2+$0x0] =	vst.idx.add.f32.msk $0xffff, v6  }
0x18b: {  	v6 =	vld [tilespmem:s19+$0xFFFFFFF0]  }
0x18c: {  	v9 =	vld [tilespmem:s19+$0x10];
	v4 =	vunpack.i.u.bf16.f32 v4  }
0x18d: {  	[tilespmem:v3+s2+$0x0] =	vst.idx.add.f32.msk $0xffff, v4  }
0x18e: {  	v4 =	vld [tilespmem:s19+$0x0];
	v3 =	vunpack.i.l.bf16.f32 v10  }
0x18f: {  	v2 =	vunpack.i.u.bf16.f32 v5;
	v10 =	vunpack.i.u.bf16.f32 v10;
	[tilespmem:v11+s2+$0x0] =	vst.idx.add.f32.msk $0xffff, v3  }
0x190: {  	p1 =	por !p1, !p1;
	s20 =	simm.s32 $0x0;
	s21 =	simm.s32 $0x1;
	v3 =	vunpack.i.l.bf16.f32 v5;
	v5 =	vunpack.i.u.bf16.f32 v8;
	v8 =	vunpack.i.l.bf16.f32 v8;
	[tilespmem:v12+s2+$0x0] =	vst.idx.add.f32.msk $0xffff, v10  }
.LBB2_32:
0x191: {  	s22 =	simm.s32 $0x1  }
0x192: {  	[tilespmem:v7+s2+$0x0] =	vst.idx.add.f32.msk $0xffff, v8;
	s18 =	sadd.s32 $0x80, s18;
	v10 =	vmov v9;
	s22 =	simm.s32 @!p1 $0x0  }
0x193: {  	s20 =	sadd.s32 $0x4, s20;
	s19 =	sadd.s32 $0x80, s19;
	s22 =	sadd.s32 s22, s18;
	[tilespmem:v6+s2+$0x0] =	vst.idx.add.f32.msk $0xffff, v5  }
0x194: {  	s23 =	sand.u32 $0x7F00, s18;
	p2 =	slt.u32 s20, $0x26C;
	s24 =	sor.u32 $0xC0, s22;
	v5 =	vld [tilespmem:s19+$0x20]  }
0x195: {  	s23 =	sshrl.u32 s23, $0x1;
	s22 =	sor.u32 $0x80, s22;
	s24 =	sshra.s32 s24, $0x1;
	v6 =	vld [tilespmem:s19+$0x30]  }
0x196: {  	s25 =	sadd.s32 $0x14E80, s23;
	s22 =	sshra.s32 s22, $0x1;
	v7 =	vld [tilespmem:s24+$0x14E80]  }
0x197: {  	v8 =	vld [tilespmem:s22+$0x14E80]  }
0x198: {  	v9 =	vld [tilespmem:s25+$0x20]  }
0x199: {  	v11 =	vld [tilespmem:s23+$0x14E80]  }
0x19a: {  	v12 =	vld [tilespmem:s19+$0xFFFFFFC0]  }
0x19b: {  	v13 =	vld [tilespmem:s19+$0xFFFFFFD0];
	v14 =	vunpack.i.l.bf16.f32 v7  }
0x19c: {  	v7 =	vunpack.i.u.bf16.f32 v7;
	v15 =	vunpack.i.u.bf16.f32 v8;
	v16 =	vunpack.i.l.bf16.f32 v8;
	[tilespmem:v5+s2+$0x0] =	vst.idx.add.f32.msk $0xffff, v14  }
0x19d: {  	s21 =	sadd.s32 $0x1, s21;
	v5 =	vunpack.i.u.bf16.f32 v9;
	v8 =	vunpack.i.l.bf16.f32 v9;
	[tilespmem:v6+s2+$0x0] =	vst.idx.add.f32.msk $0xffff, v7  }
0x19e: {  	v14 =	vunpack.i.u.bf16.f32 v11;
	v11 =	vunpack.i.l.bf16.f32 v11;
	v7 =	vld [tilespmem:s19+$0xFFFFFFE0]  }
0x19f: {  	v6 =	vld [tilespmem:s19+$0xFFFFFFF0]  }
0x1a0: {  	v17 =	vld [tilespmem:s19+$0x0]  }
.Ltmp15:
0x1a1: {  	v9 =	vld [tilespmem:s19+$0x10];
	(pc) =	sbr.rel @p2 .LBB2_32-.Ltmp15, $4  }
0x1a2: {  	[tilespmem:v4+s2+$0x0] =	vst.idx.add.f32.msk $0xffff, v3;
	v3 =	vmov v16  }
0x1a3: {  	[tilespmem:v10+s2+$0x0] =	vst.idx.add.f32.msk $0xffff, v2;
	v2 =	vmov v15  }
0x1a4: {  	[tilespmem:v12+s2+$0x0] =	vst.idx.add.f32.msk $0xffff, v11  }
0x1a5: {  	p1 =	por !p1, !p1;
	[tilespmem:v13+s2+$0x0] =	vst.idx.add.f32.msk $0xffff, v14;
	v4 =	vmov v17  }
0x1a6: {  	_ =	sdelay $0x3  }
0x1a7: {  	[tilespmem:v7+s2+$0x0] =	vst.idx.add.f32.msk $0xffff, v8  }
0x1a8: {  	[tilespmem:v4+s2+$0x0] =	vst.idx.add.f32.msk $0xffff, v3  }
0x1a9: {  	[tilespmem:v6+s2+$0x0] =	vst.idx.add.f32.msk $0xffff, v5  }
0x1aa: {  	[tilespmem:v9+s2+$0x0] =	vst.idx.add.f32.msk $0xffff, v2  }
0x1ab: {  	v2 =	vld [tilespmem:$0x14E00]  }
0x1ac: {  	v3 =	vld [tilespmem:$0x14E10]  }
0x1ad: {  	v4 =	vld [tilespmem:$0x17580];
	_ =	sdelay $0x4  }
0x1ae: {  	s17 =	sadd.s32 $0x1, s17;
	v63 =	vunpack.i.l.bf16.f32 v4  }
0x1af: {  	p1 =	sne.s32 s17, s13;
	v4 =	vunpack.i.u.bf16.f32 v4;
	[tilespmem:v2+s2+$0x0] =	vst.idx.add.f32.msk $0xffff, v63  }
.Ltmp16:
0x1b0: {  	[tilespmem:v3+s2+$0x0] =	vst.idx.add.f32.msk $0xffff, v4;
	(pc) =	sbr.rel @p1 .LBB2_1-.Ltmp16, $4  }
0x1b1: {  	[hbm4b:s12+s2] =	stream.linear.scatter [tilespmem:s2], [sflag:$0x1], $0x10000, $0x38;
	[tilespmem:$0x17600] =	vst v63  }
0x1b2: {  	_ =	swait.ge [sflag:s15], $0x10000  }
0x1b3: {  	[sflag:s15] =	ssyncset.done $0x0  }
0x1b4: {  	[sflag:s15] =	ssyncadd.s32 $0xFFFF0000  }
0x1b5: {  	_ =	sfence.sel $0x180000  }
0x1b6: {  	[bflag:$0x0] =	sbarrier.arrive $0xFFFF  }
0x1b7: {  	p0 =	sne.s32 s1, $0x0;
	_ =	strace $0x90000050  }
0x1b8: {  	s0 =	sadd.s32 @!p0 $0x100000, s0;
	[bflag:$0x2] =	sbarrier.arrive $0xFFFF  }
0x1b9: {  	[sflag:s0] =	ssyncadd.tile.s32 @!p0 $0x1;
	_ =	shalt  }
.Lfunc_end2:
_tile_overlayer_lowered:
.L_overlay_start_2:
0x1ba: {  	(tag) =	ssettag $0x2  }
0x1bb: {  	s0 =	rddreg [dreg:$0x0];
	s2 =	stileid.u32  }
0x1bc: {  	s1 =	rddreg [dreg:$0x1];
	p0 =	sne.s32 s2, $0x0  }
0x1bd: {  	s3 =	rddreg [dreg:$0x2];
	[bflag:$0x3] =	sbarrier.arrive $0xFFFF;
	s2 =	simm.s32 @!p0 $0x1C01  }
0x1be: {  	[timem:s3], [sflag:s2] =	dma.local @!p0 [hbm:s0], s1  }
0x1bf: {  	s0 =	simm.s32 @!p0 $0x1  }
0x1c0: {  	_ =	swait.ge @!p0 [sflag:s0], s1  }
0x1c1: {  	s1 =	ssub.s32 @!p0 $0x0, s1;
	[sflag:s0] =	ssyncset.done @!p0 $0x0  }
0x1c2: {  	[sflag:s0] =	ssyncadd.s32 @!p0 s1  }
0x1c3: {  	[bflag:$0x3] =	sbarrier.arrive $0xFFFF  }
0x1c4: {  	_ =	shalt  }

</sc_bundles>
